<compile_context>
chip_gen: v7x
topology: tpu7x:2x2x1
jax: 0.10.2.dev20260603
libtpu: 0.0.44.dev20260713+nightly
codegen_flags: <defaults>
</compile_context>

<pallas_src>
import functools

import jax
import jax.numpy as jnp
from jax import lax
from jax.experimental import pallas as pl
from jax.experimental.pallas import tpu as pltpu
from jax.experimental.pallas import tpu_sc as plsc

NUM_CLASSES = 100
LAMBDA_ = 3.0
BETA = 0.7
LANES = 16
CPAD = 112
NSLOT = 8


def _make_sc_gather(batch, ncls):
    info = plsc.get_sparse_core_info()
    nc, ns = info.num_cores, info.num_subcores
    nw = nc * ns
    assert batch % (LANES * nw) == 0 and LANES % NSLOT == 0
    b_per_w = batch // nw
    nchunk_c = CPAD // LANES
    nchunk_i = b_per_w // LANES
    mesh = plsc.VectorSubcoreMesh(core_axis_name="c", subcore_axis_name="s")

    @functools.partial(
        pl.kernel,
        mesh=mesh,
        out_type=jax.ShapeDtypeStruct((batch, 128), jnp.float32),
        scratch_types=[
            pltpu.VMEM((b_per_w,), jnp.int32),
            pltpu.VMEM((b_per_w,), jnp.int32),
        ]
        + [pltpu.VMEM((ncls, 128), jnp.float32)] * NSLOT
        + [
            pltpu.VMEM((b_per_w, 128), jnp.float32),
        ]
        + [pltpu.SemaphoreType.DMA] * (NSLOT + 1),
        compiler_params=pltpu.CompilerParams(needs_layout_passes=False),
    )
    def gather_kernel(idx_hbm, perm_hbm, table_hbm, out_hbm, *rest):
        idx_v, perm_v = rest[0], rest[1]
        tiles = rest[2 : 2 + NSLOT]
        rows_v = rest[2 + NSLOT]
        sems = rest[3 + NSLOT :]
        wid = lax.axis_index("s") * nc + lax.axis_index("c")
        base = wid * b_per_w
        pltpu.sync_copy(idx_hbm.at[pl.ds(base, b_per_w)], idx_v)
        pltpu.sync_copy(perm_hbm.at[pl.ds(base, b_per_w)], perm_v)
        lane = lax.iota(jnp.int32, LANES)

        def col0_of(v):
            return pl.multiple_of((v // 128) * 128, 128)

        def issue(v, k, flag):
            @pl.when(flag)
            def _():
                pltpu.async_copy(
                    table_hbm.at[:, pl.ds(col0_of(v), 128)],
                    tiles[k % NSLOT],
                    sems[k % NSLOT],
                )

        def wait(k, flag):
            @pl.when(flag)
            def _():
                pltpu.make_async_copy(
                    table_hbm.at[:, pl.ds(0, 128)],
                    tiles[k % NSLOT],
                    sems[k % NSLOT],
                ).wait()

        def extract(v, k, i_local, flag):
            col = jnp.full((LANES,), v - col0_of(v), jnp.int32)

            def store_from(tile):
                for j in range(nchunk_c):
                    row = jnp.minimum(lane + (j * LANES), ncls - 1)
                    g = plsc.load_gather(tile, [row, col])
                    rows_v[i_local, pl.ds(j * LANES, LANES)] = g

            @pl.when(flag)
            def _():
                store_from(tiles[k % NSLOT])

            @pl.when(jnp.logical_not(flag))
            def _():
                store_from(tiles[(k - 1) % NSLOT])

        def chunk_flags(vec, prev_b, prev_f):
            flags, bs = [], []
            for k in range(LANES):
                b = vec[k] // 128
                f = jnp.logical_or(b != prev_b, jnp.logical_not(prev_f))
                flags.append(f)
                bs.append(b)
                prev_b, prev_f = b, f
            return flags, prev_b, prev_f

        vec0 = idx_v[pl.ds(0, LANES)]
        flags0, _, _ = chunk_flags(vec0, jnp.int32(-1), jnp.bool_(True))
        for k in range(NSLOT - 1):
            issue(vec0[k], k, flags0[k])

        def body(g, carry):
            prev_b, prev_f = carry
            vec = idx_v[pl.ds(g * LANES, LANES)]
            vec_next = idx_v[
                pl.ds(jnp.minimum(g + 1, nchunk_i - 1) * LANES, LANES)
            ]
            flags, end_b, end_f = chunk_flags(vec, prev_b, prev_f)
            nflags, _, _ = chunk_flags(vec_next, end_b, end_f)
            last = g + 1 >= nchunk_i
            for k in range(LANES):
                wait(k, flags[k])
                extract(vec[k], k, g * LANES + k, flags[k])
                nxt = k + NSLOT - 1
                if nxt < LANES:
                    issue(vec[nxt], nxt, flags[nxt])
                else:
                    issue(
                        vec_next[nxt - LANES],
                        nxt,
                        jnp.logical_and(nflags[nxt - LANES], ~last),
                    )
            return end_b, end_f

        lax.fori_loop(0, nchunk_i, body, (jnp.int32(-1), jnp.bool_(True)))
        pltpu.async_copy(rows_v, out_hbm.at[perm_v], sems[NSLOT]).wait()

    return gather_kernel


def _stage1_body(xt_ref, lab_ref, yt_ref, aux_ref, ce_ref):
    x = xt_ref[...]
    c, b = x.shape
    m = jnp.max(x, axis=0, keepdims=True)
    e = jnp.exp(x - m)
    s = jnp.sum(e, axis=0, keepdims=True)
    y = jnp.clip(e / s, 0.0001, 1.0 - 0.0001)
    y_norm = y / jnp.sum(y, axis=0, keepdims=True)
    yt_ref[:, 0:c] = jnp.transpose(y)
    d2 = (1.0 - BETA) * jnp.sum(y_norm * y, axis=0, keepdims=True)
    aux_ref[:, 0:1] = jnp.transpose(d2)
    logp = (x - m) - jnp.log(s)
    cls = lax.broadcasted_iota(jnp.int32, (c, b), 0)
    hit = cls == lab_ref[...]
    ce_ref[0, 0] = -jnp.sum(jnp.where(hit, logp, 0.0)) / b


def _stage2_body(g_ref, yt_ref, aux_ref, ce_ref, res_ref):
    b = g_ref.shape[0]
    c = NUM_CLASSES
    g = g_ref[:, 0:c]
    y = yt_ref[:, 0:c]
    dot = BETA * jnp.sum(g * y, axis=1, keepdims=True) + aux_ref[:, 0:1]
    elr = jnp.log(1.0 - dot)
    res_ref[0, 0] = ce_ref[0, 0] + LAMBDA_ * (jnp.sum(elr) / b)


def kernel(index, output, label, target):
    batch, ncls = output.shape
    idx = index.astype(jnp.int32)
    sorted_idx, perm = lax.sort_key_val(idx, lax.iota(jnp.int32, batch))
    yt, aux, ce = pl.pallas_call(
        _stage1_body,
        out_shape=(
            jax.ShapeDtypeStruct((batch, 128), jnp.float32),
            jax.ShapeDtypeStruct((batch, 8), jnp.float32),
            jax.ShapeDtypeStruct((1, 1), jnp.float32),
        ),
        in_specs=[
            pl.BlockSpec(memory_space=pltpu.VMEM),
            pl.BlockSpec(memory_space=pltpu.VMEM),
        ],
        out_specs=(
            pl.BlockSpec(memory_space=pltpu.VMEM),
            pl.BlockSpec(memory_space=pltpu.VMEM),
            pl.BlockSpec(memory_space=pltpu.SMEM),
        ),
    )(output.T, label.astype(jnp.int32).reshape(1, batch))
    gathered = _make_sc_gather(batch, ncls)(sorted_idx, perm, target.T)
    res = pl.pallas_call(
        _stage2_body,
        out_shape=jax.ShapeDtypeStruct((1, 1), jnp.float32),
        in_specs=[
            pl.BlockSpec(memory_space=pltpu.VMEM),
            pl.BlockSpec(memory_space=pltpu.VMEM),
            pl.BlockSpec(memory_space=pltpu.VMEM),
            pl.BlockSpec(memory_space=pltpu.SMEM),
        ],
        out_specs=pl.BlockSpec(memory_space=pltpu.SMEM),
    )(gathered, yt, aux, ce)
    return res[0, 0]

# --- scband reference (transcript-rebuilt; emitter-appended) ---
"""Pipeline reference for scband-elrloss-71975061946709 (READ-ONLY COPY).

The authoritative reference and input builder live on the scoring server;
editing this copy changes nothing except your own understanding.
"""

import jax, jax.numpy as jnp
import numpy as np

NUM_EXAMP = 1000000
NUM_CLASSES = 100
LAMBDA_ = 3.0
BETA = 0.7
BATCH = 4096


def setup_inputs(seed: int = 0) -> dict:
    key = jax.random.key(seed)
    k1, k2, k3 = jax.random.split(key, 3)
    index = jax.random.randint(k1, (BATCH,), 0, NUM_EXAMP, dtype=jnp.int64)
    output = jax.random.normal(k2, (BATCH, NUM_CLASSES), dtype=jnp.float32)
    label = jax.random.randint(k3, (BATCH,), 0, NUM_CLASSES, dtype=jnp.int64)
    # persistent EMA target buffer, initialized to zeros as in __init__
    target = jnp.zeros((NUM_EXAMP, NUM_CLASSES), dtype=jnp.float32)
    return {"index": index, "output": output, "label": label, "target": target}


def reference(index, output, label, target):
    # softmax prediction, clamped
    y_pred = jax.nn.softmax(output, axis=1)
    y_pred = jnp.clip(y_pred, 0.0001, 1.0 - 0.0001)
    # detached copy for EMA target update (no grad through the buffer update)
    y_pred_ = jax.lax.stop_gradient(y_pred)
    y_pred_norm = y_pred_ / jnp.sum(y_pred_, axis=1, keepdims=True)
    # EMA update: gather rows of the big target buffer, blend, scatter back
    t_gathered = jnp.take(target, index, axis=0)
    t_new = BETA * t_gathered + (1.0 - BETA) * y_pred_norm
    target_updated = target.at[index].set(t_new)  # scatter-overwrite side effect
    # cross-entropy loss (mean reduction, as F.cross_entropy)
    logp = jax.nn.log_softmax(output, axis=1)
    ce_loss = -jnp.mean(jnp.take_along_axis(logp, label[:, None], axis=1))
    # ELR regularizer uses the freshly-updated target rows (== t_new)
    elr_reg = jnp.mean(jnp.log(1.0 - jnp.sum(t_new * y_pred, axis=1)))
    final_loss = ce_loss + LAMBDA_ * elr_reg
    # target_updated is the persistent-state side effect; torch forward returns only the loss
    del target_updated
    return final_loss

if __name__ == "__main__":
    import jax
    _d = setup_inputs()
    print(jax.jit(kernel)(*tuple(_d.values())))

</pallas_src>

<mosaic_0001>
#map = affine_map<(d0, d1) -> (0)>
#map1 = affine_map<(d0, d1) -> (0, 0)>
module attributes {stable_mosaic.version = 14 : i64} {
  func.func @gather_kernel(%arg0: i32, %arg1: i32, %arg2: memref<4096xi32, #tpu.memory_space<hbm>>, %arg3: memref<4096xi32, #tpu.memory_space<hbm>>, %arg4: memref<100x1000000xf32, #tpu.memory_space<hbm>>, %arg5: memref<4096x128xf32, #tpu.memory_space<hbm>>, %arg6: memref<128xi32, #tpu.memory_space<vmem>>, %arg7: memref<128xi32, #tpu.memory_space<vmem>>, %arg8: memref<100x128xf32, #tpu.memory_space<vmem>>, %arg9: memref<100x128xf32, #tpu.memory_space<vmem>>, %arg10: memref<100x128xf32, #tpu.memory_space<vmem>>, %arg11: memref<100x128xf32, #tpu.memory_space<vmem>>, %arg12: memref<100x128xf32, #tpu.memory_space<vmem>>, %arg13: memref<100x128xf32, #tpu.memory_space<vmem>>, %arg14: memref<100x128xf32, #tpu.memory_space<vmem>>, %arg15: memref<100x128xf32, #tpu.memory_space<vmem>>, %arg16: memref<128x128xf32, #tpu.memory_space<vmem>>, %arg17: memref<!tpu.dma_semaphore, #tpu.memory_space<semaphore_mem>>, %arg18: memref<!tpu.dma_semaphore, #tpu.memory_space<semaphore_mem>>, %arg19: memref<!tpu.dma_semaphore, #tpu.memory_space<semaphore_mem>>, %arg20: memref<!tpu.dma_semaphore, #tpu.memory_space<semaphore_mem>>, %arg21: memref<!tpu.dma_semaphore, #tpu.memory_space<semaphore_mem>>, %arg22: memref<!tpu.dma_semaphore, #tpu.memory_space<semaphore_mem>>, %arg23: memref<!tpu.dma_semaphore, #tpu.memory_space<semaphore_mem>>, %arg24: memref<!tpu.dma_semaphore, #tpu.memory_space<semaphore_mem>>, %arg25: memref<!tpu.dma_semaphore, #tpu.memory_space<semaphore_mem>>) attributes {dimension_semantics = [#tpu.dimension_semantics<core_parallel>, #tpu.dimension_semantics<subcore_parallel>], iteration_bounds = array<i64: 2, 16>, scalar_prefetch = 0 : i64, scratch_operands = 20 : i64, tpu.core_type = #tpu.core_type<sc_vector_subcore>, window_params = [{transform_indices = #map}, {transform_indices = #map}, {transform_indices = #map1}, {transform_indices = #map1}]} {
    %mul3A = arith.constant 2 : i32
    %mul3A_0 = arith.muli %arg1, %mul3A : i32
    %add3A = arith.addi %mul3A_0, %arg0 : i32
    %mul3A_1 = arith.constant 128 : i32
    %mul3A_2 = arith.muli %add3A, %mul3A_1 : i32
    "tpu.region"() ({
      %run_scoped3A = tpu.sem_alloc : memref<!tpu.dma_semaphore, #tpu.memory_space<semaphore_mem>>
      %dma_start3A_518 = tpu.memref_slice %arg2[%mul3A_2] : memref<4096xi32, #tpu.memory_space<hbm>> -> memref<128xi32, #tpu.memory_space<hbm>>
      %dma_start3A_519 = tpu.memref_slice %arg2[%mul3A_2] : memref<4096xi32, #tpu.memory_space<hbm>> -> memref<128xi32, #tpu.memory_space<hbm>>
      tpu.enqueue_dma source(%dma_start3A_519 : memref<128xi32, #tpu.memory_space<hbm>>) target(%arg6 : memref<128xi32, #tpu.memory_space<vmem>>) target_semaphore(%run_scoped3A : memref<!tpu.dma_semaphore, #tpu.memory_space<semaphore_mem>>)
      %dma_wait3A_520 = tpu.memref_slice %arg2[%mul3A_2] : memref<4096xi32, #tpu.memory_space<hbm>> -> memref<128xi32, #tpu.memory_space<hbm>>
      %dma_wait3A_521 = tpu.memref_slice %arg2[%mul3A_2] : memref<4096xi32, #tpu.memory_space<hbm>> -> memref<128xi32, #tpu.memory_space<hbm>>
      tpu.wait_dma2 semaphore(%run_scoped3A : memref<!tpu.dma_semaphore, #tpu.memory_space<semaphore_mem>>) src(%dma_wait3A_521 : memref<128xi32, #tpu.memory_space<hbm>>) dst(%arg6 : memref<128xi32, #tpu.memory_space<vmem>>)
      tpu.yield
    }) : () -> ()
    "tpu.region"() ({
      %run_scoped3A = tpu.sem_alloc : memref<!tpu.dma_semaphore, #tpu.memory_space<semaphore_mem>>
      %dma_start3A_518 = tpu.memref_slice %arg3[%mul3A_2] : memref<4096xi32, #tpu.memory_space<hbm>> -> memref<128xi32, #tpu.memory_space<hbm>>
      %dma_start3A_519 = tpu.memref_slice %arg3[%mul3A_2] : memref<4096xi32, #tpu.memory_space<hbm>> -> memref<128xi32, #tpu.memory_space<hbm>>
      tpu.enqueue_dma source(%dma_start3A_519 : memref<128xi32, #tpu.memory_space<hbm>>) target(%arg7 : memref<128xi32, #tpu.memory_space<vmem>>) target_semaphore(%run_scoped3A : memref<!tpu.dma_semaphore, #tpu.memory_space<semaphore_mem>>)
      %dma_wait3A_520 = tpu.memref_slice %arg3[%mul3A_2] : memref<4096xi32, #tpu.memory_space<hbm>> -> memref<128xi32, #tpu.memory_space<hbm>>
      %dma_wait3A_521 = tpu.memref_slice %arg3[%mul3A_2] : memref<4096xi32, #tpu.memory_space<hbm>> -> memref<128xi32, #tpu.memory_space<hbm>>
      tpu.wait_dma2 semaphore(%run_scoped3A : memref<!tpu.dma_semaphore, #tpu.memory_space<semaphore_mem>>) src(%dma_wait3A_521 : memref<128xi32, #tpu.memory_space<hbm>>) dst(%arg7 : memref<128xi32, #tpu.memory_space<vmem>>)
      tpu.yield
    }) : () -> ()
    %iota3A = tpu.iota {dimensions = array<i32: 0>} : vector<16xi32>
    %get3A = arith.constant 0 : index
    %get3A_3 = tpu.vector_load %arg6[%get3A] {strides = array<i32>} : memref<128xi32, #tpu.memory_space<vmem>>, vector<16xi32>,
    %slice3A = vector.extract_strided_slice %get3A_3 {offsets = [0], sizes = [1], strides = [1]} : vector<16xi32> to vector<1xi32>
    %squeeze3A = vector.extract %slice3A[0] : i32 from vector<1xi32>
    %jit3A = arith.constant 128 : i32
    %div3A = arith.divsi %squeeze3A, %jit3A : i32
    %sign3A = arith.constant 0 : i32
    %sign3A_4 = arith.cmpi sgt, %squeeze3A, %sign3A : i32
    %sign3A_5 = arith.extui %sign3A_4 : i1 to i32
    %sign3A_6 = arith.constant 0 : i32
    %sign3A_7 = arith.cmpi slt, %squeeze3A, %sign3A_6 : i32
    %sign3A_8 = arith.extui %sign3A_7 : i1 to i32
    %sign3A_9 = arith.subi %sign3A_5, %sign3A_8 : i32
    %sign3A_10 = arith.constant 0 : i32
    %sign3A_11 = arith.cmpi sgt, %jit3A, %sign3A_10 : i32
    %sign3A_12 = arith.extui %sign3A_11 : i1 to i32
    %sign3A_13 = arith.constant 0 : i32
    %sign3A_14 = arith.cmpi slt, %jit3A, %sign3A_13 : i32
    %sign3A_15 = arith.extui %sign3A_14 : i1 to i32
    %sign3A_16 = arith.subi %sign3A_12, %sign3A_15 : i32
    %ne3A = arith.cmpi ne, %sign3A_9, %sign3A_16 : i32
    %rem3A = arith.remsi %squeeze3A, %jit3A : i32
    %ne3A_17 = arith.constant 0 : i32
    %ne3A_18 = arith.cmpi ne, %rem3A, %ne3A_17 : i32
    %and3A = arith.andi %ne3A, %ne3A_18 : i1
    %sub3A = arith.constant 1 : i32
    %sub3A_19 = arith.subi %div3A, %sub3A : i32
    %select_n3A = arith.select %and3A, %sub3A_19, %div3A : i32
    %ne3A_20 = arith.constant -1 : i32
    %ne3A_21 = arith.cmpi ne, %select_n3A, %ne3A_20 : i32
    %not3A = arith.constant true
    %not3A_22 = arith.constant true
    %not3A_23 = arith.xori %not3A, %not3A_22 : i1
    %or3A = arith.ori %ne3A_21, %not3A_23 : i1
    %slice3A_24 = vector.extract_strided_slice %get3A_3 {offsets = [1], sizes = [1], strides = [1]} : vector<16xi32> to vector<1xi32>
    %squeeze3A_25 = vector.extract %slice3A_24[0] : i32 from vector<1xi32>
    %jit3A_26 = arith.constant 128 : i32
    %div3A_27 = arith.divsi %squeeze3A_25, %jit3A_26 : i32
    %sign3A_28 = arith.constant 0 : i32
    %sign3A_29 = arith.cmpi sgt, %squeeze3A_25, %sign3A_28 : i32
    %sign3A_30 = arith.extui %sign3A_29 : i1 to i32
    %sign3A_31 = arith.constant 0 : i32
    %sign3A_32 = arith.cmpi slt, %squeeze3A_25, %sign3A_31 : i32
    %sign3A_33 = arith.extui %sign3A_32 : i1 to i32
    %sign3A_34 = arith.subi %sign3A_30, %sign3A_33 : i32
    %sign3A_35 = arith.constant 0 : i32
    %sign3A_36 = arith.cmpi sgt, %jit3A_26, %sign3A_35 : i32
    %sign3A_37 = arith.extui %sign3A_36 : i1 to i32
    %sign3A_38 = arith.constant 0 : i32
    %sign3A_39 = arith.cmpi slt, %jit3A_26, %sign3A_38 : i32
    %sign3A_40 = arith.extui %sign3A_39 : i1 to i32
    %sign3A_41 = arith.subi %sign3A_37, %sign3A_40 : i32
    %ne3A_42 = arith.cmpi ne, %sign3A_34, %sign3A_41 : i32
    %rem3A_43 = arith.remsi %squeeze3A_25, %jit3A_26 : i32
    %ne3A_44 = arith.constant 0 : i32
    %ne3A_45 = arith.cmpi ne, %rem3A_43, %ne3A_44 : i32
    %and3A_46 = arith.andi %ne3A_42, %ne3A_45 : i1
    %sub3A_47 = arith.constant 1 : i32
    %sub3A_48 = arith.subi %div3A_27, %sub3A_47 : i32
    %select_n3A_49 = arith.select %and3A_46, %sub3A_48, %div3A_27 : i32
    %ne3A_50 = arith.cmpi ne, %select_n3A_49, %select_n3A : i32
    %not3A_51 = arith.constant true
    %not3A_52 = arith.xori %or3A, %not3A_51 : i1
    %or3A_53 = arith.ori %ne3A_50, %not3A_52 : i1
    %slice3A_54 = vector.extract_strided_slice %get3A_3 {offsets = [2], sizes = [1], strides = [1]} : vector<16xi32> to vector<1xi32>
    %squeeze3A_55 = vector.extract %slice3A_54[0] : i32 from vector<1xi32>
    %jit3A_56 = arith.constant 128 : i32
    %div3A_57 = arith.divsi %squeeze3A_55, %jit3A_56 : i32
    %sign3A_58 = arith.constant 0 : i32
    %sign3A_59 = arith.cmpi sgt, %squeeze3A_55, %sign3A_58 : i32
    %sign3A_60 = arith.extui %sign3A_59 : i1 to i32
    %sign3A_61 = arith.constant 0 : i32
    %sign3A_62 = arith.cmpi slt, %squeeze3A_55, %sign3A_61 : i32
    %sign3A_63 = arith.extui %sign3A_62 : i1 to i32
    %sign3A_64 = arith.subi %sign3A_60, %sign3A_63 : i32
    %sign3A_65 = arith.constant 0 : i32
    %sign3A_66 = arith.cmpi sgt, %jit3A_56, %sign3A_65 : i32
    %sign3A_67 = arith.extui %sign3A_66 : i1 to i32
    %sign3A_68 = arith.constant 0 : i32
    %sign3A_69 = arith.cmpi slt, %jit3A_56, %sign3A_68 : i32
    %sign3A_70 = arith.extui %sign3A_69 : i1 to i32
    %sign3A_71 = arith.subi %sign3A_67, %sign3A_70 : i32
    %ne3A_72 = arith.cmpi ne, %sign3A_64, %sign3A_71 : i32
    %rem3A_73 = arith.remsi %squeeze3A_55, %jit3A_56 : i32
    %ne3A_74 = arith.constant 0 : i32
    %ne3A_75 = arith.cmpi ne, %rem3A_73, %ne3A_74 : i32
    %and3A_76 = arith.andi %ne3A_72, %ne3A_75 : i1
    %sub3A_77 = arith.constant 1 : i32
    %sub3A_78 = arith.subi %div3A_57, %sub3A_77 : i32
    %select_n3A_79 = arith.select %and3A_76, %sub3A_78, %div3A_57 : i32
    %ne3A_80 = arith.cmpi ne, %select_n3A_79, %select_n3A_49 : i32
    %not3A_81 = arith.constant true
    %not3A_82 = arith.xori %or3A_53, %not3A_81 : i1
    %or3A_83 = arith.ori %ne3A_80, %not3A_82 : i1
    %slice3A_84 = vector.extract_strided_slice %get3A_3 {offsets = [3], sizes = [1], strides = [1]} : vector<16xi32> to vector<1xi32>
    %squeeze3A_85 = vector.extract %slice3A_84[0] : i32 from vector<1xi32>
    %jit3A_86 = arith.constant 128 : i32
    %div3A_87 = arith.divsi %squeeze3A_85, %jit3A_86 : i32
    %sign3A_88 = arith.constant 0 : i32
    %sign3A_89 = arith.cmpi sgt, %squeeze3A_85, %sign3A_88 : i32
    %sign3A_90 = arith.extui %sign3A_89 : i1 to i32
    %sign3A_91 = arith.constant 0 : i32
    %sign3A_92 = arith.cmpi slt, %squeeze3A_85, %sign3A_91 : i32
    %sign3A_93 = arith.extui %sign3A_92 : i1 to i32
    %sign3A_94 = arith.subi %sign3A_90, %sign3A_93 : i32
    %sign3A_95 = arith.constant 0 : i32
    %sign3A_96 = arith.cmpi sgt, %jit3A_86, %sign3A_95 : i32
    %sign3A_97 = arith.extui %sign3A_96 : i1 to i32
    %sign3A_98 = arith.constant 0 : i32
    %sign3A_99 = arith.cmpi slt, %jit3A_86, %sign3A_98 : i32
    %sign3A_100 = arith.extui %sign3A_99 : i1 to i32
    %sign3A_101 = arith.subi %sign3A_97, %sign3A_100 : i32
    %ne3A_102 = arith.cmpi ne, %sign3A_94, %sign3A_101 : i32
    %rem3A_103 = arith.remsi %squeeze3A_85, %jit3A_86 : i32
    %ne3A_104 = arith.constant 0 : i32
    %ne3A_105 = arith.cmpi ne, %rem3A_103, %ne3A_104 : i32
    %and3A_106 = arith.andi %ne3A_102, %ne3A_105 : i1
    %sub3A_107 = arith.constant 1 : i32
    %sub3A_108 = arith.subi %div3A_87, %sub3A_107 : i32
    %select_n3A_109 = arith.select %and3A_106, %sub3A_108, %div3A_87 : i32
    %ne3A_110 = arith.cmpi ne, %select_n3A_109, %select_n3A_79 : i32
    %not3A_111 = arith.constant true
    %not3A_112 = arith.xori %or3A_83, %not3A_111 : i1
    %or3A_113 = arith.ori %ne3A_110, %not3A_112 : i1
    %slice3A_114 = vector.extract_strided_slice %get3A_3 {offsets = [4], sizes = [1], strides = [1]} : vector<16xi32> to vector<1xi32>
    %squeeze3A_115 = vector.extract %slice3A_114[0] : i32 from vector<1xi32>
    %jit3A_116 = arith.constant 128 : i32
    %div3A_117 = arith.divsi %squeeze3A_115, %jit3A_116 : i32
    %sign3A_118 = arith.constant 0 : i32
    %sign3A_119 = arith.cmpi sgt, %squeeze3A_115, %sign3A_118 : i32
    %sign3A_120 = arith.extui %sign3A_119 : i1 to i32
    %sign3A_121 = arith.constant 0 : i32
    %sign3A_122 = arith.cmpi slt, %squeeze3A_115, %sign3A_121 : i32
    %sign3A_123 = arith.extui %sign3A_122 : i1 to i32
    %sign3A_124 = arith.subi %sign3A_120, %sign3A_123 : i32
    %sign3A_125 = arith.constant 0 : i32
    %sign3A_126 = arith.cmpi sgt, %jit3A_116, %sign3A_125 : i32
    %sign3A_127 = arith.extui %sign3A_126 : i1 to i32
    %sign3A_128 = arith.constant 0 : i32
    %sign3A_129 = arith.cmpi slt, %jit3A_116, %sign3A_128 : i32
    %sign3A_130 = arith.extui %sign3A_129 : i1 to i32
    %sign3A_131 = arith.subi %sign3A_127, %sign3A_130 : i32
    %ne3A_132 = arith.cmpi ne, %sign3A_124, %sign3A_131 : i32
    %rem3A_133 = arith.remsi %squeeze3A_115, %jit3A_116 : i32
    %ne3A_134 = arith.constant 0 : i32
    %ne3A_135 = arith.cmpi ne, %rem3A_133, %ne3A_134 : i32
    %and3A_136 = arith.andi %ne3A_132, %ne3A_135 : i1
    %sub3A_137 = arith.constant 1 : i32
    %sub3A_138 = arith.subi %div3A_117, %sub3A_137 : i32
    %select_n3A_139 = arith.select %and3A_136, %sub3A_138, %div3A_117 : i32
    %ne3A_140 = arith.cmpi ne, %select_n3A_139, %select_n3A_109 : i32
    %not3A_141 = arith.constant true
    %not3A_142 = arith.xori %or3A_113, %not3A_141 : i1
    %or3A_143 = arith.ori %ne3A_140, %not3A_142 : i1
    %slice3A_144 = vector.extract_strided_slice %get3A_3 {offsets = [5], sizes = [1], strides = [1]} : vector<16xi32> to vector<1xi32>
    %squeeze3A_145 = vector.extract %slice3A_144[0] : i32 from vector<1xi32>
    %jit3A_146 = arith.constant 128 : i32
    %div3A_147 = arith.divsi %squeeze3A_145, %jit3A_146 : i32
    %sign3A_148 = arith.constant 0 : i32
    %sign3A_149 = arith.cmpi sgt, %squeeze3A_145, %sign3A_148 : i32
    %sign3A_150 = arith.extui %sign3A_149 : i1 to i32
    %sign3A_151 = arith.constant 0 : i32
    %sign3A_152 = arith.cmpi slt, %squeeze3A_145, %sign3A_151 : i32
    %sign3A_153 = arith.extui %sign3A_152 : i1 to i32
    %sign3A_154 = arith.subi %sign3A_150, %sign3A_153 : i32
    %sign3A_155 = arith.constant 0 : i32
    %sign3A_156 = arith.cmpi sgt, %jit3A_146, %sign3A_155 : i32
    %sign3A_157 = arith.extui %sign3A_156 : i1 to i32
    %sign3A_158 = arith.constant 0 : i32
    %sign3A_159 = arith.cmpi slt, %jit3A_146, %sign3A_158 : i32
    %sign3A_160 = arith.extui %sign3A_159 : i1 to i32
    %sign3A_161 = arith.subi %sign3A_157, %sign3A_160 : i32
    %ne3A_162 = arith.cmpi ne, %sign3A_154, %sign3A_161 : i32
    %rem3A_163 = arith.remsi %squeeze3A_145, %jit3A_146 : i32
    %ne3A_164 = arith.constant 0 : i32
    %ne3A_165 = arith.cmpi ne, %rem3A_163, %ne3A_164 : i32
    %and3A_166 = arith.andi %ne3A_162, %ne3A_165 : i1
    %sub3A_167 = arith.constant 1 : i32
    %sub3A_168 = arith.subi %div3A_147, %sub3A_167 : i32
    %select_n3A_169 = arith.select %and3A_166, %sub3A_168, %div3A_147 : i32
    %ne3A_170 = arith.cmpi ne, %select_n3A_169, %select_n3A_139 : i32
    %not3A_171 = arith.constant true
    %not3A_172 = arith.xori %or3A_143, %not3A_171 : i1
    %or3A_173 = arith.ori %ne3A_170, %not3A_172 : i1
    %slice3A_174 = vector.extract_strided_slice %get3A_3 {offsets = [6], sizes = [1], strides = [1]} : vector<16xi32> to vector<1xi32>
    %squeeze3A_175 = vector.extract %slice3A_174[0] : i32 from vector<1xi32>
    %jit3A_176 = arith.constant 128 : i32
    %div3A_177 = arith.divsi %squeeze3A_175, %jit3A_176 : i32
    %sign3A_178 = arith.constant 0 : i32
    %sign3A_179 = arith.cmpi sgt, %squeeze3A_175, %sign3A_178 : i32
    %sign3A_180 = arith.extui %sign3A_179 : i1 to i32
    %sign3A_181 = arith.constant 0 : i32
    %sign3A_182 = arith.cmpi slt, %squeeze3A_175, %sign3A_181 : i32
    %sign3A_183 = arith.extui %sign3A_182 : i1 to i32
    %sign3A_184 = arith.subi %sign3A_180, %sign3A_183 : i32
    %sign3A_185 = arith.constant 0 : i32
    %sign3A_186 = arith.cmpi sgt, %jit3A_176, %sign3A_185 : i32
    %sign3A_187 = arith.extui %sign3A_186 : i1 to i32
    %sign3A_188 = arith.constant 0 : i32
    %sign3A_189 = arith.cmpi slt, %jit3A_176, %sign3A_188 : i32
    %sign3A_190 = arith.extui %sign3A_189 : i1 to i32
    %sign3A_191 = arith.subi %sign3A_187, %sign3A_190 : i32
    %ne3A_192 = arith.cmpi ne, %sign3A_184, %sign3A_191 : i32
    %rem3A_193 = arith.remsi %squeeze3A_175, %jit3A_176 : i32
    %ne3A_194 = arith.constant 0 : i32
    %ne3A_195 = arith.cmpi ne, %rem3A_193, %ne3A_194 : i32
    %and3A_196 = arith.andi %ne3A_192, %ne3A_195 : i1
    %sub3A_197 = arith.constant 1 : i32
    %sub3A_198 = arith.subi %div3A_177, %sub3A_197 : i32
    %select_n3A_199 = arith.select %and3A_196, %sub3A_198, %div3A_177 : i32
    %ne3A_200 = arith.cmpi ne, %select_n3A_199, %select_n3A_169 : i32
    %not3A_201 = arith.constant true
    %not3A_202 = arith.xori %or3A_173, %not3A_201 : i1
    %or3A_203 = arith.ori %ne3A_200, %not3A_202 : i1
    %slice3A_204 = vector.extract_strided_slice %get3A_3 {offsets = [7], sizes = [1], strides = [1]} : vector<16xi32> to vector<1xi32>
    %squeeze3A_205 = vector.extract %slice3A_204[0] : i32 from vector<1xi32>
    %jit3A_206 = arith.constant 128 : i32
    %div3A_207 = arith.divsi %squeeze3A_205, %jit3A_206 : i32
    %sign3A_208 = arith.constant 0 : i32
    %sign3A_209 = arith.cmpi sgt, %squeeze3A_205, %sign3A_208 : i32
    %sign3A_210 = arith.extui %sign3A_209 : i1 to i32
    %sign3A_211 = arith.constant 0 : i32
    %sign3A_212 = arith.cmpi slt, %squeeze3A_205, %sign3A_211 : i32
    %sign3A_213 = arith.extui %sign3A_212 : i1 to i32
    %sign3A_214 = arith.subi %sign3A_210, %sign3A_213 : i32
    %sign3A_215 = arith.constant 0 : i32
    %sign3A_216 = arith.cmpi sgt, %jit3A_206, %sign3A_215 : i32
    %sign3A_217 = arith.extui %sign3A_216 : i1 to i32
    %sign3A_218 = arith.constant 0 : i32
    %sign3A_219 = arith.cmpi slt, %jit3A_206, %sign3A_218 : i32
    %sign3A_220 = arith.extui %sign3A_219 : i1 to i32
    %sign3A_221 = arith.subi %sign3A_217, %sign3A_220 : i32
    %ne3A_222 = arith.cmpi ne, %sign3A_214, %sign3A_221 : i32
    %rem3A_223 = arith.remsi %squeeze3A_205, %jit3A_206 : i32
    %ne3A_224 = arith.constant 0 : i32
    %ne3A_225 = arith.cmpi ne, %rem3A_223, %ne3A_224 : i32
    %and3A_226 = arith.andi %ne3A_222, %ne3A_225 : i1
    %sub3A_227 = arith.constant 1 : i32
    %sub3A_228 = arith.subi %div3A_207, %sub3A_227 : i32
    %select_n3A_229 = arith.select %and3A_226, %sub3A_228, %div3A_207 : i32
    %ne3A_230 = arith.cmpi ne, %select_n3A_229, %select_n3A_199 : i32
    %not3A_231 = arith.constant true
    %not3A_232 = arith.xori %or3A_203, %not3A_231 : i1
    %or3A_233 = arith.ori %ne3A_230, %not3A_232 : i1
    %slice3A_234 = vector.extract_strided_slice %get3A_3 {offsets = [8], sizes = [1], strides = [1]} : vector<16xi32> to vector<1xi32>
    %squeeze3A_235 = vector.extract %slice3A_234[0] : i32 from vector<1xi32>
    %jit3A_236 = arith.constant 128 : i32
    %div3A_237 = arith.divsi %squeeze3A_235, %jit3A_236 : i32
    %sign3A_238 = arith.constant 0 : i32
    %sign3A_239 = arith.cmpi sgt, %squeeze3A_235, %sign3A_238 : i32
    %sign3A_240 = arith.extui %sign3A_239 : i1 to i32
    %sign3A_241 = arith.constant 0 : i32
    %sign3A_242 = arith.cmpi slt, %squeeze3A_235, %sign3A_241 : i32
    %sign3A_243 = arith.extui %sign3A_242 : i1 to i32
    %sign3A_244 = arith.subi %sign3A_240, %sign3A_243 : i32
    %sign3A_245 = arith.constant 0 : i32
    %sign3A_246 = arith.cmpi sgt, %jit3A_236, %sign3A_245 : i32
    %sign3A_247 = arith.extui %sign3A_246 : i1 to i32
    %sign3A_248 = arith.constant 0 : i32
    %sign3A_249 = arith.cmpi slt, %jit3A_236, %sign3A_248 : i32
    %sign3A_250 = arith.extui %sign3A_249 : i1 to i32
    %sign3A_251 = arith.subi %sign3A_247, %sign3A_250 : i32
    %ne3A_252 = arith.cmpi ne, %sign3A_244, %sign3A_251 : i32
    %rem3A_253 = arith.remsi %squeeze3A_235, %jit3A_236 : i32
    %ne3A_254 = arith.constant 0 : i32
    %ne3A_255 = arith.cmpi ne, %rem3A_253, %ne3A_254 : i32
    %and3A_256 = arith.andi %ne3A_252, %ne3A_255 : i1
    %sub3A_257 = arith.constant 1 : i32
    %sub3A_258 = arith.subi %div3A_237, %sub3A_257 : i32
    %select_n3A_259 = arith.select %and3A_256, %sub3A_258, %div3A_237 : i32
    %ne3A_260 = arith.cmpi ne, %select_n3A_259, %select_n3A_229 : i32
    %not3A_261 = arith.constant true
    %not3A_262 = arith.xori %or3A_233, %not3A_261 : i1
    %or3A_263 = arith.ori %ne3A_260, %not3A_262 : i1
    %slice3A_264 = vector.extract_strided_slice %get3A_3 {offsets = [9], sizes = [1], strides = [1]} : vector<16xi32> to vector<1xi32>
    %squeeze3A_265 = vector.extract %slice3A_264[0] : i32 from vector<1xi32>
    %jit3A_266 = arith.constant 128 : i32
    %div3A_267 = arith.divsi %squeeze3A_265, %jit3A_266 : i32
    %sign3A_268 = arith.constant 0 : i32
    %sign3A_269 = arith.cmpi sgt, %squeeze3A_265, %sign3A_268 : i32
    %sign3A_270 = arith.extui %sign3A_269 : i1 to i32
    %sign3A_271 = arith.constant 0 : i32
    %sign3A_272 = arith.cmpi slt, %squeeze3A_265, %sign3A_271 : i32
    %sign3A_273 = arith.extui %sign3A_272 : i1 to i32
    %sign3A_274 = arith.subi %sign3A_270, %sign3A_273 : i32
    %sign3A_275 = arith.constant 0 : i32
    %sign3A_276 = arith.cmpi sgt, %jit3A_266, %sign3A_275 : i32
    %sign3A_277 = arith.extui %sign3A_276 : i1 to i32
    %sign3A_278 = arith.constant 0 : i32
    %sign3A_279 = arith.cmpi slt, %jit3A_266, %sign3A_278 : i32
    %sign3A_280 = arith.extui %sign3A_279 : i1 to i32
    %sign3A_281 = arith.subi %sign3A_277, %sign3A_280 : i32
    %ne3A_282 = arith.cmpi ne, %sign3A_274, %sign3A_281 : i32
    %rem3A_283 = arith.remsi %squeeze3A_265, %jit3A_266 : i32
    %ne3A_284 = arith.constant 0 : i32
    %ne3A_285 = arith.cmpi ne, %rem3A_283, %ne3A_284 : i32
    %and3A_286 = arith.andi %ne3A_282, %ne3A_285 : i1
    %sub3A_287 = arith.constant 1 : i32
    %sub3A_288 = arith.subi %div3A_267, %sub3A_287 : i32
    %select_n3A_289 = arith.select %and3A_286, %sub3A_288, %div3A_267 : i32
    %ne3A_290 = arith.cmpi ne, %select_n3A_289, %select_n3A_259 : i32
    %not3A_291 = arith.constant true
    %not3A_292 = arith.xori %or3A_263, %not3A_291 : i1
    %or3A_293 = arith.ori %ne3A_290, %not3A_292 : i1
    %slice3A_294 = vector.extract_strided_slice %get3A_3 {offsets = [10], sizes = [1], strides = [1]} : vector<16xi32> to vector<1xi32>
    %squeeze3A_295 = vector.extract %slice3A_294[0] : i32 from vector<1xi32>
    %jit3A_296 = arith.constant 128 : i32
    %div3A_297 = arith.divsi %squeeze3A_295, %jit3A_296 : i32
    %sign3A_298 = arith.constant 0 : i32
    %sign3A_299 = arith.cmpi sgt, %squeeze3A_295, %sign3A_298 : i32
    %sign3A_300 = arith.extui %sign3A_299 : i1 to i32
    %sign3A_301 = arith.constant 0 : i32
    %sign3A_302 = arith.cmpi slt, %squeeze3A_295, %sign3A_301 : i32
    %sign3A_303 = arith.extui %sign3A_302 : i1 to i32
    %sign3A_304 = arith.subi %sign3A_300, %sign3A_303 : i32
    %sign3A_305 = arith.constant 0 : i32
    %sign3A_306 = arith.cmpi sgt, %jit3A_296, %sign3A_305 : i32
    %sign3A_307 = arith.extui %sign3A_306 : i1 to i32
    %sign3A_308 = arith.constant 0 : i32
    %sign3A_309 = arith.cmpi slt, %jit3A_296, %sign3A_308 : i32
    %sign3A_310 = arith.extui %sign3A_309 : i1 to i32
    %sign3A_311 = arith.subi %sign3A_307, %sign3A_310 : i32
    %ne3A_312 = arith.cmpi ne, %sign3A_304, %sign3A_311 : i32
    %rem3A_313 = arith.remsi %squeeze3A_295, %jit3A_296 : i32
    %ne3A_314 = arith.constant 0 : i32
    %ne3A_315 = arith.cmpi ne, %rem3A_313, %ne3A_314 : i32
    %and3A_316 = arith.andi %ne3A_312, %ne3A_315 : i1
    %sub3A_317 = arith.constant 1 : i32
    %sub3A_318 = arith.subi %div3A_297, %sub3A_317 : i32
    %select_n3A_319 = arith.select %and3A_316, %sub3A_318, %div3A_297 : i32
    %ne3A_320 = arith.cmpi ne, %select_n3A_319, %select_n3A_289 : i32
    %not3A_321 = arith.constant true
    %not3A_322 = arith.xori %or3A_293, %not3A_321 : i1
    %or3A_323 = arith.ori %ne3A_320, %not3A_322 : i1
    %slice3A_324 = vector.extract_strided_slice %get3A_3 {offsets = [11], sizes = [1], strides = [1]} : vector<16xi32> to vector<1xi32>
    %squeeze3A_325 = vector.extract %slice3A_324[0] : i32 from vector<1xi32>
    %jit3A_326 = arith.constant 128 : i32
    %div3A_327 = arith.divsi %squeeze3A_325, %jit3A_326 : i32
    %sign3A_328 = arith.constant 0 : i32
    %sign3A_329 = arith.cmpi sgt, %squeeze3A_325, %sign3A_328 : i32
    %sign3A_330 = arith.extui %sign3A_329 : i1 to i32
    %sign3A_331 = arith.constant 0 : i32
    %sign3A_332 = arith.cmpi slt, %squeeze3A_325, %sign3A_331 : i32
    %sign3A_333 = arith.extui %sign3A_332 : i1 to i32
    %sign3A_334 = arith.subi %sign3A_330, %sign3A_333 : i32
    %sign3A_335 = arith.constant 0 : i32
    %sign3A_336 = arith.cmpi sgt, %jit3A_326, %sign3A_335 : i32
    %sign3A_337 = arith.extui %sign3A_336 : i1 to i32
    %sign3A_338 = arith.constant 0 : i32
    %sign3A_339 = arith.cmpi slt, %jit3A_326, %sign3A_338 : i32
    %sign3A_340 = arith.extui %sign3A_339 : i1 to i32
    %sign3A_341 = arith.subi %sign3A_337, %sign3A_340 : i32
    %ne3A_342 = arith.cmpi ne, %sign3A_334, %sign3A_341 : i32
    %rem3A_343 = arith.remsi %squeeze3A_325, %jit3A_326 : i32
    %ne3A_344 = arith.constant 0 : i32
    %ne3A_345 = arith.cmpi ne, %rem3A_343, %ne3A_344 : i32
    %and3A_346 = arith.andi %ne3A_342, %ne3A_345 : i1
    %sub3A_347 = arith.constant 1 : i32
    %sub3A_348 = arith.subi %div3A_327, %sub3A_347 : i32
    %select_n3A_349 = arith.select %and3A_346, %sub3A_348, %div3A_327 : i32
    %ne3A_350 = arith.cmpi ne, %select_n3A_349, %select_n3A_319 : i32
    %not3A_351 = arith.constant true
    %not3A_352 = arith.xori %or3A_323, %not3A_351 : i1
    %or3A_353 = arith.ori %ne3A_350, %not3A_352 : i1
    %slice3A_354 = vector.extract_strided_slice %get3A_3 {offsets = [12], sizes = [1], strides = [1]} : vector<16xi32> to vector<1xi32>
    %squeeze3A_355 = vector.extract %slice3A_354[0] : i32 from vector<1xi32>
    %jit3A_356 = arith.constant 128 : i32
    %div3A_357 = arith.divsi %squeeze3A_355, %jit3A_356 : i32
    %sign3A_358 = arith.constant 0 : i32
    %sign3A_359 = arith.cmpi sgt, %squeeze3A_355, %sign3A_358 : i32
    %sign3A_360 = arith.extui %sign3A_359 : i1 to i32
    %sign3A_361 = arith.constant 0 : i32
    %sign3A_362 = arith.cmpi slt, %squeeze3A_355, %sign3A_361 : i32
    %sign3A_363 = arith.extui %sign3A_362 : i1 to i32
    %sign3A_364 = arith.subi %sign3A_360, %sign3A_363 : i32
    %sign3A_365 = arith.constant 0 : i32
    %sign3A_366 = arith.cmpi sgt, %jit3A_356, %sign3A_365 : i32
    %sign3A_367 = arith.extui %sign3A_366 : i1 to i32
    %sign3A_368 = arith.constant 0 : i32
    %sign3A_369 = arith.cmpi slt, %jit3A_356, %sign3A_368 : i32
    %sign3A_370 = arith.extui %sign3A_369 : i1 to i32
    %sign3A_371 = arith.subi %sign3A_367, %sign3A_370 : i32
    %ne3A_372 = arith.cmpi ne, %sign3A_364, %sign3A_371 : i32
    %rem3A_373 = arith.remsi %squeeze3A_355, %jit3A_356 : i32
    %ne3A_374 = arith.constant 0 : i32
    %ne3A_375 = arith.cmpi ne, %rem3A_373, %ne3A_374 : i32
    %and3A_376 = arith.andi %ne3A_372, %ne3A_375 : i1
    %sub3A_377 = arith.constant 1 : i32
    %sub3A_378 = arith.subi %div3A_357, %sub3A_377 : i32
    %select_n3A_379 = arith.select %and3A_376, %sub3A_378, %div3A_357 : i32
    %ne3A_380 = arith.cmpi ne, %select_n3A_379, %select_n3A_349 : i32
    %not3A_381 = arith.constant true
    %not3A_382 = arith.xori %or3A_353, %not3A_381 : i1
    %or3A_383 = arith.ori %ne3A_380, %not3A_382 : i1
    %slice3A_384 = vector.extract_strided_slice %get3A_3 {offsets = [13], sizes = [1], strides = [1]} : vector<16xi32> to vector<1xi32>
    %squeeze3A_385 = vector.extract %slice3A_384[0] : i32 from vector<1xi32>
    %jit3A_386 = arith.constant 128 : i32
    %div3A_387 = arith.divsi %squeeze3A_385, %jit3A_386 : i32
    %sign3A_388 = arith.constant 0 : i32
    %sign3A_389 = arith.cmpi sgt, %squeeze3A_385, %sign3A_388 : i32
    %sign3A_390 = arith.extui %sign3A_389 : i1 to i32
    %sign3A_391 = arith.constant 0 : i32
    %sign3A_392 = arith.cmpi slt, %squeeze3A_385, %sign3A_391 : i32
    %sign3A_393 = arith.extui %sign3A_392 : i1 to i32
    %sign3A_394 = arith.subi %sign3A_390, %sign3A_393 : i32
    %sign3A_395 = arith.constant 0 : i32
    %sign3A_396 = arith.cmpi sgt, %jit3A_386, %sign3A_395 : i32
    %sign3A_397 = arith.extui %sign3A_396 : i1 to i32
    %sign3A_398 = arith.constant 0 : i32
    %sign3A_399 = arith.cmpi slt, %jit3A_386, %sign3A_398 : i32
    %sign3A_400 = arith.extui %sign3A_399 : i1 to i32
    %sign3A_401 = arith.subi %sign3A_397, %sign3A_400 : i32
    %ne3A_402 = arith.cmpi ne, %sign3A_394, %sign3A_401 : i32
    %rem3A_403 = arith.remsi %squeeze3A_385, %jit3A_386 : i32
    %ne3A_404 = arith.constant 0 : i32
    %ne3A_405 = arith.cmpi ne, %rem3A_403, %ne3A_404 : i32
    %and3A_406 = arith.andi %ne3A_402, %ne3A_405 : i1
    %sub3A_407 = arith.constant 1 : i32
    %sub3A_408 = arith.subi %div3A_387, %sub3A_407 : i32
    %select_n3A_409 = arith.select %and3A_406, %sub3A_408, %div3A_387 : i32
    %ne3A_410 = arith.cmpi ne, %select_n3A_409, %select_n3A_379 : i32
    %not3A_411 = arith.constant true
    %not3A_412 = arith.xori %or3A_383, %not3A_411 : i1
    %or3A_413 = arith.ori %ne3A_410, %not3A_412 : i1
    %slice3A_414 = vector.extract_strided_slice %get3A_3 {offsets = [14], sizes = [1], strides = [1]} : vector<16xi32> to vector<1xi32>
    %squeeze3A_415 = vector.extract %slice3A_414[0] : i32 from vector<1xi32>
    %jit3A_416 = arith.constant 128 : i32
    %div3A_417 = arith.divsi %squeeze3A_415, %jit3A_416 : i32
    %sign3A_418 = arith.constant 0 : i32
    %sign3A_419 = arith.cmpi sgt, %squeeze3A_415, %sign3A_418 : i32
    %sign3A_420 = arith.extui %sign3A_419 : i1 to i32
    %sign3A_421 = arith.constant 0 : i32
    %sign3A_422 = arith.cmpi slt, %squeeze3A_415, %sign3A_421 : i32
    %sign3A_423 = arith.extui %sign3A_422 : i1 to i32
    %sign3A_424 = arith.subi %sign3A_420, %sign3A_423 : i32
    %sign3A_425 = arith.constant 0 : i32
    %sign3A_426 = arith.cmpi sgt, %jit3A_416, %sign3A_425 : i32
    %sign3A_427 = arith.extui %sign3A_426 : i1 to i32
    %sign3A_428 = arith.constant 0 : i32
    %sign3A_429 = arith.cmpi slt, %jit3A_416, %sign3A_428 : i32
    %sign3A_430 = arith.extui %sign3A_429 : i1 to i32
    %sign3A_431 = arith.subi %sign3A_427, %sign3A_430 : i32
    %ne3A_432 = arith.cmpi ne, %sign3A_424, %sign3A_431 : i32
    %rem3A_433 = arith.remsi %squeeze3A_415, %jit3A_416 : i32
    %ne3A_434 = arith.constant 0 : i32
    %ne3A_435 = arith.cmpi ne, %rem3A_433, %ne3A_434 : i32
    %and3A_436 = arith.andi %ne3A_432, %ne3A_435 : i1
    %sub3A_437 = arith.constant 1 : i32
    %sub3A_438 = arith.subi %div3A_417, %sub3A_437 : i32
    %select_n3A_439 = arith.select %and3A_436, %sub3A_438, %div3A_417 : i32
    %ne3A_440 = arith.cmpi ne, %select_n3A_439, %select_n3A_409 : i32
    %not3A_441 = arith.constant true
    %not3A_442 = arith.xori %or3A_413, %not3A_441 : i1
    %or3A_443 = arith.ori %ne3A_440, %not3A_442 : i1
    %slice3A_444 = vector.extract_strided_slice %get3A_3 {offsets = [15], sizes = [1], strides = [1]} : vector<16xi32> to vector<1xi32>
    %squeeze3A_445 = vector.extract %slice3A_444[0] : i32 from vector<1xi32>
    %jit3A_446 = arith.constant 128 : i32
    %div3A_447 = arith.divsi %squeeze3A_445, %jit3A_446 : i32
    %sign3A_448 = arith.constant 0 : i32
    %sign3A_449 = arith.cmpi sgt, %squeeze3A_445, %sign3A_448 : i32
    %sign3A_450 = arith.extui %sign3A_449 : i1 to i32
    %sign3A_451 = arith.constant 0 : i32
    %sign3A_452 = arith.cmpi slt, %squeeze3A_445, %sign3A_451 : i32
    %sign3A_453 = arith.extui %sign3A_452 : i1 to i32
    %sign3A_454 = arith.subi %sign3A_450, %sign3A_453 : i32
    %sign3A_455 = arith.constant 0 : i32
    %sign3A_456 = arith.cmpi sgt, %jit3A_446, %sign3A_455 : i32
    %sign3A_457 = arith.extui %sign3A_456 : i1 to i32
    %sign3A_458 = arith.constant 0 : i32
    %sign3A_459 = arith.cmpi slt, %jit3A_446, %sign3A_458 : i32
    %sign3A_460 = arith.extui %sign3A_459 : i1 to i32
    %sign3A_461 = arith.subi %sign3A_457, %sign3A_460 : i32
    %ne3A_462 = arith.cmpi ne, %sign3A_454, %sign3A_461 : i32
    %rem3A_463 = arith.remsi %squeeze3A_445, %jit3A_446 : i32
    %ne3A_464 = arith.constant 0 : i32
    %ne3A_465 = arith.cmpi ne, %rem3A_463, %ne3A_464 : i32
    %and3A_466 = arith.andi %ne3A_462, %ne3A_465 : i1
    %sub3A_467 = arith.constant 1 : i32
    %sub3A_468 = arith.subi %div3A_447, %sub3A_467 : i32
    %select_n3A_469 = arith.select %and3A_466, %sub3A_468, %div3A_447 : i32
    %ne3A_470 = arith.cmpi ne, %select_n3A_469, %select_n3A_439 : i32
    %not3A_471 = arith.constant true
    %not3A_472 = arith.xori %or3A_443, %not3A_471 : i1
    %or3A_473 = arith.ori %ne3A_470, %not3A_472 : i1
    %slice3A_474 = vector.extract_strided_slice %get3A_3 {offsets = [0], sizes = [1], strides = [1]} : vector<16xi32> to vector<1xi32>
    %squeeze3A_475 = vector.extract %slice3A_474[0] : i32 from vector<1xi32>
    %convert_element_type3A = arith.extui %or3A : i1 to i32
    %cond3A = arith.constant 0 : i32
    %cond3A_476 = arith.cmpi ne, %convert_element_type3A, %cond3A : i32
    scf.if %cond3A_476 {
      %jit3A_518 = arith.constant 128 : i32
      %div3A_519 = arith.divsi %squeeze3A_475, %jit3A_518 : i32
      %sign3A_520 = arith.constant 0 : i32
      %sign3A_521 = arith.cmpi sgt, %squeeze3A_475, %sign3A_520 : i32
      %sign3A_522 = arith.extui %sign3A_521 : i1 to i32
      %sign3A_523 = arith.constant 0 : i32
      %sign3A_524 = arith.cmpi slt, %squeeze3A_475, %sign3A_523 : i32
      %sign3A_525 = arith.extui %sign3A_524 : i1 to i32
      %sign3A_526 = arith.subi %sign3A_522, %sign3A_525 : i32
      %sign3A_527 = arith.constant 0 : i32
      %sign3A_528 = arith.cmpi sgt, %jit3A_518, %sign3A_527 : i32
      %sign3A_529 = arith.extui %sign3A_528 : i1 to i32
      %sign3A_530 = arith.constant 0 : i32
      %sign3A_531 = arith.cmpi slt, %jit3A_518, %sign3A_530 : i32
      %sign3A_532 = arith.extui %sign3A_531 : i1 to i32
      %sign3A_533 = arith.subi %sign3A_529, %sign3A_532 : i32
      %ne3A_534 = arith.cmpi ne, %sign3A_526, %sign3A_533 : i32
      %rem3A_535 = arith.remsi %squeeze3A_475, %jit3A_518 : i32
      %ne3A_536 = arith.constant 0 : i32
      %ne3A_537 = arith.cmpi ne, %rem3A_535, %ne3A_536 : i32
      %and3A_538 = arith.andi %ne3A_534, %ne3A_537 : i1
      %sub3A_539 = arith.constant 1 : i32
      %sub3A_540 = arith.subi %div3A_519, %sub3A_539 : i32
      %select_n3A_541 = arith.select %and3A_538, %sub3A_540, %div3A_519 : i32
      %mul3A_542 = arith.constant 128 : i32
      %mul3A_543 = arith.muli %select_n3A_541, %mul3A_542 : i32
      %multiple_of3A = tpu.assume_multiple %mul3A_543, 128 : i32
      %dma_start3A_544 = arith.constant 0 : i32
      %dma_start3A_545 = tpu.memref_slice %arg4[%dma_start3A_544, %multiple_of3A] : memref<100x1000000xf32, #tpu.memory_space<hbm>> -> memref<100x128xf32, #tpu.memory_space<hbm>>
      %dma_start3A_546 = arith.constant 0 : i32
      %dma_start3A_547 = tpu.memref_slice %arg4[%dma_start3A_546, %multiple_of3A] : memref<100x1000000xf32, #tpu.memory_space<hbm>> -> memref<100x128xf32, #tpu.memory_space<hbm>>
      tpu.enqueue_dma source(%dma_start3A_547 : memref<100x128xf32, #tpu.memory_space<hbm>>) target(%arg8 : memref<100x128xf32, #tpu.memory_space<vmem>>) target_semaphore(%arg17 : memref<!tpu.dma_semaphore, #tpu.memory_space<semaphore_mem>>)
    } else {
    }
    %slice3A_477 = vector.extract_strided_slice %get3A_3 {offsets = [1], sizes = [1], strides = [1]} : vector<16xi32> to vector<1xi32>
    %squeeze3A_478 = vector.extract %slice3A_477[0] : i32 from vector<1xi32>
    %convert_element_type3A_479 = arith.extui %or3A_53 : i1 to i32
    %cond3A_480 = arith.constant 0 : i32
    %cond3A_481 = arith.cmpi ne, %convert_element_type3A_479, %cond3A_480 : i32
    scf.if %cond3A_481 {
      %jit3A_518 = arith.constant 128 : i32
      %div3A_519 = arith.divsi %squeeze3A_478, %jit3A_518 : i32
      %sign3A_520 = arith.constant 0 : i32
      %sign3A_521 = arith.cmpi sgt, %squeeze3A_478, %sign3A_520 : i32
      %sign3A_522 = arith.extui %sign3A_521 : i1 to i32
      %sign3A_523 = arith.constant 0 : i32
      %sign3A_524 = arith.cmpi slt, %squeeze3A_478, %sign3A_523 : i32
      %sign3A_525 = arith.extui %sign3A_524 : i1 to i32
      %sign3A_526 = arith.subi %sign3A_522, %sign3A_525 : i32
      %sign3A_527 = arith.constant 0 : i32
      %sign3A_528 = arith.cmpi sgt, %jit3A_518, %sign3A_527 : i32
      %sign3A_529 = arith.extui %sign3A_528 : i1 to i32
      %sign3A_530 = arith.constant 0 : i32
      %sign3A_531 = arith.cmpi slt, %jit3A_518, %sign3A_530 : i32
      %sign3A_532 = arith.extui %sign3A_531 : i1 to i32
      %sign3A_533 = arith.subi %sign3A_529, %sign3A_532 : i32
      %ne3A_534 = arith.cmpi ne, %sign3A_526, %sign3A_533 : i32
      %rem3A_535 = arith.remsi %squeeze3A_478, %jit3A_518 : i32
      %ne3A_536 = arith.constant 0 : i32
      %ne3A_537 = arith.cmpi ne, %rem3A_535, %ne3A_536 : i32
      %and3A_538 = arith.andi %ne3A_534, %ne3A_537 : i1
      %sub3A_539 = arith.constant 1 : i32
      %sub3A_540 = arith.subi %div3A_519, %sub3A_539 : i32
      %select_n3A_541 = arith.select %and3A_538, %sub3A_540, %div3A_519 : i32
      %mul3A_542 = arith.constant 128 : i32
      %mul3A_543 = arith.muli %select_n3A_541, %mul3A_542 : i32
      %multiple_of3A = tpu.assume_multiple %mul3A_543, 128 : i32
      %dma_start3A_544 = arith.constant 0 : i32
      %dma_start3A_545 = tpu.memref_slice %arg4[%dma_start3A_544, %multiple_of3A] : memref<100x1000000xf32, #tpu.memory_space<hbm>> -> memref<100x128xf32, #tpu.memory_space<hbm>>
      %dma_start3A_546 = arith.constant 0 : i32
      %dma_start3A_547 = tpu.memref_slice %arg4[%dma_start3A_546, %multiple_of3A] : memref<100x1000000xf32, #tpu.memory_space<hbm>> -> memref<100x128xf32, #tpu.memory_space<hbm>>
      tpu.enqueue_dma source(%dma_start3A_547 : memref<100x128xf32, #tpu.memory_space<hbm>>) target(%arg9 : memref<100x128xf32, #tpu.memory_space<vmem>>) target_semaphore(%arg18 : memref<!tpu.dma_semaphore, #tpu.memory_space<semaphore_mem>>)
    } else {
    }
    %slice3A_482 = vector.extract_strided_slice %get3A_3 {offsets = [2], sizes = [1], strides = [1]} : vector<16xi32> to vector<1xi32>
    %squeeze3A_483 = vector.extract %slice3A_482[0] : i32 from vector<1xi32>
    %convert_element_type3A_484 = arith.extui %or3A_83 : i1 to i32
    %cond3A_485 = arith.constant 0 : i32
    %cond3A_486 = arith.cmpi ne, %convert_element_type3A_484, %cond3A_485 : i32
    scf.if %cond3A_486 {
      %jit3A_518 = arith.constant 128 : i32
      %div3A_519 = arith.divsi %squeeze3A_483, %jit3A_518 : i32
      %sign3A_520 = arith.constant 0 : i32
      %sign3A_521 = arith.cmpi sgt, %squeeze3A_483, %sign3A_520 : i32
      %sign3A_522 = arith.extui %sign3A_521 : i1 to i32
      %sign3A_523 = arith.constant 0 : i32
      %sign3A_524 = arith.cmpi slt, %squeeze3A_483, %sign3A_523 : i32
      %sign3A_525 = arith.extui %sign3A_524 : i1 to i32
      %sign3A_526 = arith.subi %sign3A_522, %sign3A_525 : i32
      %sign3A_527 = arith.constant 0 : i32
      %sign3A_528 = arith.cmpi sgt, %jit3A_518, %sign3A_527 : i32
      %sign3A_529 = arith.extui %sign3A_528 : i1 to i32
      %sign3A_530 = arith.constant 0 : i32
      %sign3A_531 = arith.cmpi slt, %jit3A_518, %sign3A_530 : i32
      %sign3A_532 = arith.extui %sign3A_531 : i1 to i32
      %sign3A_533 = arith.subi %sign3A_529, %sign3A_532 : i32
      %ne3A_534 = arith.cmpi ne, %sign3A_526, %sign3A_533 : i32
      %rem3A_535 = arith.remsi %squeeze3A_483, %jit3A_518 : i32
      %ne3A_536 = arith.constant 0 : i32
      %ne3A_537 = arith.cmpi ne, %rem3A_535, %ne3A_536 : i32
      %and3A_538 = arith.andi %ne3A_534, %ne3A_537 : i1
      %sub3A_539 = arith.constant 1 : i32
      %sub3A_540 = arith.subi %div3A_519, %sub3A_539 : i32
      %select_n3A_541 = arith.select %and3A_538, %sub3A_540, %div3A_519 : i32
      %mul3A_542 = arith.constant 128 : i32
      %mul3A_543 = arith.muli %select_n3A_541, %mul3A_542 : i32
      %multiple_of3A = tpu.assume_multiple %mul3A_543, 128 : i32
      %dma_start3A_544 = arith.constant 0 : i32
      %dma_start3A_545 = tpu.memref_slice %arg4[%dma_start3A_544, %multiple_of3A] : memref<100x1000000xf32, #tpu.memory_space<hbm>> -> memref<100x128xf32, #tpu.memory_space<hbm>>
      %dma_start3A_546 = arith.constant 0 : i32
      %dma_start3A_547 = tpu.memref_slice %arg4[%dma_start3A_546, %multiple_of3A] : memref<100x1000000xf32, #tpu.memory_space<hbm>> -> memref<100x128xf32, #tpu.memory_space<hbm>>
      tpu.enqueue_dma source(%dma_start3A_547 : memref<100x128xf32, #tpu.memory_space<hbm>>) target(%arg10 : memref<100x128xf32, #tpu.memory_space<vmem>>) target_semaphore(%arg19 : memref<!tpu.dma_semaphore, #tpu.memory_space<semaphore_mem>>)
    } else {
    }
    %slice3A_487 = vector.extract_strided_slice %get3A_3 {offsets = [3], sizes = [1], strides = [1]} : vector<16xi32> to vector<1xi32>
    %squeeze3A_488 = vector.extract %slice3A_487[0] : i32 from vector<1xi32>
    %convert_element_type3A_489 = arith.extui %or3A_113 : i1 to i32
    %cond3A_490 = arith.constant 0 : i32
    %cond3A_491 = arith.cmpi ne, %convert_element_type3A_489, %cond3A_490 : i32
    scf.if %cond3A_491 {
      %jit3A_518 = arith.constant 128 : i32
      %div3A_519 = arith.divsi %squeeze3A_488, %jit3A_518 : i32
      %sign3A_520 = arith.constant 0 : i32
      %sign3A_521 = arith.cmpi sgt, %squeeze3A_488, %sign3A_520 : i32
      %sign3A_522 = arith.extui %sign3A_521 : i1 to i32
      %sign3A_523 = arith.constant 0 : i32
      %sign3A_524 = arith.cmpi slt, %squeeze3A_488, %sign3A_523 : i32
      %sign3A_525 = arith.extui %sign3A_524 : i1 to i32
      %sign3A_526 = arith.subi %sign3A_522, %sign3A_525 : i32
      %sign3A_527 = arith.constant 0 : i32
      %sign3A_528 = arith.cmpi sgt, %jit3A_518, %sign3A_527 : i32
      %sign3A_529 = arith.extui %sign3A_528 : i1 to i32
      %sign3A_530 = arith.constant 0 : i32
      %sign3A_531 = arith.cmpi slt, %jit3A_518, %sign3A_530 : i32
      %sign3A_532 = arith.extui %sign3A_531 : i1 to i32
      %sign3A_533 = arith.subi %sign3A_529, %sign3A_532 : i32
      %ne3A_534 = arith.cmpi ne, %sign3A_526, %sign3A_533 : i32
      %rem3A_535 = arith.remsi %squeeze3A_488, %jit3A_518 : i32
      %ne3A_536 = arith.constant 0 : i32
      %ne3A_537 = arith.cmpi ne, %rem3A_535, %ne3A_536 : i32
      %and3A_538 = arith.andi %ne3A_534, %ne3A_537 : i1
      %sub3A_539 = arith.constant 1 : i32
      %sub3A_540 = arith.subi %div3A_519, %sub3A_539 : i32
      %select_n3A_541 = arith.select %and3A_538, %sub3A_540, %div3A_519 : i32
      %mul3A_542 = arith.constant 128 : i32
      %mul3A_543 = arith.muli %select_n3A_541, %mul3A_542 : i32
      %multiple_of3A = tpu.assume_multiple %mul3A_543, 128 : i32
      %dma_start3A_544 = arith.constant 0 : i32
      %dma_start3A_545 = tpu.memref_slice %arg4[%dma_start3A_544, %multiple_of3A] : memref<100x1000000xf32, #tpu.memory_space<hbm>> -> memref<100x128xf32, #tpu.memory_space<hbm>>
      %dma_start3A_546 = arith.constant 0 : i32
      %dma_start3A_547 = tpu.memref_slice %arg4[%dma_start3A_546, %multiple_of3A] : memref<100x1000000xf32, #tpu.memory_space<hbm>> -> memref<100x128xf32, #tpu.memory_space<hbm>>
      tpu.enqueue_dma source(%dma_start3A_547 : memref<100x128xf32, #tpu.memory_space<hbm>>) target(%arg11 : memref<100x128xf32, #tpu.memory_space<vmem>>) target_semaphore(%arg20 : memref<!tpu.dma_semaphore, #tpu.memory_space<semaphore_mem>>)
    } else {
    }
    %slice3A_492 = vector.extract_strided_slice %get3A_3 {offsets = [4], sizes = [1], strides = [1]} : vector<16xi32> to vector<1xi32>
    %squeeze3A_493 = vector.extract %slice3A_492[0] : i32 from vector<1xi32>
    %convert_element_type3A_494 = arith.extui %or3A_143 : i1 to i32
    %cond3A_495 = arith.constant 0 : i32
    %cond3A_496 = arith.cmpi ne, %convert_element_type3A_494, %cond3A_495 : i32
    scf.if %cond3A_496 {
      %jit3A_518 = arith.constant 128 : i32
      %div3A_519 = arith.divsi %squeeze3A_493, %jit3A_518 : i32
      %sign3A_520 = arith.constant 0 : i32
      %sign3A_521 = arith.cmpi sgt, %squeeze3A_493, %sign3A_520 : i32
      %sign3A_522 = arith.extui %sign3A_521 : i1 to i32
      %sign3A_523 = arith.constant 0 : i32
      %sign3A_524 = arith.cmpi slt, %squeeze3A_493, %sign3A_523 : i32
      %sign3A_525 = arith.extui %sign3A_524 : i1 to i32
      %sign3A_526 = arith.subi %sign3A_522, %sign3A_525 : i32
      %sign3A_527 = arith.constant 0 : i32
      %sign3A_528 = arith.cmpi sgt, %jit3A_518, %sign3A_527 : i32
      %sign3A_529 = arith.extui %sign3A_528 : i1 to i32
      %sign3A_530 = arith.constant 0 : i32
      %sign3A_531 = arith.cmpi slt, %jit3A_518, %sign3A_530 : i32
      %sign3A_532 = arith.extui %sign3A_531 : i1 to i32
      %sign3A_533 = arith.subi %sign3A_529, %sign3A_532 : i32
      %ne3A_534 = arith.cmpi ne, %sign3A_526, %sign3A_533 : i32
      %rem3A_535 = arith.remsi %squeeze3A_493, %jit3A_518 : i32
      %ne3A_536 = arith.constant 0 : i32
      %ne3A_537 = arith.cmpi ne, %rem3A_535, %ne3A_536 : i32
      %and3A_538 = arith.andi %ne3A_534, %ne3A_537 : i1
      %sub3A_539 = arith.constant 1 : i32
      %sub3A_540 = arith.subi %div3A_519, %sub3A_539 : i32
      %select_n3A_541 = arith.select %and3A_538, %sub3A_540, %div3A_519 : i32
      %mul3A_542 = arith.constant 128 : i32
      %mul3A_543 = arith.muli %select_n3A_541, %mul3A_542 : i32
      %multiple_of3A = tpu.assume_multiple %mul3A_543, 128 : i32
      %dma_start3A_544 = arith.constant 0 : i32
      %dma_start3A_545 = tpu.memref_slice %arg4[%dma_start3A_544, %multiple_of3A] : memref<100x1000000xf32, #tpu.memory_space<hbm>> -> memref<100x128xf32, #tpu.memory_space<hbm>>
      %dma_start3A_546 = arith.constant 0 : i32
      %dma_start3A_547 = tpu.memref_slice %arg4[%dma_start3A_546, %multiple_of3A] : memref<100x1000000xf32, #tpu.memory_space<hbm>> -> memref<100x128xf32, #tpu.memory_space<hbm>>
      tpu.enqueue_dma source(%dma_start3A_547 : memref<100x128xf32, #tpu.memory_space<hbm>>) target(%arg12 : memref<100x128xf32, #tpu.memory_space<vmem>>) target_semaphore(%arg21 : memref<!tpu.dma_semaphore, #tpu.memory_space<semaphore_mem>>)
    } else {
    }
    %slice3A_497 = vector.extract_strided_slice %get3A_3 {offsets = [5], sizes = [1], strides = [1]} : vector<16xi32> to vector<1xi32>
    %squeeze3A_498 = vector.extract %slice3A_497[0] : i32 from vector<1xi32>
    %convert_element_type3A_499 = arith.extui %or3A_173 : i1 to i32
    %cond3A_500 = arith.constant 0 : i32
    %cond3A_501 = arith.cmpi ne, %convert_element_type3A_499, %cond3A_500 : i32
    scf.if %cond3A_501 {
      %jit3A_518 = arith.constant 128 : i32
      %div3A_519 = arith.divsi %squeeze3A_498, %jit3A_518 : i32
      %sign3A_520 = arith.constant 0 : i32
      %sign3A_521 = arith.cmpi sgt, %squeeze3A_498, %sign3A_520 : i32
      %sign3A_522 = arith.extui %sign3A_521 : i1 to i32
      %sign3A_523 = arith.constant 0 : i32
      %sign3A_524 = arith.cmpi slt, %squeeze3A_498, %sign3A_523 : i32
      %sign3A_525 = arith.extui %sign3A_524 : i1 to i32
      %sign3A_526 = arith.subi %sign3A_522, %sign3A_525 : i32
      %sign3A_527 = arith.constant 0 : i32
      %sign3A_528 = arith.cmpi sgt, %jit3A_518, %sign3A_527 : i32
      %sign3A_529 = arith.extui %sign3A_528 : i1 to i32
      %sign3A_530 = arith.constant 0 : i32
      %sign3A_531 = arith.cmpi slt, %jit3A_518, %sign3A_530 : i32
      %sign3A_532 = arith.extui %sign3A_531 : i1 to i32
      %sign3A_533 = arith.subi %sign3A_529, %sign3A_532 : i32
      %ne3A_534 = arith.cmpi ne, %sign3A_526, %sign3A_533 : i32
      %rem3A_535 = arith.remsi %squeeze3A_498, %jit3A_518 : i32
      %ne3A_536 = arith.constant 0 : i32
      %ne3A_537 = arith.cmpi ne, %rem3A_535, %ne3A_536 : i32
      %and3A_538 = arith.andi %ne3A_534, %ne3A_537 : i1
      %sub3A_539 = arith.constant 1 : i32
      %sub3A_540 = arith.subi %div3A_519, %sub3A_539 : i32
      %select_n3A_541 = arith.select %and3A_538, %sub3A_540, %div3A_519 : i32
      %mul3A_542 = arith.constant 128 : i32
      %mul3A_543 = arith.muli %select_n3A_541, %mul3A_542 : i32
      %multiple_of3A = tpu.assume_multiple %mul3A_543, 128 : i32
      %dma_start3A_544 = arith.constant 0 : i32
      %dma_start3A_545 = tpu.memref_slice %arg4[%dma_start3A_544, %multiple_of3A] : memref<100x1000000xf32, #tpu.memory_space<hbm>> -> memref<100x128xf32, #tpu.memory_space<hbm>>
      %dma_start3A_546 = arith.constant 0 : i32
      %dma_start3A_547 = tpu.memref_slice %arg4[%dma_start3A_546, %multiple_of3A] : memref<100x1000000xf32, #tpu.memory_space<hbm>> -> memref<100x128xf32, #tpu.memory_space<hbm>>
      tpu.enqueue_dma source(%dma_start3A_547 : memref<100x128xf32, #tpu.memory_space<hbm>>) target(%arg13 : memref<100x128xf32, #tpu.memory_space<vmem>>) target_semaphore(%arg22 : memref<!tpu.dma_semaphore, #tpu.memory_space<semaphore_mem>>)
    } else {
    }
    %slice3A_502 = vector.extract_strided_slice %get3A_3 {offsets = [6], sizes = [1], strides = [1]} : vector<16xi32> to vector<1xi32>
    %squeeze3A_503 = vector.extract %slice3A_502[0] : i32 from vector<1xi32>
    %convert_element_type3A_504 = arith.extui %or3A_203 : i1 to i32
    %cond3A_505 = arith.constant 0 : i32
    %cond3A_506 = arith.cmpi ne, %convert_element_type3A_504, %cond3A_505 : i32
    scf.if %cond3A_506 {
      %jit3A_518 = arith.constant 128 : i32
      %div3A_519 = arith.divsi %squeeze3A_503, %jit3A_518 : i32
      %sign3A_520 = arith.constant 0 : i32
      %sign3A_521 = arith.cmpi sgt, %squeeze3A_503, %sign3A_520 : i32
      %sign3A_522 = arith.extui %sign3A_521 : i1 to i32
      %sign3A_523 = arith.constant 0 : i32
      %sign3A_524 = arith.cmpi slt, %squeeze3A_503, %sign3A_523 : i32
      %sign3A_525 = arith.extui %sign3A_524 : i1 to i32
      %sign3A_526 = arith.subi %sign3A_522, %sign3A_525 : i32
      %sign3A_527 = arith.constant 0 : i32
      %sign3A_528 = arith.cmpi sgt, %jit3A_518, %sign3A_527 : i32
      %sign3A_529 = arith.extui %sign3A_528 : i1 to i32
      %sign3A_530 = arith.constant 0 : i32
      %sign3A_531 = arith.cmpi slt, %jit3A_518, %sign3A_530 : i32
      %sign3A_532 = arith.extui %sign3A_531 : i1 to i32
      %sign3A_533 = arith.subi %sign3A_529, %sign3A_532 : i32
      %ne3A_534 = arith.cmpi ne, %sign3A_526, %sign3A_533 : i32
      %rem3A_535 = arith.remsi %squeeze3A_503, %jit3A_518 : i32
      %ne3A_536 = arith.constant 0 : i32
      %ne3A_537 = arith.cmpi ne, %rem3A_535, %ne3A_536 : i32
      %and3A_538 = arith.andi %ne3A_534, %ne3A_537 : i1
      %sub3A_539 = arith.constant 1 : i32
      %sub3A_540 = arith.subi %div3A_519, %sub3A_539 : i32
      %select_n3A_541 = arith.select %and3A_538, %sub3A_540, %div3A_519 : i32
      %mul3A_542 = arith.constant 128 : i32
      %mul3A_543 = arith.muli %select_n3A_541, %mul3A_542 : i32
      %multiple_of3A = tpu.assume_multiple %mul3A_543, 128 : i32
      %dma_start3A_544 = arith.constant 0 : i32
      %dma_start3A_545 = tpu.memref_slice %arg4[%dma_start3A_544, %multiple_of3A] : memref<100x1000000xf32, #tpu.memory_space<hbm>> -> memref<100x128xf32, #tpu.memory_space<hbm>>
      %dma_start3A_546 = arith.constant 0 : i32
      %dma_start3A_547 = tpu.memref_slice %arg4[%dma_start3A_546, %multiple_of3A] : memref<100x1000000xf32, #tpu.memory_space<hbm>> -> memref<100x128xf32, #tpu.memory_space<hbm>>
      tpu.enqueue_dma source(%dma_start3A_547 : memref<100x128xf32, #tpu.memory_space<hbm>>) target(%arg14 : memref<100x128xf32, #tpu.memory_space<vmem>>) target_semaphore(%arg23 : memref<!tpu.dma_semaphore, #tpu.memory_space<semaphore_mem>>)
    } else {
    }
    %scan3A = arith.constant -1 : i32
    %scan3A_507 = arith.constant true
    %scan3A_508 = arith.constant 0 : i32
    %scan3A_509 = arith.constant 8 : i32
    %scan3A_510 = arith.addi %scan3A_508, %scan3A_509 : i32
    %scan3A_511 = arith.constant 1 : i32
    %scan3A_512:2 = scf.for %scan3A_518 = %scan3A_508 to %scan3A_510 step %scan3A_511 iter_args(%scan3A_519 = %scan3A, %scan3A_520 = %scan3A_507) -> (i32, i1)  : i32 {
      %mul3A_521 = arith.constant 16 : i32
      %mul3A_522 = arith.muli %scan3A_518, %mul3A_521 : i32
      %get3A_523 = arith.index_cast %mul3A_522 : i32 to index
      %get3A_524 = tpu.vector_load %arg6[%get3A_523] {strides = array<i32>} : memref<128xi32, #tpu.memory_space<vmem>>, vector<16xi32>,
      %add3A_525 = arith.constant 1 : i32
      %add3A_526 = arith.addi %scan3A_518, %add3A_525 : i32
      %min3A = arith.constant 7 : i32
      %min3A_527 = arith.minsi %add3A_526, %min3A : i32
      %mul3A_528 = arith.constant 16 : i32
      %mul3A_529 = arith.muli %min3A_527, %mul3A_528 : i32
      %get3A_530 = arith.index_cast %mul3A_529 : i32 to index
      %get3A_531 = tpu.vector_load %arg6[%get3A_530] {strides = array<i32>} : memref<128xi32, #tpu.memory_space<vmem>>, vector<16xi32>,
      %slice3A_532 = vector.extract_strided_slice %get3A_524 {offsets = [0], sizes = [1], strides = [1]} : vector<16xi32> to vector<1xi32>
      %squeeze3A_533 = vector.extract %slice3A_532[0] : i32 from vector<1xi32>
      %jit3A_534 = arith.constant 128 : i32
      %div3A_535 = arith.divsi %squeeze3A_533, %jit3A_534 : i32
      %sign3A_536 = arith.constant 0 : i32
      %sign3A_537 = arith.cmpi sgt, %squeeze3A_533, %sign3A_536 : i32
      %sign3A_538 = arith.extui %sign3A_537 : i1 to i32
      %sign3A_539 = arith.constant 0 : i32
      %sign3A_540 = arith.cmpi slt, %squeeze3A_533, %sign3A_539 : i32
      %sign3A_541 = arith.extui %sign3A_540 : i1 to i32
      %sign3A_542 = arith.subi %sign3A_538, %sign3A_541 : i32
      %sign3A_543 = arith.constant 0 : i32
      %sign3A_544 = arith.cmpi sgt, %jit3A_534, %sign3A_543 : i32
      %sign3A_545 = arith.extui %sign3A_544 : i1 to i32
      %sign3A_546 = arith.constant 0 : i32
      %sign3A_547 = arith.cmpi slt, %jit3A_534, %sign3A_546 : i32
      %sign3A_548 = arith.extui %sign3A_547 : i1 to i32
      %sign3A_549 = arith.subi %sign3A_545, %sign3A_548 : i32
      %ne3A_550 = arith.cmpi ne, %sign3A_542, %sign3A_549 : i32
      %rem3A_551 = arith.remsi %squeeze3A_533, %jit3A_534 : i32
      %ne3A_552 = arith.constant 0 : i32
      %ne3A_553 = arith.cmpi ne, %rem3A_551, %ne3A_552 : i32
      %and3A_554 = arith.andi %ne3A_550, %ne3A_553 : i1
      %sub3A_555 = arith.constant 1 : i32
      %sub3A_556 = arith.subi %div3A_535, %sub3A_555 : i32
      %select_n3A_557 = arith.select %and3A_554, %sub3A_556, %div3A_535 : i32
      %ne3A_558 = arith.cmpi ne, %select_n3A_557, %scan3A_519 : i32
      %not3A_559 = arith.constant true
      %not3A_560 = arith.xori %scan3A_520, %not3A_559 : i1
      %or3A_561 = arith.ori %ne3A_558, %not3A_560 : i1
      %slice3A_562 = vector.extract_strided_slice %get3A_524 {offsets = [1], sizes = [1], strides = [1]} : vector<16xi32> to vector<1xi32>
      %squeeze3A_563 = vector.extract %slice3A_562[0] : i32 from vector<1xi32>
      %jit3A_564 = arith.constant 128 : i32
      %div3A_565 = arith.divsi %squeeze3A_563, %jit3A_564 : i32
      %sign3A_566 = arith.constant 0 : i32
      %sign3A_567 = arith.cmpi sgt, %squeeze3A_563, %sign3A_566 : i32
      %sign3A_568 = arith.extui %sign3A_567 : i1 to i32
      %sign3A_569 = arith.constant 0 : i32
      %sign3A_570 = arith.cmpi slt, %squeeze3A_563, %sign3A_569 : i32
      %sign3A_571 = arith.extui %sign3A_570 : i1 to i32
      %sign3A_572 = arith.subi %sign3A_568, %sign3A_571 : i32
      %sign3A_573 = arith.constant 0 : i32
      %sign3A_574 = arith.cmpi sgt, %jit3A_564, %sign3A_573 : i32
      %sign3A_575 = arith.extui %sign3A_574 : i1 to i32
      %sign3A_576 = arith.constant 0 : i32
      %sign3A_577 = arith.cmpi slt, %jit3A_564, %sign3A_576 : i32
      %sign3A_578 = arith.extui %sign3A_577 : i1 to i32
      %sign3A_579 = arith.subi %sign3A_575, %sign3A_578 : i32
      %ne3A_580 = arith.cmpi ne, %sign3A_572, %sign3A_579 : i32
      %rem3A_581 = arith.remsi %squeeze3A_563, %jit3A_564 : i32
      %ne3A_582 = arith.constant 0 : i32
      %ne3A_583 = arith.cmpi ne, %rem3A_581, %ne3A_582 : i32
      %and3A_584 = arith.andi %ne3A_580, %ne3A_583 : i1
      %sub3A_585 = arith.constant 1 : i32
      %sub3A_586 = arith.subi %div3A_565, %sub3A_585 : i32
      %select_n3A_587 = arith.select %and3A_584, %sub3A_586, %div3A_565 : i32
      %ne3A_588 = arith.cmpi ne, %select_n3A_587, %select_n3A_557 : i32
      %not3A_589 = arith.constant true
      %not3A_590 = arith.xori %or3A_561, %not3A_589 : i1
      %or3A_591 = arith.ori %ne3A_588, %not3A_590 : i1
      %slice3A_592 = vector.extract_strided_slice %get3A_524 {offsets = [2], sizes = [1], strides = [1]} : vector<16xi32> to vector<1xi32>
      %squeeze3A_593 = vector.extract %slice3A_592[0] : i32 from vector<1xi32>
      %jit3A_594 = arith.constant 128 : i32
      %div3A_595 = arith.divsi %squeeze3A_593, %jit3A_594 : i32
      %sign3A_596 = arith.constant 0 : i32
      %sign3A_597 = arith.cmpi sgt, %squeeze3A_593, %sign3A_596 : i32
      %sign3A_598 = arith.extui %sign3A_597 : i1 to i32
      %sign3A_599 = arith.constant 0 : i32
      %sign3A_600 = arith.cmpi slt, %squeeze3A_593, %sign3A_599 : i32
      %sign3A_601 = arith.extui %sign3A_600 : i1 to i32
      %sign3A_602 = arith.subi %sign3A_598, %sign3A_601 : i32
      %sign3A_603 = arith.constant 0 : i32
      %sign3A_604 = arith.cmpi sgt, %jit3A_594, %sign3A_603 : i32
      %sign3A_605 = arith.extui %sign3A_604 : i1 to i32
      %sign3A_606 = arith.constant 0 : i32
      %sign3A_607 = arith.cmpi slt, %jit3A_594, %sign3A_606 : i32
      %sign3A_608 = arith.extui %sign3A_607 : i1 to i32
      %sign3A_609 = arith.subi %sign3A_605, %sign3A_608 : i32
      %ne3A_610 = arith.cmpi ne, %sign3A_602, %sign3A_609 : i32
      %rem3A_611 = arith.remsi %squeeze3A_593, %jit3A_594 : i32
      %ne3A_612 = arith.constant 0 : i32
      %ne3A_613 = arith.cmpi ne, %rem3A_611, %ne3A_612 : i32
      %and3A_614 = arith.andi %ne3A_610, %ne3A_613 : i1
      %sub3A_615 = arith.constant 1 : i32
      %sub3A_616 = arith.subi %div3A_595, %sub3A_615 : i32
      %select_n3A_617 = arith.select %and3A_614, %sub3A_616, %div3A_595 : i32
      %ne3A_618 = arith.cmpi ne, %select_n3A_617, %select_n3A_587 : i32
      %not3A_619 = arith.constant true
      %not3A_620 = arith.xori %or3A_591, %not3A_619 : i1
      %or3A_621 = arith.ori %ne3A_618, %not3A_620 : i1
      %slice3A_622 = vector.extract_strided_slice %get3A_524 {offsets = [3], sizes = [1], strides = [1]} : vector<16xi32> to vector<1xi32>
      %squeeze3A_623 = vector.extract %slice3A_622[0] : i32 from vector<1xi32>
      %jit3A_624 = arith.constant 128 : i32
      %div3A_625 = arith.divsi %squeeze3A_623, %jit3A_624 : i32
      %sign3A_626 = arith.constant 0 : i32
      %sign3A_627 = arith.cmpi sgt, %squeeze3A_623, %sign3A_626 : i32
      %sign3A_628 = arith.extui %sign3A_627 : i1 to i32
      %sign3A_629 = arith.constant 0 : i32
      %sign3A_630 = arith.cmpi slt, %squeeze3A_623, %sign3A_629 : i32
      %sign3A_631 = arith.extui %sign3A_630 : i1 to i32
      %sign3A_632 = arith.subi %sign3A_628, %sign3A_631 : i32
      %sign3A_633 = arith.constant 0 : i32
      %sign3A_634 = arith.cmpi sgt, %jit3A_624, %sign3A_633 : i32
      %sign3A_635 = arith.extui %sign3A_634 : i1 to i32
      %sign3A_636 = arith.constant 0 : i32
      %sign3A_637 = arith.cmpi slt, %jit3A_624, %sign3A_636 : i32
      %sign3A_638 = arith.extui %sign3A_637 : i1 to i32
      %sign3A_639 = arith.subi %sign3A_635, %sign3A_638 : i32
      %ne3A_640 = arith.cmpi ne, %sign3A_632, %sign3A_639 : i32
      %rem3A_641 = arith.remsi %squeeze3A_623, %jit3A_624 : i32
      %ne3A_642 = arith.constant 0 : i32
      %ne3A_643 = arith.cmpi ne, %rem3A_641, %ne3A_642 : i32
      %and3A_644 = arith.andi %ne3A_640, %ne3A_643 : i1
      %sub3A_645 = arith.constant 1 : i32
      %sub3A_646 = arith.subi %div3A_625, %sub3A_645 : i32
      %select_n3A_647 = arith.select %and3A_644, %sub3A_646, %div3A_625 : i32
      %ne3A_648 = arith.cmpi ne, %select_n3A_647, %select_n3A_617 : i32
      %not3A_649 = arith.constant true
      %not3A_650 = arith.xori %or3A_621, %not3A_649 : i1
      %or3A_651 = arith.ori %ne3A_648, %not3A_650 : i1
      %slice3A_652 = vector.extract_strided_slice %get3A_524 {offsets = [4], sizes = [1], strides = [1]} : vector<16xi32> to vector<1xi32>
      %squeeze3A_653 = vector.extract %slice3A_652[0] : i32 from vector<1xi32>
      %jit3A_654 = arith.constant 128 : i32
      %div3A_655 = arith.divsi %squeeze3A_653, %jit3A_654 : i32
      %sign3A_656 = arith.constant 0 : i32
      %sign3A_657 = arith.cmpi sgt, %squeeze3A_653, %sign3A_656 : i32
      %sign3A_658 = arith.extui %sign3A_657 : i1 to i32
      %sign3A_659 = arith.constant 0 : i32
      %sign3A_660 = arith.cmpi slt, %squeeze3A_653, %sign3A_659 : i32
      %sign3A_661 = arith.extui %sign3A_660 : i1 to i32
      %sign3A_662 = arith.subi %sign3A_658, %sign3A_661 : i32
      %sign3A_663 = arith.constant 0 : i32
      %sign3A_664 = arith.cmpi sgt, %jit3A_654, %sign3A_663 : i32
      %sign3A_665 = arith.extui %sign3A_664 : i1 to i32
      %sign3A_666 = arith.constant 0 : i32
      %sign3A_667 = arith.cmpi slt, %jit3A_654, %sign3A_666 : i32
      %sign3A_668 = arith.extui %sign3A_667 : i1 to i32
      %sign3A_669 = arith.subi %sign3A_665, %sign3A_668 : i32
      %ne3A_670 = arith.cmpi ne, %sign3A_662, %sign3A_669 : i32
      %rem3A_671 = arith.remsi %squeeze3A_653, %jit3A_654 : i32
      %ne3A_672 = arith.constant 0 : i32
      %ne3A_673 = arith.cmpi ne, %rem3A_671, %ne3A_672 : i32
      %and3A_674 = arith.andi %ne3A_670, %ne3A_673 : i1
      %sub3A_675 = arith.constant 1 : i32
      %sub3A_676 = arith.subi %div3A_655, %sub3A_675 : i32
      %select_n3A_677 = arith.select %and3A_674, %sub3A_676, %div3A_655 : i32
      %ne3A_678 = arith.cmpi ne, %select_n3A_677, %select_n3A_647 : i32
      %not3A_679 = arith.constant true
      %not3A_680 = arith.xori %or3A_651, %not3A_679 : i1
      %or3A_681 = arith.ori %ne3A_678, %not3A_680 : i1
      %slice3A_682 = vector.extract_strided_slice %get3A_524 {offsets = [5], sizes = [1], strides = [1]} : vector<16xi32> to vector<1xi32>
      %squeeze3A_683 = vector.extract %slice3A_682[0] : i32 from vector<1xi32>
      %jit3A_684 = arith.constant 128 : i32
      %div3A_685 = arith.divsi %squeeze3A_683, %jit3A_684 : i32
      %sign3A_686 = arith.constant 0 : i32
      %sign3A_687 = arith.cmpi sgt, %squeeze3A_683, %sign3A_686 : i32
      %sign3A_688 = arith.extui %sign3A_687 : i1 to i32
      %sign3A_689 = arith.constant 0 : i32
      %sign3A_690 = arith.cmpi slt, %squeeze3A_683, %sign3A_689 : i32
      %sign3A_691 = arith.extui %sign3A_690 : i1 to i32
      %sign3A_692 = arith.subi %sign3A_688, %sign3A_691 : i32
      %sign3A_693 = arith.constant 0 : i32
      %sign3A_694 = arith.cmpi sgt, %jit3A_684, %sign3A_693 : i32
      %sign3A_695 = arith.extui %sign3A_694 : i1 to i32
      %sign3A_696 = arith.constant 0 : i32
      %sign3A_697 = arith.cmpi slt, %jit3A_684, %sign3A_696 : i32
      %sign3A_698 = arith.extui %sign3A_697 : i1 to i32
      %sign3A_699 = arith.subi %sign3A_695, %sign3A_698 : i32
      %ne3A_700 = arith.cmpi ne, %sign3A_692, %sign3A_699 : i32
      %rem3A_701 = arith.remsi %squeeze3A_683, %jit3A_684 : i32
      %ne3A_702 = arith.constant 0 : i32
      %ne3A_703 = arith.cmpi ne, %rem3A_701, %ne3A_702 : i32
      %and3A_704 = arith.andi %ne3A_700, %ne3A_703 : i1
      %sub3A_705 = arith.constant 1 : i32
      %sub3A_706 = arith.subi %div3A_685, %sub3A_705 : i32
      %select_n3A_707 = arith.select %and3A_704, %sub3A_706, %div3A_685 : i32
      %ne3A_708 = arith.cmpi ne, %select_n3A_707, %select_n3A_677 : i32
      %not3A_709 = arith.constant true
      %not3A_710 = arith.xori %or3A_681, %not3A_709 : i1
      %or3A_711 = arith.ori %ne3A_708, %not3A_710 : i1
      %slice3A_712 = vector.extract_strided_slice %get3A_524 {offsets = [6], sizes = [1], strides = [1]} : vector<16xi32> to vector<1xi32>
      %squeeze3A_713 = vector.extract %slice3A_712[0] : i32 from vector<1xi32>
      %jit3A_714 = arith.constant 128 : i32
      %div3A_715 = arith.divsi %squeeze3A_713, %jit3A_714 : i32
      %sign3A_716 = arith.constant 0 : i32
      %sign3A_717 = arith.cmpi sgt, %squeeze3A_713, %sign3A_716 : i32
      %sign3A_718 = arith.extui %sign3A_717 : i1 to i32
      %sign3A_719 = arith.constant 0 : i32
      %sign3A_720 = arith.cmpi slt, %squeeze3A_713, %sign3A_719 : i32
      %sign3A_721 = arith.extui %sign3A_720 : i1 to i32
      %sign3A_722 = arith.subi %sign3A_718, %sign3A_721 : i32
      %sign3A_723 = arith.constant 0 : i32
      %sign3A_724 = arith.cmpi sgt, %jit3A_714, %sign3A_723 : i32
      %sign3A_725 = arith.extui %sign3A_724 : i1 to i32
      %sign3A_726 = arith.constant 0 : i32
      %sign3A_727 = arith.cmpi slt, %jit3A_714, %sign3A_726 : i32
      %sign3A_728 = arith.extui %sign3A_727 : i1 to i32
      %sign3A_729 = arith.subi %sign3A_725, %sign3A_728 : i32
      %ne3A_730 = arith.cmpi ne, %sign3A_722, %sign3A_729 : i32
      %rem3A_731 = arith.remsi %squeeze3A_713, %jit3A_714 : i32
      %ne3A_732 = arith.constant 0 : i32
      %ne3A_733 = arith.cmpi ne, %rem3A_731, %ne3A_732 : i32
      %and3A_734 = arith.andi %ne3A_730, %ne3A_733 : i1
      %sub3A_735 = arith.constant 1 : i32
      %sub3A_736 = arith.subi %div3A_715, %sub3A_735 : i32
      %select_n3A_737 = arith.select %and3A_734, %sub3A_736, %div3A_715 : i32
      %ne3A_738 = arith.cmpi ne, %select_n3A_737, %select_n3A_707 : i32
      %not3A_739 = arith.constant true
      %not3A_740 = arith.xori %or3A_711, %not3A_739 : i1
      %or3A_741 = arith.ori %ne3A_738, %not3A_740 : i1
      %slice3A_742 = vector.extract_strided_slice %get3A_524 {offsets = [7], sizes = [1], strides = [1]} : vector<16xi32> to vector<1xi32>
      %squeeze3A_743 = vector.extract %slice3A_742[0] : i32 from vector<1xi32>
      %jit3A_744 = arith.constant 128 : i32
      %div3A_745 = arith.divsi %squeeze3A_743, %jit3A_744 : i32
      %sign3A_746 = arith.constant 0 : i32
      %sign3A_747 = arith.cmpi sgt, %squeeze3A_743, %sign3A_746 : i32
      %sign3A_748 = arith.extui %sign3A_747 : i1 to i32
      %sign3A_749 = arith.constant 0 : i32
      %sign3A_750 = arith.cmpi slt, %squeeze3A_743, %sign3A_749 : i32
      %sign3A_751 = arith.extui %sign3A_750 : i1 to i32
      %sign3A_752 = arith.subi %sign3A_748, %sign3A_751 : i32
      %sign3A_753 = arith.constant 0 : i32
      %sign3A_754 = arith.cmpi sgt, %jit3A_744, %sign3A_753 : i32
      %sign3A_755 = arith.extui %sign3A_754 : i1 to i32
      %sign3A_756 = arith.constant 0 : i32
      %sign3A_757 = arith.cmpi slt, %jit3A_744, %sign3A_756 : i32
      %sign3A_758 = arith.extui %sign3A_757 : i1 to i32
      %sign3A_759 = arith.subi %sign3A_755, %sign3A_758 : i32
      %ne3A_760 = arith.cmpi ne, %sign3A_752, %sign3A_759 : i32
      %rem3A_761 = arith.remsi %squeeze3A_743, %jit3A_744 : i32
      %ne3A_762 = arith.constant 0 : i32
      %ne3A_763 = arith.cmpi ne, %rem3A_761, %ne3A_762 : i32
      %and3A_764 = arith.andi %ne3A_760, %ne3A_763 : i1
      %sub3A_765 = arith.constant 1 : i32
      %sub3A_766 = arith.subi %div3A_745, %sub3A_765 : i32
      %select_n3A_767 = arith.select %and3A_764, %sub3A_766, %div3A_745 : i32
      %ne3A_768 = arith.cmpi ne, %select_n3A_767, %select_n3A_737 : i32
      %not3A_769 = arith.constant true
      %not3A_770 = arith.xori %or3A_741, %not3A_769 : i1
      %or3A_771 = arith.ori %ne3A_768, %not3A_770 : i1
      %slice3A_772 = vector.extract_strided_slice %get3A_524 {offsets = [8], sizes = [1], strides = [1]} : vector<16xi32> to vector<1xi32>
      %squeeze3A_773 = vector.extract %slice3A_772[0] : i32 from vector<1xi32>
      %jit3A_774 = arith.constant 128 : i32
      %div3A_775 = arith.divsi %squeeze3A_773, %jit3A_774 : i32
      %sign3A_776 = arith.constant 0 : i32
      %sign3A_777 = arith.cmpi sgt, %squeeze3A_773, %sign3A_776 : i32
      %sign3A_778 = arith.extui %sign3A_777 : i1 to i32
      %sign3A_779 = arith.constant 0 : i32
      %sign3A_780 = arith.cmpi slt, %squeeze3A_773, %sign3A_779 : i32
      %sign3A_781 = arith.extui %sign3A_780 : i1 to i32
      %sign3A_782 = arith.subi %sign3A_778, %sign3A_781 : i32
      %sign3A_783 = arith.constant 0 : i32
      %sign3A_784 = arith.cmpi sgt, %jit3A_774, %sign3A_783 : i32
      %sign3A_785 = arith.extui %sign3A_784 : i1 to i32
      %sign3A_786 = arith.constant 0 : i32
      %sign3A_787 = arith.cmpi slt, %jit3A_774, %sign3A_786 : i32
      %sign3A_788 = arith.extui %sign3A_787 : i1 to i32
      %sign3A_789 = arith.subi %sign3A_785, %sign3A_788 : i32
      %ne3A_790 = arith.cmpi ne, %sign3A_782, %sign3A_789 : i32
      %rem3A_791 = arith.remsi %squeeze3A_773, %jit3A_774 : i32
      %ne3A_792 = arith.constant 0 : i32
      %ne3A_793 = arith.cmpi ne, %rem3A_791, %ne3A_792 : i32
      %and3A_794 = arith.andi %ne3A_790, %ne3A_793 : i1
      %sub3A_795 = arith.constant 1 : i32
      %sub3A_796 = arith.subi %div3A_775, %sub3A_795 : i32
      %select_n3A_797 = arith.select %and3A_794, %sub3A_796, %div3A_775 : i32
      %ne3A_798 = arith.cmpi ne, %select_n3A_797, %select_n3A_767 : i32
      %not3A_799 = arith.constant true
      %not3A_800 = arith.xori %or3A_771, %not3A_799 : i1
      %or3A_801 = arith.ori %ne3A_798, %not3A_800 : i1
      %slice3A_802 = vector.extract_strided_slice %get3A_524 {offsets = [9], sizes = [1], strides = [1]} : vector<16xi32> to vector<1xi32>
      %squeeze3A_803 = vector.extract %slice3A_802[0] : i32 from vector<1xi32>
      %jit3A_804 = arith.constant 128 : i32
      %div3A_805 = arith.divsi %squeeze3A_803, %jit3A_804 : i32
      %sign3A_806 = arith.constant 0 : i32
      %sign3A_807 = arith.cmpi sgt, %squeeze3A_803, %sign3A_806 : i32
      %sign3A_808 = arith.extui %sign3A_807 : i1 to i32
      %sign3A_809 = arith.constant 0 : i32
      %sign3A_810 = arith.cmpi slt, %squeeze3A_803, %sign3A_809 : i32
      %sign3A_811 = arith.extui %sign3A_810 : i1 to i32
      %sign3A_812 = arith.subi %sign3A_808, %sign3A_811 : i32
      %sign3A_813 = arith.constant 0 : i32
      %sign3A_814 = arith.cmpi sgt, %jit3A_804, %sign3A_813 : i32
      %sign3A_815 = arith.extui %sign3A_814 : i1 to i32
      %sign3A_816 = arith.constant 0 : i32
      %sign3A_817 = arith.cmpi slt, %jit3A_804, %sign3A_816 : i32
      %sign3A_818 = arith.extui %sign3A_817 : i1 to i32
      %sign3A_819 = arith.subi %sign3A_815, %sign3A_818 : i32
      %ne3A_820 = arith.cmpi ne, %sign3A_812, %sign3A_819 : i32
      %rem3A_821 = arith.remsi %squeeze3A_803, %jit3A_804 : i32
      %ne3A_822 = arith.constant 0 : i32
      %ne3A_823 = arith.cmpi ne, %rem3A_821, %ne3A_822 : i32
      %and3A_824 = arith.andi %ne3A_820, %ne3A_823 : i1
      %sub3A_825 = arith.constant 1 : i32
      %sub3A_826 = arith.subi %div3A_805, %sub3A_825 : i32
      %select_n3A_827 = arith.select %and3A_824, %sub3A_826, %div3A_805 : i32
      %ne3A_828 = arith.cmpi ne, %select_n3A_827, %select_n3A_797 : i32
      %not3A_829 = arith.constant true
      %not3A_830 = arith.xori %or3A_801, %not3A_829 : i1
      %or3A_831 = arith.ori %ne3A_828, %not3A_830 : i1
      %slice3A_832 = vector.extract_strided_slice %get3A_524 {offsets = [10], sizes = [1], strides = [1]} : vector<16xi32> to vector<1xi32>
      %squeeze3A_833 = vector.extract %slice3A_832[0] : i32 from vector<1xi32>
      %jit3A_834 = arith.constant 128 : i32
      %div3A_835 = arith.divsi %squeeze3A_833, %jit3A_834 : i32
      %sign3A_836 = arith.constant 0 : i32
      %sign3A_837 = arith.cmpi sgt, %squeeze3A_833, %sign3A_836 : i32
      %sign3A_838 = arith.extui %sign3A_837 : i1 to i32
      %sign3A_839 = arith.constant 0 : i32
      %sign3A_840 = arith.cmpi slt, %squeeze3A_833, %sign3A_839 : i32
      %sign3A_841 = arith.extui %sign3A_840 : i1 to i32
      %sign3A_842 = arith.subi %sign3A_838, %sign3A_841 : i32
      %sign3A_843 = arith.constant 0 : i32
      %sign3A_844 = arith.cmpi sgt, %jit3A_834, %sign3A_843 : i32
      %sign3A_845 = arith.extui %sign3A_844 : i1 to i32
      %sign3A_846 = arith.constant 0 : i32
      %sign3A_847 = arith.cmpi slt, %jit3A_834, %sign3A_846 : i32
      %sign3A_848 = arith.extui %sign3A_847 : i1 to i32
      %sign3A_849 = arith.subi %sign3A_845, %sign3A_848 : i32
      %ne3A_850 = arith.cmpi ne, %sign3A_842, %sign3A_849 : i32
      %rem3A_851 = arith.remsi %squeeze3A_833, %jit3A_834 : i32
      %ne3A_852 = arith.constant 0 : i32
      %ne3A_853 = arith.cmpi ne, %rem3A_851, %ne3A_852 : i32
      %and3A_854 = arith.andi %ne3A_850, %ne3A_853 : i1
      %sub3A_855 = arith.constant 1 : i32
      %sub3A_856 = arith.subi %div3A_835, %sub3A_855 : i32
      %select_n3A_857 = arith.select %and3A_854, %sub3A_856, %div3A_835 : i32
      %ne3A_858 = arith.cmpi ne, %select_n3A_857, %select_n3A_827 : i32
      %not3A_859 = arith.constant true
      %not3A_860 = arith.xori %or3A_831, %not3A_859 : i1
      %or3A_861 = arith.ori %ne3A_858, %not3A_860 : i1
      %slice3A_862 = vector.extract_strided_slice %get3A_524 {offsets = [11], sizes = [1], strides = [1]} : vector<16xi32> to vector<1xi32>
      %squeeze3A_863 = vector.extract %slice3A_862[0] : i32 from vector<1xi32>
      %jit3A_864 = arith.constant 128 : i32
      %div3A_865 = arith.divsi %squeeze3A_863, %jit3A_864 : i32
      %sign3A_866 = arith.constant 0 : i32
      %sign3A_867 = arith.cmpi sgt, %squeeze3A_863, %sign3A_866 : i32
      %sign3A_868 = arith.extui %sign3A_867 : i1 to i32
      %sign3A_869 = arith.constant 0 : i32
      %sign3A_870 = arith.cmpi slt, %squeeze3A_863, %sign3A_869 : i32
      %sign3A_871 = arith.extui %sign3A_870 : i1 to i32
      %sign3A_872 = arith.subi %sign3A_868, %sign3A_871 : i32
      %sign3A_873 = arith.constant 0 : i32
      %sign3A_874 = arith.cmpi sgt, %jit3A_864, %sign3A_873 : i32
      %sign3A_875 = arith.extui %sign3A_874 : i1 to i32
      %sign3A_876 = arith.constant 0 : i32
      %sign3A_877 = arith.cmpi slt, %jit3A_864, %sign3A_876 : i32
      %sign3A_878 = arith.extui %sign3A_877 : i1 to i32
      %sign3A_879 = arith.subi %sign3A_875, %sign3A_878 : i32
      %ne3A_880 = arith.cmpi ne, %sign3A_872, %sign3A_879 : i32
      %rem3A_881 = arith.remsi %squeeze3A_863, %jit3A_864 : i32
      %ne3A_882 = arith.constant 0 : i32
      %ne3A_883 = arith.cmpi ne, %rem3A_881, %ne3A_882 : i32
      %and3A_884 = arith.andi %ne3A_880, %ne3A_883 : i1
      %sub3A_885 = arith.constant 1 : i32
      %sub3A_886 = arith.subi %div3A_865, %sub3A_885 : i32
      %select_n3A_887 = arith.select %and3A_884, %sub3A_886, %div3A_865 : i32
      %ne3A_888 = arith.cmpi ne, %select_n3A_887, %select_n3A_857 : i32
      %not3A_889 = arith.constant true
      %not3A_890 = arith.xori %or3A_861, %not3A_889 : i1
      %or3A_891 = arith.ori %ne3A_888, %not3A_890 : i1
      %slice3A_892 = vector.extract_strided_slice %get3A_524 {offsets = [12], sizes = [1], strides = [1]} : vector<16xi32> to vector<1xi32>
      %squeeze3A_893 = vector.extract %slice3A_892[0] : i32 from vector<1xi32>
      %jit3A_894 = arith.constant 128 : i32
      %div3A_895 = arith.divsi %squeeze3A_893, %jit3A_894 : i32
      %sign3A_896 = arith.constant 0 : i32
      %sign3A_897 = arith.cmpi sgt, %squeeze3A_893, %sign3A_896 : i32
      %sign3A_898 = arith.extui %sign3A_897 : i1 to i32
      %sign3A_899 = arith.constant 0 : i32
      %sign3A_900 = arith.cmpi slt, %squeeze3A_893, %sign3A_899 : i32
      %sign3A_901 = arith.extui %sign3A_900 : i1 to i32
      %sign3A_902 = arith.subi %sign3A_898, %sign3A_901 : i32
      %sign3A_903 = arith.constant 0 : i32
      %sign3A_904 = arith.cmpi sgt, %jit3A_894, %sign3A_903 : i32
      %sign3A_905 = arith.extui %sign3A_904 : i1 to i32
      %sign3A_906 = arith.constant 0 : i32
      %sign3A_907 = arith.cmpi slt, %jit3A_894, %sign3A_906 : i32
      %sign3A_908 = arith.extui %sign3A_907 : i1 to i32
      %sign3A_909 = arith.subi %sign3A_905, %sign3A_908 : i32
      %ne3A_910 = arith.cmpi ne, %sign3A_902, %sign3A_909 : i32
      %rem3A_911 = arith.remsi %squeeze3A_893, %jit3A_894 : i32
      %ne3A_912 = arith.constant 0 : i32
      %ne3A_913 = arith.cmpi ne, %rem3A_911, %ne3A_912 : i32
      %and3A_914 = arith.andi %ne3A_910, %ne3A_913 : i1
      %sub3A_915 = arith.constant 1 : i32
      %sub3A_916 = arith.subi %div3A_895, %sub3A_915 : i32
      %select_n3A_917 = arith.select %and3A_914, %sub3A_916, %div3A_895 : i32
      %ne3A_918 = arith.cmpi ne, %select_n3A_917, %select_n3A_887 : i32
      %not3A_919 = arith.constant true
      %not3A_920 = arith.xori %or3A_891, %not3A_919 : i1
      %or3A_921 = arith.ori %ne3A_918, %not3A_920 : i1
      %slice3A_922 = vector.extract_strided_slice %get3A_524 {offsets = [13], sizes = [1], strides = [1]} : vector<16xi32> to vector<1xi32>
      %squeeze3A_923 = vector.extract %slice3A_922[0] : i32 from vector<1xi32>
      %jit3A_924 = arith.constant 128 : i32
      %div3A_925 = arith.divsi %squeeze3A_923, %jit3A_924 : i32
      %sign3A_926 = arith.constant 0 : i32
      %sign3A_927 = arith.cmpi sgt, %squeeze3A_923, %sign3A_926 : i32
      %sign3A_928 = arith.extui %sign3A_927 : i1 to i32
      %sign3A_929 = arith.constant 0 : i32
      %sign3A_930 = arith.cmpi slt, %squeeze3A_923, %sign3A_929 : i32
      %sign3A_931 = arith.extui %sign3A_930 : i1 to i32
      %sign3A_932 = arith.subi %sign3A_928, %sign3A_931 : i32
      %sign3A_933 = arith.constant 0 : i32
      %sign3A_934 = arith.cmpi sgt, %jit3A_924, %sign3A_933 : i32
      %sign3A_935 = arith.extui %sign3A_934 : i1 to i32
      %sign3A_936 = arith.constant 0 : i32
      %sign3A_937 = arith.cmpi slt, %jit3A_924, %sign3A_936 : i32
      %sign3A_938 = arith.extui %sign3A_937 : i1 to i32
      %sign3A_939 = arith.subi %sign3A_935, %sign3A_938 : i32
      %ne3A_940 = arith.cmpi ne, %sign3A_932, %sign3A_939 : i32
      %rem3A_941 = arith.remsi %squeeze3A_923, %jit3A_924 : i32
      %ne3A_942 = arith.constant 0 : i32
      %ne3A_943 = arith.cmpi ne, %rem3A_941, %ne3A_942 : i32
      %and3A_944 = arith.andi %ne3A_940, %ne3A_943 : i1
      %sub3A_945 = arith.constant 1 : i32
      %sub3A_946 = arith.subi %div3A_925, %sub3A_945 : i32
      %select_n3A_947 = arith.select %and3A_944, %sub3A_946, %div3A_925 : i32
      %ne3A_948 = arith.cmpi ne, %select_n3A_947, %select_n3A_917 : i32
      %not3A_949 = arith.constant true
      %not3A_950 = arith.xori %or3A_921, %not3A_949 : i1
      %or3A_951 = arith.ori %ne3A_948, %not3A_950 : i1
      %slice3A_952 = vector.extract_strided_slice %get3A_524 {offsets = [14], sizes = [1], strides = [1]} : vector<16xi32> to vector<1xi32>
      %squeeze3A_953 = vector.extract %slice3A_952[0] : i32 from vector<1xi32>
      %jit3A_954 = arith.constant 128 : i32
      %div3A_955 = arith.divsi %squeeze3A_953, %jit3A_954 : i32
      %sign3A_956 = arith.constant 0 : i32
      %sign3A_957 = arith.cmpi sgt, %squeeze3A_953, %sign3A_956 : i32
      %sign3A_958 = arith.extui %sign3A_957 : i1 to i32
      %sign3A_959 = arith.constant 0 : i32
      %sign3A_960 = arith.cmpi slt, %squeeze3A_953, %sign3A_959 : i32
      %sign3A_961 = arith.extui %sign3A_960 : i1 to i32
      %sign3A_962 = arith.subi %sign3A_958, %sign3A_961 : i32
      %sign3A_963 = arith.constant 0 : i32
      %sign3A_964 = arith.cmpi sgt, %jit3A_954, %sign3A_963 : i32
      %sign3A_965 = arith.extui %sign3A_964 : i1 to i32
      %sign3A_966 = arith.constant 0 : i32
      %sign3A_967 = arith.cmpi slt, %jit3A_954, %sign3A_966 : i32
      %sign3A_968 = arith.extui %sign3A_967 : i1 to i32
      %sign3A_969 = arith.subi %sign3A_965, %sign3A_968 : i32
      %ne3A_970 = arith.cmpi ne, %sign3A_962, %sign3A_969 : i32
      %rem3A_971 = arith.remsi %squeeze3A_953, %jit3A_954 : i32
      %ne3A_972 = arith.constant 0 : i32
      %ne3A_973 = arith.cmpi ne, %rem3A_971, %ne3A_972 : i32
      %and3A_974 = arith.andi %ne3A_970, %ne3A_973 : i1
      %sub3A_975 = arith.constant 1 : i32
      %sub3A_976 = arith.subi %div3A_955, %sub3A_975 : i32
      %select_n3A_977 = arith.select %and3A_974, %sub3A_976, %div3A_955 : i32
      %ne3A_978 = arith.cmpi ne, %select_n3A_977, %select_n3A_947 : i32
      %not3A_979 = arith.constant true
      %not3A_980 = arith.xori %or3A_951, %not3A_979 : i1
      %or3A_981 = arith.ori %ne3A_978, %not3A_980 : i1
      %slice3A_982 = vector.extract_strided_slice %get3A_524 {offsets = [15], sizes = [1], strides = [1]} : vector<16xi32> to vector<1xi32>
      %squeeze3A_983 = vector.extract %slice3A_982[0] : i32 from vector<1xi32>
      %jit3A_984 = arith.constant 128 : i32
      %div3A_985 = arith.divsi %squeeze3A_983, %jit3A_984 : i32
      %sign3A_986 = arith.constant 0 : i32
      %sign3A_987 = arith.cmpi sgt, %squeeze3A_983, %sign3A_986 : i32
      %sign3A_988 = arith.extui %sign3A_987 : i1 to i32
      %sign3A_989 = arith.constant 0 : i32
      %sign3A_990 = arith.cmpi slt, %squeeze3A_983, %sign3A_989 : i32
      %sign3A_991 = arith.extui %sign3A_990 : i1 to i32
      %sign3A_992 = arith.subi %sign3A_988, %sign3A_991 : i32
      %sign3A_993 = arith.constant 0 : i32
      %sign3A_994 = arith.cmpi sgt, %jit3A_984, %sign3A_993 : i32
      %sign3A_995 = arith.extui %sign3A_994 : i1 to i32
      %sign3A_996 = arith.constant 0 : i32
      %sign3A_997 = arith.cmpi slt, %jit3A_984, %sign3A_996 : i32
      %sign3A_998 = arith.extui %sign3A_997 : i1 to i32
      %sign3A_999 = arith.subi %sign3A_995, %sign3A_998 : i32
      %ne3A_1000 = arith.cmpi ne, %sign3A_992, %sign3A_999 : i32
      %rem3A_1001 = arith.remsi %squeeze3A_983, %jit3A_984 : i32
      %ne3A_1002 = arith.constant 0 : i32
      %ne3A_1003 = arith.cmpi ne, %rem3A_1001, %ne3A_1002 : i32
      %and3A_1004 = arith.andi %ne3A_1000, %ne3A_1003 : i1
      %sub3A_1005 = arith.constant 1 : i32
      %sub3A_1006 = arith.subi %div3A_985, %sub3A_1005 : i32
      %select_n3A_1007 = arith.select %and3A_1004, %sub3A_1006, %div3A_985 : i32
      %ne3A_1008 = arith.cmpi ne, %select_n3A_1007, %select_n3A_977 : i32
      %not3A_1009 = arith.constant true
      %not3A_1010 = arith.xori %or3A_981, %not3A_1009 : i1
      %or3A_1011 = arith.ori %ne3A_1008, %not3A_1010 : i1
      %slice3A_1012 = vector.extract_strided_slice %get3A_531 {offsets = [0], sizes = [1], strides = [1]} : vector<16xi32> to vector<1xi32>
      %squeeze3A_1013 = vector.extract %slice3A_1012[0] : i32 from vector<1xi32>
      %jit3A_1014 = arith.constant 128 : i32
      %div3A_1015 = arith.divsi %squeeze3A_1013, %jit3A_1014 : i32
      %sign3A_1016 = arith.constant 0 : i32
      %sign3A_1017 = arith.cmpi sgt, %squeeze3A_1013, %sign3A_1016 : i32
      %sign3A_1018 = arith.extui %sign3A_1017 : i1 to i32
      %sign3A_1019 = arith.constant 0 : i32
      %sign3A_1020 = arith.cmpi slt, %squeeze3A_1013, %sign3A_1019 : i32
      %sign3A_1021 = arith.extui %sign3A_1020 : i1 to i32
      %sign3A_1022 = arith.subi %sign3A_1018, %sign3A_1021 : i32
      %sign3A_1023 = arith.constant 0 : i32
      %sign3A_1024 = arith.cmpi sgt, %jit3A_1014, %sign3A_1023 : i32
      %sign3A_1025 = arith.extui %sign3A_1024 : i1 to i32
      %sign3A_1026 = arith.constant 0 : i32
      %sign3A_1027 = arith.cmpi slt, %jit3A_1014, %sign3A_1026 : i32
      %sign3A_1028 = arith.extui %sign3A_1027 : i1 to i32
      %sign3A_1029 = arith.subi %sign3A_1025, %sign3A_1028 : i32
      %ne3A_1030 = arith.cmpi ne, %sign3A_1022, %sign3A_1029 : i32
      %rem3A_1031 = arith.remsi %squeeze3A_1013, %jit3A_1014 : i32
      %ne3A_1032 = arith.constant 0 : i32
      %ne3A_1033 = arith.cmpi ne, %rem3A_1031, %ne3A_1032 : i32
      %and3A_1034 = arith.andi %ne3A_1030, %ne3A_1033 : i1
      %sub3A_1035 = arith.constant 1 : i32
      %sub3A_1036 = arith.subi %div3A_1015, %sub3A_1035 : i32
      %select_n3A_1037 = arith.select %and3A_1034, %sub3A_1036, %div3A_1015 : i32
      %ne3A_1038 = arith.cmpi ne, %select_n3A_1037, %select_n3A_1007 : i32
      %not3A_1039 = arith.constant true
      %not3A_1040 = arith.xori %or3A_1011, %not3A_1039 : i1
      %or3A_1041 = arith.ori %ne3A_1038, %not3A_1040 : i1
      %slice3A_1042 = vector.extract_strided_slice %get3A_531 {offsets = [1], sizes = [1], strides = [1]} : vector<16xi32> to vector<1xi32>
      %squeeze3A_1043 = vector.extract %slice3A_1042[0] : i32 from vector<1xi32>
      %jit3A_1044 = arith.constant 128 : i32
      %div3A_1045 = arith.divsi %squeeze3A_1043, %jit3A_1044 : i32
      %sign3A_1046 = arith.constant 0 : i32
      %sign3A_1047 = arith.cmpi sgt, %squeeze3A_1043, %sign3A_1046 : i32
      %sign3A_1048 = arith.extui %sign3A_1047 : i1 to i32
      %sign3A_1049 = arith.constant 0 : i32
      %sign3A_1050 = arith.cmpi slt, %squeeze3A_1043, %sign3A_1049 : i32
      %sign3A_1051 = arith.extui %sign3A_1050 : i1 to i32
      %sign3A_1052 = arith.subi %sign3A_1048, %sign3A_1051 : i32
      %sign3A_1053 = arith.constant 0 : i32
      %sign3A_1054 = arith.cmpi sgt, %jit3A_1044, %sign3A_1053 : i32
      %sign3A_1055 = arith.extui %sign3A_1054 : i1 to i32
      %sign3A_1056 = arith.constant 0 : i32
      %sign3A_1057 = arith.cmpi slt, %jit3A_1044, %sign3A_1056 : i32
      %sign3A_1058 = arith.extui %sign3A_1057 : i1 to i32
      %sign3A_1059 = arith.subi %sign3A_1055, %sign3A_1058 : i32
      %ne3A_1060 = arith.cmpi ne, %sign3A_1052, %sign3A_1059 : i32
      %rem3A_1061 = arith.remsi %squeeze3A_1043, %jit3A_1044 : i32
      %ne3A_1062 = arith.constant 0 : i32
      %ne3A_1063 = arith.cmpi ne, %rem3A_1061, %ne3A_1062 : i32
      %and3A_1064 = arith.andi %ne3A_1060, %ne3A_1063 : i1
      %sub3A_1065 = arith.constant 1 : i32
      %sub3A_1066 = arith.subi %div3A_1045, %sub3A_1065 : i32
      %select_n3A_1067 = arith.select %and3A_1064, %sub3A_1066, %div3A_1045 : i32
      %ne3A_1068 = arith.cmpi ne, %select_n3A_1067, %select_n3A_1037 : i32
      %not3A_1069 = arith.constant true
      %not3A_1070 = arith.xori %or3A_1041, %not3A_1069 : i1
      %or3A_1071 = arith.ori %ne3A_1068, %not3A_1070 : i1
      %slice3A_1072 = vector.extract_strided_slice %get3A_531 {offsets = [2], sizes = [1], strides = [1]} : vector<16xi32> to vector<1xi32>
      %squeeze3A_1073 = vector.extract %slice3A_1072[0] : i32 from vector<1xi32>
      %jit3A_1074 = arith.constant 128 : i32
      %div3A_1075 = arith.divsi %squeeze3A_1073, %jit3A_1074 : i32
      %sign3A_1076 = arith.constant 0 : i32
      %sign3A_1077 = arith.cmpi sgt, %squeeze3A_1073, %sign3A_1076 : i32
      %sign3A_1078 = arith.extui %sign3A_1077 : i1 to i32
      %sign3A_1079 = arith.constant 0 : i32
      %sign3A_1080 = arith.cmpi slt, %squeeze3A_1073, %sign3A_1079 : i32
      %sign3A_1081 = arith.extui %sign3A_1080 : i1 to i32
      %sign3A_1082 = arith.subi %sign3A_1078, %sign3A_1081 : i32
      %sign3A_1083 = arith.constant 0 : i32
      %sign3A_1084 = arith.cmpi sgt, %jit3A_1074, %sign3A_1083 : i32
      %sign3A_1085 = arith.extui %sign3A_1084 : i1 to i32
      %sign3A_1086 = arith.constant 0 : i32
      %sign3A_1087 = arith.cmpi slt, %jit3A_1074, %sign3A_1086 : i32
      %sign3A_1088 = arith.extui %sign3A_1087 : i1 to i32
      %sign3A_1089 = arith.subi %sign3A_1085, %sign3A_1088 : i32
      %ne3A_1090 = arith.cmpi ne, %sign3A_1082, %sign3A_1089 : i32
      %rem3A_1091 = arith.remsi %squeeze3A_1073, %jit3A_1074 : i32
      %ne3A_1092 = arith.constant 0 : i32
      %ne3A_1093 = arith.cmpi ne, %rem3A_1091, %ne3A_1092 : i32
      %and3A_1094 = arith.andi %ne3A_1090, %ne3A_1093 : i1
      %sub3A_1095 = arith.constant 1 : i32
      %sub3A_1096 = arith.subi %div3A_1075, %sub3A_1095 : i32
      %select_n3A_1097 = arith.select %and3A_1094, %sub3A_1096, %div3A_1075 : i32
      %ne3A_1098 = arith.cmpi ne, %select_n3A_1097, %select_n3A_1067 : i32
      %not3A_1099 = arith.constant true
      %not3A_1100 = arith.xori %or3A_1071, %not3A_1099 : i1
      %or3A_1101 = arith.ori %ne3A_1098, %not3A_1100 : i1
      %slice3A_1102 = vector.extract_strided_slice %get3A_531 {offsets = [3], sizes = [1], strides = [1]} : vector<16xi32> to vector<1xi32>
      %squeeze3A_1103 = vector.extract %slice3A_1102[0] : i32 from vector<1xi32>
      %jit3A_1104 = arith.constant 128 : i32
      %div3A_1105 = arith.divsi %squeeze3A_1103, %jit3A_1104 : i32
      %sign3A_1106 = arith.constant 0 : i32
      %sign3A_1107 = arith.cmpi sgt, %squeeze3A_1103, %sign3A_1106 : i32
      %sign3A_1108 = arith.extui %sign3A_1107 : i1 to i32
      %sign3A_1109 = arith.constant 0 : i32
      %sign3A_1110 = arith.cmpi slt, %squeeze3A_1103, %sign3A_1109 : i32
      %sign3A_1111 = arith.extui %sign3A_1110 : i1 to i32
      %sign3A_1112 = arith.subi %sign3A_1108, %sign3A_1111 : i32
      %sign3A_1113 = arith.constant 0 : i32
      %sign3A_1114 = arith.cmpi sgt, %jit3A_1104, %sign3A_1113 : i32
      %sign3A_1115 = arith.extui %sign3A_1114 : i1 to i32
      %sign3A_1116 = arith.constant 0 : i32
      %sign3A_1117 = arith.cmpi slt, %jit3A_1104, %sign3A_1116 : i32
      %sign3A_1118 = arith.extui %sign3A_1117 : i1 to i32
      %sign3A_1119 = arith.subi %sign3A_1115, %sign3A_1118 : i32
      %ne3A_1120 = arith.cmpi ne, %sign3A_1112, %sign3A_1119 : i32
      %rem3A_1121 = arith.remsi %squeeze3A_1103, %jit3A_1104 : i32
      %ne3A_1122 = arith.constant 0 : i32
      %ne3A_1123 = arith.cmpi ne, %rem3A_1121, %ne3A_1122 : i32
      %and3A_1124 = arith.andi %ne3A_1120, %ne3A_1123 : i1
      %sub3A_1125 = arith.constant 1 : i32
      %sub3A_1126 = arith.subi %div3A_1105, %sub3A_1125 : i32
      %select_n3A_1127 = arith.select %and3A_1124, %sub3A_1126, %div3A_1105 : i32
      %ne3A_1128 = arith.cmpi ne, %select_n3A_1127, %select_n3A_1097 : i32
      %not3A_1129 = arith.constant true
      %not3A_1130 = arith.xori %or3A_1101, %not3A_1129 : i1
      %or3A_1131 = arith.ori %ne3A_1128, %not3A_1130 : i1
      %slice3A_1132 = vector.extract_strided_slice %get3A_531 {offsets = [4], sizes = [1], strides = [1]} : vector<16xi32> to vector<1xi32>
      %squeeze3A_1133 = vector.extract %slice3A_1132[0] : i32 from vector<1xi32>
      %jit3A_1134 = arith.constant 128 : i32
      %div3A_1135 = arith.divsi %squeeze3A_1133, %jit3A_1134 : i32
      %sign3A_1136 = arith.constant 0 : i32
      %sign3A_1137 = arith.cmpi sgt, %squeeze3A_1133, %sign3A_1136 : i32
      %sign3A_1138 = arith.extui %sign3A_1137 : i1 to i32
      %sign3A_1139 = arith.constant 0 : i32
      %sign3A_1140 = arith.cmpi slt, %squeeze3A_1133, %sign3A_1139 : i32
      %sign3A_1141 = arith.extui %sign3A_1140 : i1 to i32
      %sign3A_1142 = arith.subi %sign3A_1138, %sign3A_1141 : i32
      %sign3A_1143 = arith.constant 0 : i32
      %sign3A_1144 = arith.cmpi sgt, %jit3A_1134, %sign3A_1143 : i32
      %sign3A_1145 = arith.extui %sign3A_1144 : i1 to i32
      %sign3A_1146 = arith.constant 0 : i32
      %sign3A_1147 = arith.cmpi slt, %jit3A_1134, %sign3A_1146 : i32
      %sign3A_1148 = arith.extui %sign3A_1147 : i1 to i32
      %sign3A_1149 = arith.subi %sign3A_1145, %sign3A_1148 : i32
      %ne3A_1150 = arith.cmpi ne, %sign3A_1142, %sign3A_1149 : i32
      %rem3A_1151 = arith.remsi %squeeze3A_1133, %jit3A_1134 : i32
      %ne3A_1152 = arith.constant 0 : i32
      %ne3A_1153 = arith.cmpi ne, %rem3A_1151, %ne3A_1152 : i32
      %and3A_1154 = arith.andi %ne3A_1150, %ne3A_1153 : i1
      %sub3A_1155 = arith.constant 1 : i32
      %sub3A_1156 = arith.subi %div3A_1135, %sub3A_1155 : i32
      %select_n3A_1157 = arith.select %and3A_1154, %sub3A_1156, %div3A_1135 : i32
      %ne3A_1158 = arith.cmpi ne, %select_n3A_1157, %select_n3A_1127 : i32
      %not3A_1159 = arith.constant true
      %not3A_1160 = arith.xori %or3A_1131, %not3A_1159 : i1
      %or3A_1161 = arith.ori %ne3A_1158, %not3A_1160 : i1
      %slice3A_1162 = vector.extract_strided_slice %get3A_531 {offsets = [5], sizes = [1], strides = [1]} : vector<16xi32> to vector<1xi32>
      %squeeze3A_1163 = vector.extract %slice3A_1162[0] : i32 from vector<1xi32>
      %jit3A_1164 = arith.constant 128 : i32
      %div3A_1165 = arith.divsi %squeeze3A_1163, %jit3A_1164 : i32
      %sign3A_1166 = arith.constant 0 : i32
      %sign3A_1167 = arith.cmpi sgt, %squeeze3A_1163, %sign3A_1166 : i32
      %sign3A_1168 = arith.extui %sign3A_1167 : i1 to i32
      %sign3A_1169 = arith.constant 0 : i32
      %sign3A_1170 = arith.cmpi slt, %squeeze3A_1163, %sign3A_1169 : i32
      %sign3A_1171 = arith.extui %sign3A_1170 : i1 to i32
      %sign3A_1172 = arith.subi %sign3A_1168, %sign3A_1171 : i32
      %sign3A_1173 = arith.constant 0 : i32
      %sign3A_1174 = arith.cmpi sgt, %jit3A_1164, %sign3A_1173 : i32
      %sign3A_1175 = arith.extui %sign3A_1174 : i1 to i32
      %sign3A_1176 = arith.constant 0 : i32
      %sign3A_1177 = arith.cmpi slt, %jit3A_1164, %sign3A_1176 : i32
      %sign3A_1178 = arith.extui %sign3A_1177 : i1 to i32
      %sign3A_1179 = arith.subi %sign3A_1175, %sign3A_1178 : i32
      %ne3A_1180 = arith.cmpi ne, %sign3A_1172, %sign3A_1179 : i32
      %rem3A_1181 = arith.remsi %squeeze3A_1163, %jit3A_1164 : i32
      %ne3A_1182 = arith.constant 0 : i32
      %ne3A_1183 = arith.cmpi ne, %rem3A_1181, %ne3A_1182 : i32
      %and3A_1184 = arith.andi %ne3A_1180, %ne3A_1183 : i1
      %sub3A_1185 = arith.constant 1 : i32
      %sub3A_1186 = arith.subi %div3A_1165, %sub3A_1185 : i32
      %select_n3A_1187 = arith.select %and3A_1184, %sub3A_1186, %div3A_1165 : i32
      %ne3A_1188 = arith.cmpi ne, %select_n3A_1187, %select_n3A_1157 : i32
      %not3A_1189 = arith.constant true
      %not3A_1190 = arith.xori %or3A_1161, %not3A_1189 : i1
      %or3A_1191 = arith.ori %ne3A_1188, %not3A_1190 : i1
      %slice3A_1192 = vector.extract_strided_slice %get3A_531 {offsets = [6], sizes = [1], strides = [1]} : vector<16xi32> to vector<1xi32>
      %squeeze3A_1193 = vector.extract %slice3A_1192[0] : i32 from vector<1xi32>
      %jit3A_1194 = arith.constant 128 : i32
      %div3A_1195 = arith.divsi %squeeze3A_1193, %jit3A_1194 : i32
      %sign3A_1196 = arith.constant 0 : i32
      %sign3A_1197 = arith.cmpi sgt, %squeeze3A_1193, %sign3A_1196 : i32
      %sign3A_1198 = arith.extui %sign3A_1197 : i1 to i32
      %sign3A_1199 = arith.constant 0 : i32
      %sign3A_1200 = arith.cmpi slt, %squeeze3A_1193, %sign3A_1199 : i32
      %sign3A_1201 = arith.extui %sign3A_1200 : i1 to i32
      %sign3A_1202 = arith.subi %sign3A_1198, %sign3A_1201 : i32
      %sign3A_1203 = arith.constant 0 : i32
      %sign3A_1204 = arith.cmpi sgt, %jit3A_1194, %sign3A_1203 : i32
      %sign3A_1205 = arith.extui %sign3A_1204 : i1 to i32
      %sign3A_1206 = arith.constant 0 : i32
      %sign3A_1207 = arith.cmpi slt, %jit3A_1194, %sign3A_1206 : i32
      %sign3A_1208 = arith.extui %sign3A_1207 : i1 to i32
      %sign3A_1209 = arith.subi %sign3A_1205, %sign3A_1208 : i32
      %ne3A_1210 = arith.cmpi ne, %sign3A_1202, %sign3A_1209 : i32
      %rem3A_1211 = arith.remsi %squeeze3A_1193, %jit3A_1194 : i32
      %ne3A_1212 = arith.constant 0 : i32
      %ne3A_1213 = arith.cmpi ne, %rem3A_1211, %ne3A_1212 : i32
      %and3A_1214 = arith.andi %ne3A_1210, %ne3A_1213 : i1
      %sub3A_1215 = arith.constant 1 : i32
      %sub3A_1216 = arith.subi %div3A_1195, %sub3A_1215 : i32
      %select_n3A_1217 = arith.select %and3A_1214, %sub3A_1216, %div3A_1195 : i32
      %ne3A_1218 = arith.cmpi ne, %select_n3A_1217, %select_n3A_1187 : i32
      %not3A_1219 = arith.constant true
      %not3A_1220 = arith.xori %or3A_1191, %not3A_1219 : i1
      %or3A_1221 = arith.ori %ne3A_1218, %not3A_1220 : i1
      %slice3A_1222 = vector.extract_strided_slice %get3A_531 {offsets = [7], sizes = [1], strides = [1]} : vector<16xi32> to vector<1xi32>
      %squeeze3A_1223 = vector.extract %slice3A_1222[0] : i32 from vector<1xi32>
      %jit3A_1224 = arith.constant 128 : i32
      %div3A_1225 = arith.divsi %squeeze3A_1223, %jit3A_1224 : i32
      %sign3A_1226 = arith.constant 0 : i32
      %sign3A_1227 = arith.cmpi sgt, %squeeze3A_1223, %sign3A_1226 : i32
      %sign3A_1228 = arith.extui %sign3A_1227 : i1 to i32
      %sign3A_1229 = arith.constant 0 : i32
      %sign3A_1230 = arith.cmpi slt, %squeeze3A_1223, %sign3A_1229 : i32
      %sign3A_1231 = arith.extui %sign3A_1230 : i1 to i32
      %sign3A_1232 = arith.subi %sign3A_1228, %sign3A_1231 : i32
      %sign3A_1233 = arith.constant 0 : i32
      %sign3A_1234 = arith.cmpi sgt, %jit3A_1224, %sign3A_1233 : i32
      %sign3A_1235 = arith.extui %sign3A_1234 : i1 to i32
      %sign3A_1236 = arith.constant 0 : i32
      %sign3A_1237 = arith.cmpi slt, %jit3A_1224, %sign3A_1236 : i32
      %sign3A_1238 = arith.extui %sign3A_1237 : i1 to i32
      %sign3A_1239 = arith.subi %sign3A_1235, %sign3A_1238 : i32
      %ne3A_1240 = arith.cmpi ne, %sign3A_1232, %sign3A_1239 : i32
      %rem3A_1241 = arith.remsi %squeeze3A_1223, %jit3A_1224 : i32
      %ne3A_1242 = arith.constant 0 : i32
      %ne3A_1243 = arith.cmpi ne, %rem3A_1241, %ne3A_1242 : i32
      %and3A_1244 = arith.andi %ne3A_1240, %ne3A_1243 : i1
      %sub3A_1245 = arith.constant 1 : i32
      %sub3A_1246 = arith.subi %div3A_1225, %sub3A_1245 : i32
      %select_n3A_1247 = arith.select %and3A_1244, %sub3A_1246, %div3A_1225 : i32
      %ne3A_1248 = arith.cmpi ne, %select_n3A_1247, %select_n3A_1217 : i32
      %not3A_1249 = arith.constant true
      %not3A_1250 = arith.xori %or3A_1221, %not3A_1249 : i1
      %or3A_1251 = arith.ori %ne3A_1248, %not3A_1250 : i1
      %slice3A_1252 = vector.extract_strided_slice %get3A_531 {offsets = [8], sizes = [1], strides = [1]} : vector<16xi32> to vector<1xi32>
      %squeeze3A_1253 = vector.extract %slice3A_1252[0] : i32 from vector<1xi32>
      %jit3A_1254 = arith.constant 128 : i32
      %div3A_1255 = arith.divsi %squeeze3A_1253, %jit3A_1254 : i32
      %sign3A_1256 = arith.constant 0 : i32
      %sign3A_1257 = arith.cmpi sgt, %squeeze3A_1253, %sign3A_1256 : i32
      %sign3A_1258 = arith.extui %sign3A_1257 : i1 to i32
      %sign3A_1259 = arith.constant 0 : i32
      %sign3A_1260 = arith.cmpi slt, %squeeze3A_1253, %sign3A_1259 : i32
      %sign3A_1261 = arith.extui %sign3A_1260 : i1 to i32
      %sign3A_1262 = arith.subi %sign3A_1258, %sign3A_1261 : i32
      %sign3A_1263 = arith.constant 0 : i32
      %sign3A_1264 = arith.cmpi sgt, %jit3A_1254, %sign3A_1263 : i32
      %sign3A_1265 = arith.extui %sign3A_1264 : i1 to i32
      %sign3A_1266 = arith.constant 0 : i32
      %sign3A_1267 = arith.cmpi slt, %jit3A_1254, %sign3A_1266 : i32
      %sign3A_1268 = arith.extui %sign3A_1267 : i1 to i32
      %sign3A_1269 = arith.subi %sign3A_1265, %sign3A_1268 : i32
      %ne3A_1270 = arith.cmpi ne, %sign3A_1262, %sign3A_1269 : i32
      %rem3A_1271 = arith.remsi %squeeze3A_1253, %jit3A_1254 : i32
      %ne3A_1272 = arith.constant 0 : i32
      %ne3A_1273 = arith.cmpi ne, %rem3A_1271, %ne3A_1272 : i32
      %and3A_1274 = arith.andi %ne3A_1270, %ne3A_1273 : i1
      %sub3A_1275 = arith.constant 1 : i32
      %sub3A_1276 = arith.subi %div3A_1255, %sub3A_1275 : i32
      %select_n3A_1277 = arith.select %and3A_1274, %sub3A_1276, %div3A_1255 : i32
      %ne3A_1278 = arith.cmpi ne, %select_n3A_1277, %select_n3A_1247 : i32
      %not3A_1279 = arith.constant true
      %not3A_1280 = arith.xori %or3A_1251, %not3A_1279 : i1
      %or3A_1281 = arith.ori %ne3A_1278, %not3A_1280 : i1
      %slice3A_1282 = vector.extract_strided_slice %get3A_531 {offsets = [9], sizes = [1], strides = [1]} : vector<16xi32> to vector<1xi32>
      %squeeze3A_1283 = vector.extract %slice3A_1282[0] : i32 from vector<1xi32>
      %jit3A_1284 = arith.constant 128 : i32
      %div3A_1285 = arith.divsi %squeeze3A_1283, %jit3A_1284 : i32
      %sign3A_1286 = arith.constant 0 : i32
      %sign3A_1287 = arith.cmpi sgt, %squeeze3A_1283, %sign3A_1286 : i32
      %sign3A_1288 = arith.extui %sign3A_1287 : i1 to i32
      %sign3A_1289 = arith.constant 0 : i32
      %sign3A_1290 = arith.cmpi slt, %squeeze3A_1283, %sign3A_1289 : i32
      %sign3A_1291 = arith.extui %sign3A_1290 : i1 to i32
      %sign3A_1292 = arith.subi %sign3A_1288, %sign3A_1291 : i32
      %sign3A_1293 = arith.constant 0 : i32
      %sign3A_1294 = arith.cmpi sgt, %jit3A_1284, %sign3A_1293 : i32
      %sign3A_1295 = arith.extui %sign3A_1294 : i1 to i32
      %sign3A_1296 = arith.constant 0 : i32
      %sign3A_1297 = arith.cmpi slt, %jit3A_1284, %sign3A_1296 : i32
      %sign3A_1298 = arith.extui %sign3A_1297 : i1 to i32
      %sign3A_1299 = arith.subi %sign3A_1295, %sign3A_1298 : i32
      %ne3A_1300 = arith.cmpi ne, %sign3A_1292, %sign3A_1299 : i32
      %rem3A_1301 = arith.remsi %squeeze3A_1283, %jit3A_1284 : i32
      %ne3A_1302 = arith.constant 0 : i32
      %ne3A_1303 = arith.cmpi ne, %rem3A_1301, %ne3A_1302 : i32
      %and3A_1304 = arith.andi %ne3A_1300, %ne3A_1303 : i1
      %sub3A_1305 = arith.constant 1 : i32
      %sub3A_1306 = arith.subi %div3A_1285, %sub3A_1305 : i32
      %select_n3A_1307 = arith.select %and3A_1304, %sub3A_1306, %div3A_1285 : i32
      %ne3A_1308 = arith.cmpi ne, %select_n3A_1307, %select_n3A_1277 : i32
      %not3A_1309 = arith.constant true
      %not3A_1310 = arith.xori %or3A_1281, %not3A_1309 : i1
      %or3A_1311 = arith.ori %ne3A_1308, %not3A_1310 : i1
      %slice3A_1312 = vector.extract_strided_slice %get3A_531 {offsets = [10], sizes = [1], strides = [1]} : vector<16xi32> to vector<1xi32>
      %squeeze3A_1313 = vector.extract %slice3A_1312[0] : i32 from vector<1xi32>
      %jit3A_1314 = arith.constant 128 : i32
      %div3A_1315 = arith.divsi %squeeze3A_1313, %jit3A_1314 : i32
      %sign3A_1316 = arith.constant 0 : i32
      %sign3A_1317 = arith.cmpi sgt, %squeeze3A_1313, %sign3A_1316 : i32
      %sign3A_1318 = arith.extui %sign3A_1317 : i1 to i32
      %sign3A_1319 = arith.constant 0 : i32
      %sign3A_1320 = arith.cmpi slt, %squeeze3A_1313, %sign3A_1319 : i32
      %sign3A_1321 = arith.extui %sign3A_1320 : i1 to i32
      %sign3A_1322 = arith.subi %sign3A_1318, %sign3A_1321 : i32
      %sign3A_1323 = arith.constant 0 : i32
      %sign3A_1324 = arith.cmpi sgt, %jit3A_1314, %sign3A_1323 : i32
      %sign3A_1325 = arith.extui %sign3A_1324 : i1 to i32
      %sign3A_1326 = arith.constant 0 : i32
      %sign3A_1327 = arith.cmpi slt, %jit3A_1314, %sign3A_1326 : i32
      %sign3A_1328 = arith.extui %sign3A_1327 : i1 to i32
      %sign3A_1329 = arith.subi %sign3A_1325, %sign3A_1328 : i32
      %ne3A_1330 = arith.cmpi ne, %sign3A_1322, %sign3A_1329 : i32
      %rem3A_1331 = arith.remsi %squeeze3A_1313, %jit3A_1314 : i32
      %ne3A_1332 = arith.constant 0 : i32
      %ne3A_1333 = arith.cmpi ne, %rem3A_1331, %ne3A_1332 : i32
      %and3A_1334 = arith.andi %ne3A_1330, %ne3A_1333 : i1
      %sub3A_1335 = arith.constant 1 : i32
      %sub3A_1336 = arith.subi %div3A_1315, %sub3A_1335 : i32
      %select_n3A_1337 = arith.select %and3A_1334, %sub3A_1336, %div3A_1315 : i32
      %ne3A_1338 = arith.cmpi ne, %select_n3A_1337, %select_n3A_1307 : i32
      %not3A_1339 = arith.constant true
      %not3A_1340 = arith.xori %or3A_1311, %not3A_1339 : i1
      %or3A_1341 = arith.ori %ne3A_1338, %not3A_1340 : i1
      %slice3A_1342 = vector.extract_strided_slice %get3A_531 {offsets = [11], sizes = [1], strides = [1]} : vector<16xi32> to vector<1xi32>
      %squeeze3A_1343 = vector.extract %slice3A_1342[0] : i32 from vector<1xi32>
      %jit3A_1344 = arith.constant 128 : i32
      %div3A_1345 = arith.divsi %squeeze3A_1343, %jit3A_1344 : i32
      %sign3A_1346 = arith.constant 0 : i32
      %sign3A_1347 = arith.cmpi sgt, %squeeze3A_1343, %sign3A_1346 : i32
      %sign3A_1348 = arith.extui %sign3A_1347 : i1 to i32
      %sign3A_1349 = arith.constant 0 : i32
      %sign3A_1350 = arith.cmpi slt, %squeeze3A_1343, %sign3A_1349 : i32
      %sign3A_1351 = arith.extui %sign3A_1350 : i1 to i32
      %sign3A_1352 = arith.subi %sign3A_1348, %sign3A_1351 : i32
      %sign3A_1353 = arith.constant 0 : i32
      %sign3A_1354 = arith.cmpi sgt, %jit3A_1344, %sign3A_1353 : i32
      %sign3A_1355 = arith.extui %sign3A_1354 : i1 to i32
      %sign3A_1356 = arith.constant 0 : i32
      %sign3A_1357 = arith.cmpi slt, %jit3A_1344, %sign3A_1356 : i32
      %sign3A_1358 = arith.extui %sign3A_1357 : i1 to i32
      %sign3A_1359 = arith.subi %sign3A_1355, %sign3A_1358 : i32
      %ne3A_1360 = arith.cmpi ne, %sign3A_1352, %sign3A_1359 : i32
      %rem3A_1361 = arith.remsi %squeeze3A_1343, %jit3A_1344 : i32
      %ne3A_1362 = arith.constant 0 : i32
      %ne3A_1363 = arith.cmpi ne, %rem3A_1361, %ne3A_1362 : i32
      %and3A_1364 = arith.andi %ne3A_1360, %ne3A_1363 : i1
      %sub3A_1365 = arith.constant 1 : i32
      %sub3A_1366 = arith.subi %div3A_1345, %sub3A_1365 : i32
      %select_n3A_1367 = arith.select %and3A_1364, %sub3A_1366, %div3A_1345 : i32
      %ne3A_1368 = arith.cmpi ne, %select_n3A_1367, %select_n3A_1337 : i32
      %not3A_1369 = arith.constant true
      %not3A_1370 = arith.xori %or3A_1341, %not3A_1369 : i1
      %or3A_1371 = arith.ori %ne3A_1368, %not3A_1370 : i1
      %slice3A_1372 = vector.extract_strided_slice %get3A_531 {offsets = [12], sizes = [1], strides = [1]} : vector<16xi32> to vector<1xi32>
      %squeeze3A_1373 = vector.extract %slice3A_1372[0] : i32 from vector<1xi32>
      %jit3A_1374 = arith.constant 128 : i32
      %div3A_1375 = arith.divsi %squeeze3A_1373, %jit3A_1374 : i32
      %sign3A_1376 = arith.constant 0 : i32
      %sign3A_1377 = arith.cmpi sgt, %squeeze3A_1373, %sign3A_1376 : i32
      %sign3A_1378 = arith.extui %sign3A_1377 : i1 to i32
      %sign3A_1379 = arith.constant 0 : i32
      %sign3A_1380 = arith.cmpi slt, %squeeze3A_1373, %sign3A_1379 : i32
      %sign3A_1381 = arith.extui %sign3A_1380 : i1 to i32
      %sign3A_1382 = arith.subi %sign3A_1378, %sign3A_1381 : i32
      %sign3A_1383 = arith.constant 0 : i32
      %sign3A_1384 = arith.cmpi sgt, %jit3A_1374, %sign3A_1383 : i32
      %sign3A_1385 = arith.extui %sign3A_1384 : i1 to i32
      %sign3A_1386 = arith.constant 0 : i32
      %sign3A_1387 = arith.cmpi slt, %jit3A_1374, %sign3A_1386 : i32
      %sign3A_1388 = arith.extui %sign3A_1387 : i1 to i32
      %sign3A_1389 = arith.subi %sign3A_1385, %sign3A_1388 : i32
      %ne3A_1390 = arith.cmpi ne, %sign3A_1382, %sign3A_1389 : i32
      %rem3A_1391 = arith.remsi %squeeze3A_1373, %jit3A_1374 : i32
      %ne3A_1392 = arith.constant 0 : i32
      %ne3A_1393 = arith.cmpi ne, %rem3A_1391, %ne3A_1392 : i32
      %and3A_1394 = arith.andi %ne3A_1390, %ne3A_1393 : i1
      %sub3A_1395 = arith.constant 1 : i32
      %sub3A_1396 = arith.subi %div3A_1375, %sub3A_1395 : i32
      %select_n3A_1397 = arith.select %and3A_1394, %sub3A_1396, %div3A_1375 : i32
      %ne3A_1398 = arith.cmpi ne, %select_n3A_1397, %select_n3A_1367 : i32
      %not3A_1399 = arith.constant true
      %not3A_1400 = arith.xori %or3A_1371, %not3A_1399 : i1
      %or3A_1401 = arith.ori %ne3A_1398, %not3A_1400 : i1
      %slice3A_1402 = vector.extract_strided_slice %get3A_531 {offsets = [13], sizes = [1], strides = [1]} : vector<16xi32> to vector<1xi32>
      %squeeze3A_1403 = vector.extract %slice3A_1402[0] : i32 from vector<1xi32>
      %jit3A_1404 = arith.constant 128 : i32
      %div3A_1405 = arith.divsi %squeeze3A_1403, %jit3A_1404 : i32
      %sign3A_1406 = arith.constant 0 : i32
      %sign3A_1407 = arith.cmpi sgt, %squeeze3A_1403, %sign3A_1406 : i32
      %sign3A_1408 = arith.extui %sign3A_1407 : i1 to i32
      %sign3A_1409 = arith.constant 0 : i32
      %sign3A_1410 = arith.cmpi slt, %squeeze3A_1403, %sign3A_1409 : i32
      %sign3A_1411 = arith.extui %sign3A_1410 : i1 to i32
      %sign3A_1412 = arith.subi %sign3A_1408, %sign3A_1411 : i32
      %sign3A_1413 = arith.constant 0 : i32
      %sign3A_1414 = arith.cmpi sgt, %jit3A_1404, %sign3A_1413 : i32
      %sign3A_1415 = arith.extui %sign3A_1414 : i1 to i32
      %sign3A_1416 = arith.constant 0 : i32
      %sign3A_1417 = arith.cmpi slt, %jit3A_1404, %sign3A_1416 : i32
      %sign3A_1418 = arith.extui %sign3A_1417 : i1 to i32
      %sign3A_1419 = arith.subi %sign3A_1415, %sign3A_1418 : i32
      %ne3A_1420 = arith.cmpi ne, %sign3A_1412, %sign3A_1419 : i32
      %rem3A_1421 = arith.remsi %squeeze3A_1403, %jit3A_1404 : i32
      %ne3A_1422 = arith.constant 0 : i32
      %ne3A_1423 = arith.cmpi ne, %rem3A_1421, %ne3A_1422 : i32
      %and3A_1424 = arith.andi %ne3A_1420, %ne3A_1423 : i1
      %sub3A_1425 = arith.constant 1 : i32
      %sub3A_1426 = arith.subi %div3A_1405, %sub3A_1425 : i32
      %select_n3A_1427 = arith.select %and3A_1424, %sub3A_1426, %div3A_1405 : i32
      %ne3A_1428 = arith.cmpi ne, %select_n3A_1427, %select_n3A_1397 : i32
      %not3A_1429 = arith.constant true
      %not3A_1430 = arith.xori %or3A_1401, %not3A_1429 : i1
      %or3A_1431 = arith.ori %ne3A_1428, %not3A_1430 : i1
      %slice3A_1432 = vector.extract_strided_slice %get3A_531 {offsets = [14], sizes = [1], strides = [1]} : vector<16xi32> to vector<1xi32>
      %squeeze3A_1433 = vector.extract %slice3A_1432[0] : i32 from vector<1xi32>
      %jit3A_1434 = arith.constant 128 : i32
      %div3A_1435 = arith.divsi %squeeze3A_1433, %jit3A_1434 : i32
      %sign3A_1436 = arith.constant 0 : i32
      %sign3A_1437 = arith.cmpi sgt, %squeeze3A_1433, %sign3A_1436 : i32
      %sign3A_1438 = arith.extui %sign3A_1437 : i1 to i32
      %sign3A_1439 = arith.constant 0 : i32
      %sign3A_1440 = arith.cmpi slt, %squeeze3A_1433, %sign3A_1439 : i32
      %sign3A_1441 = arith.extui %sign3A_1440 : i1 to i32
      %sign3A_1442 = arith.subi %sign3A_1438, %sign3A_1441 : i32
      %sign3A_1443 = arith.constant 0 : i32
      %sign3A_1444 = arith.cmpi sgt, %jit3A_1434, %sign3A_1443 : i32
      %sign3A_1445 = arith.extui %sign3A_1444 : i1 to i32
      %sign3A_1446 = arith.constant 0 : i32
      %sign3A_1447 = arith.cmpi slt, %jit3A_1434, %sign3A_1446 : i32
      %sign3A_1448 = arith.extui %sign3A_1447 : i1 to i32
      %sign3A_1449 = arith.subi %sign3A_1445, %sign3A_1448 : i32
      %ne3A_1450 = arith.cmpi ne, %sign3A_1442, %sign3A_1449 : i32
      %rem3A_1451 = arith.remsi %squeeze3A_1433, %jit3A_1434 : i32
      %ne3A_1452 = arith.constant 0 : i32
      %ne3A_1453 = arith.cmpi ne, %rem3A_1451, %ne3A_1452 : i32
      %and3A_1454 = arith.andi %ne3A_1450, %ne3A_1453 : i1
      %sub3A_1455 = arith.constant 1 : i32
      %sub3A_1456 = arith.subi %div3A_1435, %sub3A_1455 : i32
      %select_n3A_1457 = arith.select %and3A_1454, %sub3A_1456, %div3A_1435 : i32
      %ne3A_1458 = arith.cmpi ne, %select_n3A_1457, %select_n3A_1427 : i32
      %not3A_1459 = arith.constant true
      %not3A_1460 = arith.xori %or3A_1431, %not3A_1459 : i1
      %or3A_1461 = arith.ori %ne3A_1458, %not3A_1460 : i1
      %slice3A_1462 = vector.extract_strided_slice %get3A_531 {offsets = [15], sizes = [1], strides = [1]} : vector<16xi32> to vector<1xi32>
      %squeeze3A_1463 = vector.extract %slice3A_1462[0] : i32 from vector<1xi32>
      %jit3A_1464 = arith.constant 128 : i32
      %div3A_1465 = arith.divsi %squeeze3A_1463, %jit3A_1464 : i32
      %sign3A_1466 = arith.constant 0 : i32
      %sign3A_1467 = arith.cmpi sgt, %squeeze3A_1463, %sign3A_1466 : i32
      %sign3A_1468 = arith.extui %sign3A_1467 : i1 to i32
      %sign3A_1469 = arith.constant 0 : i32
      %sign3A_1470 = arith.cmpi slt, %squeeze3A_1463, %sign3A_1469 : i32
      %sign3A_1471 = arith.extui %sign3A_1470 : i1 to i32
      %sign3A_1472 = arith.subi %sign3A_1468, %sign3A_1471 : i32
      %sign3A_1473 = arith.constant 0 : i32
      %sign3A_1474 = arith.cmpi sgt, %jit3A_1464, %sign3A_1473 : i32
      %sign3A_1475 = arith.extui %sign3A_1474 : i1 to i32
      %sign3A_1476 = arith.constant 0 : i32
      %sign3A_1477 = arith.cmpi slt, %jit3A_1464, %sign3A_1476 : i32
      %sign3A_1478 = arith.extui %sign3A_1477 : i1 to i32
      %sign3A_1479 = arith.subi %sign3A_1475, %sign3A_1478 : i32
      %ne3A_1480 = arith.cmpi ne, %sign3A_1472, %sign3A_1479 : i32
      %rem3A_1481 = arith.remsi %squeeze3A_1463, %jit3A_1464 : i32
      %ne3A_1482 = arith.constant 0 : i32
      %ne3A_1483 = arith.cmpi ne, %rem3A_1481, %ne3A_1482 : i32
      %and3A_1484 = arith.andi %ne3A_1480, %ne3A_1483 : i1
      %sub3A_1485 = arith.constant 1 : i32
      %sub3A_1486 = arith.subi %div3A_1465, %sub3A_1485 : i32
      %select_n3A_1487 = arith.select %and3A_1484, %sub3A_1486, %div3A_1465 : i32
      %ne3A_1488 = arith.cmpi ne, %select_n3A_1487, %select_n3A_1457 : i32
      %not3A_1489 = arith.constant true
      %not3A_1490 = arith.xori %or3A_1461, %not3A_1489 : i1
      %or3A_1491 = arith.ori %ne3A_1488, %not3A_1490 : i1
      %add3A_1492 = arith.constant 1 : i32
      %add3A_1493 = arith.addi %scan3A_518, %add3A_1492 : i32
      %ge3A = arith.constant 8 : i32
      %ge3A_1494 = arith.cmpi sge, %add3A_1493, %ge3A : i32
      %convert_element_type3A_1495 = arith.extui %or3A_561 : i1 to i32
      %cond3A_1496 = arith.constant 0 : i32
      %cond3A_1497 = arith.cmpi ne, %convert_element_type3A_1495, %cond3A_1496 : i32
      scf.if %cond3A_1497 {
        %dma_wait3A_2330 = arith.constant 0 : i32
        %dma_wait3A_2331 = arith.constant 0 : i32
        %dma_wait3A_2332 = tpu.memref_slice %arg4[%dma_wait3A_2330, %dma_wait3A_2331] : memref<100x1000000xf32, #tpu.memory_space<hbm>> -> memref<100x128xf32, #tpu.memory_space<hbm>>
        %dma_wait3A_2333 = arith.constant 0 : i32
        %dma_wait3A_2334 = arith.constant 0 : i32
        %dma_wait3A_2335 = tpu.memref_slice %arg4[%dma_wait3A_2333, %dma_wait3A_2334] : memref<100x1000000xf32, #tpu.memory_space<hbm>> -> memref<100x128xf32, #tpu.memory_space<hbm>>
        tpu.wait_dma2 semaphore(%arg17 : memref<!tpu.dma_semaphore, #tpu.memory_space<semaphore_mem>>) src(%dma_wait3A_2335 : memref<100x128xf32, #tpu.memory_space<hbm>>) dst(%arg8 : memref<100x128xf32, #tpu.memory_space<vmem>>)
      } else {
      }
      %slice3A_1498 = vector.extract_strided_slice %get3A_524 {offsets = [0], sizes = [1], strides = [1]} : vector<16xi32> to vector<1xi32>
      %squeeze3A_1499 = vector.extract %slice3A_1498[0] : i32 from vector<1xi32>
      %mul3A_1500 = arith.constant 16 : i32
      %mul3A_1501 = arith.muli %scan3A_518, %mul3A_1500 : i32
      %add3A_1502 = arith.constant 0 : i32
      %add3A_1503 = arith.addi %mul3A_1501, %add3A_1502 : i32
      %jit3A_1504 = arith.constant 128 : i32
      %div3A_1505 = arith.divsi %squeeze3A_1499, %jit3A_1504 : i32
      %sign3A_1506 = arith.constant 0 : i32
      %sign3A_1507 = arith.cmpi sgt, %squeeze3A_1499, %sign3A_1506 : i32
      %sign3A_1508 = arith.extui %sign3A_1507 : i1 to i32
      %sign3A_1509 = arith.constant 0 : i32
      %sign3A_1510 = arith.cmpi slt, %squeeze3A_1499, %sign3A_1509 : i32
      %sign3A_1511 = arith.extui %sign3A_1510 : i1 to i32
      %sign3A_1512 = arith.subi %sign3A_1508, %sign3A_1511 : i32
      %sign3A_1513 = arith.constant 0 : i32
      %sign3A_1514 = arith.cmpi sgt, %jit3A_1504, %sign3A_1513 : i32
      %sign3A_1515 = arith.extui %sign3A_1514 : i1 to i32
      %sign3A_1516 = arith.constant 0 : i32
      %sign3A_1517 = arith.cmpi slt, %jit3A_1504, %sign3A_1516 : i32
      %sign3A_1518 = arith.extui %sign3A_1517 : i1 to i32
      %sign3A_1519 = arith.subi %sign3A_1515, %sign3A_1518 : i32
      %ne3A_1520 = arith.cmpi ne, %sign3A_1512, %sign3A_1519 : i32
      %rem3A_1521 = arith.remsi %squeeze3A_1499, %jit3A_1504 : i32
      %ne3A_1522 = arith.constant 0 : i32
      %ne3A_1523 = arith.cmpi ne, %rem3A_1521, %ne3A_1522 : i32
      %and3A_1524 = arith.andi %ne3A_1520, %ne3A_1523 : i1
      %sub3A_1525 = arith.constant 1 : i32
      %sub3A_1526 = arith.subi %div3A_1505, %sub3A_1525 : i32
      %select_n3A_1527 = arith.select %and3A_1524, %sub3A_1526, %div3A_1505 : i32
      %mul3A_1528 = arith.constant 128 : i32
      %mul3A_1529 = arith.muli %select_n3A_1527, %mul3A_1528 : i32
      %multiple_of3A = tpu.assume_multiple %mul3A_1529, 128 : i32
      %sub3A_1530 = arith.subi %squeeze3A_1499, %multiple_of3A : i32
      %broadcast_in_dim3A = vector.broadcast %sub3A_1530 : i32 to vector<16xi32>
      %convert_element_type3A_1531 = arith.extui %or3A_561 : i1 to i32
      %cond3A_1532 = arith.constant 0 : i32
      %cond3A_1533 = arith.cmpi ne, %convert_element_type3A_1531, %cond3A_1532 : i32
      scf.if %cond3A_1533 {
        %add3A_2330 = arith.constant 0 : i32
        %add3A_2331 = vector.broadcast %add3A_2330 : i32 to vector<16xi32>
        %add3A_2332 = arith.addi %iota3A, %add3A_2331 : vector<16xi32>
        %min3A_2333 = arith.constant 99 : i32
        %min3A_2334 = vector.broadcast %min3A_2333 : i32 to vector<16xi32>
        %min3A_2335 = arith.minsi %add3A_2332, %min3A_2334 : vector<16xi32>
        %gather3A = tpu.vector_load_idx %arg8[%min3A_2335, %broadcast_in_dim3A] : memref<100x128xf32, #tpu.memory_space<vmem>>[vector<16xi32>, vector<16xi32>], vector<16xf32>,
        %swap3A = arith.index_cast %add3A_1503 : i32 to index
        %swap3A_2336 = arith.constant 0 : index
        %swap3A_2337 = tpu.vector_load %arg16[%swap3A, %swap3A_2336] {strides = array<i32>} : memref<128x128xf32, #tpu.memory_space<vmem>>, vector<16xf32>,
        tpu.vector_store %arg16[%swap3A, %swap3A_2336], %gather3A {strides = array<i32>} : memref<128x128xf32, #tpu.memory_space<vmem>>, vector<16xf32>,
        %add3A_2338 = arith.constant 16 : i32
        %add3A_2339 = vector.broadcast %add3A_2338 : i32 to vector<16xi32>
        %add3A_2340 = arith.addi %iota3A, %add3A_2339 : vector<16xi32>
        %min3A_2341 = arith.constant 99 : i32
        %min3A_2342 = vector.broadcast %min3A_2341 : i32 to vector<16xi32>
        %min3A_2343 = arith.minsi %add3A_2340, %min3A_2342 : vector<16xi32>
        %gather3A_2344 = tpu.vector_load_idx %arg8[%min3A_2343, %broadcast_in_dim3A] : memref<100x128xf32, #tpu.memory_space<vmem>>[vector<16xi32>, vector<16xi32>], vector<16xf32>,
        %swap3A_2345 = arith.index_cast %add3A_1503 : i32 to index
        %swap3A_2346 = arith.constant 16 : index
        %swap3A_2347 = tpu.vector_load %arg16[%swap3A_2345, %swap3A_2346] {strides = array<i32>} : memref<128x128xf32, #tpu.memory_space<vmem>>, vector<16xf32>,
        tpu.vector_store %arg16[%swap3A_2345, %swap3A_2346], %gather3A_2344 {strides = array<i32>} : memref<128x128xf32, #tpu.memory_space<vmem>>, vector<16xf32>,
        %add3A_2348 = arith.constant 32 : i32
        %add3A_2349 = vector.broadcast %add3A_2348 : i32 to vector<16xi32>
        %add3A_2350 = arith.addi %iota3A, %add3A_2349 : vector<16xi32>
        %min3A_2351 = arith.constant 99 : i32
        %min3A_2352 = vector.broadcast %min3A_2351 : i32 to vector<16xi32>
        %min3A_2353 = arith.minsi %add3A_2350, %min3A_2352 : vector<16xi32>
        %gather3A_2354 = tpu.vector_load_idx %arg8[%min3A_2353, %broadcast_in_dim3A] : memref<100x128xf32, #tpu.memory_space<vmem>>[vector<16xi32>, vector<16xi32>], vector<16xf32>,
        %swap3A_2355 = arith.index_cast %add3A_1503 : i32 to index
        %swap3A_2356 = arith.constant 32 : index
        %swap3A_2357 = tpu.vector_load %arg16[%swap3A_2355, %swap3A_2356] {strides = array<i32>} : memref<128x128xf32, #tpu.memory_space<vmem>>, vector<16xf32>,
        tpu.vector_store %arg16[%swap3A_2355, %swap3A_2356], %gather3A_2354 {strides = array<i32>} : memref<128x128xf32, #tpu.memory_space<vmem>>, vector<16xf32>,
        %add3A_2358 = arith.constant 48 : i32
        %add3A_2359 = vector.broadcast %add3A_2358 : i32 to vector<16xi32>
        %add3A_2360 = arith.addi %iota3A, %add3A_2359 : vector<16xi32>
        %min3A_2361 = arith.constant 99 : i32
        %min3A_2362 = vector.broadcast %min3A_2361 : i32 to vector<16xi32>
        %min3A_2363 = arith.minsi %add3A_2360, %min3A_2362 : vector<16xi32>
        %gather3A_2364 = tpu.vector_load_idx %arg8[%min3A_2363, %broadcast_in_dim3A] : memref<100x128xf32, #tpu.memory_space<vmem>>[vector<16xi32>, vector<16xi32>], vector<16xf32>,
        %swap3A_2365 = arith.index_cast %add3A_1503 : i32 to index
        %swap3A_2366 = arith.constant 48 : index
        %swap3A_2367 = tpu.vector_load %arg16[%swap3A_2365, %swap3A_2366] {strides = array<i32>} : memref<128x128xf32, #tpu.memory_space<vmem>>, vector<16xf32>,
        tpu.vector_store %arg16[%swap3A_2365, %swap3A_2366], %gather3A_2364 {strides = array<i32>} : memref<128x128xf32, #tpu.memory_space<vmem>>, vector<16xf32>,
        %add3A_2368 = arith.constant 64 : i32
        %add3A_2369 = vector.broadcast %add3A_2368 : i32 to vector<16xi32>
        %add3A_2370 = arith.addi %iota3A, %add3A_2369 : vector<16xi32>
        %min3A_2371 = arith.constant 99 : i32
        %min3A_2372 = vector.broadcast %min3A_2371 : i32 to vector<16xi32>
        %min3A_2373 = arith.minsi %add3A_2370, %min3A_2372 : vector<16xi32>
        %gather3A_2374 = tpu.vector_load_idx %arg8[%min3A_2373, %broadcast_in_dim3A] : memref<100x128xf32, #tpu.memory_space<vmem>>[vector<16xi32>, vector<16xi32>], vector<16xf32>,
        %swap3A_2375 = arith.index_cast %add3A_1503 : i32 to index
        %swap3A_2376 = arith.constant 64 : index
        %swap3A_2377 = tpu.vector_load %arg16[%swap3A_2375, %swap3A_2376] {strides = array<i32>} : memref<128x128xf32, #tpu.memory_space<vmem>>, vector<16xf32>,
        tpu.vector_store %arg16[%swap3A_2375, %swap3A_2376], %gather3A_2374 {strides = array<i32>} : memref<128x128xf32, #tpu.memory_space<vmem>>, vector<16xf32>,
        %add3A_2378 = arith.constant 80 : i32
        %add3A_2379 = vector.broadcast %add3A_2378 : i32 to vector<16xi32>
        %add3A_2380 = arith.addi %iota3A, %add3A_2379 : vector<16xi32>
        %min3A_2381 = arith.constant 99 : i32
        %min3A_2382 = vector.broadcast %min3A_2381 : i32 to vector<16xi32>
        %min3A_2383 = arith.minsi %add3A_2380, %min3A_2382 : vector<16xi32>
        %gather3A_2384 = tpu.vector_load_idx %arg8[%min3A_2383, %broadcast_in_dim3A] : memref<100x128xf32, #tpu.memory_space<vmem>>[vector<16xi32>, vector<16xi32>], vector<16xf32>,
        %swap3A_2385 = arith.index_cast %add3A_1503 : i32 to index
        %swap3A_2386 = arith.constant 80 : index
        %swap3A_2387 = tpu.vector_load %arg16[%swap3A_2385, %swap3A_2386] {strides = array<i32>} : memref<128x128xf32, #tpu.memory_space<vmem>>, vector<16xf32>,
        tpu.vector_store %arg16[%swap3A_2385, %swap3A_2386], %gather3A_2384 {strides = array<i32>} : memref<128x128xf32, #tpu.memory_space<vmem>>, vector<16xf32>,
        %add3A_2388 = arith.constant 96 : i32
        %add3A_2389 = vector.broadcast %add3A_2388 : i32 to vector<16xi32>
        %add3A_2390 = arith.addi %iota3A, %add3A_2389 : vector<16xi32>
        %min3A_2391 = arith.constant 99 : i32
        %min3A_2392 = vector.broadcast %min3A_2391 : i32 to vector<16xi32>
        %min3A_2393 = arith.minsi %add3A_2390, %min3A_2392 : vector<16xi32>
        %gather3A_2394 = tpu.vector_load_idx %arg8[%min3A_2393, %broadcast_in_dim3A] : memref<100x128xf32, #tpu.memory_space<vmem>>[vector<16xi32>, vector<16xi32>], vector<16xf32>,
        %swap3A_2395 = arith.index_cast %add3A_1503 : i32 to index
        %swap3A_2396 = arith.constant 96 : index
        %swap3A_2397 = tpu.vector_load %arg16[%swap3A_2395, %swap3A_2396] {strides = array<i32>} : memref<128x128xf32, #tpu.memory_space<vmem>>, vector<16xf32>,
        tpu.vector_store %arg16[%swap3A_2395, %swap3A_2396], %gather3A_2394 {strides = array<i32>} : memref<128x128xf32, #tpu.memory_space<vmem>>, vector<16xf32>,
      } else {
      }
      %not3A_1534 = arith.constant true
      %not3A_1535 = arith.xori %or3A_561, %not3A_1534 : i1
      %convert_element_type3A_1536 = arith.extui %not3A_1535 : i1 to i32
      %cond3A_1537 = arith.constant 0 : i32
      %cond3A_1538 = arith.cmpi ne, %convert_element_type3A_1536, %cond3A_1537 : i32
      scf.if %cond3A_1538 {
        %add3A_2330 = arith.constant 0 : i32
        %add3A_2331 = vector.broadcast %add3A_2330 : i32 to vector<16xi32>
        %add3A_2332 = arith.addi %iota3A, %add3A_2331 : vector<16xi32>
        %min3A_2333 = arith.constant 99 : i32
        %min3A_2334 = vector.broadcast %min3A_2333 : i32 to vector<16xi32>
        %min3A_2335 = arith.minsi %add3A_2332, %min3A_2334 : vector<16xi32>
        %gather3A = tpu.vector_load_idx %arg15[%min3A_2335, %broadcast_in_dim3A] : memref<100x128xf32, #tpu.memory_space<vmem>>[vector<16xi32>, vector<16xi32>], vector<16xf32>,
        %swap3A = arith.index_cast %add3A_1503 : i32 to index
        %swap3A_2336 = arith.constant 0 : index
        %swap3A_2337 = tpu.vector_load %arg16[%swap3A, %swap3A_2336] {strides = array<i32>} : memref<128x128xf32, #tpu.memory_space<vmem>>, vector<16xf32>,
        tpu.vector_store %arg16[%swap3A, %swap3A_2336], %gather3A {strides = array<i32>} : memref<128x128xf32, #tpu.memory_space<vmem>>, vector<16xf32>,
        %add3A_2338 = arith.constant 16 : i32
        %add3A_2339 = vector.broadcast %add3A_2338 : i32 to vector<16xi32>
        %add3A_2340 = arith.addi %iota3A, %add3A_2339 : vector<16xi32>
        %min3A_2341 = arith.constant 99 : i32
        %min3A_2342 = vector.broadcast %min3A_2341 : i32 to vector<16xi32>
        %min3A_2343 = arith.minsi %add3A_2340, %min3A_2342 : vector<16xi32>
        %gather3A_2344 = tpu.vector_load_idx %arg15[%min3A_2343, %broadcast_in_dim3A] : memref<100x128xf32, #tpu.memory_space<vmem>>[vector<16xi32>, vector<16xi32>], vector<16xf32>,
        %swap3A_2345 = arith.index_cast %add3A_1503 : i32 to index
        %swap3A_2346 = arith.constant 16 : index
        %swap3A_2347 = tpu.vector_load %arg16[%swap3A_2345, %swap3A_2346] {strides = array<i32>} : memref<128x128xf32, #tpu.memory_space<vmem>>, vector<16xf32>,
        tpu.vector_store %arg16[%swap3A_2345, %swap3A_2346], %gather3A_2344 {strides = array<i32>} : memref<128x128xf32, #tpu.memory_space<vmem>>, vector<16xf32>,
        %add3A_2348 = arith.constant 32 : i32
        %add3A_2349 = vector.broadcast %add3A_2348 : i32 to vector<16xi32>
        %add3A_2350 = arith.addi %iota3A, %add3A_2349 : vector<16xi32>
        %min3A_2351 = arith.constant 99 : i32
        %min3A_2352 = vector.broadcast %min3A_2351 : i32 to vector<16xi32>
        %min3A_2353 = arith.minsi %add3A_2350, %min3A_2352 : vector<16xi32>
        %gather3A_2354 = tpu.vector_load_idx %arg15[%min3A_2353, %broadcast_in_dim3A] : memref<100x128xf32, #tpu.memory_space<vmem>>[vector<16xi32>, vector<16xi32>], vector<16xf32>,
        %swap3A_2355 = arith.index_cast %add3A_1503 : i32 to index
        %swap3A_2356 = arith.constant 32 : index
        %swap3A_2357 = tpu.vector_load %arg16[%swap3A_2355, %swap3A_2356] {strides = array<i32>} : memref<128x128xf32, #tpu.memory_space<vmem>>, vector<16xf32>,
        tpu.vector_store %arg16[%swap3A_2355, %swap3A_2356], %gather3A_2354 {strides = array<i32>} : memref<128x128xf32, #tpu.memory_space<vmem>>, vector<16xf32>,
        %add3A_2358 = arith.constant 48 : i32
        %add3A_2359 = vector.broadcast %add3A_2358 : i32 to vector<16xi32>
        %add3A_2360 = arith.addi %iota3A, %add3A_2359 : vector<16xi32>
        %min3A_2361 = arith.constant 99 : i32
        %min3A_2362 = vector.broadcast %min3A_2361 : i32 to vector<16xi32>
        %min3A_2363 = arith.minsi %add3A_2360, %min3A_2362 : vector<16xi32>
        %gather3A_2364 = tpu.vector_load_idx %arg15[%min3A_2363, %broadcast_in_dim3A] : memref<100x128xf32, #tpu.memory_space<vmem>>[vector<16xi32>, vector<16xi32>], vector<16xf32>,
        %swap3A_2365 = arith.index_cast %add3A_1503 : i32 to index
        %swap3A_2366 = arith.constant 48 : index
        %swap3A_2367 = tpu.vector_load %arg16[%swap3A_2365, %swap3A_2366] {strides = array<i32>} : memref<128x128xf32, #tpu.memory_space<vmem>>, vector<16xf32>,
        tpu.vector_store %arg16[%swap3A_2365, %swap3A_2366], %gather3A_2364 {strides = array<i32>} : memref<128x128xf32, #tpu.memory_space<vmem>>, vector<16xf32>,
        %add3A_2368 = arith.constant 64 : i32
        %add3A_2369 = vector.broadcast %add3A_2368 : i32 to vector<16xi32>
        %add3A_2370 = arith.addi %iota3A, %add3A_2369 : vector<16xi32>
        %min3A_2371 = arith.constant 99 : i32
        %min3A_2372 = vector.broadcast %min3A_2371 : i32 to vector<16xi32>
        %min3A_2373 = arith.minsi %add3A_2370, %min3A_2372 : vector<16xi32>
        %gather3A_2374 = tpu.vector_load_idx %arg15[%min3A_2373, %broadcast_in_dim3A] : memref<100x128xf32, #tpu.memory_space<vmem>>[vector<16xi32>, vector<16xi32>], vector<16xf32>,
        %swap3A_2375 = arith.index_cast %add3A_1503 : i32 to index
        %swap3A_2376 = arith.constant 64 : index
        %swap3A_2377 = tpu.vector_load %arg16[%swap3A_2375, %swap3A_2376] {strides = array<i32>} : memref<128x128xf32, #tpu.memory_space<vmem>>, vector<16xf32>,
        tpu.vector_store %arg16[%swap3A_2375, %swap3A_2376], %gather3A_2374 {strides = array<i32>} : memref<128x128xf32, #tpu.memory_space<vmem>>, vector<16xf32>,
        %add3A_2378 = arith.constant 80 : i32
        %add3A_2379 = vector.broadcast %add3A_2378 : i32 to vector<16xi32>
        %add3A_2380 = arith.addi %iota3A, %add3A_2379 : vector<16xi32>
        %min3A_2381 = arith.constant 99 : i32
        %min3A_2382 = vector.broadcast %min3A_2381 : i32 to vector<16xi32>
        %min3A_2383 = arith.minsi %add3A_2380, %min3A_2382 : vector<16xi32>
        %gather3A_2384 = tpu.vector_load_idx %arg15[%min3A_2383, %broadcast_in_dim3A] : memref<100x128xf32, #tpu.memory_space<vmem>>[vector<16xi32>, vector<16xi32>], vector<16xf32>,
        %swap3A_2385 = arith.index_cast %add3A_1503 : i32 to index
        %swap3A_2386 = arith.constant 80 : index
        %swap3A_2387 = tpu.vector_load %arg16[%swap3A_2385, %swap3A_2386] {strides = array<i32>} : memref<128x128xf32, #tpu.memory_space<vmem>>, vector<16xf32>,
        tpu.vector_store %arg16[%swap3A_2385, %swap3A_2386], %gather3A_2384 {strides = array<i32>} : memref<128x128xf32, #tpu.memory_space<vmem>>, vector<16xf32>,
        %add3A_2388 = arith.constant 96 : i32
        %add3A_2389 = vector.broadcast %add3A_2388 : i32 to vector<16xi32>
        %add3A_2390 = arith.addi %iota3A, %add3A_2389 : vector<16xi32>
        %min3A_2391 = arith.constant 99 : i32
        %min3A_2392 = vector.broadcast %min3A_2391 : i32 to vector<16xi32>
        %min3A_2393 = arith.minsi %add3A_2390, %min3A_2392 : vector<16xi32>
        %gather3A_2394 = tpu.vector_load_idx %arg15[%min3A_2393, %broadcast_in_dim3A] : memref<100x128xf32, #tpu.memory_space<vmem>>[vector<16xi32>, vector<16xi32>], vector<16xf32>,
        %swap3A_2395 = arith.index_cast %add3A_1503 : i32 to index
        %swap3A_2396 = arith.constant 96 : index
        %swap3A_2397 = tpu.vector_load %arg16[%swap3A_2395, %swap3A_2396] {strides = array<i32>} : memref<128x128xf32, #tpu.memory_space<vmem>>, vector<16xf32>,
        tpu.vector_store %arg16[%swap3A_2395, %swap3A_2396], %gather3A_2394 {strides = array<i32>} : memref<128x128xf32, #tpu.memory_space<vmem>>, vector<16xf32>,
      } else {
      }
      %slice3A_1539 = vector.extract_strided_slice %get3A_524 {offsets = [7], sizes = [1], strides = [1]} : vector<16xi32> to vector<1xi32>
      %squeeze3A_1540 = vector.extract %slice3A_1539[0] : i32 from vector<1xi32>
      %convert_element_type3A_1541 = arith.extui %or3A_771 : i1 to i32
      %cond3A_1542 = arith.constant 0 : i32
      %cond3A_1543 = arith.cmpi ne, %convert_element_type3A_1541, %cond3A_1542 : i32
      scf.if %cond3A_1543 {
        %jit3A_2330 = arith.constant 128 : i32
        %div3A_2331 = arith.divsi %squeeze3A_1540, %jit3A_2330 : i32
        %sign3A_2332 = arith.constant 0 : i32
        %sign3A_2333 = arith.cmpi sgt, %squeeze3A_1540, %sign3A_2332 : i32
        %sign3A_2334 = arith.extui %sign3A_2333 : i1 to i32
        %sign3A_2335 = arith.constant 0 : i32
        %sign3A_2336 = arith.cmpi slt, %squeeze3A_1540, %sign3A_2335 : i32
        %sign3A_2337 = arith.extui %sign3A_2336 : i1 to i32
        %sign3A_2338 = arith.subi %sign3A_2334, %sign3A_2337 : i32
        %sign3A_2339 = arith.constant 0 : i32
        %sign3A_2340 = arith.cmpi sgt, %jit3A_2330, %sign3A_2339 : i32
        %sign3A_2341 = arith.extui %sign3A_2340 : i1 to i32
        %sign3A_2342 = arith.constant 0 : i32
        %sign3A_2343 = arith.cmpi slt, %jit3A_2330, %sign3A_2342 : i32
        %sign3A_2344 = arith.extui %sign3A_2343 : i1 to i32
        %sign3A_2345 = arith.subi %sign3A_2341, %sign3A_2344 : i32
        %ne3A_2346 = arith.cmpi ne, %sign3A_2338, %sign3A_2345 : i32
        %rem3A_2347 = arith.remsi %squeeze3A_1540, %jit3A_2330 : i32
        %ne3A_2348 = arith.constant 0 : i32
        %ne3A_2349 = arith.cmpi ne, %rem3A_2347, %ne3A_2348 : i32
        %and3A_2350 = arith.andi %ne3A_2346, %ne3A_2349 : i1
        %sub3A_2351 = arith.constant 1 : i32
        %sub3A_2352 = arith.subi %div3A_2331, %sub3A_2351 : i32
        %select_n3A_2353 = arith.select %and3A_2350, %sub3A_2352, %div3A_2331 : i32
        %mul3A_2354 = arith.constant 128 : i32
        %mul3A_2355 = arith.muli %select_n3A_2353, %mul3A_2354 : i32
        %multiple_of3A_2356 = tpu.assume_multiple %mul3A_2355, 128 : i32
        %dma_start3A_2357 = arith.constant 0 : i32
        %dma_start3A_2358 = tpu.memref_slice %arg4[%dma_start3A_2357, %multiple_of3A_2356] : memref<100x1000000xf32, #tpu.memory_space<hbm>> -> memref<100x128xf32, #tpu.memory_space<hbm>>
        %dma_start3A_2359 = arith.constant 0 : i32
        %dma_start3A_2360 = tpu.memref_slice %arg4[%dma_start3A_2359, %multiple_of3A_2356] : memref<100x1000000xf32, #tpu.memory_space<hbm>> -> memref<100x128xf32, #tpu.memory_space<hbm>>
        tpu.enqueue_dma source(%dma_start3A_2360 : memref<100x128xf32, #tpu.memory_space<hbm>>) target(%arg15 : memref<100x128xf32, #tpu.memory_space<vmem>>) target_semaphore(%arg24 : memref<!tpu.dma_semaphore, #tpu.memory_space<semaphore_mem>>)
      } else {
      }
      %convert_element_type3A_1544 = arith.extui %or3A_591 : i1 to i32
      %cond3A_1545 = arith.constant 0 : i32
      %cond3A_1546 = arith.cmpi ne, %convert_element_type3A_1544, %cond3A_1545 : i32
      scf.if %cond3A_1546 {
        %dma_wait3A_2330 = arith.constant 0 : i32
        %dma_wait3A_2331 = arith.constant 0 : i32
        %dma_wait3A_2332 = tpu.memref_slice %arg4[%dma_wait3A_2330, %dma_wait3A_2331] : memref<100x1000000xf32, #tpu.memory_space<hbm>> -> memref<100x128xf32, #tpu.memory_space<hbm>>
        %dma_wait3A_2333 = arith.constant 0 : i32
        %dma_wait3A_2334 = arith.constant 0 : i32
        %dma_wait3A_2335 = tpu.memref_slice %arg4[%dma_wait3A_2333, %dma_wait3A_2334] : memref<100x1000000xf32, #tpu.memory_space<hbm>> -> memref<100x128xf32, #tpu.memory_space<hbm>>
        tpu.wait_dma2 semaphore(%arg18 : memref<!tpu.dma_semaphore, #tpu.memory_space<semaphore_mem>>) src(%dma_wait3A_2335 : memref<100x128xf32, #tpu.memory_space<hbm>>) dst(%arg9 : memref<100x128xf32, #tpu.memory_space<vmem>>)
      } else {
      }
      %slice3A_1547 = vector.extract_strided_slice %get3A_524 {offsets = [1], sizes = [1], strides = [1]} : vector<16xi32> to vector<1xi32>
      %squeeze3A_1548 = vector.extract %slice3A_1547[0] : i32 from vector<1xi32>
      %mul3A_1549 = arith.constant 16 : i32
      %mul3A_1550 = arith.muli %scan3A_518, %mul3A_1549 : i32
      %add3A_1551 = arith.constant 1 : i32
      %add3A_1552 = arith.addi %mul3A_1550, %add3A_1551 : i32
      %jit3A_1553 = arith.constant 128 : i32
      %div3A_1554 = arith.divsi %squeeze3A_1548, %jit3A_1553 : i32
      %sign3A_1555 = arith.constant 0 : i32
      %sign3A_1556 = arith.cmpi sgt, %squeeze3A_1548, %sign3A_1555 : i32
      %sign3A_1557 = arith.extui %sign3A_1556 : i1 to i32
      %sign3A_1558 = arith.constant 0 : i32
      %sign3A_1559 = arith.cmpi slt, %squeeze3A_1548, %sign3A_1558 : i32
      %sign3A_1560 = arith.extui %sign3A_1559 : i1 to i32
      %sign3A_1561 = arith.subi %sign3A_1557, %sign3A_1560 : i32
      %sign3A_1562 = arith.constant 0 : i32
      %sign3A_1563 = arith.cmpi sgt, %jit3A_1553, %sign3A_1562 : i32
      %sign3A_1564 = arith.extui %sign3A_1563 : i1 to i32
      %sign3A_1565 = arith.constant 0 : i32
      %sign3A_1566 = arith.cmpi slt, %jit3A_1553, %sign3A_1565 : i32
      %sign3A_1567 = arith.extui %sign3A_1566 : i1 to i32
      %sign3A_1568 = arith.subi %sign3A_1564, %sign3A_1567 : i32
      %ne3A_1569 = arith.cmpi ne, %sign3A_1561, %sign3A_1568 : i32
      %rem3A_1570 = arith.remsi %squeeze3A_1548, %jit3A_1553 : i32
      %ne3A_1571 = arith.constant 0 : i32
      %ne3A_1572 = arith.cmpi ne, %rem3A_1570, %ne3A_1571 : i32
      %and3A_1573 = arith.andi %ne3A_1569, %ne3A_1572 : i1
      %sub3A_1574 = arith.constant 1 : i32
      %sub3A_1575 = arith.subi %div3A_1554, %sub3A_1574 : i32
      %select_n3A_1576 = arith.select %and3A_1573, %sub3A_1575, %div3A_1554 : i32
      %mul3A_1577 = arith.constant 128 : i32
      %mul3A_1578 = arith.muli %select_n3A_1576, %mul3A_1577 : i32
      %multiple_of3A_1579 = tpu.assume_multiple %mul3A_1578, 128 : i32
      %sub3A_1580 = arith.subi %squeeze3A_1548, %multiple_of3A_1579 : i32
      %broadcast_in_dim3A_1581 = vector.broadcast %sub3A_1580 : i32 to vector<16xi32>
      %convert_element_type3A_1582 = arith.extui %or3A_591 : i1 to i32
      %cond3A_1583 = arith.constant 0 : i32
      %cond3A_1584 = arith.cmpi ne, %convert_element_type3A_1582, %cond3A_1583 : i32
      scf.if %cond3A_1584 {
        %add3A_2330 = arith.constant 0 : i32
        %add3A_2331 = vector.broadcast %add3A_2330 : i32 to vector<16xi32>
        %add3A_2332 = arith.addi %iota3A, %add3A_2331 : vector<16xi32>
        %min3A_2333 = arith.constant 99 : i32
        %min3A_2334 = vector.broadcast %min3A_2333 : i32 to vector<16xi32>
        %min3A_2335 = arith.minsi %add3A_2332, %min3A_2334 : vector<16xi32>
        %gather3A = tpu.vector_load_idx %arg9[%min3A_2335, %broadcast_in_dim3A_1581] : memref<100x128xf32, #tpu.memory_space<vmem>>[vector<16xi32>, vector<16xi32>], vector<16xf32>,
        %swap3A = arith.index_cast %add3A_1552 : i32 to index
        %swap3A_2336 = arith.constant 0 : index
        %swap3A_2337 = tpu.vector_load %arg16[%swap3A, %swap3A_2336] {strides = array<i32>} : memref<128x128xf32, #tpu.memory_space<vmem>>, vector<16xf32>,
        tpu.vector_store %arg16[%swap3A, %swap3A_2336], %gather3A {strides = array<i32>} : memref<128x128xf32, #tpu.memory_space<vmem>>, vector<16xf32>,
        %add3A_2338 = arith.constant 16 : i32
        %add3A_2339 = vector.broadcast %add3A_2338 : i32 to vector<16xi32>
        %add3A_2340 = arith.addi %iota3A, %add3A_2339 : vector<16xi32>
        %min3A_2341 = arith.constant 99 : i32
        %min3A_2342 = vector.broadcast %min3A_2341 : i32 to vector<16xi32>
        %min3A_2343 = arith.minsi %add3A_2340, %min3A_2342 : vector<16xi32>
        %gather3A_2344 = tpu.vector_load_idx %arg9[%min3A_2343, %broadcast_in_dim3A_1581] : memref<100x128xf32, #tpu.memory_space<vmem>>[vector<16xi32>, vector<16xi32>], vector<16xf32>,
        %swap3A_2345 = arith.index_cast %add3A_1552 : i32 to index
        %swap3A_2346 = arith.constant 16 : index
        %swap3A_2347 = tpu.vector_load %arg16[%swap3A_2345, %swap3A_2346] {strides = array<i32>} : memref<128x128xf32, #tpu.memory_space<vmem>>, vector<16xf32>,
        tpu.vector_store %arg16[%swap3A_2345, %swap3A_2346], %gather3A_2344 {strides = array<i32>} : memref<128x128xf32, #tpu.memory_space<vmem>>, vector<16xf32>,
        %add3A_2348 = arith.constant 32 : i32
        %add3A_2349 = vector.broadcast %add3A_2348 : i32 to vector<16xi32>
        %add3A_2350 = arith.addi %iota3A, %add3A_2349 : vector<16xi32>
        %min3A_2351 = arith.constant 99 : i32
        %min3A_2352 = vector.broadcast %min3A_2351 : i32 to vector<16xi32>
        %min3A_2353 = arith.minsi %add3A_2350, %min3A_2352 : vector<16xi32>
        %gather3A_2354 = tpu.vector_load_idx %arg9[%min3A_2353, %broadcast_in_dim3A_1581] : memref<100x128xf32, #tpu.memory_space<vmem>>[vector<16xi32>, vector<16xi32>], vector<16xf32>,
        %swap3A_2355 = arith.index_cast %add3A_1552 : i32 to index
        %swap3A_2356 = arith.constant 32 : index
        %swap3A_2357 = tpu.vector_load %arg16[%swap3A_2355, %swap3A_2356] {strides = array<i32>} : memref<128x128xf32, #tpu.memory_space<vmem>>, vector<16xf32>,
        tpu.vector_store %arg16[%swap3A_2355, %swap3A_2356], %gather3A_2354 {strides = array<i32>} : memref<128x128xf32, #tpu.memory_space<vmem>>, vector<16xf32>,
        %add3A_2358 = arith.constant 48 : i32
        %add3A_2359 = vector.broadcast %add3A_2358 : i32 to vector<16xi32>
        %add3A_2360 = arith.addi %iota3A, %add3A_2359 : vector<16xi32>
        %min3A_2361 = arith.constant 99 : i32
        %min3A_2362 = vector.broadcast %min3A_2361 : i32 to vector<16xi32>
        %min3A_2363 = arith.minsi %add3A_2360, %min3A_2362 : vector<16xi32>
        %gather3A_2364 = tpu.vector_load_idx %arg9[%min3A_2363, %broadcast_in_dim3A_1581] : memref<100x128xf32, #tpu.memory_space<vmem>>[vector<16xi32>, vector<16xi32>], vector<16xf32>,
        %swap3A_2365 = arith.index_cast %add3A_1552 : i32 to index
        %swap3A_2366 = arith.constant 48 : index
        %swap3A_2367 = tpu.vector_load %arg16[%swap3A_2365, %swap3A_2366] {strides = array<i32>} : memref<128x128xf32, #tpu.memory_space<vmem>>, vector<16xf32>,
        tpu.vector_store %arg16[%swap3A_2365, %swap3A_2366], %gather3A_2364 {strides = array<i32>} : memref<128x128xf32, #tpu.memory_space<vmem>>, vector<16xf32>,
        %add3A_2368 = arith.constant 64 : i32
        %add3A_2369 = vector.broadcast %add3A_2368 : i32 to vector<16xi32>
        %add3A_2370 = arith.addi %iota3A, %add3A_2369 : vector<16xi32>
        %min3A_2371 = arith.constant 99 : i32
        %min3A_2372 = vector.broadcast %min3A_2371 : i32 to vector<16xi32>
        %min3A_2373 = arith.minsi %add3A_2370, %min3A_2372 : vector<16xi32>
        %gather3A_2374 = tpu.vector_load_idx %arg9[%min3A_2373, %broadcast_in_dim3A_1581] : memref<100x128xf32, #tpu.memory_space<vmem>>[vector<16xi32>, vector<16xi32>], vector<16xf32>,
        %swap3A_2375 = arith.index_cast %add3A_1552 : i32 to index
        %swap3A_2376 = arith.constant 64 : index
        %swap3A_2377 = tpu.vector_load %arg16[%swap3A_2375, %swap3A_2376] {strides = array<i32>} : memref<128x128xf32, #tpu.memory_space<vmem>>, vector<16xf32>,
        tpu.vector_store %arg16[%swap3A_2375, %swap3A_2376], %gather3A_2374 {strides = array<i32>} : memref<128x128xf32, #tpu.memory_space<vmem>>, vector<16xf32>,
        %add3A_2378 = arith.constant 80 : i32
        %add3A_2379 = vector.broadcast %add3A_2378 : i32 to vector<16xi32>
        %add3A_2380 = arith.addi %iota3A, %add3A_2379 : vector<16xi32>
        %min3A_2381 = arith.constant 99 : i32
        %min3A_2382 = vector.broadcast %min3A_2381 : i32 to vector<16xi32>
        %min3A_2383 = arith.minsi %add3A_2380, %min3A_2382 : vector<16xi32>
        %gather3A_2384 = tpu.vector_load_idx %arg9[%min3A_2383, %broadcast_in_dim3A_1581] : memref<100x128xf32, #tpu.memory_space<vmem>>[vector<16xi32>, vector<16xi32>], vector<16xf32>,
        %swap3A_2385 = arith.index_cast %add3A_1552 : i32 to index
        %swap3A_2386 = arith.constant 80 : index
        %swap3A_2387 = tpu.vector_load %arg16[%swap3A_2385, %swap3A_2386] {strides = array<i32>} : memref<128x128xf32, #tpu.memory_space<vmem>>, vector<16xf32>,
        tpu.vector_store %arg16[%swap3A_2385, %swap3A_2386], %gather3A_2384 {strides = array<i32>} : memref<128x128xf32, #tpu.memory_space<vmem>>, vector<16xf32>,
        %add3A_2388 = arith.constant 96 : i32
        %add3A_2389 = vector.broadcast %add3A_2388 : i32 to vector<16xi32>
        %add3A_2390 = arith.addi %iota3A, %add3A_2389 : vector<16xi32>
        %min3A_2391 = arith.constant 99 : i32
        %min3A_2392 = vector.broadcast %min3A_2391 : i32 to vector<16xi32>
        %min3A_2393 = arith.minsi %add3A_2390, %min3A_2392 : vector<16xi32>
        %gather3A_2394 = tpu.vector_load_idx %arg9[%min3A_2393, %broadcast_in_dim3A_1581] : memref<100x128xf32, #tpu.memory_space<vmem>>[vector<16xi32>, vector<16xi32>], vector<16xf32>,
        %swap3A_2395 = arith.index_cast %add3A_1552 : i32 to index
        %swap3A_2396 = arith.constant 96 : index
        %swap3A_2397 = tpu.vector_load %arg16[%swap3A_2395, %swap3A_2396] {strides = array<i32>} : memref<128x128xf32, #tpu.memory_space<vmem>>, vector<16xf32>,
        tpu.vector_store %arg16[%swap3A_2395, %swap3A_2396], %gather3A_2394 {strides = array<i32>} : memref<128x128xf32, #tpu.memory_space<vmem>>, vector<16xf32>,
      } else {
      }
      %not3A_1585 = arith.constant true
      %not3A_1586 = arith.xori %or3A_591, %not3A_1585 : i1
      %convert_element_type3A_1587 = arith.extui %not3A_1586 : i1 to i32
      %cond3A_1588 = arith.constant 0 : i32
      %cond3A_1589 = arith.cmpi ne, %convert_element_type3A_1587, %cond3A_1588 : i32
      scf.if %cond3A_1589 {
        %add3A_2330 = arith.constant 0 : i32
        %add3A_2331 = vector.broadcast %add3A_2330 : i32 to vector<16xi32>
        %add3A_2332 = arith.addi %iota3A, %add3A_2331 : vector<16xi32>
        %min3A_2333 = arith.constant 99 : i32
        %min3A_2334 = vector.broadcast %min3A_2333 : i32 to vector<16xi32>
        %min3A_2335 = arith.minsi %add3A_2332, %min3A_2334 : vector<16xi32>
        %gather3A = tpu.vector_load_idx %arg8[%min3A_2335, %broadcast_in_dim3A_1581] : memref<100x128xf32, #tpu.memory_space<vmem>>[vector<16xi32>, vector<16xi32>], vector<16xf32>,
        %swap3A = arith.index_cast %add3A_1552 : i32 to index
        %swap3A_2336 = arith.constant 0 : index
        %swap3A_2337 = tpu.vector_load %arg16[%swap3A, %swap3A_2336] {strides = array<i32>} : memref<128x128xf32, #tpu.memory_space<vmem>>, vector<16xf32>,
        tpu.vector_store %arg16[%swap3A, %swap3A_2336], %gather3A {strides = array<i32>} : memref<128x128xf32, #tpu.memory_space<vmem>>, vector<16xf32>,
        %add3A_2338 = arith.constant 16 : i32
        %add3A_2339 = vector.broadcast %add3A_2338 : i32 to vector<16xi32>
        %add3A_2340 = arith.addi %iota3A, %add3A_2339 : vector<16xi32>
        %min3A_2341 = arith.constant 99 : i32
        %min3A_2342 = vector.broadcast %min3A_2341 : i32 to vector<16xi32>
        %min3A_2343 = arith.minsi %add3A_2340, %min3A_2342 : vector<16xi32>
        %gather3A_2344 = tpu.vector_load_idx %arg8[%min3A_2343, %broadcast_in_dim3A_1581] : memref<100x128xf32, #tpu.memory_space<vmem>>[vector<16xi32>, vector<16xi32>], vector<16xf32>,
        %swap3A_2345 = arith.index_cast %add3A_1552 : i32 to index
        %swap3A_2346 = arith.constant 16 : index
        %swap3A_2347 = tpu.vector_load %arg16[%swap3A_2345, %swap3A_2346] {strides = array<i32>} : memref<128x128xf32, #tpu.memory_space<vmem>>, vector<16xf32>,
        tpu.vector_store %arg16[%swap3A_2345, %swap3A_2346], %gather3A_2344 {strides = array<i32>} : memref<128x128xf32, #tpu.memory_space<vmem>>, vector<16xf32>,
        %add3A_2348 = arith.constant 32 : i32
        %add3A_2349 = vector.broadcast %add3A_2348 : i32 to vector<16xi32>
        %add3A_2350 = arith.addi %iota3A, %add3A_2349 : vector<16xi32>
        %min3A_2351 = arith.constant 99 : i32
        %min3A_2352 = vector.broadcast %min3A_2351 : i32 to vector<16xi32>
        %min3A_2353 = arith.minsi %add3A_2350, %min3A_2352 : vector<16xi32>
        %gather3A_2354 = tpu.vector_load_idx %arg8[%min3A_2353, %broadcast_in_dim3A_1581] : memref<100x128xf32, #tpu.memory_space<vmem>>[vector<16xi32>, vector<16xi32>], vector<16xf32>,
        %swap3A_2355 = arith.index_cast %add3A_1552 : i32 to index
        %swap3A_2356 = arith.constant 32 : index
        %swap3A_2357 = tpu.vector_load %arg16[%swap3A_2355, %swap3A_2356] {strides = array<i32>} : memref<128x128xf32, #tpu.memory_space<vmem>>, vector<16xf32>,
        tpu.vector_store %arg16[%swap3A_2355, %swap3A_2356], %gather3A_2354 {strides = array<i32>} : memref<128x128xf32, #tpu.memory_space<vmem>>, vector<16xf32>,
        %add3A_2358 = arith.constant 48 : i32
        %add3A_2359 = vector.broadcast %add3A_2358 : i32 to vector<16xi32>
        %add3A_2360 = arith.addi %iota3A, %add3A_2359 : vector<16xi32>
        %min3A_2361 = arith.constant 99 : i32
        %min3A_2362 = vector.broadcast %min3A_2361 : i32 to vector<16xi32>
        %min3A_2363 = arith.minsi %add3A_2360, %min3A_2362 : vector<16xi32>
        %gather3A_2364 = tpu.vector_load_idx %arg8[%min3A_2363, %broadcast_in_dim3A_1581] : memref<100x128xf32, #tpu.memory_space<vmem>>[vector<16xi32>, vector<16xi32>], vector<16xf32>,
        %swap3A_2365 = arith.index_cast %add3A_1552 : i32 to index
        %swap3A_2366 = arith.constant 48 : index
        %swap3A_2367 = tpu.vector_load %arg16[%swap3A_2365, %swap3A_2366] {strides = array<i32>} : memref<128x128xf32, #tpu.memory_space<vmem>>, vector<16xf32>,
        tpu.vector_store %arg16[%swap3A_2365, %swap3A_2366], %gather3A_2364 {strides = array<i32>} : memref<128x128xf32, #tpu.memory_space<vmem>>, vector<16xf32>,
        %add3A_2368 = arith.constant 64 : i32
        %add3A_2369 = vector.broadcast %add3A_2368 : i32 to vector<16xi32>
        %add3A_2370 = arith.addi %iota3A, %add3A_2369 : vector<16xi32>
        %min3A_2371 = arith.constant 99 : i32
        %min3A_2372 = vector.broadcast %min3A_2371 : i32 to vector<16xi32>
        %min3A_2373 = arith.minsi %add3A_2370, %min3A_2372 : vector<16xi32>
        %gather3A_2374 = tpu.vector_load_idx %arg8[%min3A_2373, %broadcast_in_dim3A_1581] : memref<100x128xf32, #tpu.memory_space<vmem>>[vector<16xi32>, vector<16xi32>], vector<16xf32>,
        %swap3A_2375 = arith.index_cast %add3A_1552 : i32 to index
        %swap3A_2376 = arith.constant 64 : index
        %swap3A_2377 = tpu.vector_load %arg16[%swap3A_2375, %swap3A_2376] {strides = array<i32>} : memref<128x128xf32, #tpu.memory_space<vmem>>, vector<16xf32>,
        tpu.vector_store %arg16[%swap3A_2375, %swap3A_2376], %gather3A_2374 {strides = array<i32>} : memref<128x128xf32, #tpu.memory_space<vmem>>, vector<16xf32>,
        %add3A_2378 = arith.constant 80 : i32
        %add3A_2379 = vector.broadcast %add3A_2378 : i32 to vector<16xi32>
        %add3A_2380 = arith.addi %iota3A, %add3A_2379 : vector<16xi32>
        %min3A_2381 = arith.constant 99 : i32
        %min3A_2382 = vector.broadcast %min3A_2381 : i32 to vector<16xi32>
        %min3A_2383 = arith.minsi %add3A_2380, %min3A_2382 : vector<16xi32>
        %gather3A_2384 = tpu.vector_load_idx %arg8[%min3A_2383, %broadcast_in_dim3A_1581] : memref<100x128xf32, #tpu.memory_space<vmem>>[vector<16xi32>, vector<16xi32>], vector<16xf32>,
        %swap3A_2385 = arith.index_cast %add3A_1552 : i32 to index
        %swap3A_2386 = arith.constant 80 : index
        %swap3A_2387 = tpu.vector_load %arg16[%swap3A_2385, %swap3A_2386] {strides = array<i32>} : memref<128x128xf32, #tpu.memory_space<vmem>>, vector<16xf32>,
        tpu.vector_store %arg16[%swap3A_2385, %swap3A_2386], %gather3A_2384 {strides = array<i32>} : memref<128x128xf32, #tpu.memory_space<vmem>>, vector<16xf32>,
        %add3A_2388 = arith.constant 96 : i32
        %add3A_2389 = vector.broadcast %add3A_2388 : i32 to vector<16xi32>
        %add3A_2390 = arith.addi %iota3A, %add3A_2389 : vector<16xi32>
        %min3A_2391 = arith.constant 99 : i32
        %min3A_2392 = vector.broadcast %min3A_2391 : i32 to vector<16xi32>
        %min3A_2393 = arith.minsi %add3A_2390, %min3A_2392 : vector<16xi32>
        %gather3A_2394 = tpu.vector_load_idx %arg8[%min3A_2393, %broadcast_in_dim3A_1581] : memref<100x128xf32, #tpu.memory_space<vmem>>[vector<16xi32>, vector<16xi32>], vector<16xf32>,
        %swap3A_2395 = arith.index_cast %add3A_1552 : i32 to index
        %swap3A_2396 = arith.constant 96 : index
        %swap3A_2397 = tpu.vector_load %arg16[%swap3A_2395, %swap3A_2396] {strides = array<i32>} : memref<128x128xf32, #tpu.memory_space<vmem>>, vector<16xf32>,
        tpu.vector_store %arg16[%swap3A_2395, %swap3A_2396], %gather3A_2394 {strides = array<i32>} : memref<128x128xf32, #tpu.memory_space<vmem>>, vector<16xf32>,
      } else {
      }
      %slice3A_1590 = vector.extract_strided_slice %get3A_524 {offsets = [8], sizes = [1], strides = [1]} : vector<16xi32> to vector<1xi32>
      %squeeze3A_1591 = vector.extract %slice3A_1590[0] : i32 from vector<1xi32>
      %convert_element_type3A_1592 = arith.extui %or3A_801 : i1 to i32
      %cond3A_1593 = arith.constant 0 : i32
      %cond3A_1594 = arith.cmpi ne, %convert_element_type3A_1592, %cond3A_1593 : i32
      scf.if %cond3A_1594 {
        %jit3A_2330 = arith.constant 128 : i32
        %div3A_2331 = arith.divsi %squeeze3A_1591, %jit3A_2330 : i32
        %sign3A_2332 = arith.constant 0 : i32
        %sign3A_2333 = arith.cmpi sgt, %squeeze3A_1591, %sign3A_2332 : i32
        %sign3A_2334 = arith.extui %sign3A_2333 : i1 to i32
        %sign3A_2335 = arith.constant 0 : i32
        %sign3A_2336 = arith.cmpi slt, %squeeze3A_1591, %sign3A_2335 : i32
        %sign3A_2337 = arith.extui %sign3A_2336 : i1 to i32
        %sign3A_2338 = arith.subi %sign3A_2334, %sign3A_2337 : i32
        %sign3A_2339 = arith.constant 0 : i32
        %sign3A_2340 = arith.cmpi sgt, %jit3A_2330, %sign3A_2339 : i32
        %sign3A_2341 = arith.extui %sign3A_2340 : i1 to i32
        %sign3A_2342 = arith.constant 0 : i32
        %sign3A_2343 = arith.cmpi slt, %jit3A_2330, %sign3A_2342 : i32
        %sign3A_2344 = arith.extui %sign3A_2343 : i1 to i32
        %sign3A_2345 = arith.subi %sign3A_2341, %sign3A_2344 : i32
        %ne3A_2346 = arith.cmpi ne, %sign3A_2338, %sign3A_2345 : i32
        %rem3A_2347 = arith.remsi %squeeze3A_1591, %jit3A_2330 : i32
        %ne3A_2348 = arith.constant 0 : i32
        %ne3A_2349 = arith.cmpi ne, %rem3A_2347, %ne3A_2348 : i32
        %and3A_2350 = arith.andi %ne3A_2346, %ne3A_2349 : i1
        %sub3A_2351 = arith.constant 1 : i32
        %sub3A_2352 = arith.subi %div3A_2331, %sub3A_2351 : i32
        %select_n3A_2353 = arith.select %and3A_2350, %sub3A_2352, %div3A_2331 : i32
        %mul3A_2354 = arith.constant 128 : i32
        %mul3A_2355 = arith.muli %select_n3A_2353, %mul3A_2354 : i32
        %multiple_of3A_2356 = tpu.assume_multiple %mul3A_2355, 128 : i32
        %dma_start3A_2357 = arith.constant 0 : i32
        %dma_start3A_2358 = tpu.memref_slice %arg4[%dma_start3A_2357, %multiple_of3A_2356] : memref<100x1000000xf32, #tpu.memory_space<hbm>> -> memref<100x128xf32, #tpu.memory_space<hbm>>
        %dma_start3A_2359 = arith.constant 0 : i32
        %dma_start3A_2360 = tpu.memref_slice %arg4[%dma_start3A_2359, %multiple_of3A_2356] : memref<100x1000000xf32, #tpu.memory_space<hbm>> -> memref<100x128xf32, #tpu.memory_space<hbm>>
        tpu.enqueue_dma source(%dma_start3A_2360 : memref<100x128xf32, #tpu.memory_space<hbm>>) target(%arg8 : memref<100x128xf32, #tpu.memory_space<vmem>>) target_semaphore(%arg17 : memref<!tpu.dma_semaphore, #tpu.memory_space<semaphore_mem>>)
      } else {
      }
      %convert_element_type3A_1595 = arith.extui %or3A_621 : i1 to i32
      %cond3A_1596 = arith.constant 0 : i32
      %cond3A_1597 = arith.cmpi ne, %convert_element_type3A_1595, %cond3A_1596 : i32
      scf.if %cond3A_1597 {
        %dma_wait3A_2330 = arith.constant 0 : i32
        %dma_wait3A_2331 = arith.constant 0 : i32
        %dma_wait3A_2332 = tpu.memref_slice %arg4[%dma_wait3A_2330, %dma_wait3A_2331] : memref<100x1000000xf32, #tpu.memory_space<hbm>> -> memref<100x128xf32, #tpu.memory_space<hbm>>
        %dma_wait3A_2333 = arith.constant 0 : i32
        %dma_wait3A_2334 = arith.constant 0 : i32
        %dma_wait3A_2335 = tpu.memref_slice %arg4[%dma_wait3A_2333, %dma_wait3A_2334] : memref<100x1000000xf32, #tpu.memory_space<hbm>> -> memref<100x128xf32, #tpu.memory_space<hbm>>
        tpu.wait_dma2 semaphore(%arg19 : memref<!tpu.dma_semaphore, #tpu.memory_space<semaphore_mem>>) src(%dma_wait3A_2335 : memref<100x128xf32, #tpu.memory_space<hbm>>) dst(%arg10 : memref<100x128xf32, #tpu.memory_space<vmem>>)
      } else {
      }
      %slice3A_1598 = vector.extract_strided_slice %get3A_524 {offsets = [2], sizes = [1], strides = [1]} : vector<16xi32> to vector<1xi32>
      %squeeze3A_1599 = vector.extract %slice3A_1598[0] : i32 from vector<1xi32>
      %mul3A_1600 = arith.constant 16 : i32
      %mul3A_1601 = arith.muli %scan3A_518, %mul3A_1600 : i32
      %add3A_1602 = arith.constant 2 : i32
      %add3A_1603 = arith.addi %mul3A_1601, %add3A_1602 : i32
      %jit3A_1604 = arith.constant 128 : i32
      %div3A_1605 = arith.divsi %squeeze3A_1599, %jit3A_1604 : i32
      %sign3A_1606 = arith.constant 0 : i32
      %sign3A_1607 = arith.cmpi sgt, %squeeze3A_1599, %sign3A_1606 : i32
      %sign3A_1608 = arith.extui %sign3A_1607 : i1 to i32
      %sign3A_1609 = arith.constant 0 : i32
      %sign3A_1610 = arith.cmpi slt, %squeeze3A_1599, %sign3A_1609 : i32
      %sign3A_1611 = arith.extui %sign3A_1610 : i1 to i32
      %sign3A_1612 = arith.subi %sign3A_1608, %sign3A_1611 : i32
      %sign3A_1613 = arith.constant 0 : i32
      %sign3A_1614 = arith.cmpi sgt, %jit3A_1604, %sign3A_1613 : i32
      %sign3A_1615 = arith.extui %sign3A_1614 : i1 to i32
      %sign3A_1616 = arith.constant 0 : i32
      %sign3A_1617 = arith.cmpi slt, %jit3A_1604, %sign3A_1616 : i32
      %sign3A_1618 = arith.extui %sign3A_1617 : i1 to i32
      %sign3A_1619 = arith.subi %sign3A_1615, %sign3A_1618 : i32
      %ne3A_1620 = arith.cmpi ne, %sign3A_1612, %sign3A_1619 : i32
      %rem3A_1621 = arith.remsi %squeeze3A_1599, %jit3A_1604 : i32
      %ne3A_1622 = arith.constant 0 : i32
      %ne3A_1623 = arith.cmpi ne, %rem3A_1621, %ne3A_1622 : i32
      %and3A_1624 = arith.andi %ne3A_1620, %ne3A_1623 : i1
      %sub3A_1625 = arith.constant 1 : i32
      %sub3A_1626 = arith.subi %div3A_1605, %sub3A_1625 : i32
      %select_n3A_1627 = arith.select %and3A_1624, %sub3A_1626, %div3A_1605 : i32
      %mul3A_1628 = arith.constant 128 : i32
      %mul3A_1629 = arith.muli %select_n3A_1627, %mul3A_1628 : i32
      %multiple_of3A_1630 = tpu.assume_multiple %mul3A_1629, 128 : i32
      %sub3A_1631 = arith.subi %squeeze3A_1599, %multiple_of3A_1630 : i32
      %broadcast_in_dim3A_1632 = vector.broadcast %sub3A_1631 : i32 to vector<16xi32>
      %convert_element_type3A_1633 = arith.extui %or3A_621 : i1 to i32
      %cond3A_1634 = arith.constant 0 : i32
      %cond3A_1635 = arith.cmpi ne, %convert_element_type3A_1633, %cond3A_1634 : i32
      scf.if %cond3A_1635 {
        %add3A_2330 = arith.constant 0 : i32
        %add3A_2331 = vector.broadcast %add3A_2330 : i32 to vector<16xi32>
        %add3A_2332 = arith.addi %iota3A, %add3A_2331 : vector<16xi32>
        %min3A_2333 = arith.constant 99 : i32
        %min3A_2334 = vector.broadcast %min3A_2333 : i32 to vector<16xi32>
        %min3A_2335 = arith.minsi %add3A_2332, %min3A_2334 : vector<16xi32>
        %gather3A = tpu.vector_load_idx %arg10[%min3A_2335, %broadcast_in_dim3A_1632] : memref<100x128xf32, #tpu.memory_space<vmem>>[vector<16xi32>, vector<16xi32>], vector<16xf32>,
        %swap3A = arith.index_cast %add3A_1603 : i32 to index
        %swap3A_2336 = arith.constant 0 : index
        %swap3A_2337 = tpu.vector_load %arg16[%swap3A, %swap3A_2336] {strides = array<i32>} : memref<128x128xf32, #tpu.memory_space<vmem>>, vector<16xf32>,
        tpu.vector_store %arg16[%swap3A, %swap3A_2336], %gather3A {strides = array<i32>} : memref<128x128xf32, #tpu.memory_space<vmem>>, vector<16xf32>,
        %add3A_2338 = arith.constant 16 : i32
        %add3A_2339 = vector.broadcast %add3A_2338 : i32 to vector<16xi32>
        %add3A_2340 = arith.addi %iota3A, %add3A_2339 : vector<16xi32>
        %min3A_2341 = arith.constant 99 : i32
        %min3A_2342 = vector.broadcast %min3A_2341 : i32 to vector<16xi32>
        %min3A_2343 = arith.minsi %add3A_2340, %min3A_2342 : vector<16xi32>
        %gather3A_2344 = tpu.vector_load_idx %arg10[%min3A_2343, %broadcast_in_dim3A_1632] : memref<100x128xf32, #tpu.memory_space<vmem>>[vector<16xi32>, vector<16xi32>], vector<16xf32>,
        %swap3A_2345 = arith.index_cast %add3A_1603 : i32 to index
        %swap3A_2346 = arith.constant 16 : index
        %swap3A_2347 = tpu.vector_load %arg16[%swap3A_2345, %swap3A_2346] {strides = array<i32>} : memref<128x128xf32, #tpu.memory_space<vmem>>, vector<16xf32>,
        tpu.vector_store %arg16[%swap3A_2345, %swap3A_2346], %gather3A_2344 {strides = array<i32>} : memref<128x128xf32, #tpu.memory_space<vmem>>, vector<16xf32>,
        %add3A_2348 = arith.constant 32 : i32
        %add3A_2349 = vector.broadcast %add3A_2348 : i32 to vector<16xi32>
        %add3A_2350 = arith.addi %iota3A, %add3A_2349 : vector<16xi32>
        %min3A_2351 = arith.constant 99 : i32
        %min3A_2352 = vector.broadcast %min3A_2351 : i32 to vector<16xi32>
        %min3A_2353 = arith.minsi %add3A_2350, %min3A_2352 : vector<16xi32>
        %gather3A_2354 = tpu.vector_load_idx %arg10[%min3A_2353, %broadcast_in_dim3A_1632] : memref<100x128xf32, #tpu.memory_space<vmem>>[vector<16xi32>, vector<16xi32>], vector<16xf32>,
        %swap3A_2355 = arith.index_cast %add3A_1603 : i32 to index
        %swap3A_2356 = arith.constant 32 : index
        %swap3A_2357 = tpu.vector_load %arg16[%swap3A_2355, %swap3A_2356] {strides = array<i32>} : memref<128x128xf32, #tpu.memory_space<vmem>>, vector<16xf32>,
        tpu.vector_store %arg16[%swap3A_2355, %swap3A_2356], %gather3A_2354 {strides = array<i32>} : memref<128x128xf32, #tpu.memory_space<vmem>>, vector<16xf32>,
        %add3A_2358 = arith.constant 48 : i32
        %add3A_2359 = vector.broadcast %add3A_2358 : i32 to vector<16xi32>
        %add3A_2360 = arith.addi %iota3A, %add3A_2359 : vector<16xi32>
        %min3A_2361 = arith.constant 99 : i32
        %min3A_2362 = vector.broadcast %min3A_2361 : i32 to vector<16xi32>
        %min3A_2363 = arith.minsi %add3A_2360, %min3A_2362 : vector<16xi32>
        %gather3A_2364 = tpu.vector_load_idx %arg10[%min3A_2363, %broadcast_in_dim3A_1632] : memref<100x128xf32, #tpu.memory_space<vmem>>[vector<16xi32>, vector<16xi32>], vector<16xf32>,
        %swap3A_2365 = arith.index_cast %add3A_1603 : i32 to index
        %swap3A_2366 = arith.constant 48 : index
        %swap3A_2367 = tpu.vector_load %arg16[%swap3A_2365, %swap3A_2366] {strides = array<i32>} : memref<128x128xf32, #tpu.memory_space<vmem>>, vector<16xf32>,
        tpu.vector_store %arg16[%swap3A_2365, %swap3A_2366], %gather3A_2364 {strides = array<i32>} : memref<128x128xf32, #tpu.memory_space<vmem>>, vector<16xf32>,
        %add3A_2368 = arith.constant 64 : i32
        %add3A_2369 = vector.broadcast %add3A_2368 : i32 to vector<16xi32>
        %add3A_2370 = arith.addi %iota3A, %add3A_2369 : vector<16xi32>
        %min3A_2371 = arith.constant 99 : i32
        %min3A_2372 = vector.broadcast %min3A_2371 : i32 to vector<16xi32>
        %min3A_2373 = arith.minsi %add3A_2370, %min3A_2372 : vector<16xi32>
        %gather3A_2374 = tpu.vector_load_idx %arg10[%min3A_2373, %broadcast_in_dim3A_1632] : memref<100x128xf32, #tpu.memory_space<vmem>>[vector<16xi32>, vector<16xi32>], vector<16xf32>,
        %swap3A_2375 = arith.index_cast %add3A_1603 : i32 to index
        %swap3A_2376 = arith.constant 64 : index
        %swap3A_2377 = tpu.vector_load %arg16[%swap3A_2375, %swap3A_2376] {strides = array<i32>} : memref<128x128xf32, #tpu.memory_space<vmem>>, vector<16xf32>,
        tpu.vector_store %arg16[%swap3A_2375, %swap3A_2376], %gather3A_2374 {strides = array<i32>} : memref<128x128xf32, #tpu.memory_space<vmem>>, vector<16xf32>,
        %add3A_2378 = arith.constant 80 : i32
        %add3A_2379 = vector.broadcast %add3A_2378 : i32 to vector<16xi32>
        %add3A_2380 = arith.addi %iota3A, %add3A_2379 : vector<16xi32>
        %min3A_2381 = arith.constant 99 : i32
        %min3A_2382 = vector.broadcast %min3A_2381 : i32 to vector<16xi32>
        %min3A_2383 = arith.minsi %add3A_2380, %min3A_2382 : vector<16xi32>
        %gather3A_2384 = tpu.vector_load_idx %arg10[%min3A_2383, %broadcast_in_dim3A_1632] : memref<100x128xf32, #tpu.memory_space<vmem>>[vector<16xi32>, vector<16xi32>], vector<16xf32>,
        %swap3A_2385 = arith.index_cast %add3A_1603 : i32 to index
        %swap3A_2386 = arith.constant 80 : index
        %swap3A_2387 = tpu.vector_load %arg16[%swap3A_2385, %swap3A_2386] {strides = array<i32>} : memref<128x128xf32, #tpu.memory_space<vmem>>, vector<16xf32>,
        tpu.vector_store %arg16[%swap3A_2385, %swap3A_2386], %gather3A_2384 {strides = array<i32>} : memref<128x128xf32, #tpu.memory_space<vmem>>, vector<16xf32>,
        %add3A_2388 = arith.constant 96 : i32
        %add3A_2389 = vector.broadcast %add3A_2388 : i32 to vector<16xi32>
        %add3A_2390 = arith.addi %iota3A, %add3A_2389 : vector<16xi32>
        %min3A_2391 = arith.constant 99 : i32
        %min3A_2392 = vector.broadcast %min3A_2391 : i32 to vector<16xi32>
        %min3A_2393 = arith.minsi %add3A_2390, %min3A_2392 : vector<16xi32>
        %gather3A_2394 = tpu.vector_load_idx %arg10[%min3A_2393, %broadcast_in_dim3A_1632] : memref<100x128xf32, #tpu.memory_space<vmem>>[vector<16xi32>, vector<16xi32>], vector<16xf32>,
        %swap3A_2395 = arith.index_cast %add3A_1603 : i32 to index
        %swap3A_2396 = arith.constant 96 : index
        %swap3A_2397 = tpu.vector_load %arg16[%swap3A_2395, %swap3A_2396] {strides = array<i32>} : memref<128x128xf32, #tpu.memory_space<vmem>>, vector<16xf32>,
        tpu.vector_store %arg16[%swap3A_2395, %swap3A_2396], %gather3A_2394 {strides = array<i32>} : memref<128x128xf32, #tpu.memory_space<vmem>>, vector<16xf32>,
      } else {
      }
      %not3A_1636 = arith.constant true
      %not3A_1637 = arith.xori %or3A_621, %not3A_1636 : i1
      %convert_element_type3A_1638 = arith.extui %not3A_1637 : i1 to i32
      %cond3A_1639 = arith.constant 0 : i32
      %cond3A_1640 = arith.cmpi ne, %convert_element_type3A_1638, %cond3A_1639 : i32
      scf.if %cond3A_1640 {
        %add3A_2330 = arith.constant 0 : i32
        %add3A_2331 = vector.broadcast %add3A_2330 : i32 to vector<16xi32>
        %add3A_2332 = arith.addi %iota3A, %add3A_2331 : vector<16xi32>
        %min3A_2333 = arith.constant 99 : i32
        %min3A_2334 = vector.broadcast %min3A_2333 : i32 to vector<16xi32>
        %min3A_2335 = arith.minsi %add3A_2332, %min3A_2334 : vector<16xi32>
        %gather3A = tpu.vector_load_idx %arg9[%min3A_2335, %broadcast_in_dim3A_1632] : memref<100x128xf32, #tpu.memory_space<vmem>>[vector<16xi32>, vector<16xi32>], vector<16xf32>,
        %swap3A = arith.index_cast %add3A_1603 : i32 to index
        %swap3A_2336 = arith.constant 0 : index
        %swap3A_2337 = tpu.vector_load %arg16[%swap3A, %swap3A_2336] {strides = array<i32>} : memref<128x128xf32, #tpu.memory_space<vmem>>, vector<16xf32>,
        tpu.vector_store %arg16[%swap3A, %swap3A_2336], %gather3A {strides = array<i32>} : memref<128x128xf32, #tpu.memory_space<vmem>>, vector<16xf32>,
        %add3A_2338 = arith.constant 16 : i32
        %add3A_2339 = vector.broadcast %add3A_2338 : i32 to vector<16xi32>
        %add3A_2340 = arith.addi %iota3A, %add3A_2339 : vector<16xi32>
        %min3A_2341 = arith.constant 99 : i32
        %min3A_2342 = vector.broadcast %min3A_2341 : i32 to vector<16xi32>
        %min3A_2343 = arith.minsi %add3A_2340, %min3A_2342 : vector<16xi32>
        %gather3A_2344 = tpu.vector_load_idx %arg9[%min3A_2343, %broadcast_in_dim3A_1632] : memref<100x128xf32, #tpu.memory_space<vmem>>[vector<16xi32>, vector<16xi32>], vector<16xf32>,
        %swap3A_2345 = arith.index_cast %add3A_1603 : i32 to index
        %swap3A_2346 = arith.constant 16 : index
        %swap3A_2347 = tpu.vector_load %arg16[%swap3A_2345, %swap3A_2346] {strides = array<i32>} : memref<128x128xf32, #tpu.memory_space<vmem>>, vector<16xf32>,
        tpu.vector_store %arg16[%swap3A_2345, %swap3A_2346], %gather3A_2344 {strides = array<i32>} : memref<128x128xf32, #tpu.memory_space<vmem>>, vector<16xf32>,
        %add3A_2348 = arith.constant 32 : i32
        %add3A_2349 = vector.broadcast %add3A_2348 : i32 to vector<16xi32>
        %add3A_2350 = arith.addi %iota3A, %add3A_2349 : vector<16xi32>
        %min3A_2351 = arith.constant 99 : i32
        %min3A_2352 = vector.broadcast %min3A_2351 : i32 to vector<16xi32>
        %min3A_2353 = arith.minsi %add3A_2350, %min3A_2352 : vector<16xi32>
        %gather3A_2354 = tpu.vector_load_idx %arg9[%min3A_2353, %broadcast_in_dim3A_1632] : memref<100x128xf32, #tpu.memory_space<vmem>>[vector<16xi32>, vector<16xi32>], vector<16xf32>,
        %swap3A_2355 = arith.index_cast %add3A_1603 : i32 to index
        %swap3A_2356 = arith.constant 32 : index
        %swap3A_2357 = tpu.vector_load %arg16[%swap3A_2355, %swap3A_2356] {strides = array<i32>} : memref<128x128xf32, #tpu.memory_space<vmem>>, vector<16xf32>,
        tpu.vector_store %arg16[%swap3A_2355, %swap3A_2356], %gather3A_2354 {strides = array<i32>} : memref<128x128xf32, #tpu.memory_space<vmem>>, vector<16xf32>,
        %add3A_2358 = arith.constant 48 : i32
        %add3A_2359 = vector.broadcast %add3A_2358 : i32 to vector<16xi32>
        %add3A_2360 = arith.addi %iota3A, %add3A_2359 : vector<16xi32>
        %min3A_2361 = arith.constant 99 : i32
        %min3A_2362 = vector.broadcast %min3A_2361 : i32 to vector<16xi32>
        %min3A_2363 = arith.minsi %add3A_2360, %min3A_2362 : vector<16xi32>
        %gather3A_2364 = tpu.vector_load_idx %arg9[%min3A_2363, %broadcast_in_dim3A_1632] : memref<100x128xf32, #tpu.memory_space<vmem>>[vector<16xi32>, vector<16xi32>], vector<16xf32>,
        %swap3A_2365 = arith.index_cast %add3A_1603 : i32 to index
        %swap3A_2366 = arith.constant 48 : index
        %swap3A_2367 = tpu.vector_load %arg16[%swap3A_2365, %swap3A_2366] {strides = array<i32>} : memref<128x128xf32, #tpu.memory_space<vmem>>, vector<16xf32>,
        tpu.vector_store %arg16[%swap3A_2365, %swap3A_2366], %gather3A_2364 {strides = array<i32>} : memref<128x128xf32, #tpu.memory_space<vmem>>, vector<16xf32>,
        %add3A_2368 = arith.constant 64 : i32
        %add3A_2369 = vector.broadcast %add3A_2368 : i32 to vector<16xi32>
        %add3A_2370 = arith.addi %iota3A, %add3A_2369 : vector<16xi32>
        %min3A_2371 = arith.constant 99 : i32
        %min3A_2372 = vector.broadcast %min3A_2371 : i32 to vector<16xi32>
        %min3A_2373 = arith.minsi %add3A_2370, %min3A_2372 : vector<16xi32>
        %gather3A_2374 = tpu.vector_load_idx %arg9[%min3A_2373, %broadcast_in_dim3A_1632] : memref<100x128xf32, #tpu.memory_space<vmem>>[vector<16xi32>, vector<16xi32>], vector<16xf32>,
        %swap3A_2375 = arith.index_cast %add3A_1603 : i32 to index
        %swap3A_2376 = arith.constant 64 : index
        %swap3A_2377 = tpu.vector_load %arg16[%swap3A_2375, %swap3A_2376] {strides = array<i32>} : memref<128x128xf32, #tpu.memory_space<vmem>>, vector<16xf32>,
        tpu.vector_store %arg16[%swap3A_2375, %swap3A_2376], %gather3A_2374 {strides = array<i32>} : memref<128x128xf32, #tpu.memory_space<vmem>>, vector<16xf32>,
        %add3A_2378 = arith.constant 80 : i32
        %add3A_2379 = vector.broadcast %add3A_2378 : i32 to vector<16xi32>
        %add3A_2380 = arith.addi %iota3A, %add3A_2379 : vector<16xi32>
        %min3A_2381 = arith.constant 99 : i32
        %min3A_2382 = vector.broadcast %min3A_2381 : i32 to vector<16xi32>
        %min3A_2383 = arith.minsi %add3A_2380, %min3A_2382 : vector<16xi32>
        %gather3A_2384 = tpu.vector_load_idx %arg9[%min3A_2383, %broadcast_in_dim3A_1632] : memref<100x128xf32, #tpu.memory_space<vmem>>[vector<16xi32>, vector<16xi32>], vector<16xf32>,
        %swap3A_2385 = arith.index_cast %add3A_1603 : i32 to index
        %swap3A_2386 = arith.constant 80 : index
        %swap3A_2387 = tpu.vector_load %arg16[%swap3A_2385, %swap3A_2386] {strides = array<i32>} : memref<128x128xf32, #tpu.memory_space<vmem>>, vector<16xf32>,
        tpu.vector_store %arg16[%swap3A_2385, %swap3A_2386], %gather3A_2384 {strides = array<i32>} : memref<128x128xf32, #tpu.memory_space<vmem>>, vector<16xf32>,
        %add3A_2388 = arith.constant 96 : i32
        %add3A_2389 = vector.broadcast %add3A_2388 : i32 to vector<16xi32>
        %add3A_2390 = arith.addi %iota3A, %add3A_2389 : vector<16xi32>
        %min3A_2391 = arith.constant 99 : i32
        %min3A_2392 = vector.broadcast %min3A_2391 : i32 to vector<16xi32>
        %min3A_2393 = arith.minsi %add3A_2390, %min3A_2392 : vector<16xi32>
        %gather3A_2394 = tpu.vector_load_idx %arg9[%min3A_2393, %broadcast_in_dim3A_1632] : memref<100x128xf32, #tpu.memory_space<vmem>>[vector<16xi32>, vector<16xi32>], vector<16xf32>,
        %swap3A_2395 = arith.index_cast %add3A_1603 : i32 to index
        %swap3A_2396 = arith.constant 96 : index
        %swap3A_2397 = tpu.vector_load %arg16[%swap3A_2395, %swap3A_2396] {strides = array<i32>} : memref<128x128xf32, #tpu.memory_space<vmem>>, vector<16xf32>,
        tpu.vector_store %arg16[%swap3A_2395, %swap3A_2396], %gather3A_2394 {strides = array<i32>} : memref<128x128xf32, #tpu.memory_space<vmem>>, vector<16xf32>,
      } else {
      }
      %slice3A_1641 = vector.extract_strided_slice %get3A_524 {offsets = [9], sizes = [1], strides = [1]} : vector<16xi32> to vector<1xi32>
      %squeeze3A_1642 = vector.extract %slice3A_1641[0] : i32 from vector<1xi32>
      %convert_element_type3A_1643 = arith.extui %or3A_831 : i1 to i32
      %cond3A_1644 = arith.constant 0 : i32
      %cond3A_1645 = arith.cmpi ne, %convert_element_type3A_1643, %cond3A_1644 : i32
      scf.if %cond3A_1645 {
        %jit3A_2330 = arith.constant 128 : i32
        %div3A_2331 = arith.divsi %squeeze3A_1642, %jit3A_2330 : i32
        %sign3A_2332 = arith.constant 0 : i32
        %sign3A_2333 = arith.cmpi sgt, %squeeze3A_1642, %sign3A_2332 : i32
        %sign3A_2334 = arith.extui %sign3A_2333 : i1 to i32
        %sign3A_2335 = arith.constant 0 : i32
        %sign3A_2336 = arith.cmpi slt, %squeeze3A_1642, %sign3A_2335 : i32
        %sign3A_2337 = arith.extui %sign3A_2336 : i1 to i32
        %sign3A_2338 = arith.subi %sign3A_2334, %sign3A_2337 : i32
        %sign3A_2339 = arith.constant 0 : i32
        %sign3A_2340 = arith.cmpi sgt, %jit3A_2330, %sign3A_2339 : i32
        %sign3A_2341 = arith.extui %sign3A_2340 : i1 to i32
        %sign3A_2342 = arith.constant 0 : i32
        %sign3A_2343 = arith.cmpi slt, %jit3A_2330, %sign3A_2342 : i32
        %sign3A_2344 = arith.extui %sign3A_2343 : i1 to i32
        %sign3A_2345 = arith.subi %sign3A_2341, %sign3A_2344 : i32
        %ne3A_2346 = arith.cmpi ne, %sign3A_2338, %sign3A_2345 : i32
        %rem3A_2347 = arith.remsi %squeeze3A_1642, %jit3A_2330 : i32
        %ne3A_2348 = arith.constant 0 : i32
        %ne3A_2349 = arith.cmpi ne, %rem3A_2347, %ne3A_2348 : i32
        %and3A_2350 = arith.andi %ne3A_2346, %ne3A_2349 : i1
        %sub3A_2351 = arith.constant 1 : i32
        %sub3A_2352 = arith.subi %div3A_2331, %sub3A_2351 : i32
        %select_n3A_2353 = arith.select %and3A_2350, %sub3A_2352, %div3A_2331 : i32
        %mul3A_2354 = arith.constant 128 : i32
        %mul3A_2355 = arith.muli %select_n3A_2353, %mul3A_2354 : i32
        %multiple_of3A_2356 = tpu.assume_multiple %mul3A_2355, 128 : i32
        %dma_start3A_2357 = arith.constant 0 : i32
        %dma_start3A_2358 = tpu.memref_slice %arg4[%dma_start3A_2357, %multiple_of3A_2356] : memref<100x1000000xf32, #tpu.memory_space<hbm>> -> memref<100x128xf32, #tpu.memory_space<hbm>>
        %dma_start3A_2359 = arith.constant 0 : i32
        %dma_start3A_2360 = tpu.memref_slice %arg4[%dma_start3A_2359, %multiple_of3A_2356] : memref<100x1000000xf32, #tpu.memory_space<hbm>> -> memref<100x128xf32, #tpu.memory_space<hbm>>
        tpu.enqueue_dma source(%dma_start3A_2360 : memref<100x128xf32, #tpu.memory_space<hbm>>) target(%arg9 : memref<100x128xf32, #tpu.memory_space<vmem>>) target_semaphore(%arg18 : memref<!tpu.dma_semaphore, #tpu.memory_space<semaphore_mem>>)
      } else {
      }
      %convert_element_type3A_1646 = arith.extui %or3A_651 : i1 to i32
      %cond3A_1647 = arith.constant 0 : i32
      %cond3A_1648 = arith.cmpi ne, %convert_element_type3A_1646, %cond3A_1647 : i32
      scf.if %cond3A_1648 {
        %dma_wait3A_2330 = arith.constant 0 : i32
        %dma_wait3A_2331 = arith.constant 0 : i32
        %dma_wait3A_2332 = tpu.memref_slice %arg4[%dma_wait3A_2330, %dma_wait3A_2331] : memref<100x1000000xf32, #tpu.memory_space<hbm>> -> memref<100x128xf32, #tpu.memory_space<hbm>>
        %dma_wait3A_2333 = arith.constant 0 : i32
        %dma_wait3A_2334 = arith.constant 0 : i32
        %dma_wait3A_2335 = tpu.memref_slice %arg4[%dma_wait3A_2333, %dma_wait3A_2334] : memref<100x1000000xf32, #tpu.memory_space<hbm>> -> memref<100x128xf32, #tpu.memory_space<hbm>>
        tpu.wait_dma2 semaphore(%arg20 : memref<!tpu.dma_semaphore, #tpu.memory_space<semaphore_mem>>) src(%dma_wait3A_2335 : memref<100x128xf32, #tpu.memory_space<hbm>>) dst(%arg11 : memref<100x128xf32, #tpu.memory_space<vmem>>)
      } else {
      }
      %slice3A_1649 = vector.extract_strided_slice %get3A_524 {offsets = [3], sizes = [1], strides = [1]} : vector<16xi32> to vector<1xi32>
      %squeeze3A_1650 = vector.extract %slice3A_1649[0] : i32 from vector<1xi32>
      %mul3A_1651 = arith.constant 16 : i32
      %mul3A_1652 = arith.muli %scan3A_518, %mul3A_1651 : i32
      %add3A_1653 = arith.constant 3 : i32
      %add3A_1654 = arith.addi %mul3A_1652, %add3A_1653 : i32
      %jit3A_1655 = arith.constant 128 : i32
      %div3A_1656 = arith.divsi %squeeze3A_1650, %jit3A_1655 : i32
      %sign3A_1657 = arith.constant 0 : i32
      %sign3A_1658 = arith.cmpi sgt, %squeeze3A_1650, %sign3A_1657 : i32
      %sign3A_1659 = arith.extui %sign3A_1658 : i1 to i32
      %sign3A_1660 = arith.constant 0 : i32
      %sign3A_1661 = arith.cmpi slt, %squeeze3A_1650, %sign3A_1660 : i32
      %sign3A_1662 = arith.extui %sign3A_1661 : i1 to i32
      %sign3A_1663 = arith.subi %sign3A_1659, %sign3A_1662 : i32
      %sign3A_1664 = arith.constant 0 : i32
      %sign3A_1665 = arith.cmpi sgt, %jit3A_1655, %sign3A_1664 : i32
      %sign3A_1666 = arith.extui %sign3A_1665 : i1 to i32
      %sign3A_1667 = arith.constant 0 : i32
      %sign3A_1668 = arith.cmpi slt, %jit3A_1655, %sign3A_1667 : i32
      %sign3A_1669 = arith.extui %sign3A_1668 : i1 to i32
      %sign3A_1670 = arith.subi %sign3A_1666, %sign3A_1669 : i32
      %ne3A_1671 = arith.cmpi ne, %sign3A_1663, %sign3A_1670 : i32
      %rem3A_1672 = arith.remsi %squeeze3A_1650, %jit3A_1655 : i32
      %ne3A_1673 = arith.constant 0 : i32
      %ne3A_1674 = arith.cmpi ne, %rem3A_1672, %ne3A_1673 : i32
      %and3A_1675 = arith.andi %ne3A_1671, %ne3A_1674 : i1
      %sub3A_1676 = arith.constant 1 : i32
      %sub3A_1677 = arith.subi %div3A_1656, %sub3A_1676 : i32
      %select_n3A_1678 = arith.select %and3A_1675, %sub3A_1677, %div3A_1656 : i32
      %mul3A_1679 = arith.constant 128 : i32
      %mul3A_1680 = arith.muli %select_n3A_1678, %mul3A_1679 : i32
      %multiple_of3A_1681 = tpu.assume_multiple %mul3A_1680, 128 : i32
      %sub3A_1682 = arith.subi %squeeze3A_1650, %multiple_of3A_1681 : i32
      %broadcast_in_dim3A_1683 = vector.broadcast %sub3A_1682 : i32 to vector<16xi32>
      %convert_element_type3A_1684 = arith.extui %or3A_651 : i1 to i32
      %cond3A_1685 = arith.constant 0 : i32
      %cond3A_1686 = arith.cmpi ne, %convert_element_type3A_1684, %cond3A_1685 : i32
      scf.if %cond3A_1686 {
        %add3A_2330 = arith.constant 0 : i32
        %add3A_2331 = vector.broadcast %add3A_2330 : i32 to vector<16xi32>
        %add3A_2332 = arith.addi %iota3A, %add3A_2331 : vector<16xi32>
        %min3A_2333 = arith.constant 99 : i32
        %min3A_2334 = vector.broadcast %min3A_2333 : i32 to vector<16xi32>
        %min3A_2335 = arith.minsi %add3A_2332, %min3A_2334 : vector<16xi32>
        %gather3A = tpu.vector_load_idx %arg11[%min3A_2335, %broadcast_in_dim3A_1683] : memref<100x128xf32, #tpu.memory_space<vmem>>[vector<16xi32>, vector<16xi32>], vector<16xf32>,
        %swap3A = arith.index_cast %add3A_1654 : i32 to index
        %swap3A_2336 = arith.constant 0 : index
        %swap3A_2337 = tpu.vector_load %arg16[%swap3A, %swap3A_2336] {strides = array<i32>} : memref<128x128xf32, #tpu.memory_space<vmem>>, vector<16xf32>,
        tpu.vector_store %arg16[%swap3A, %swap3A_2336], %gather3A {strides = array<i32>} : memref<128x128xf32, #tpu.memory_space<vmem>>, vector<16xf32>,
        %add3A_2338 = arith.constant 16 : i32
        %add3A_2339 = vector.broadcast %add3A_2338 : i32 to vector<16xi32>
        %add3A_2340 = arith.addi %iota3A, %add3A_2339 : vector<16xi32>
        %min3A_2341 = arith.constant 99 : i32
        %min3A_2342 = vector.broadcast %min3A_2341 : i32 to vector<16xi32>
        %min3A_2343 = arith.minsi %add3A_2340, %min3A_2342 : vector<16xi32>
        %gather3A_2344 = tpu.vector_load_idx %arg11[%min3A_2343, %broadcast_in_dim3A_1683] : memref<100x128xf32, #tpu.memory_space<vmem>>[vector<16xi32>, vector<16xi32>], vector<16xf32>,
        %swap3A_2345 = arith.index_cast %add3A_1654 : i32 to index
        %swap3A_2346 = arith.constant 16 : index
        %swap3A_2347 = tpu.vector_load %arg16[%swap3A_2345, %swap3A_2346] {strides = array<i32>} : memref<128x128xf32, #tpu.memory_space<vmem>>, vector<16xf32>,
        tpu.vector_store %arg16[%swap3A_2345, %swap3A_2346], %gather3A_2344 {strides = array<i32>} : memref<128x128xf32, #tpu.memory_space<vmem>>, vector<16xf32>,
        %add3A_2348 = arith.constant 32 : i32
        %add3A_2349 = vector.broadcast %add3A_2348 : i32 to vector<16xi32>
        %add3A_2350 = arith.addi %iota3A, %add3A_2349 : vector<16xi32>
        %min3A_2351 = arith.constant 99 : i32
        %min3A_2352 = vector.broadcast %min3A_2351 : i32 to vector<16xi32>
        %min3A_2353 = arith.minsi %add3A_2350, %min3A_2352 : vector<16xi32>
        %gather3A_2354 = tpu.vector_load_idx %arg11[%min3A_2353, %broadcast_in_dim3A_1683] : memref<100x128xf32, #tpu.memory_space<vmem>>[vector<16xi32>, vector<16xi32>], vector<16xf32>,
        %swap3A_2355 = arith.index_cast %add3A_1654 : i32 to index
        %swap3A_2356 = arith.constant 32 : index
        %swap3A_2357 = tpu.vector_load %arg16[%swap3A_2355, %swap3A_2356] {strides = array<i32>} : memref<128x128xf32, #tpu.memory_space<vmem>>, vector<16xf32>,
        tpu.vector_store %arg16[%swap3A_2355, %swap3A_2356], %gather3A_2354 {strides = array<i32>} : memref<128x128xf32, #tpu.memory_space<vmem>>, vector<16xf32>,
        %add3A_2358 = arith.constant 48 : i32
        %add3A_2359 = vector.broadcast %add3A_2358 : i32 to vector<16xi32>
        %add3A_2360 = arith.addi %iota3A, %add3A_2359 : vector<16xi32>
        %min3A_2361 = arith.constant 99 : i32
        %min3A_2362 = vector.broadcast %min3A_2361 : i32 to vector<16xi32>
        %min3A_2363 = arith.minsi %add3A_2360, %min3A_2362 : vector<16xi32>
        %gather3A_2364 = tpu.vector_load_idx %arg11[%min3A_2363, %broadcast_in_dim3A_1683] : memref<100x128xf32, #tpu.memory_space<vmem>>[vector<16xi32>, vector<16xi32>], vector<16xf32>,
        %swap3A_2365 = arith.index_cast %add3A_1654 : i32 to index
        %swap3A_2366 = arith.constant 48 : index
        %swap3A_2367 = tpu.vector_load %arg16[%swap3A_2365, %swap3A_2366] {strides = array<i32>} : memref<128x128xf32, #tpu.memory_space<vmem>>, vector<16xf32>,
        tpu.vector_store %arg16[%swap3A_2365, %swap3A_2366], %gather3A_2364 {strides = array<i32>} : memref<128x128xf32, #tpu.memory_space<vmem>>, vector<16xf32>,
        %add3A_2368 = arith.constant 64 : i32
        %add3A_2369 = vector.broadcast %add3A_2368 : i32 to vector<16xi32>
        %add3A_2370 = arith.addi %iota3A, %add3A_2369 : vector<16xi32>
        %min3A_2371 = arith.constant 99 : i32
        %min3A_2372 = vector.broadcast %min3A_2371 : i32 to vector<16xi32>
        %min3A_2373 = arith.minsi %add3A_2370, %min3A_2372 : vector<16xi32>
        %gather3A_2374 = tpu.vector_load_idx %arg11[%min3A_2373, %broadcast_in_dim3A_1683] : memref<100x128xf32, #tpu.memory_space<vmem>>[vector<16xi32>, vector<16xi32>], vector<16xf32>,
        %swap3A_2375 = arith.index_cast %add3A_1654 : i32 to index
        %swap3A_2376 = arith.constant 64 : index
        %swap3A_2377 = tpu.vector_load %arg16[%swap3A_2375, %swap3A_2376] {strides = array<i32>} : memref<128x128xf32, #tpu.memory_space<vmem>>, vector<16xf32>,
        tpu.vector_store %arg16[%swap3A_2375, %swap3A_2376], %gather3A_2374 {strides = array<i32>} : memref<128x128xf32, #tpu.memory_space<vmem>>, vector<16xf32>,
        %add3A_2378 = arith.constant 80 : i32
        %add3A_2379 = vector.broadcast %add3A_2378 : i32 to vector<16xi32>
        %add3A_2380 = arith.addi %iota3A, %add3A_2379 : vector<16xi32>
        %min3A_2381 = arith.constant 99 : i32
        %min3A_2382 = vector.broadcast %min3A_2381 : i32 to vector<16xi32>
        %min3A_2383 = arith.minsi %add3A_2380, %min3A_2382 : vector<16xi32>
        %gather3A_2384 = tpu.vector_load_idx %arg11[%min3A_2383, %broadcast_in_dim3A_1683] : memref<100x128xf32, #tpu.memory_space<vmem>>[vector<16xi32>, vector<16xi32>], vector<16xf32>,
        %swap3A_2385 = arith.index_cast %add3A_1654 : i32 to index
        %swap3A_2386 = arith.constant 80 : index
        %swap3A_2387 = tpu.vector_load %arg16[%swap3A_2385, %swap3A_2386] {strides = array<i32>} : memref<128x128xf32, #tpu.memory_space<vmem>>, vector<16xf32>,
        tpu.vector_store %arg16[%swap3A_2385, %swap3A_2386], %gather3A_2384 {strides = array<i32>} : memref<128x128xf32, #tpu.memory_space<vmem>>, vector<16xf32>,
        %add3A_2388 = arith.constant 96 : i32
        %add3A_2389 = vector.broadcast %add3A_2388 : i32 to vector<16xi32>
        %add3A_2390 = arith.addi %iota3A, %add3A_2389 : vector<16xi32>
        %min3A_2391 = arith.constant 99 : i32
        %min3A_2392 = vector.broadcast %min3A_2391 : i32 to vector<16xi32>
        %min3A_2393 = arith.minsi %add3A_2390, %min3A_2392 : vector<16xi32>
        %gather3A_2394 = tpu.vector_load_idx %arg11[%min3A_2393, %broadcast_in_dim3A_1683] : memref<100x128xf32, #tpu.memory_space<vmem>>[vector<16xi32>, vector<16xi32>], vector<16xf32>,
        %swap3A_2395 = arith.index_cast %add3A_1654 : i32 to index
        %swap3A_2396 = arith.constant 96 : index
        %swap3A_2397 = tpu.vector_load %arg16[%swap3A_2395, %swap3A_2396] {strides = array<i32>} : memref<128x128xf32, #tpu.memory_space<vmem>>, vector<16xf32>,
        tpu.vector_store %arg16[%swap3A_2395, %swap3A_2396], %gather3A_2394 {strides = array<i32>} : memref<128x128xf32, #tpu.memory_space<vmem>>, vector<16xf32>,
      } else {
      }
      %not3A_1687 = arith.constant true
      %not3A_1688 = arith.xori %or3A_651, %not3A_1687 : i1
      %convert_element_type3A_1689 = arith.extui %not3A_1688 : i1 to i32
      %cond3A_1690 = arith.constant 0 : i32
      %cond3A_1691 = arith.cmpi ne, %convert_element_type3A_1689, %cond3A_1690 : i32
      scf.if %cond3A_1691 {
        %add3A_2330 = arith.constant 0 : i32
        %add3A_2331 = vector.broadcast %add3A_2330 : i32 to vector<16xi32>
        %add3A_2332 = arith.addi %iota3A, %add3A_2331 : vector<16xi32>
        %min3A_2333 = arith.constant 99 : i32
        %min3A_2334 = vector.broadcast %min3A_2333 : i32 to vector<16xi32>
        %min3A_2335 = arith.minsi %add3A_2332, %min3A_2334 : vector<16xi32>
        %gather3A = tpu.vector_load_idx %arg10[%min3A_2335, %broadcast_in_dim3A_1683] : memref<100x128xf32, #tpu.memory_space<vmem>>[vector<16xi32>, vector<16xi32>], vector<16xf32>,
        %swap3A = arith.index_cast %add3A_1654 : i32 to index
        %swap3A_2336 = arith.constant 0 : index
        %swap3A_2337 = tpu.vector_load %arg16[%swap3A, %swap3A_2336] {strides = array<i32>} : memref<128x128xf32, #tpu.memory_space<vmem>>, vector<16xf32>,
        tpu.vector_store %arg16[%swap3A, %swap3A_2336], %gather3A {strides = array<i32>} : memref<128x128xf32, #tpu.memory_space<vmem>>, vector<16xf32>,
        %add3A_2338 = arith.constant 16 : i32
        %add3A_2339 = vector.broadcast %add3A_2338 : i32 to vector<16xi32>
        %add3A_2340 = arith.addi %iota3A, %add3A_2339 : vector<16xi32>
        %min3A_2341 = arith.constant 99 : i32
        %min3A_2342 = vector.broadcast %min3A_2341 : i32 to vector<16xi32>
        %min3A_2343 = arith.minsi %add3A_2340, %min3A_2342 : vector<16xi32>
        %gather3A_2344 = tpu.vector_load_idx %arg10[%min3A_2343, %broadcast_in_dim3A_1683] : memref<100x128xf32, #tpu.memory_space<vmem>>[vector<16xi32>, vector<16xi32>], vector<16xf32>,
        %swap3A_2345 = arith.index_cast %add3A_1654 : i32 to index
        %swap3A_2346 = arith.constant 16 : index
        %swap3A_2347 = tpu.vector_load %arg16[%swap3A_2345, %swap3A_2346] {strides = array<i32>} : memref<128x128xf32, #tpu.memory_space<vmem>>, vector<16xf32>,
        tpu.vector_store %arg16[%swap3A_2345, %swap3A_2346], %gather3A_2344 {strides = array<i32>} : memref<128x128xf32, #tpu.memory_space<vmem>>, vector<16xf32>,
        %add3A_2348 = arith.constant 32 : i32
        %add3A_2349 = vector.broadcast %add3A_2348 : i32 to vector<16xi32>
        %add3A_2350 = arith.addi %iota3A, %add3A_2349 : vector<16xi32>
        %min3A_2351 = arith.constant 99 : i32
        %min3A_2352 = vector.broadcast %min3A_2351 : i32 to vector<16xi32>
        %min3A_2353 = arith.minsi %add3A_2350, %min3A_2352 : vector<16xi32>
        %gather3A_2354 = tpu.vector_load_idx %arg10[%min3A_2353, %broadcast_in_dim3A_1683] : memref<100x128xf32, #tpu.memory_space<vmem>>[vector<16xi32>, vector<16xi32>], vector<16xf32>,
        %swap3A_2355 = arith.index_cast %add3A_1654 : i32 to index
        %swap3A_2356 = arith.constant 32 : index
        %swap3A_2357 = tpu.vector_load %arg16[%swap3A_2355, %swap3A_2356] {strides = array<i32>} : memref<128x128xf32, #tpu.memory_space<vmem>>, vector<16xf32>,
        tpu.vector_store %arg16[%swap3A_2355, %swap3A_2356], %gather3A_2354 {strides = array<i32>} : memref<128x128xf32, #tpu.memory_space<vmem>>, vector<16xf32>,
        %add3A_2358 = arith.constant 48 : i32
        %add3A_2359 = vector.broadcast %add3A_2358 : i32 to vector<16xi32>
        %add3A_2360 = arith.addi %iota3A, %add3A_2359 : vector<16xi32>
        %min3A_2361 = arith.constant 99 : i32
        %min3A_2362 = vector.broadcast %min3A_2361 : i32 to vector<16xi32>
        %min3A_2363 = arith.minsi %add3A_2360, %min3A_2362 : vector<16xi32>
        %gather3A_2364 = tpu.vector_load_idx %arg10[%min3A_2363, %broadcast_in_dim3A_1683] : memref<100x128xf32, #tpu.memory_space<vmem>>[vector<16xi32>, vector<16xi32>], vector<16xf32>,
        %swap3A_2365 = arith.index_cast %add3A_1654 : i32 to index
        %swap3A_2366 = arith.constant 48 : index
        %swap3A_2367 = tpu.vector_load %arg16[%swap3A_2365, %swap3A_2366] {strides = array<i32>} : memref<128x128xf32, #tpu.memory_space<vmem>>, vector<16xf32>,
        tpu.vector_store %arg16[%swap3A_2365, %swap3A_2366], %gather3A_2364 {strides = array<i32>} : memref<128x128xf32, #tpu.memory_space<vmem>>, vector<16xf32>,
        %add3A_2368 = arith.constant 64 : i32
        %add3A_2369 = vector.broadcast %add3A_2368 : i32 to vector<16xi32>
        %add3A_2370 = arith.addi %iota3A, %add3A_2369 : vector<16xi32>
        %min3A_2371 = arith.constant 99 : i32
        %min3A_2372 = vector.broadcast %min3A_2371 : i32 to vector<16xi32>
        %min3A_2373 = arith.minsi %add3A_2370, %min3A_2372 : vector<16xi32>
        %gather3A_2374 = tpu.vector_load_idx %arg10[%min3A_2373, %broadcast_in_dim3A_1683] : memref<100x128xf32, #tpu.memory_space<vmem>>[vector<16xi32>, vector<16xi32>], vector<16xf32>,
        %swap3A_2375 = arith.index_cast %add3A_1654 : i32 to index
        %swap3A_2376 = arith.constant 64 : index
        %swap3A_2377 = tpu.vector_load %arg16[%swap3A_2375, %swap3A_2376] {strides = array<i32>} : memref<128x128xf32, #tpu.memory_space<vmem>>, vector<16xf32>,
        tpu.vector_store %arg16[%swap3A_2375, %swap3A_2376], %gather3A_2374 {strides = array<i32>} : memref<128x128xf32, #tpu.memory_space<vmem>>, vector<16xf32>,
        %add3A_2378 = arith.constant 80 : i32
        %add3A_2379 = vector.broadcast %add3A_2378 : i32 to vector<16xi32>
        %add3A_2380 = arith.addi %iota3A, %add3A_2379 : vector<16xi32>
        %min3A_2381 = arith.constant 99 : i32
        %min3A_2382 = vector.broadcast %min3A_2381 : i32 to vector<16xi32>
        %min3A_2383 = arith.minsi %add3A_2380, %min3A_2382 : vector<16xi32>
        %gather3A_2384 = tpu.vector_load_idx %arg10[%min3A_2383, %broadcast_in_dim3A_1683] : memref<100x128xf32, #tpu.memory_space<vmem>>[vector<16xi32>, vector<16xi32>], vector<16xf32>,
        %swap3A_2385 = arith.index_cast %add3A_1654 : i32 to index
        %swap3A_2386 = arith.constant 80 : index
        %swap3A_2387 = tpu.vector_load %arg16[%swap3A_2385, %swap3A_2386] {strides = array<i32>} : memref<128x128xf32, #tpu.memory_space<vmem>>, vector<16xf32>,
        tpu.vector_store %arg16[%swap3A_2385, %swap3A_2386], %gather3A_2384 {strides = array<i32>} : memref<128x128xf32, #tpu.memory_space<vmem>>, vector<16xf32>,
        %add3A_2388 = arith.constant 96 : i32
        %add3A_2389 = vector.broadcast %add3A_2388 : i32 to vector<16xi32>
        %add3A_2390 = arith.addi %iota3A, %add3A_2389 : vector<16xi32>
        %min3A_2391 = arith.constant 99 : i32
        %min3A_2392 = vector.broadcast %min3A_2391 : i32 to vector<16xi32>
        %min3A_2393 = arith.minsi %add3A_2390, %min3A_2392 : vector<16xi32>
        %gather3A_2394 = tpu.vector_load_idx %arg10[%min3A_2393, %broadcast_in_dim3A_1683] : memref<100x128xf32, #tpu.memory_space<vmem>>[vector<16xi32>, vector<16xi32>], vector<16xf32>,
        %swap3A_2395 = arith.index_cast %add3A_1654 : i32 to index
        %swap3A_2396 = arith.constant 96 : index
        %swap3A_2397 = tpu.vector_load %arg16[%swap3A_2395, %swap3A_2396] {strides = array<i32>} : memref<128x128xf32, #tpu.memory_space<vmem>>, vector<16xf32>,
        tpu.vector_store %arg16[%swap3A_2395, %swap3A_2396], %gather3A_2394 {strides = array<i32>} : memref<128x128xf32, #tpu.memory_space<vmem>>, vector<16xf32>,
      } else {
      }
      %slice3A_1692 = vector.extract_strided_slice %get3A_524 {offsets = [10], sizes = [1], strides = [1]} : vector<16xi32> to vector<1xi32>
      %squeeze3A_1693 = vector.extract %slice3A_1692[0] : i32 from vector<1xi32>
      %convert_element_type3A_1694 = arith.extui %or3A_861 : i1 to i32
      %cond3A_1695 = arith.constant 0 : i32
      %cond3A_1696 = arith.cmpi ne, %convert_element_type3A_1694, %cond3A_1695 : i32
      scf.if %cond3A_1696 {
        %jit3A_2330 = arith.constant 128 : i32
        %div3A_2331 = arith.divsi %squeeze3A_1693, %jit3A_2330 : i32
        %sign3A_2332 = arith.constant 0 : i32
        %sign3A_2333 = arith.cmpi sgt, %squeeze3A_1693, %sign3A_2332 : i32
        %sign3A_2334 = arith.extui %sign3A_2333 : i1 to i32
        %sign3A_2335 = arith.constant 0 : i32
        %sign3A_2336 = arith.cmpi slt, %squeeze3A_1693, %sign3A_2335 : i32
        %sign3A_2337 = arith.extui %sign3A_2336 : i1 to i32
        %sign3A_2338 = arith.subi %sign3A_2334, %sign3A_2337 : i32
        %sign3A_2339 = arith.constant 0 : i32
        %sign3A_2340 = arith.cmpi sgt, %jit3A_2330, %sign3A_2339 : i32
        %sign3A_2341 = arith.extui %sign3A_2340 : i1 to i32
        %sign3A_2342 = arith.constant 0 : i32
        %sign3A_2343 = arith.cmpi slt, %jit3A_2330, %sign3A_2342 : i32
        %sign3A_2344 = arith.extui %sign3A_2343 : i1 to i32
        %sign3A_2345 = arith.subi %sign3A_2341, %sign3A_2344 : i32
        %ne3A_2346 = arith.cmpi ne, %sign3A_2338, %sign3A_2345 : i32
        %rem3A_2347 = arith.remsi %squeeze3A_1693, %jit3A_2330 : i32
        %ne3A_2348 = arith.constant 0 : i32
        %ne3A_2349 = arith.cmpi ne, %rem3A_2347, %ne3A_2348 : i32
        %and3A_2350 = arith.andi %ne3A_2346, %ne3A_2349 : i1
        %sub3A_2351 = arith.constant 1 : i32
        %sub3A_2352 = arith.subi %div3A_2331, %sub3A_2351 : i32
        %select_n3A_2353 = arith.select %and3A_2350, %sub3A_2352, %div3A_2331 : i32
        %mul3A_2354 = arith.constant 128 : i32
        %mul3A_2355 = arith.muli %select_n3A_2353, %mul3A_2354 : i32
        %multiple_of3A_2356 = tpu.assume_multiple %mul3A_2355, 128 : i32
        %dma_start3A_2357 = arith.constant 0 : i32
        %dma_start3A_2358 = tpu.memref_slice %arg4[%dma_start3A_2357, %multiple_of3A_2356] : memref<100x1000000xf32, #tpu.memory_space<hbm>> -> memref<100x128xf32, #tpu.memory_space<hbm>>
        %dma_start3A_2359 = arith.constant 0 : i32
        %dma_start3A_2360 = tpu.memref_slice %arg4[%dma_start3A_2359, %multiple_of3A_2356] : memref<100x1000000xf32, #tpu.memory_space<hbm>> -> memref<100x128xf32, #tpu.memory_space<hbm>>
        tpu.enqueue_dma source(%dma_start3A_2360 : memref<100x128xf32, #tpu.memory_space<hbm>>) target(%arg10 : memref<100x128xf32, #tpu.memory_space<vmem>>) target_semaphore(%arg19 : memref<!tpu.dma_semaphore, #tpu.memory_space<semaphore_mem>>)
      } else {
      }
      %convert_element_type3A_1697 = arith.extui %or3A_681 : i1 to i32
      %cond3A_1698 = arith.constant 0 : i32
      %cond3A_1699 = arith.cmpi ne, %convert_element_type3A_1697, %cond3A_1698 : i32
      scf.if %cond3A_1699 {
        %dma_wait3A_2330 = arith.constant 0 : i32
        %dma_wait3A_2331 = arith.constant 0 : i32
        %dma_wait3A_2332 = tpu.memref_slice %arg4[%dma_wait3A_2330, %dma_wait3A_2331] : memref<100x1000000xf32, #tpu.memory_space<hbm>> -> memref<100x128xf32, #tpu.memory_space<hbm>>
        %dma_wait3A_2333 = arith.constant 0 : i32
        %dma_wait3A_2334 = arith.constant 0 : i32
        %dma_wait3A_2335 = tpu.memref_slice %arg4[%dma_wait3A_2333, %dma_wait3A_2334] : memref<100x1000000xf32, #tpu.memory_space<hbm>> -> memref<100x128xf32, #tpu.memory_space<hbm>>
        tpu.wait_dma2 semaphore(%arg21 : memref<!tpu.dma_semaphore, #tpu.memory_space<semaphore_mem>>) src(%dma_wait3A_2335 : memref<100x128xf32, #tpu.memory_space<hbm>>) dst(%arg12 : memref<100x128xf32, #tpu.memory_space<vmem>>)
      } else {
      }
      %slice3A_1700 = vector.extract_strided_slice %get3A_524 {offsets = [4], sizes = [1], strides = [1]} : vector<16xi32> to vector<1xi32>
      %squeeze3A_1701 = vector.extract %slice3A_1700[0] : i32 from vector<1xi32>
      %mul3A_1702 = arith.constant 16 : i32
      %mul3A_1703 = arith.muli %scan3A_518, %mul3A_1702 : i32
      %add3A_1704 = arith.constant 4 : i32
      %add3A_1705 = arith.addi %mul3A_1703, %add3A_1704 : i32
      %jit3A_1706 = arith.constant 128 : i32
      %div3A_1707 = arith.divsi %squeeze3A_1701, %jit3A_1706 : i32
      %sign3A_1708 = arith.constant 0 : i32
      %sign3A_1709 = arith.cmpi sgt, %squeeze3A_1701, %sign3A_1708 : i32
      %sign3A_1710 = arith.extui %sign3A_1709 : i1 to i32
      %sign3A_1711 = arith.constant 0 : i32
      %sign3A_1712 = arith.cmpi slt, %squeeze3A_1701, %sign3A_1711 : i32
      %sign3A_1713 = arith.extui %sign3A_1712 : i1 to i32
      %sign3A_1714 = arith.subi %sign3A_1710, %sign3A_1713 : i32
      %sign3A_1715 = arith.constant 0 : i32
      %sign3A_1716 = arith.cmpi sgt, %jit3A_1706, %sign3A_1715 : i32
      %sign3A_1717 = arith.extui %sign3A_1716 : i1 to i32
      %sign3A_1718 = arith.constant 0 : i32
      %sign3A_1719 = arith.cmpi slt, %jit3A_1706, %sign3A_1718 : i32
      %sign3A_1720 = arith.extui %sign3A_1719 : i1 to i32
      %sign3A_1721 = arith.subi %sign3A_1717, %sign3A_1720 : i32
      %ne3A_1722 = arith.cmpi ne, %sign3A_1714, %sign3A_1721 : i32
      %rem3A_1723 = arith.remsi %squeeze3A_1701, %jit3A_1706 : i32
      %ne3A_1724 = arith.constant 0 : i32
      %ne3A_1725 = arith.cmpi ne, %rem3A_1723, %ne3A_1724 : i32
      %and3A_1726 = arith.andi %ne3A_1722, %ne3A_1725 : i1
      %sub3A_1727 = arith.constant 1 : i32
      %sub3A_1728 = arith.subi %div3A_1707, %sub3A_1727 : i32
      %select_n3A_1729 = arith.select %and3A_1726, %sub3A_1728, %div3A_1707 : i32
      %mul3A_1730 = arith.constant 128 : i32
      %mul3A_1731 = arith.muli %select_n3A_1729, %mul3A_1730 : i32
      %multiple_of3A_1732 = tpu.assume_multiple %mul3A_1731, 128 : i32
      %sub3A_1733 = arith.subi %squeeze3A_1701, %multiple_of3A_1732 : i32
      %broadcast_in_dim3A_1734 = vector.broadcast %sub3A_1733 : i32 to vector<16xi32>
      %convert_element_type3A_1735 = arith.extui %or3A_681 : i1 to i32
      %cond3A_1736 = arith.constant 0 : i32
      %cond3A_1737 = arith.cmpi ne, %convert_element_type3A_1735, %cond3A_1736 : i32
      scf.if %cond3A_1737 {
        %add3A_2330 = arith.constant 0 : i32
        %add3A_2331 = vector.broadcast %add3A_2330 : i32 to vector<16xi32>
        %add3A_2332 = arith.addi %iota3A, %add3A_2331 : vector<16xi32>
        %min3A_2333 = arith.constant 99 : i32
        %min3A_2334 = vector.broadcast %min3A_2333 : i32 to vector<16xi32>
        %min3A_2335 = arith.minsi %add3A_2332, %min3A_2334 : vector<16xi32>
        %gather3A = tpu.vector_load_idx %arg12[%min3A_2335, %broadcast_in_dim3A_1734] : memref<100x128xf32, #tpu.memory_space<vmem>>[vector<16xi32>, vector<16xi32>], vector<16xf32>,
        %swap3A = arith.index_cast %add3A_1705 : i32 to index
        %swap3A_2336 = arith.constant 0 : index
        %swap3A_2337 = tpu.vector_load %arg16[%swap3A, %swap3A_2336] {strides = array<i32>} : memref<128x128xf32, #tpu.memory_space<vmem>>, vector<16xf32>,
        tpu.vector_store %arg16[%swap3A, %swap3A_2336], %gather3A {strides = array<i32>} : memref<128x128xf32, #tpu.memory_space<vmem>>, vector<16xf32>,
        %add3A_2338 = arith.constant 16 : i32
        %add3A_2339 = vector.broadcast %add3A_2338 : i32 to vector<16xi32>
        %add3A_2340 = arith.addi %iota3A, %add3A_2339 : vector<16xi32>
        %min3A_2341 = arith.constant 99 : i32
        %min3A_2342 = vector.broadcast %min3A_2341 : i32 to vector<16xi32>
        %min3A_2343 = arith.minsi %add3A_2340, %min3A_2342 : vector<16xi32>
        %gather3A_2344 = tpu.vector_load_idx %arg12[%min3A_2343, %broadcast_in_dim3A_1734] : memref<100x128xf32, #tpu.memory_space<vmem>>[vector<16xi32>, vector<16xi32>], vector<16xf32>,
        %swap3A_2345 = arith.index_cast %add3A_1705 : i32 to index
        %swap3A_2346 = arith.constant 16 : index
        %swap3A_2347 = tpu.vector_load %arg16[%swap3A_2345, %swap3A_2346] {strides = array<i32>} : memref<128x128xf32, #tpu.memory_space<vmem>>, vector<16xf32>,
        tpu.vector_store %arg16[%swap3A_2345, %swap3A_2346], %gather3A_2344 {strides = array<i32>} : memref<128x128xf32, #tpu.memory_space<vmem>>, vector<16xf32>,
        %add3A_2348 = arith.constant 32 : i32
        %add3A_2349 = vector.broadcast %add3A_2348 : i32 to vector<16xi32>
        %add3A_2350 = arith.addi %iota3A, %add3A_2349 : vector<16xi32>
        %min3A_2351 = arith.constant 99 : i32
        %min3A_2352 = vector.broadcast %min3A_2351 : i32 to vector<16xi32>
        %min3A_2353 = arith.minsi %add3A_2350, %min3A_2352 : vector<16xi32>
        %gather3A_2354 = tpu.vector_load_idx %arg12[%min3A_2353, %broadcast_in_dim3A_1734] : memref<100x128xf32, #tpu.memory_space<vmem>>[vector<16xi32>, vector<16xi32>], vector<16xf32>,
        %swap3A_2355 = arith.index_cast %add3A_1705 : i32 to index
        %swap3A_2356 = arith.constant 32 : index
        %swap3A_2357 = tpu.vector_load %arg16[%swap3A_2355, %swap3A_2356] {strides = array<i32>} : memref<128x128xf32, #tpu.memory_space<vmem>>, vector<16xf32>,
        tpu.vector_store %arg16[%swap3A_2355, %swap3A_2356], %gather3A_2354 {strides = array<i32>} : memref<128x128xf32, #tpu.memory_space<vmem>>, vector<16xf32>,
        %add3A_2358 = arith.constant 48 : i32
        %add3A_2359 = vector.broadcast %add3A_2358 : i32 to vector<16xi32>
        %add3A_2360 = arith.addi %iota3A, %add3A_2359 : vector<16xi32>
        %min3A_2361 = arith.constant 99 : i32
        %min3A_2362 = vector.broadcast %min3A_2361 : i32 to vector<16xi32>
        %min3A_2363 = arith.minsi %add3A_2360, %min3A_2362 : vector<16xi32>
        %gather3A_2364 = tpu.vector_load_idx %arg12[%min3A_2363, %broadcast_in_dim3A_1734] : memref<100x128xf32, #tpu.memory_space<vmem>>[vector<16xi32>, vector<16xi32>], vector<16xf32>,
        %swap3A_2365 = arith.index_cast %add3A_1705 : i32 to index
        %swap3A_2366 = arith.constant 48 : index
        %swap3A_2367 = tpu.vector_load %arg16[%swap3A_2365, %swap3A_2366] {strides = array<i32>} : memref<128x128xf32, #tpu.memory_space<vmem>>, vector<16xf32>,
        tpu.vector_store %arg16[%swap3A_2365, %swap3A_2366], %gather3A_2364 {strides = array<i32>} : memref<128x128xf32, #tpu.memory_space<vmem>>, vector<16xf32>,
        %add3A_2368 = arith.constant 64 : i32
        %add3A_2369 = vector.broadcast %add3A_2368 : i32 to vector<16xi32>
        %add3A_2370 = arith.addi %iota3A, %add3A_2369 : vector<16xi32>
        %min3A_2371 = arith.constant 99 : i32
        %min3A_2372 = vector.broadcast %min3A_2371 : i32 to vector<16xi32>
        %min3A_2373 = arith.minsi %add3A_2370, %min3A_2372 : vector<16xi32>
        %gather3A_2374 = tpu.vector_load_idx %arg12[%min3A_2373, %broadcast_in_dim3A_1734] : memref<100x128xf32, #tpu.memory_space<vmem>>[vector<16xi32>, vector<16xi32>], vector<16xf32>,
        %swap3A_2375 = arith.index_cast %add3A_1705 : i32 to index
        %swap3A_2376 = arith.constant 64 : index
        %swap3A_2377 = tpu.vector_load %arg16[%swap3A_2375, %swap3A_2376] {strides = array<i32>} : memref<128x128xf32, #tpu.memory_space<vmem>>, vector<16xf32>,
        tpu.vector_store %arg16[%swap3A_2375, %swap3A_2376], %gather3A_2374 {strides = array<i32>} : memref<128x128xf32, #tpu.memory_space<vmem>>, vector<16xf32>,
        %add3A_2378 = arith.constant 80 : i32
        %add3A_2379 = vector.broadcast %add3A_2378 : i32 to vector<16xi32>
        %add3A_2380 = arith.addi %iota3A, %add3A_2379 : vector<16xi32>
        %min3A_2381 = arith.constant 99 : i32
        %min3A_2382 = vector.broadcast %min3A_2381 : i32 to vector<16xi32>
        %min3A_2383 = arith.minsi %add3A_2380, %min3A_2382 : vector<16xi32>
        %gather3A_2384 = tpu.vector_load_idx %arg12[%min3A_2383, %broadcast_in_dim3A_1734] : memref<100x128xf32, #tpu.memory_space<vmem>>[vector<16xi32>, vector<16xi32>], vector<16xf32>,
        %swap3A_2385 = arith.index_cast %add3A_1705 : i32 to index
        %swap3A_2386 = arith.constant 80 : index
        %swap3A_2387 = tpu.vector_load %arg16[%swap3A_2385, %swap3A_2386] {strides = array<i32>} : memref<128x128xf32, #tpu.memory_space<vmem>>, vector<16xf32>,
        tpu.vector_store %arg16[%swap3A_2385, %swap3A_2386], %gather3A_2384 {strides = array<i32>} : memref<128x128xf32, #tpu.memory_space<vmem>>, vector<16xf32>,
        %add3A_2388 = arith.constant 96 : i32
        %add3A_2389 = vector.broadcast %add3A_2388 : i32 to vector<16xi32>
        %add3A_2390 = arith.addi %iota3A, %add3A_2389 : vector<16xi32>
        %min3A_2391 = arith.constant 99 : i32
        %min3A_2392 = vector.broadcast %min3A_2391 : i32 to vector<16xi32>
        %min3A_2393 = arith.minsi %add3A_2390, %min3A_2392 : vector<16xi32>
        %gather3A_2394 = tpu.vector_load_idx %arg12[%min3A_2393, %broadcast_in_dim3A_1734] : memref<100x128xf32, #tpu.memory_space<vmem>>[vector<16xi32>, vector<16xi32>], vector<16xf32>,
        %swap3A_2395 = arith.index_cast %add3A_1705 : i32 to index
        %swap3A_2396 = arith.constant 96 : index
        %swap3A_2397 = tpu.vector_load %arg16[%swap3A_2395, %swap3A_2396] {strides = array<i32>} : memref<128x128xf32, #tpu.memory_space<vmem>>, vector<16xf32>,
        tpu.vector_store %arg16[%swap3A_2395, %swap3A_2396], %gather3A_2394 {strides = array<i32>} : memref<128x128xf32, #tpu.memory_space<vmem>>, vector<16xf32>,
      } else {
      }
      %not3A_1738 = arith.constant true
      %not3A_1739 = arith.xori %or3A_681, %not3A_1738 : i1
      %convert_element_type3A_1740 = arith.extui %not3A_1739 : i1 to i32
      %cond3A_1741 = arith.constant 0 : i32
      %cond3A_1742 = arith.cmpi ne, %convert_element_type3A_1740, %cond3A_1741 : i32
      scf.if %cond3A_1742 {
        %add3A_2330 = arith.constant 0 : i32
        %add3A_2331 = vector.broadcast %add3A_2330 : i32 to vector<16xi32>
        %add3A_2332 = arith.addi %iota3A, %add3A_2331 : vector<16xi32>
        %min3A_2333 = arith.constant 99 : i32
        %min3A_2334 = vector.broadcast %min3A_2333 : i32 to vector<16xi32>
        %min3A_2335 = arith.minsi %add3A_2332, %min3A_2334 : vector<16xi32>
        %gather3A = tpu.vector_load_idx %arg11[%min3A_2335, %broadcast_in_dim3A_1734] : memref<100x128xf32, #tpu.memory_space<vmem>>[vector<16xi32>, vector<16xi32>], vector<16xf32>,
        %swap3A = arith.index_cast %add3A_1705 : i32 to index
        %swap3A_2336 = arith.constant 0 : index
        %swap3A_2337 = tpu.vector_load %arg16[%swap3A, %swap3A_2336] {strides = array<i32>} : memref<128x128xf32, #tpu.memory_space<vmem>>, vector<16xf32>,
        tpu.vector_store %arg16[%swap3A, %swap3A_2336], %gather3A {strides = array<i32>} : memref<128x128xf32, #tpu.memory_space<vmem>>, vector<16xf32>,
        %add3A_2338 = arith.constant 16 : i32
        %add3A_2339 = vector.broadcast %add3A_2338 : i32 to vector<16xi32>
        %add3A_2340 = arith.addi %iota3A, %add3A_2339 : vector<16xi32>
        %min3A_2341 = arith.constant 99 : i32
        %min3A_2342 = vector.broadcast %min3A_2341 : i32 to vector<16xi32>
        %min3A_2343 = arith.minsi %add3A_2340, %min3A_2342 : vector<16xi32>
        %gather3A_2344 = tpu.vector_load_idx %arg11[%min3A_2343, %broadcast_in_dim3A_1734] : memref<100x128xf32, #tpu.memory_space<vmem>>[vector<16xi32>, vector<16xi32>], vector<16xf32>,
        %swap3A_2345 = arith.index_cast %add3A_1705 : i32 to index
        %swap3A_2346 = arith.constant 16 : index
        %swap3A_2347 = tpu.vector_load %arg16[%swap3A_2345, %swap3A_2346] {strides = array<i32>} : memref<128x128xf32, #tpu.memory_space<vmem>>, vector<16xf32>,
        tpu.vector_store %arg16[%swap3A_2345, %swap3A_2346], %gather3A_2344 {strides = array<i32>} : memref<128x128xf32, #tpu.memory_space<vmem>>, vector<16xf32>,
        %add3A_2348 = arith.constant 32 : i32
        %add3A_2349 = vector.broadcast %add3A_2348 : i32 to vector<16xi32>
        %add3A_2350 = arith.addi %iota3A, %add3A_2349 : vector<16xi32>
        %min3A_2351 = arith.constant 99 : i32
        %min3A_2352 = vector.broadcast %min3A_2351 : i32 to vector<16xi32>
        %min3A_2353 = arith.minsi %add3A_2350, %min3A_2352 : vector<16xi32>
        %gather3A_2354 = tpu.vector_load_idx %arg11[%min3A_2353, %broadcast_in_dim3A_1734] : memref<100x128xf32, #tpu.memory_space<vmem>>[vector<16xi32>, vector<16xi32>], vector<16xf32>,
        %swap3A_2355 = arith.index_cast %add3A_1705 : i32 to index
        %swap3A_2356 = arith.constant 32 : index
        %swap3A_2357 = tpu.vector_load %arg16[%swap3A_2355, %swap3A_2356] {strides = array<i32>} : memref<128x128xf32, #tpu.memory_space<vmem>>, vector<16xf32>,
        tpu.vector_store %arg16[%swap3A_2355, %swap3A_2356], %gather3A_2354 {strides = array<i32>} : memref<128x128xf32, #tpu.memory_space<vmem>>, vector<16xf32>,
        %add3A_2358 = arith.constant 48 : i32
        %add3A_2359 = vector.broadcast %add3A_2358 : i32 to vector<16xi32>
        %add3A_2360 = arith.addi %iota3A, %add3A_2359 : vector<16xi32>
        %min3A_2361 = arith.constant 99 : i32
        %min3A_2362 = vector.broadcast %min3A_2361 : i32 to vector<16xi32>
        %min3A_2363 = arith.minsi %add3A_2360, %min3A_2362 : vector<16xi32>
        %gather3A_2364 = tpu.vector_load_idx %arg11[%min3A_2363, %broadcast_in_dim3A_1734] : memref<100x128xf32, #tpu.memory_space<vmem>>[vector<16xi32>, vector<16xi32>], vector<16xf32>,
        %swap3A_2365 = arith.index_cast %add3A_1705 : i32 to index
        %swap3A_2366 = arith.constant 48 : index
        %swap3A_2367 = tpu.vector_load %arg16[%swap3A_2365, %swap3A_2366] {strides = array<i32>} : memref<128x128xf32, #tpu.memory_space<vmem>>, vector<16xf32>,
        tpu.vector_store %arg16[%swap3A_2365, %swap3A_2366], %gather3A_2364 {strides = array<i32>} : memref<128x128xf32, #tpu.memory_space<vmem>>, vector<16xf32>,
        %add3A_2368 = arith.constant 64 : i32
        %add3A_2369 = vector.broadcast %add3A_2368 : i32 to vector<16xi32>
        %add3A_2370 = arith.addi %iota3A, %add3A_2369 : vector<16xi32>
        %min3A_2371 = arith.constant 99 : i32
        %min3A_2372 = vector.broadcast %min3A_2371 : i32 to vector<16xi32>
        %min3A_2373 = arith.minsi %add3A_2370, %min3A_2372 : vector<16xi32>
        %gather3A_2374 = tpu.vector_load_idx %arg11[%min3A_2373, %broadcast_in_dim3A_1734] : memref<100x128xf32, #tpu.memory_space<vmem>>[vector<16xi32>, vector<16xi32>], vector<16xf32>,
        %swap3A_2375 = arith.index_cast %add3A_1705 : i32 to index
        %swap3A_2376 = arith.constant 64 : index
        %swap3A_2377 = tpu.vector_load %arg16[%swap3A_2375, %swap3A_2376] {strides = array<i32>} : memref<128x128xf32, #tpu.memory_space<vmem>>, vector<16xf32>,
        tpu.vector_store %arg16[%swap3A_2375, %swap3A_2376], %gather3A_2374 {strides = array<i32>} : memref<128x128xf32, #tpu.memory_space<vmem>>, vector<16xf32>,
        %add3A_2378 = arith.constant 80 : i32
        %add3A_2379 = vector.broadcast %add3A_2378 : i32 to vector<16xi32>
        %add3A_2380 = arith.addi %iota3A, %add3A_2379 : vector<16xi32>
        %min3A_2381 = arith.constant 99 : i32
        %min3A_2382 = vector.broadcast %min3A_2381 : i32 to vector<16xi32>
        %min3A_2383 = arith.minsi %add3A_2380, %min3A_2382 : vector<16xi32>
        %gather3A_2384 = tpu.vector_load_idx %arg11[%min3A_2383, %broadcast_in_dim3A_1734] : memref<100x128xf32, #tpu.memory_space<vmem>>[vector<16xi32>, vector<16xi32>], vector<16xf32>,
        %swap3A_2385 = arith.index_cast %add3A_1705 : i32 to index
        %swap3A_2386 = arith.constant 80 : index
        %swap3A_2387 = tpu.vector_load %arg16[%swap3A_2385, %swap3A_2386] {strides = array<i32>} : memref<128x128xf32, #tpu.memory_space<vmem>>, vector<16xf32>,
        tpu.vector_store %arg16[%swap3A_2385, %swap3A_2386], %gather3A_2384 {strides = array<i32>} : memref<128x128xf32, #tpu.memory_space<vmem>>, vector<16xf32>,
        %add3A_2388 = arith.constant 96 : i32
        %add3A_2389 = vector.broadcast %add3A_2388 : i32 to vector<16xi32>
        %add3A_2390 = arith.addi %iota3A, %add3A_2389 : vector<16xi32>
        %min3A_2391 = arith.constant 99 : i32
        %min3A_2392 = vector.broadcast %min3A_2391 : i32 to vector<16xi32>
        %min3A_2393 = arith.minsi %add3A_2390, %min3A_2392 : vector<16xi32>
        %gather3A_2394 = tpu.vector_load_idx %arg11[%min3A_2393, %broadcast_in_dim3A_1734] : memref<100x128xf32, #tpu.memory_space<vmem>>[vector<16xi32>, vector<16xi32>], vector<16xf32>,
        %swap3A_2395 = arith.index_cast %add3A_1705 : i32 to index
        %swap3A_2396 = arith.constant 96 : index
        %swap3A_2397 = tpu.vector_load %arg16[%swap3A_2395, %swap3A_2396] {strides = array<i32>} : memref<128x128xf32, #tpu.memory_space<vmem>>, vector<16xf32>,
        tpu.vector_store %arg16[%swap3A_2395, %swap3A_2396], %gather3A_2394 {strides = array<i32>} : memref<128x128xf32, #tpu.memory_space<vmem>>, vector<16xf32>,
      } else {
      }
      %slice3A_1743 = vector.extract_strided_slice %get3A_524 {offsets = [11], sizes = [1], strides = [1]} : vector<16xi32> to vector<1xi32>
      %squeeze3A_1744 = vector.extract %slice3A_1743[0] : i32 from vector<1xi32>
      %convert_element_type3A_1745 = arith.extui %or3A_891 : i1 to i32
      %cond3A_1746 = arith.constant 0 : i32
      %cond3A_1747 = arith.cmpi ne, %convert_element_type3A_1745, %cond3A_1746 : i32
      scf.if %cond3A_1747 {
        %jit3A_2330 = arith.constant 128 : i32
        %div3A_2331 = arith.divsi %squeeze3A_1744, %jit3A_2330 : i32
        %sign3A_2332 = arith.constant 0 : i32
        %sign3A_2333 = arith.cmpi sgt, %squeeze3A_1744, %sign3A_2332 : i32
        %sign3A_2334 = arith.extui %sign3A_2333 : i1 to i32
        %sign3A_2335 = arith.constant 0 : i32
        %sign3A_2336 = arith.cmpi slt, %squeeze3A_1744, %sign3A_2335 : i32
        %sign3A_2337 = arith.extui %sign3A_2336 : i1 to i32
        %sign3A_2338 = arith.subi %sign3A_2334, %sign3A_2337 : i32
        %sign3A_2339 = arith.constant 0 : i32
        %sign3A_2340 = arith.cmpi sgt, %jit3A_2330, %sign3A_2339 : i32
        %sign3A_2341 = arith.extui %sign3A_2340 : i1 to i32
        %sign3A_2342 = arith.constant 0 : i32
        %sign3A_2343 = arith.cmpi slt, %jit3A_2330, %sign3A_2342 : i32
        %sign3A_2344 = arith.extui %sign3A_2343 : i1 to i32
        %sign3A_2345 = arith.subi %sign3A_2341, %sign3A_2344 : i32
        %ne3A_2346 = arith.cmpi ne, %sign3A_2338, %sign3A_2345 : i32
        %rem3A_2347 = arith.remsi %squeeze3A_1744, %jit3A_2330 : i32
        %ne3A_2348 = arith.constant 0 : i32
        %ne3A_2349 = arith.cmpi ne, %rem3A_2347, %ne3A_2348 : i32
        %and3A_2350 = arith.andi %ne3A_2346, %ne3A_2349 : i1
        %sub3A_2351 = arith.constant 1 : i32
        %sub3A_2352 = arith.subi %div3A_2331, %sub3A_2351 : i32
        %select_n3A_2353 = arith.select %and3A_2350, %sub3A_2352, %div3A_2331 : i32
        %mul3A_2354 = arith.constant 128 : i32
        %mul3A_2355 = arith.muli %select_n3A_2353, %mul3A_2354 : i32
        %multiple_of3A_2356 = tpu.assume_multiple %mul3A_2355, 128 : i32
        %dma_start3A_2357 = arith.constant 0 : i32
        %dma_start3A_2358 = tpu.memref_slice %arg4[%dma_start3A_2357, %multiple_of3A_2356] : memref<100x1000000xf32, #tpu.memory_space<hbm>> -> memref<100x128xf32, #tpu.memory_space<hbm>>
        %dma_start3A_2359 = arith.constant 0 : i32
        %dma_start3A_2360 = tpu.memref_slice %arg4[%dma_start3A_2359, %multiple_of3A_2356] : memref<100x1000000xf32, #tpu.memory_space<hbm>> -> memref<100x128xf32, #tpu.memory_space<hbm>>
        tpu.enqueue_dma source(%dma_start3A_2360 : memref<100x128xf32, #tpu.memory_space<hbm>>) target(%arg11 : memref<100x128xf32, #tpu.memory_space<vmem>>) target_semaphore(%arg20 : memref<!tpu.dma_semaphore, #tpu.memory_space<semaphore_mem>>)
      } else {
      }
      %convert_element_type3A_1748 = arith.extui %or3A_711 : i1 to i32
      %cond3A_1749 = arith.constant 0 : i32
      %cond3A_1750 = arith.cmpi ne, %convert_element_type3A_1748, %cond3A_1749 : i32
      scf.if %cond3A_1750 {
        %dma_wait3A_2330 = arith.constant 0 : i32
        %dma_wait3A_2331 = arith.constant 0 : i32
        %dma_wait3A_2332 = tpu.memref_slice %arg4[%dma_wait3A_2330, %dma_wait3A_2331] : memref<100x1000000xf32, #tpu.memory_space<hbm>> -> memref<100x128xf32, #tpu.memory_space<hbm>>
        %dma_wait3A_2333 = arith.constant 0 : i32
        %dma_wait3A_2334 = arith.constant 0 : i32
        %dma_wait3A_2335 = tpu.memref_slice %arg4[%dma_wait3A_2333, %dma_wait3A_2334] : memref<100x1000000xf32, #tpu.memory_space<hbm>> -> memref<100x128xf32, #tpu.memory_space<hbm>>
        tpu.wait_dma2 semaphore(%arg22 : memref<!tpu.dma_semaphore, #tpu.memory_space<semaphore_mem>>) src(%dma_wait3A_2335 : memref<100x128xf32, #tpu.memory_space<hbm>>) dst(%arg13 : memref<100x128xf32, #tpu.memory_space<vmem>>)
      } else {
      }
      %slice3A_1751 = vector.extract_strided_slice %get3A_524 {offsets = [5], sizes = [1], strides = [1]} : vector<16xi32> to vector<1xi32>
      %squeeze3A_1752 = vector.extract %slice3A_1751[0] : i32 from vector<1xi32>
      %mul3A_1753 = arith.constant 16 : i32
      %mul3A_1754 = arith.muli %scan3A_518, %mul3A_1753 : i32
      %add3A_1755 = arith.constant 5 : i32
      %add3A_1756 = arith.addi %mul3A_1754, %add3A_1755 : i32
      %jit3A_1757 = arith.constant 128 : i32
      %div3A_1758 = arith.divsi %squeeze3A_1752, %jit3A_1757 : i32
      %sign3A_1759 = arith.constant 0 : i32
      %sign3A_1760 = arith.cmpi sgt, %squeeze3A_1752, %sign3A_1759 : i32
      %sign3A_1761 = arith.extui %sign3A_1760 : i1 to i32
      %sign3A_1762 = arith.constant 0 : i32
      %sign3A_1763 = arith.cmpi slt, %squeeze3A_1752, %sign3A_1762 : i32
      %sign3A_1764 = arith.extui %sign3A_1763 : i1 to i32
      %sign3A_1765 = arith.subi %sign3A_1761, %sign3A_1764 : i32
      %sign3A_1766 = arith.constant 0 : i32
      %sign3A_1767 = arith.cmpi sgt, %jit3A_1757, %sign3A_1766 : i32
      %sign3A_1768 = arith.extui %sign3A_1767 : i1 to i32
      %sign3A_1769 = arith.constant 0 : i32
      %sign3A_1770 = arith.cmpi slt, %jit3A_1757, %sign3A_1769 : i32
      %sign3A_1771 = arith.extui %sign3A_1770 : i1 to i32
      %sign3A_1772 = arith.subi %sign3A_1768, %sign3A_1771 : i32
      %ne3A_1773 = arith.cmpi ne, %sign3A_1765, %sign3A_1772 : i32
      %rem3A_1774 = arith.remsi %squeeze3A_1752, %jit3A_1757 : i32
      %ne3A_1775 = arith.constant 0 : i32
      %ne3A_1776 = arith.cmpi ne, %rem3A_1774, %ne3A_1775 : i32
      %and3A_1777 = arith.andi %ne3A_1773, %ne3A_1776 : i1
      %sub3A_1778 = arith.constant 1 : i32
      %sub3A_1779 = arith.subi %div3A_1758, %sub3A_1778 : i32
      %select_n3A_1780 = arith.select %and3A_1777, %sub3A_1779, %div3A_1758 : i32
      %mul3A_1781 = arith.constant 128 : i32
      %mul3A_1782 = arith.muli %select_n3A_1780, %mul3A_1781 : i32
      %multiple_of3A_1783 = tpu.assume_multiple %mul3A_1782, 128 : i32
      %sub3A_1784 = arith.subi %squeeze3A_1752, %multiple_of3A_1783 : i32
      %broadcast_in_dim3A_1785 = vector.broadcast %sub3A_1784 : i32 to vector<16xi32>
      %convert_element_type3A_1786 = arith.extui %or3A_711 : i1 to i32
      %cond3A_1787 = arith.constant 0 : i32
      %cond3A_1788 = arith.cmpi ne, %convert_element_type3A_1786, %cond3A_1787 : i32
      scf.if %cond3A_1788 {
        %add3A_2330 = arith.constant 0 : i32
        %add3A_2331 = vector.broadcast %add3A_2330 : i32 to vector<16xi32>
        %add3A_2332 = arith.addi %iota3A, %add3A_2331 : vector<16xi32>
        %min3A_2333 = arith.constant 99 : i32
        %min3A_2334 = vector.broadcast %min3A_2333 : i32 to vector<16xi32>
        %min3A_2335 = arith.minsi %add3A_2332, %min3A_2334 : vector<16xi32>
        %gather3A = tpu.vector_load_idx %arg13[%min3A_2335, %broadcast_in_dim3A_1785] : memref<100x128xf32, #tpu.memory_space<vmem>>[vector<16xi32>, vector<16xi32>], vector<16xf32>,
        %swap3A = arith.index_cast %add3A_1756 : i32 to index
        %swap3A_2336 = arith.constant 0 : index
        %swap3A_2337 = tpu.vector_load %arg16[%swap3A, %swap3A_2336] {strides = array<i32>} : memref<128x128xf32, #tpu.memory_space<vmem>>, vector<16xf32>,
        tpu.vector_store %arg16[%swap3A, %swap3A_2336], %gather3A {strides = array<i32>} : memref<128x128xf32, #tpu.memory_space<vmem>>, vector<16xf32>,
        %add3A_2338 = arith.constant 16 : i32
        %add3A_2339 = vector.broadcast %add3A_2338 : i32 to vector<16xi32>
        %add3A_2340 = arith.addi %iota3A, %add3A_2339 : vector<16xi32>
        %min3A_2341 = arith.constant 99 : i32
        %min3A_2342 = vector.broadcast %min3A_2341 : i32 to vector<16xi32>
        %min3A_2343 = arith.minsi %add3A_2340, %min3A_2342 : vector<16xi32>
        %gather3A_2344 = tpu.vector_load_idx %arg13[%min3A_2343, %broadcast_in_dim3A_1785] : memref<100x128xf32, #tpu.memory_space<vmem>>[vector<16xi32>, vector<16xi32>], vector<16xf32>,
        %swap3A_2345 = arith.index_cast %add3A_1756 : i32 to index
        %swap3A_2346 = arith.constant 16 : index
        %swap3A_2347 = tpu.vector_load %arg16[%swap3A_2345, %swap3A_2346] {strides = array<i32>} : memref<128x128xf32, #tpu.memory_space<vmem>>, vector<16xf32>,
        tpu.vector_store %arg16[%swap3A_2345, %swap3A_2346], %gather3A_2344 {strides = array<i32>} : memref<128x128xf32, #tpu.memory_space<vmem>>, vector<16xf32>,
        %add3A_2348 = arith.constant 32 : i32
        %add3A_2349 = vector.broadcast %add3A_2348 : i32 to vector<16xi32>
        %add3A_2350 = arith.addi %iota3A, %add3A_2349 : vector<16xi32>
        %min3A_2351 = arith.constant 99 : i32
        %min3A_2352 = vector.broadcast %min3A_2351 : i32 to vector<16xi32>
        %min3A_2353 = arith.minsi %add3A_2350, %min3A_2352 : vector<16xi32>
        %gather3A_2354 = tpu.vector_load_idx %arg13[%min3A_2353, %broadcast_in_dim3A_1785] : memref<100x128xf32, #tpu.memory_space<vmem>>[vector<16xi32>, vector<16xi32>], vector<16xf32>,
        %swap3A_2355 = arith.index_cast %add3A_1756 : i32 to index
        %swap3A_2356 = arith.constant 32 : index
        %swap3A_2357 = tpu.vector_load %arg16[%swap3A_2355, %swap3A_2356] {strides = array<i32>} : memref<128x128xf32, #tpu.memory_space<vmem>>, vector<16xf32>,
        tpu.vector_store %arg16[%swap3A_2355, %swap3A_2356], %gather3A_2354 {strides = array<i32>} : memref<128x128xf32, #tpu.memory_space<vmem>>, vector<16xf32>,
        %add3A_2358 = arith.constant 48 : i32
        %add3A_2359 = vector.broadcast %add3A_2358 : i32 to vector<16xi32>
        %add3A_2360 = arith.addi %iota3A, %add3A_2359 : vector<16xi32>
        %min3A_2361 = arith.constant 99 : i32
        %min3A_2362 = vector.broadcast %min3A_2361 : i32 to vector<16xi32>
        %min3A_2363 = arith.minsi %add3A_2360, %min3A_2362 : vector<16xi32>
        %gather3A_2364 = tpu.vector_load_idx %arg13[%min3A_2363, %broadcast_in_dim3A_1785] : memref<100x128xf32, #tpu.memory_space<vmem>>[vector<16xi32>, vector<16xi32>], vector<16xf32>,
        %swap3A_2365 = arith.index_cast %add3A_1756 : i32 to index
        %swap3A_2366 = arith.constant 48 : index
        %swap3A_2367 = tpu.vector_load %arg16[%swap3A_2365, %swap3A_2366] {strides = array<i32>} : memref<128x128xf32, #tpu.memory_space<vmem>>, vector<16xf32>,
        tpu.vector_store %arg16[%swap3A_2365, %swap3A_2366], %gather3A_2364 {strides = array<i32>} : memref<128x128xf32, #tpu.memory_space<vmem>>, vector<16xf32>,
        %add3A_2368 = arith.constant 64 : i32
        %add3A_2369 = vector.broadcast %add3A_2368 : i32 to vector<16xi32>
        %add3A_2370 = arith.addi %iota3A, %add3A_2369 : vector<16xi32>
        %min3A_2371 = arith.constant 99 : i32
        %min3A_2372 = vector.broadcast %min3A_2371 : i32 to vector<16xi32>
        %min3A_2373 = arith.minsi %add3A_2370, %min3A_2372 : vector<16xi32>
        %gather3A_2374 = tpu.vector_load_idx %arg13[%min3A_2373, %broadcast_in_dim3A_1785] : memref<100x128xf32, #tpu.memory_space<vmem>>[vector<16xi32>, vector<16xi32>], vector<16xf32>,
        %swap3A_2375 = arith.index_cast %add3A_1756 : i32 to index
        %swap3A_2376 = arith.constant 64 : index
        %swap3A_2377 = tpu.vector_load %arg16[%swap3A_2375, %swap3A_2376] {strides = array<i32>} : memref<128x128xf32, #tpu.memory_space<vmem>>, vector<16xf32>,
        tpu.vector_store %arg16[%swap3A_2375, %swap3A_2376], %gather3A_2374 {strides = array<i32>} : memref<128x128xf32, #tpu.memory_space<vmem>>, vector<16xf32>,
        %add3A_2378 = arith.constant 80 : i32
        %add3A_2379 = vector.broadcast %add3A_2378 : i32 to vector<16xi32>
        %add3A_2380 = arith.addi %iota3A, %add3A_2379 : vector<16xi32>
        %min3A_2381 = arith.constant 99 : i32
        %min3A_2382 = vector.broadcast %min3A_2381 : i32 to vector<16xi32>
        %min3A_2383 = arith.minsi %add3A_2380, %min3A_2382 : vector<16xi32>
        %gather3A_2384 = tpu.vector_load_idx %arg13[%min3A_2383, %broadcast_in_dim3A_1785] : memref<100x128xf32, #tpu.memory_space<vmem>>[vector<16xi32>, vector<16xi32>], vector<16xf32>,
        %swap3A_2385 = arith.index_cast %add3A_1756 : i32 to index
        %swap3A_2386 = arith.constant 80 : index
        %swap3A_2387 = tpu.vector_load %arg16[%swap3A_2385, %swap3A_2386] {strides = array<i32>} : memref<128x128xf32, #tpu.memory_space<vmem>>, vector<16xf32>,
        tpu.vector_store %arg16[%swap3A_2385, %swap3A_2386], %gather3A_2384 {strides = array<i32>} : memref<128x128xf32, #tpu.memory_space<vmem>>, vector<16xf32>,
        %add3A_2388 = arith.constant 96 : i32
        %add3A_2389 = vector.broadcast %add3A_2388 : i32 to vector<16xi32>
        %add3A_2390 = arith.addi %iota3A, %add3A_2389 : vector<16xi32>
        %min3A_2391 = arith.constant 99 : i32
        %min3A_2392 = vector.broadcast %min3A_2391 : i32 to vector<16xi32>
        %min3A_2393 = arith.minsi %add3A_2390, %min3A_2392 : vector<16xi32>
        %gather3A_2394 = tpu.vector_load_idx %arg13[%min3A_2393, %broadcast_in_dim3A_1785] : memref<100x128xf32, #tpu.memory_space<vmem>>[vector<16xi32>, vector<16xi32>], vector<16xf32>,
        %swap3A_2395 = arith.index_cast %add3A_1756 : i32 to index
        %swap3A_2396 = arith.constant 96 : index
        %swap3A_2397 = tpu.vector_load %arg16[%swap3A_2395, %swap3A_2396] {strides = array<i32>} : memref<128x128xf32, #tpu.memory_space<vmem>>, vector<16xf32>,
        tpu.vector_store %arg16[%swap3A_2395, %swap3A_2396], %gather3A_2394 {strides = array<i32>} : memref<128x128xf32, #tpu.memory_space<vmem>>, vector<16xf32>,
      } else {
      }
      %not3A_1789 = arith.constant true
      %not3A_1790 = arith.xori %or3A_711, %not3A_1789 : i1
      %convert_element_type3A_1791 = arith.extui %not3A_1790 : i1 to i32
      %cond3A_1792 = arith.constant 0 : i32
      %cond3A_1793 = arith.cmpi ne, %convert_element_type3A_1791, %cond3A_1792 : i32
      scf.if %cond3A_1793 {
        %add3A_2330 = arith.constant 0 : i32
        %add3A_2331 = vector.broadcast %add3A_2330 : i32 to vector<16xi32>
        %add3A_2332 = arith.addi %iota3A, %add3A_2331 : vector<16xi32>
        %min3A_2333 = arith.constant 99 : i32
        %min3A_2334 = vector.broadcast %min3A_2333 : i32 to vector<16xi32>
        %min3A_2335 = arith.minsi %add3A_2332, %min3A_2334 : vector<16xi32>
        %gather3A = tpu.vector_load_idx %arg12[%min3A_2335, %broadcast_in_dim3A_1785] : memref<100x128xf32, #tpu.memory_space<vmem>>[vector<16xi32>, vector<16xi32>], vector<16xf32>,
        %swap3A = arith.index_cast %add3A_1756 : i32 to index
        %swap3A_2336 = arith.constant 0 : index
        %swap3A_2337 = tpu.vector_load %arg16[%swap3A, %swap3A_2336] {strides = array<i32>} : memref<128x128xf32, #tpu.memory_space<vmem>>, vector<16xf32>,
        tpu.vector_store %arg16[%swap3A, %swap3A_2336], %gather3A {strides = array<i32>} : memref<128x128xf32, #tpu.memory_space<vmem>>, vector<16xf32>,
        %add3A_2338 = arith.constant 16 : i32
        %add3A_2339 = vector.broadcast %add3A_2338 : i32 to vector<16xi32>
        %add3A_2340 = arith.addi %iota3A, %add3A_2339 : vector<16xi32>
        %min3A_2341 = arith.constant 99 : i32
        %min3A_2342 = vector.broadcast %min3A_2341 : i32 to vector<16xi32>
        %min3A_2343 = arith.minsi %add3A_2340, %min3A_2342 : vector<16xi32>
        %gather3A_2344 = tpu.vector_load_idx %arg12[%min3A_2343, %broadcast_in_dim3A_1785] : memref<100x128xf32, #tpu.memory_space<vmem>>[vector<16xi32>, vector<16xi32>], vector<16xf32>,
        %swap3A_2345 = arith.index_cast %add3A_1756 : i32 to index
        %swap3A_2346 = arith.constant 16 : index
        %swap3A_2347 = tpu.vector_load %arg16[%swap3A_2345, %swap3A_2346] {strides = array<i32>} : memref<128x128xf32, #tpu.memory_space<vmem>>, vector<16xf32>,
        tpu.vector_store %arg16[%swap3A_2345, %swap3A_2346], %gather3A_2344 {strides = array<i32>} : memref<128x128xf32, #tpu.memory_space<vmem>>, vector<16xf32>,
        %add3A_2348 = arith.constant 32 : i32
        %add3A_2349 = vector.broadcast %add3A_2348 : i32 to vector<16xi32>
        %add3A_2350 = arith.addi %iota3A, %add3A_2349 : vector<16xi32>
        %min3A_2351 = arith.constant 99 : i32
        %min3A_2352 = vector.broadcast %min3A_2351 : i32 to vector<16xi32>
        %min3A_2353 = arith.minsi %add3A_2350, %min3A_2352 : vector<16xi32>
        %gather3A_2354 = tpu.vector_load_idx %arg12[%min3A_2353, %broadcast_in_dim3A_1785] : memref<100x128xf32, #tpu.memory_space<vmem>>[vector<16xi32>, vector<16xi32>], vector<16xf32>,
        %swap3A_2355 = arith.index_cast %add3A_1756 : i32 to index
        %swap3A_2356 = arith.constant 32 : index
        %swap3A_2357 = tpu.vector_load %arg16[%swap3A_2355, %swap3A_2356] {strides = array<i32>} : memref<128x128xf32, #tpu.memory_space<vmem>>, vector<16xf32>,
        tpu.vector_store %arg16[%swap3A_2355, %swap3A_2356], %gather3A_2354 {strides = array<i32>} : memref<128x128xf32, #tpu.memory_space<vmem>>, vector<16xf32>,
        %add3A_2358 = arith.constant 48 : i32
        %add3A_2359 = vector.broadcast %add3A_2358 : i32 to vector<16xi32>
        %add3A_2360 = arith.addi %iota3A, %add3A_2359 : vector<16xi32>
        %min3A_2361 = arith.constant 99 : i32
        %min3A_2362 = vector.broadcast %min3A_2361 : i32 to vector<16xi32>
        %min3A_2363 = arith.minsi %add3A_2360, %min3A_2362 : vector<16xi32>
        %gather3A_2364 = tpu.vector_load_idx %arg12[%min3A_2363, %broadcast_in_dim3A_1785] : memref<100x128xf32, #tpu.memory_space<vmem>>[vector<16xi32>, vector<16xi32>], vector<16xf32>,
        %swap3A_2365 = arith.index_cast %add3A_1756 : i32 to index
        %swap3A_2366 = arith.constant 48 : index
        %swap3A_2367 = tpu.vector_load %arg16[%swap3A_2365, %swap3A_2366] {strides = array<i32>} : memref<128x128xf32, #tpu.memory_space<vmem>>, vector<16xf32>,
        tpu.vector_store %arg16[%swap3A_2365, %swap3A_2366], %gather3A_2364 {strides = array<i32>} : memref<128x128xf32, #tpu.memory_space<vmem>>, vector<16xf32>,
        %add3A_2368 = arith.constant 64 : i32
        %add3A_2369 = vector.broadcast %add3A_2368 : i32 to vector<16xi32>
        %add3A_2370 = arith.addi %iota3A, %add3A_2369 : vector<16xi32>
        %min3A_2371 = arith.constant 99 : i32
        %min3A_2372 = vector.broadcast %min3A_2371 : i32 to vector<16xi32>
        %min3A_2373 = arith.minsi %add3A_2370, %min3A_2372 : vector<16xi32>
        %gather3A_2374 = tpu.vector_load_idx %arg12[%min3A_2373, %broadcast_in_dim3A_1785] : memref<100x128xf32, #tpu.memory_space<vmem>>[vector<16xi32>, vector<16xi32>], vector<16xf32>,
        %swap3A_2375 = arith.index_cast %add3A_1756 : i32 to index
        %swap3A_2376 = arith.constant 64 : index
        %swap3A_2377 = tpu.vector_load %arg16[%swap3A_2375, %swap3A_2376] {strides = array<i32>} : memref<128x128xf32, #tpu.memory_space<vmem>>, vector<16xf32>,
        tpu.vector_store %arg16[%swap3A_2375, %swap3A_2376], %gather3A_2374 {strides = array<i32>} : memref<128x128xf32, #tpu.memory_space<vmem>>, vector<16xf32>,
        %add3A_2378 = arith.constant 80 : i32
        %add3A_2379 = vector.broadcast %add3A_2378 : i32 to vector<16xi32>
        %add3A_2380 = arith.addi %iota3A, %add3A_2379 : vector<16xi32>
        %min3A_2381 = arith.constant 99 : i32
        %min3A_2382 = vector.broadcast %min3A_2381 : i32 to vector<16xi32>
        %min3A_2383 = arith.minsi %add3A_2380, %min3A_2382 : vector<16xi32>
        %gather3A_2384 = tpu.vector_load_idx %arg12[%min3A_2383, %broadcast_in_dim3A_1785] : memref<100x128xf32, #tpu.memory_space<vmem>>[vector<16xi32>, vector<16xi32>], vector<16xf32>,
        %swap3A_2385 = arith.index_cast %add3A_1756 : i32 to index
        %swap3A_2386 = arith.constant 80 : index
        %swap3A_2387 = tpu.vector_load %arg16[%swap3A_2385, %swap3A_2386] {strides = array<i32>} : memref<128x128xf32, #tpu.memory_space<vmem>>, vector<16xf32>,
        tpu.vector_store %arg16[%swap3A_2385, %swap3A_2386], %gather3A_2384 {strides = array<i32>} : memref<128x128xf32, #tpu.memory_space<vmem>>, vector<16xf32>,
        %add3A_2388 = arith.constant 96 : i32
        %add3A_2389 = vector.broadcast %add3A_2388 : i32 to vector<16xi32>
        %add3A_2390 = arith.addi %iota3A, %add3A_2389 : vector<16xi32>
        %min3A_2391 = arith.constant 99 : i32
        %min3A_2392 = vector.broadcast %min3A_2391 : i32 to vector<16xi32>
        %min3A_2393 = arith.minsi %add3A_2390, %min3A_2392 : vector<16xi32>
        %gather3A_2394 = tpu.vector_load_idx %arg12[%min3A_2393, %broadcast_in_dim3A_1785] : memref<100x128xf32, #tpu.memory_space<vmem>>[vector<16xi32>, vector<16xi32>], vector<16xf32>,
        %swap3A_2395 = arith.index_cast %add3A_1756 : i32 to index
        %swap3A_2396 = arith.constant 96 : index
        %swap3A_2397 = tpu.vector_load %arg16[%swap3A_2395, %swap3A_2396] {strides = array<i32>} : memref<128x128xf32, #tpu.memory_space<vmem>>, vector<16xf32>,
        tpu.vector_store %arg16[%swap3A_2395, %swap3A_2396], %gather3A_2394 {strides = array<i32>} : memref<128x128xf32, #tpu.memory_space<vmem>>, vector<16xf32>,
      } else {
      }
      %slice3A_1794 = vector.extract_strided_slice %get3A_524 {offsets = [12], sizes = [1], strides = [1]} : vector<16xi32> to vector<1xi32>
      %squeeze3A_1795 = vector.extract %slice3A_1794[0] : i32 from vector<1xi32>
      %convert_element_type3A_1796 = arith.extui %or3A_921 : i1 to i32
      %cond3A_1797 = arith.constant 0 : i32
      %cond3A_1798 = arith.cmpi ne, %convert_element_type3A_1796, %cond3A_1797 : i32
      scf.if %cond3A_1798 {
        %jit3A_2330 = arith.constant 128 : i32
        %div3A_2331 = arith.divsi %squeeze3A_1795, %jit3A_2330 : i32
        %sign3A_2332 = arith.constant 0 : i32
        %sign3A_2333 = arith.cmpi sgt, %squeeze3A_1795, %sign3A_2332 : i32
        %sign3A_2334 = arith.extui %sign3A_2333 : i1 to i32
        %sign3A_2335 = arith.constant 0 : i32
        %sign3A_2336 = arith.cmpi slt, %squeeze3A_1795, %sign3A_2335 : i32
        %sign3A_2337 = arith.extui %sign3A_2336 : i1 to i32
        %sign3A_2338 = arith.subi %sign3A_2334, %sign3A_2337 : i32
        %sign3A_2339 = arith.constant 0 : i32
        %sign3A_2340 = arith.cmpi sgt, %jit3A_2330, %sign3A_2339 : i32
        %sign3A_2341 = arith.extui %sign3A_2340 : i1 to i32
        %sign3A_2342 = arith.constant 0 : i32
        %sign3A_2343 = arith.cmpi slt, %jit3A_2330, %sign3A_2342 : i32
        %sign3A_2344 = arith.extui %sign3A_2343 : i1 to i32
        %sign3A_2345 = arith.subi %sign3A_2341, %sign3A_2344 : i32
        %ne3A_2346 = arith.cmpi ne, %sign3A_2338, %sign3A_2345 : i32
        %rem3A_2347 = arith.remsi %squeeze3A_1795, %jit3A_2330 : i32
        %ne3A_2348 = arith.constant 0 : i32
        %ne3A_2349 = arith.cmpi ne, %rem3A_2347, %ne3A_2348 : i32
        %and3A_2350 = arith.andi %ne3A_2346, %ne3A_2349 : i1
        %sub3A_2351 = arith.constant 1 : i32
        %sub3A_2352 = arith.subi %div3A_2331, %sub3A_2351 : i32
        %select_n3A_2353 = arith.select %and3A_2350, %sub3A_2352, %div3A_2331 : i32
        %mul3A_2354 = arith.constant 128 : i32
        %mul3A_2355 = arith.muli %select_n3A_2353, %mul3A_2354 : i32
        %multiple_of3A_2356 = tpu.assume_multiple %mul3A_2355, 128 : i32
        %dma_start3A_2357 = arith.constant 0 : i32
        %dma_start3A_2358 = tpu.memref_slice %arg4[%dma_start3A_2357, %multiple_of3A_2356] : memref<100x1000000xf32, #tpu.memory_space<hbm>> -> memref<100x128xf32, #tpu.memory_space<hbm>>
        %dma_start3A_2359 = arith.constant 0 : i32
        %dma_start3A_2360 = tpu.memref_slice %arg4[%dma_start3A_2359, %multiple_of3A_2356] : memref<100x1000000xf32, #tpu.memory_space<hbm>> -> memref<100x128xf32, #tpu.memory_space<hbm>>
        tpu.enqueue_dma source(%dma_start3A_2360 : memref<100x128xf32, #tpu.memory_space<hbm>>) target(%arg12 : memref<100x128xf32, #tpu.memory_space<vmem>>) target_semaphore(%arg21 : memref<!tpu.dma_semaphore, #tpu.memory_space<semaphore_mem>>)
      } else {
      }
      %convert_element_type3A_1799 = arith.extui %or3A_741 : i1 to i32
      %cond3A_1800 = arith.constant 0 : i32
      %cond3A_1801 = arith.cmpi ne, %convert_element_type3A_1799, %cond3A_1800 : i32
      scf.if %cond3A_1801 {
        %dma_wait3A_2330 = arith.constant 0 : i32
        %dma_wait3A_2331 = arith.constant 0 : i32
        %dma_wait3A_2332 = tpu.memref_slice %arg4[%dma_wait3A_2330, %dma_wait3A_2331] : memref<100x1000000xf32, #tpu.memory_space<hbm>> -> memref<100x128xf32, #tpu.memory_space<hbm>>
        %dma_wait3A_2333 = arith.constant 0 : i32
        %dma_wait3A_2334 = arith.constant 0 : i32
        %dma_wait3A_2335 = tpu.memref_slice %arg4[%dma_wait3A_2333, %dma_wait3A_2334] : memref<100x1000000xf32, #tpu.memory_space<hbm>> -> memref<100x128xf32, #tpu.memory_space<hbm>>
        tpu.wait_dma2 semaphore(%arg23 : memref<!tpu.dma_semaphore, #tpu.memory_space<semaphore_mem>>) src(%dma_wait3A_2335 : memref<100x128xf32, #tpu.memory_space<hbm>>) dst(%arg14 : memref<100x128xf32, #tpu.memory_space<vmem>>)
      } else {
      }
      %slice3A_1802 = vector.extract_strided_slice %get3A_524 {offsets = [6], sizes = [1], strides = [1]} : vector<16xi32> to vector<1xi32>
      %squeeze3A_1803 = vector.extract %slice3A_1802[0] : i32 from vector<1xi32>
      %mul3A_1804 = arith.constant 16 : i32
      %mul3A_1805 = arith.muli %scan3A_518, %mul3A_1804 : i32
      %add3A_1806 = arith.constant 6 : i32
      %add3A_1807 = arith.addi %mul3A_1805, %add3A_1806 : i32
      %jit3A_1808 = arith.constant 128 : i32
      %div3A_1809 = arith.divsi %squeeze3A_1803, %jit3A_1808 : i32
      %sign3A_1810 = arith.constant 0 : i32
      %sign3A_1811 = arith.cmpi sgt, %squeeze3A_1803, %sign3A_1810 : i32
      %sign3A_1812 = arith.extui %sign3A_1811 : i1 to i32
      %sign3A_1813 = arith.constant 0 : i32
      %sign3A_1814 = arith.cmpi slt, %squeeze3A_1803, %sign3A_1813 : i32
      %sign3A_1815 = arith.extui %sign3A_1814 : i1 to i32
      %sign3A_1816 = arith.subi %sign3A_1812, %sign3A_1815 : i32
      %sign3A_1817 = arith.constant 0 : i32
      %sign3A_1818 = arith.cmpi sgt, %jit3A_1808, %sign3A_1817 : i32
      %sign3A_1819 = arith.extui %sign3A_1818 : i1 to i32
      %sign3A_1820 = arith.constant 0 : i32
      %sign3A_1821 = arith.cmpi slt, %jit3A_1808, %sign3A_1820 : i32
      %sign3A_1822 = arith.extui %sign3A_1821 : i1 to i32
      %sign3A_1823 = arith.subi %sign3A_1819, %sign3A_1822 : i32
      %ne3A_1824 = arith.cmpi ne, %sign3A_1816, %sign3A_1823 : i32
      %rem3A_1825 = arith.remsi %squeeze3A_1803, %jit3A_1808 : i32
      %ne3A_1826 = arith.constant 0 : i32
      %ne3A_1827 = arith.cmpi ne, %rem3A_1825, %ne3A_1826 : i32
      %and3A_1828 = arith.andi %ne3A_1824, %ne3A_1827 : i1
      %sub3A_1829 = arith.constant 1 : i32
      %sub3A_1830 = arith.subi %div3A_1809, %sub3A_1829 : i32
      %select_n3A_1831 = arith.select %and3A_1828, %sub3A_1830, %div3A_1809 : i32
      %mul3A_1832 = arith.constant 128 : i32
      %mul3A_1833 = arith.muli %select_n3A_1831, %mul3A_1832 : i32
      %multiple_of3A_1834 = tpu.assume_multiple %mul3A_1833, 128 : i32
      %sub3A_1835 = arith.subi %squeeze3A_1803, %multiple_of3A_1834 : i32
      %broadcast_in_dim3A_1836 = vector.broadcast %sub3A_1835 : i32 to vector<16xi32>
      %convert_element_type3A_1837 = arith.extui %or3A_741 : i1 to i32
      %cond3A_1838 = arith.constant 0 : i32
      %cond3A_1839 = arith.cmpi ne, %convert_element_type3A_1837, %cond3A_1838 : i32
      scf.if %cond3A_1839 {
        %add3A_2330 = arith.constant 0 : i32
        %add3A_2331 = vector.broadcast %add3A_2330 : i32 to vector<16xi32>
        %add3A_2332 = arith.addi %iota3A, %add3A_2331 : vector<16xi32>
        %min3A_2333 = arith.constant 99 : i32
        %min3A_2334 = vector.broadcast %min3A_2333 : i32 to vector<16xi32>
        %min3A_2335 = arith.minsi %add3A_2332, %min3A_2334 : vector<16xi32>
        %gather3A = tpu.vector_load_idx %arg14[%min3A_2335, %broadcast_in_dim3A_1836] : memref<100x128xf32, #tpu.memory_space<vmem>>[vector<16xi32>, vector<16xi32>], vector<16xf32>,
        %swap3A = arith.index_cast %add3A_1807 : i32 to index
        %swap3A_2336 = arith.constant 0 : index
        %swap3A_2337 = tpu.vector_load %arg16[%swap3A, %swap3A_2336] {strides = array<i32>} : memref<128x128xf32, #tpu.memory_space<vmem>>, vector<16xf32>,
        tpu.vector_store %arg16[%swap3A, %swap3A_2336], %gather3A {strides = array<i32>} : memref<128x128xf32, #tpu.memory_space<vmem>>, vector<16xf32>,
        %add3A_2338 = arith.constant 16 : i32
        %add3A_2339 = vector.broadcast %add3A_2338 : i32 to vector<16xi32>
        %add3A_2340 = arith.addi %iota3A, %add3A_2339 : vector<16xi32>
        %min3A_2341 = arith.constant 99 : i32
        %min3A_2342 = vector.broadcast %min3A_2341 : i32 to vector<16xi32>
        %min3A_2343 = arith.minsi %add3A_2340, %min3A_2342 : vector<16xi32>
        %gather3A_2344 = tpu.vector_load_idx %arg14[%min3A_2343, %broadcast_in_dim3A_1836] : memref<100x128xf32, #tpu.memory_space<vmem>>[vector<16xi32>, vector<16xi32>], vector<16xf32>,
        %swap3A_2345 = arith.index_cast %add3A_1807 : i32 to index
        %swap3A_2346 = arith.constant 16 : index
        %swap3A_2347 = tpu.vector_load %arg16[%swap3A_2345, %swap3A_2346] {strides = array<i32>} : memref<128x128xf32, #tpu.memory_space<vmem>>, vector<16xf32>,
        tpu.vector_store %arg16[%swap3A_2345, %swap3A_2346], %gather3A_2344 {strides = array<i32>} : memref<128x128xf32, #tpu.memory_space<vmem>>, vector<16xf32>,
        %add3A_2348 = arith.constant 32 : i32
        %add3A_2349 = vector.broadcast %add3A_2348 : i32 to vector<16xi32>
        %add3A_2350 = arith.addi %iota3A, %add3A_2349 : vector<16xi32>
        %min3A_2351 = arith.constant 99 : i32
        %min3A_2352 = vector.broadcast %min3A_2351 : i32 to vector<16xi32>
        %min3A_2353 = arith.minsi %add3A_2350, %min3A_2352 : vector<16xi32>
        %gather3A_2354 = tpu.vector_load_idx %arg14[%min3A_2353, %broadcast_in_dim3A_1836] : memref<100x128xf32, #tpu.memory_space<vmem>>[vector<16xi32>, vector<16xi32>], vector<16xf32>,
        %swap3A_2355 = arith.index_cast %add3A_1807 : i32 to index
        %swap3A_2356 = arith.constant 32 : index
        %swap3A_2357 = tpu.vector_load %arg16[%swap3A_2355, %swap3A_2356] {strides = array<i32>} : memref<128x128xf32, #tpu.memory_space<vmem>>, vector<16xf32>,
        tpu.vector_store %arg16[%swap3A_2355, %swap3A_2356], %gather3A_2354 {strides = array<i32>} : memref<128x128xf32, #tpu.memory_space<vmem>>, vector<16xf32>,
        %add3A_2358 = arith.constant 48 : i32
        %add3A_2359 = vector.broadcast %add3A_2358 : i32 to vector<16xi32>
        %add3A_2360 = arith.addi %iota3A, %add3A_2359 : vector<16xi32>
        %min3A_2361 = arith.constant 99 : i32
        %min3A_2362 = vector.broadcast %min3A_2361 : i32 to vector<16xi32>
        %min3A_2363 = arith.minsi %add3A_2360, %min3A_2362 : vector<16xi32>
        %gather3A_2364 = tpu.vector_load_idx %arg14[%min3A_2363, %broadcast_in_dim3A_1836] : memref<100x128xf32, #tpu.memory_space<vmem>>[vector<16xi32>, vector<16xi32>], vector<16xf32>,
        %swap3A_2365 = arith.index_cast %add3A_1807 : i32 to index
        %swap3A_2366 = arith.constant 48 : index
        %swap3A_2367 = tpu.vector_load %arg16[%swap3A_2365, %swap3A_2366] {strides = array<i32>} : memref<128x128xf32, #tpu.memory_space<vmem>>, vector<16xf32>,
        tpu.vector_store %arg16[%swap3A_2365, %swap3A_2366], %gather3A_2364 {strides = array<i32>} : memref<128x128xf32, #tpu.memory_space<vmem>>, vector<16xf32>,
        %add3A_2368 = arith.constant 64 : i32
        %add3A_2369 = vector.broadcast %add3A_2368 : i32 to vector<16xi32>
        %add3A_2370 = arith.addi %iota3A, %add3A_2369 : vector<16xi32>
        %min3A_2371 = arith.constant 99 : i32
        %min3A_2372 = vector.broadcast %min3A_2371 : i32 to vector<16xi32>
        %min3A_2373 = arith.minsi %add3A_2370, %min3A_2372 : vector<16xi32>
        %gather3A_2374 = tpu.vector_load_idx %arg14[%min3A_2373, %broadcast_in_dim3A_1836] : memref<100x128xf32, #tpu.memory_space<vmem>>[vector<16xi32>, vector<16xi32>], vector<16xf32>,
        %swap3A_2375 = arith.index_cast %add3A_1807 : i32 to index
        %swap3A_2376 = arith.constant 64 : index
        %swap3A_2377 = tpu.vector_load %arg16[%swap3A_2375, %swap3A_2376] {strides = array<i32>} : memref<128x128xf32, #tpu.memory_space<vmem>>, vector<16xf32>,
        tpu.vector_store %arg16[%swap3A_2375, %swap3A_2376], %gather3A_2374 {strides = array<i32>} : memref<128x128xf32, #tpu.memory_space<vmem>>, vector<16xf32>,
        %add3A_2378 = arith.constant 80 : i32
        %add3A_2379 = vector.broadcast %add3A_2378 : i32 to vector<16xi32>
        %add3A_2380 = arith.addi %iota3A, %add3A_2379 : vector<16xi32>
        %min3A_2381 = arith.constant 99 : i32
        %min3A_2382 = vector.broadcast %min3A_2381 : i32 to vector<16xi32>
        %min3A_2383 = arith.minsi %add3A_2380, %min3A_2382 : vector<16xi32>
        %gather3A_2384 = tpu.vector_load_idx %arg14[%min3A_2383, %broadcast_in_dim3A_1836] : memref<100x128xf32, #tpu.memory_space<vmem>>[vector<16xi32>, vector<16xi32>], vector<16xf32>,
        %swap3A_2385 = arith.index_cast %add3A_1807 : i32 to index
        %swap3A_2386 = arith.constant 80 : index
        %swap3A_2387 = tpu.vector_load %arg16[%swap3A_2385, %swap3A_2386] {strides = array<i32>} : memref<128x128xf32, #tpu.memory_space<vmem>>, vector<16xf32>,
        tpu.vector_store %arg16[%swap3A_2385, %swap3A_2386], %gather3A_2384 {strides = array<i32>} : memref<128x128xf32, #tpu.memory_space<vmem>>, vector<16xf32>,
        %add3A_2388 = arith.constant 96 : i32
        %add3A_2389 = vector.broadcast %add3A_2388 : i32 to vector<16xi32>
        %add3A_2390 = arith.addi %iota3A, %add3A_2389 : vector<16xi32>
        %min3A_2391 = arith.constant 99 : i32
        %min3A_2392 = vector.broadcast %min3A_2391 : i32 to vector<16xi32>
        %min3A_2393 = arith.minsi %add3A_2390, %min3A_2392 : vector<16xi32>
        %gather3A_2394 = tpu.vector_load_idx %arg14[%min3A_2393, %broadcast_in_dim3A_1836] : memref<100x128xf32, #tpu.memory_space<vmem>>[vector<16xi32>, vector<16xi32>], vector<16xf32>,
        %swap3A_2395 = arith.index_cast %add3A_1807 : i32 to index
        %swap3A_2396 = arith.constant 96 : index
        %swap3A_2397 = tpu.vector_load %arg16[%swap3A_2395, %swap3A_2396] {strides = array<i32>} : memref<128x128xf32, #tpu.memory_space<vmem>>, vector<16xf32>,
        tpu.vector_store %arg16[%swap3A_2395, %swap3A_2396], %gather3A_2394 {strides = array<i32>} : memref<128x128xf32, #tpu.memory_space<vmem>>, vector<16xf32>,
      } else {
      }
      %not3A_1840 = arith.constant true
      %not3A_1841 = arith.xori %or3A_741, %not3A_1840 : i1
      %convert_element_type3A_1842 = arith.extui %not3A_1841 : i1 to i32
      %cond3A_1843 = arith.constant 0 : i32
      %cond3A_1844 = arith.cmpi ne, %convert_element_type3A_1842, %cond3A_1843 : i32
      scf.if %cond3A_1844 {
        %add3A_2330 = arith.constant 0 : i32
        %add3A_2331 = vector.broadcast %add3A_2330 : i32 to vector<16xi32>
        %add3A_2332 = arith.addi %iota3A, %add3A_2331 : vector<16xi32>
        %min3A_2333 = arith.constant 99 : i32
        %min3A_2334 = vector.broadcast %min3A_2333 : i32 to vector<16xi32>
        %min3A_2335 = arith.minsi %add3A_2332, %min3A_2334 : vector<16xi32>
        %gather3A = tpu.vector_load_idx %arg13[%min3A_2335, %broadcast_in_dim3A_1836] : memref<100x128xf32, #tpu.memory_space<vmem>>[vector<16xi32>, vector<16xi32>], vector<16xf32>,
        %swap3A = arith.index_cast %add3A_1807 : i32 to index
        %swap3A_2336 = arith.constant 0 : index
        %swap3A_2337 = tpu.vector_load %arg16[%swap3A, %swap3A_2336] {strides = array<i32>} : memref<128x128xf32, #tpu.memory_space<vmem>>, vector<16xf32>,
        tpu.vector_store %arg16[%swap3A, %swap3A_2336], %gather3A {strides = array<i32>} : memref<128x128xf32, #tpu.memory_space<vmem>>, vector<16xf32>,
        %add3A_2338 = arith.constant 16 : i32
        %add3A_2339 = vector.broadcast %add3A_2338 : i32 to vector<16xi32>
        %add3A_2340 = arith.addi %iota3A, %add3A_2339 : vector<16xi32>
        %min3A_2341 = arith.constant 99 : i32
        %min3A_2342 = vector.broadcast %min3A_2341 : i32 to vector<16xi32>
        %min3A_2343 = arith.minsi %add3A_2340, %min3A_2342 : vector<16xi32>
        %gather3A_2344 = tpu.vector_load_idx %arg13[%min3A_2343, %broadcast_in_dim3A_1836] : memref<100x128xf32, #tpu.memory_space<vmem>>[vector<16xi32>, vector<16xi32>], vector<16xf32>,
        %swap3A_2345 = arith.index_cast %add3A_1807 : i32 to index
        %swap3A_2346 = arith.constant 16 : index
        %swap3A_2347 = tpu.vector_load %arg16[%swap3A_2345, %swap3A_2346] {strides = array<i32>} : memref<128x128xf32, #tpu.memory_space<vmem>>, vector<16xf32>,
        tpu.vector_store %arg16[%swap3A_2345, %swap3A_2346], %gather3A_2344 {strides = array<i32>} : memref<128x128xf32, #tpu.memory_space<vmem>>, vector<16xf32>,
        %add3A_2348 = arith.constant 32 : i32
        %add3A_2349 = vector.broadcast %add3A_2348 : i32 to vector<16xi32>
        %add3A_2350 = arith.addi %iota3A, %add3A_2349 : vector<16xi32>
        %min3A_2351 = arith.constant 99 : i32
        %min3A_2352 = vector.broadcast %min3A_2351 : i32 to vector<16xi32>
        %min3A_2353 = arith.minsi %add3A_2350, %min3A_2352 : vector<16xi32>
        %gather3A_2354 = tpu.vector_load_idx %arg13[%min3A_2353, %broadcast_in_dim3A_1836] : memref<100x128xf32, #tpu.memory_space<vmem>>[vector<16xi32>, vector<16xi32>], vector<16xf32>,
        %swap3A_2355 = arith.index_cast %add3A_1807 : i32 to index
        %swap3A_2356 = arith.constant 32 : index
        %swap3A_2357 = tpu.vector_load %arg16[%swap3A_2355, %swap3A_2356] {strides = array<i32>} : memref<128x128xf32, #tpu.memory_space<vmem>>, vector<16xf32>,
        tpu.vector_store %arg16[%swap3A_2355, %swap3A_2356], %gather3A_2354 {strides = array<i32>} : memref<128x128xf32, #tpu.memory_space<vmem>>, vector<16xf32>,
        %add3A_2358 = arith.constant 48 : i32
        %add3A_2359 = vector.broadcast %add3A_2358 : i32 to vector<16xi32>
        %add3A_2360 = arith.addi %iota3A, %add3A_2359 : vector<16xi32>
        %min3A_2361 = arith.constant 99 : i32
        %min3A_2362 = vector.broadcast %min3A_2361 : i32 to vector<16xi32>
        %min3A_2363 = arith.minsi %add3A_2360, %min3A_2362 : vector<16xi32>
        %gather3A_2364 = tpu.vector_load_idx %arg13[%min3A_2363, %broadcast_in_dim3A_1836] : memref<100x128xf32, #tpu.memory_space<vmem>>[vector<16xi32>, vector<16xi32>], vector<16xf32>,
        %swap3A_2365 = arith.index_cast %add3A_1807 : i32 to index
        %swap3A_2366 = arith.constant 48 : index
        %swap3A_2367 = tpu.vector_load %arg16[%swap3A_2365, %swap3A_2366] {strides = array<i32>} : memref<128x128xf32, #tpu.memory_space<vmem>>, vector<16xf32>,
        tpu.vector_store %arg16[%swap3A_2365, %swap3A_2366], %gather3A_2364 {strides = array<i32>} : memref<128x128xf32, #tpu.memory_space<vmem>>, vector<16xf32>,
        %add3A_2368 = arith.constant 64 : i32
        %add3A_2369 = vector.broadcast %add3A_2368 : i32 to vector<16xi32>
        %add3A_2370 = arith.addi %iota3A, %add3A_2369 : vector<16xi32>
        %min3A_2371 = arith.constant 99 : i32
        %min3A_2372 = vector.broadcast %min3A_2371 : i32 to vector<16xi32>
        %min3A_2373 = arith.minsi %add3A_2370, %min3A_2372 : vector<16xi32>
        %gather3A_2374 = tpu.vector_load_idx %arg13[%min3A_2373, %broadcast_in_dim3A_1836] : memref<100x128xf32, #tpu.memory_space<vmem>>[vector<16xi32>, vector<16xi32>], vector<16xf32>,
        %swap3A_2375 = arith.index_cast %add3A_1807 : i32 to index
        %swap3A_2376 = arith.constant 64 : index
        %swap3A_2377 = tpu.vector_load %arg16[%swap3A_2375, %swap3A_2376] {strides = array<i32>} : memref<128x128xf32, #tpu.memory_space<vmem>>, vector<16xf32>,
        tpu.vector_store %arg16[%swap3A_2375, %swap3A_2376], %gather3A_2374 {strides = array<i32>} : memref<128x128xf32, #tpu.memory_space<vmem>>, vector<16xf32>,
        %add3A_2378 = arith.constant 80 : i32
        %add3A_2379 = vector.broadcast %add3A_2378 : i32 to vector<16xi32>
        %add3A_2380 = arith.addi %iota3A, %add3A_2379 : vector<16xi32>
        %min3A_2381 = arith.constant 99 : i32
        %min3A_2382 = vector.broadcast %min3A_2381 : i32 to vector<16xi32>
        %min3A_2383 = arith.minsi %add3A_2380, %min3A_2382 : vector<16xi32>
        %gather3A_2384 = tpu.vector_load_idx %arg13[%min3A_2383, %broadcast_in_dim3A_1836] : memref<100x128xf32, #tpu.memory_space<vmem>>[vector<16xi32>, vector<16xi32>], vector<16xf32>,
        %swap3A_2385 = arith.index_cast %add3A_1807 : i32 to index
        %swap3A_2386 = arith.constant 80 : index
        %swap3A_2387 = tpu.vector_load %arg16[%swap3A_2385, %swap3A_2386] {strides = array<i32>} : memref<128x128xf32, #tpu.memory_space<vmem>>, vector<16xf32>,
        tpu.vector_store %arg16[%swap3A_2385, %swap3A_2386], %gather3A_2384 {strides = array<i32>} : memref<128x128xf32, #tpu.memory_space<vmem>>, vector<16xf32>,
        %add3A_2388 = arith.constant 96 : i32
        %add3A_2389 = vector.broadcast %add3A_2388 : i32 to vector<16xi32>
        %add3A_2390 = arith.addi %iota3A, %add3A_2389 : vector<16xi32>
        %min3A_2391 = arith.constant 99 : i32
        %min3A_2392 = vector.broadcast %min3A_2391 : i32 to vector<16xi32>
        %min3A_2393 = arith.minsi %add3A_2390, %min3A_2392 : vector<16xi32>
        %gather3A_2394 = tpu.vector_load_idx %arg13[%min3A_2393, %broadcast_in_dim3A_1836] : memref<100x128xf32, #tpu.memory_space<vmem>>[vector<16xi32>, vector<16xi32>], vector<16xf32>,
        %swap3A_2395 = arith.index_cast %add3A_1807 : i32 to index
        %swap3A_2396 = arith.constant 96 : index
        %swap3A_2397 = tpu.vector_load %arg16[%swap3A_2395, %swap3A_2396] {strides = array<i32>} : memref<128x128xf32, #tpu.memory_space<vmem>>, vector<16xf32>,
        tpu.vector_store %arg16[%swap3A_2395, %swap3A_2396], %gather3A_2394 {strides = array<i32>} : memref<128x128xf32, #tpu.memory_space<vmem>>, vector<16xf32>,
      } else {
      }
      %slice3A_1845 = vector.extract_strided_slice %get3A_524 {offsets = [13], sizes = [1], strides = [1]} : vector<16xi32> to vector<1xi32>
      %squeeze3A_1846 = vector.extract %slice3A_1845[0] : i32 from vector<1xi32>
      %convert_element_type3A_1847 = arith.extui %or3A_951 : i1 to i32
      %cond3A_1848 = arith.constant 0 : i32
      %cond3A_1849 = arith.cmpi ne, %convert_element_type3A_1847, %cond3A_1848 : i32
      scf.if %cond3A_1849 {
        %jit3A_2330 = arith.constant 128 : i32
        %div3A_2331 = arith.divsi %squeeze3A_1846, %jit3A_2330 : i32
        %sign3A_2332 = arith.constant 0 : i32
        %sign3A_2333 = arith.cmpi sgt, %squeeze3A_1846, %sign3A_2332 : i32
        %sign3A_2334 = arith.extui %sign3A_2333 : i1 to i32
        %sign3A_2335 = arith.constant 0 : i32
        %sign3A_2336 = arith.cmpi slt, %squeeze3A_1846, %sign3A_2335 : i32
        %sign3A_2337 = arith.extui %sign3A_2336 : i1 to i32
        %sign3A_2338 = arith.subi %sign3A_2334, %sign3A_2337 : i32
        %sign3A_2339 = arith.constant 0 : i32
        %sign3A_2340 = arith.cmpi sgt, %jit3A_2330, %sign3A_2339 : i32
        %sign3A_2341 = arith.extui %sign3A_2340 : i1 to i32
        %sign3A_2342 = arith.constant 0 : i32
        %sign3A_2343 = arith.cmpi slt, %jit3A_2330, %sign3A_2342 : i32
        %sign3A_2344 = arith.extui %sign3A_2343 : i1 to i32
        %sign3A_2345 = arith.subi %sign3A_2341, %sign3A_2344 : i32
        %ne3A_2346 = arith.cmpi ne, %sign3A_2338, %sign3A_2345 : i32
        %rem3A_2347 = arith.remsi %squeeze3A_1846, %jit3A_2330 : i32
        %ne3A_2348 = arith.constant 0 : i32
        %ne3A_2349 = arith.cmpi ne, %rem3A_2347, %ne3A_2348 : i32
        %and3A_2350 = arith.andi %ne3A_2346, %ne3A_2349 : i1
        %sub3A_2351 = arith.constant 1 : i32
        %sub3A_2352 = arith.subi %div3A_2331, %sub3A_2351 : i32
        %select_n3A_2353 = arith.select %and3A_2350, %sub3A_2352, %div3A_2331 : i32
        %mul3A_2354 = arith.constant 128 : i32
        %mul3A_2355 = arith.muli %select_n3A_2353, %mul3A_2354 : i32
        %multiple_of3A_2356 = tpu.assume_multiple %mul3A_2355, 128 : i32
        %dma_start3A_2357 = arith.constant 0 : i32
        %dma_start3A_2358 = tpu.memref_slice %arg4[%dma_start3A_2357, %multiple_of3A_2356] : memref<100x1000000xf32, #tpu.memory_space<hbm>> -> memref<100x128xf32, #tpu.memory_space<hbm>>
        %dma_start3A_2359 = arith.constant 0 : i32
        %dma_start3A_2360 = tpu.memref_slice %arg4[%dma_start3A_2359, %multiple_of3A_2356] : memref<100x1000000xf32, #tpu.memory_space<hbm>> -> memref<100x128xf32, #tpu.memory_space<hbm>>
        tpu.enqueue_dma source(%dma_start3A_2360 : memref<100x128xf32, #tpu.memory_space<hbm>>) target(%arg13 : memref<100x128xf32, #tpu.memory_space<vmem>>) target_semaphore(%arg22 : memref<!tpu.dma_semaphore, #tpu.memory_space<semaphore_mem>>)
      } else {
      }
      %convert_element_type3A_1850 = arith.extui %or3A_771 : i1 to i32
      %cond3A_1851 = arith.constant 0 : i32
      %cond3A_1852 = arith.cmpi ne, %convert_element_type3A_1850, %cond3A_1851 : i32
      scf.if %cond3A_1852 {
        %dma_wait3A_2330 = arith.constant 0 : i32
        %dma_wait3A_2331 = arith.constant 0 : i32
        %dma_wait3A_2332 = tpu.memref_slice %arg4[%dma_wait3A_2330, %dma_wait3A_2331] : memref<100x1000000xf32, #tpu.memory_space<hbm>> -> memref<100x128xf32, #tpu.memory_space<hbm>>
        %dma_wait3A_2333 = arith.constant 0 : i32
        %dma_wait3A_2334 = arith.constant 0 : i32
        %dma_wait3A_2335 = tpu.memref_slice %arg4[%dma_wait3A_2333, %dma_wait3A_2334] : memref<100x1000000xf32, #tpu.memory_space<hbm>> -> memref<100x128xf32, #tpu.memory_space<hbm>>
        tpu.wait_dma2 semaphore(%arg24 : memref<!tpu.dma_semaphore, #tpu.memory_space<semaphore_mem>>) src(%dma_wait3A_2335 : memref<100x128xf32, #tpu.memory_space<hbm>>) dst(%arg15 : memref<100x128xf32, #tpu.memory_space<vmem>>)
      } else {
      }
      %slice3A_1853 = vector.extract_strided_slice %get3A_524 {offsets = [7], sizes = [1], strides = [1]} : vector<16xi32> to vector<1xi32>
      %squeeze3A_1854 = vector.extract %slice3A_1853[0] : i32 from vector<1xi32>
      %mul3A_1855 = arith.constant 16 : i32
      %mul3A_1856 = arith.muli %scan3A_518, %mul3A_1855 : i32
      %add3A_1857 = arith.constant 7 : i32
      %add3A_1858 = arith.addi %mul3A_1856, %add3A_1857 : i32
      %jit3A_1859 = arith.constant 128 : i32
      %div3A_1860 = arith.divsi %squeeze3A_1854, %jit3A_1859 : i32
      %sign3A_1861 = arith.constant 0 : i32
      %sign3A_1862 = arith.cmpi sgt, %squeeze3A_1854, %sign3A_1861 : i32
      %sign3A_1863 = arith.extui %sign3A_1862 : i1 to i32
      %sign3A_1864 = arith.constant 0 : i32
      %sign3A_1865 = arith.cmpi slt, %squeeze3A_1854, %sign3A_1864 : i32
      %sign3A_1866 = arith.extui %sign3A_1865 : i1 to i32
      %sign3A_1867 = arith.subi %sign3A_1863, %sign3A_1866 : i32
      %sign3A_1868 = arith.constant 0 : i32
      %sign3A_1869 = arith.cmpi sgt, %jit3A_1859, %sign3A_1868 : i32
      %sign3A_1870 = arith.extui %sign3A_1869 : i1 to i32
      %sign3A_1871 = arith.constant 0 : i32
      %sign3A_1872 = arith.cmpi slt, %jit3A_1859, %sign3A_1871 : i32
      %sign3A_1873 = arith.extui %sign3A_1872 : i1 to i32
      %sign3A_1874 = arith.subi %sign3A_1870, %sign3A_1873 : i32
      %ne3A_1875 = arith.cmpi ne, %sign3A_1867, %sign3A_1874 : i32
      %rem3A_1876 = arith.remsi %squeeze3A_1854, %jit3A_1859 : i32
      %ne3A_1877 = arith.constant 0 : i32
      %ne3A_1878 = arith.cmpi ne, %rem3A_1876, %ne3A_1877 : i32
      %and3A_1879 = arith.andi %ne3A_1875, %ne3A_1878 : i1
      %sub3A_1880 = arith.constant 1 : i32
      %sub3A_1881 = arith.subi %div3A_1860, %sub3A_1880 : i32
      %select_n3A_1882 = arith.select %and3A_1879, %sub3A_1881, %div3A_1860 : i32
      %mul3A_1883 = arith.constant 128 : i32
      %mul3A_1884 = arith.muli %select_n3A_1882, %mul3A_1883 : i32
      %multiple_of3A_1885 = tpu.assume_multiple %mul3A_1884, 128 : i32
      %sub3A_1886 = arith.subi %squeeze3A_1854, %multiple_of3A_1885 : i32
      %broadcast_in_dim3A_1887 = vector.broadcast %sub3A_1886 : i32 to vector<16xi32>
      %convert_element_type3A_1888 = arith.extui %or3A_771 : i1 to i32
      %cond3A_1889 = arith.constant 0 : i32
      %cond3A_1890 = arith.cmpi ne, %convert_element_type3A_1888, %cond3A_1889 : i32
      scf.if %cond3A_1890 {
        %add3A_2330 = arith.constant 0 : i32
        %add3A_2331 = vector.broadcast %add3A_2330 : i32 to vector<16xi32>
        %add3A_2332 = arith.addi %iota3A, %add3A_2331 : vector<16xi32>
        %min3A_2333 = arith.constant 99 : i32
        %min3A_2334 = vector.broadcast %min3A_2333 : i32 to vector<16xi32>
        %min3A_2335 = arith.minsi %add3A_2332, %min3A_2334 : vector<16xi32>
        %gather3A = tpu.vector_load_idx %arg15[%min3A_2335, %broadcast_in_dim3A_1887] : memref<100x128xf32, #tpu.memory_space<vmem>>[vector<16xi32>, vector<16xi32>], vector<16xf32>,
        %swap3A = arith.index_cast %add3A_1858 : i32 to index
        %swap3A_2336 = arith.constant 0 : index
        %swap3A_2337 = tpu.vector_load %arg16[%swap3A, %swap3A_2336] {strides = array<i32>} : memref<128x128xf32, #tpu.memory_space<vmem>>, vector<16xf32>,
        tpu.vector_store %arg16[%swap3A, %swap3A_2336], %gather3A {strides = array<i32>} : memref<128x128xf32, #tpu.memory_space<vmem>>, vector<16xf32>,
        %add3A_2338 = arith.constant 16 : i32
        %add3A_2339 = vector.broadcast %add3A_2338 : i32 to vector<16xi32>
        %add3A_2340 = arith.addi %iota3A, %add3A_2339 : vector<16xi32>
        %min3A_2341 = arith.constant 99 : i32
        %min3A_2342 = vector.broadcast %min3A_2341 : i32 to vector<16xi32>
        %min3A_2343 = arith.minsi %add3A_2340, %min3A_2342 : vector<16xi32>
        %gather3A_2344 = tpu.vector_load_idx %arg15[%min3A_2343, %broadcast_in_dim3A_1887] : memref<100x128xf32, #tpu.memory_space<vmem>>[vector<16xi32>, vector<16xi32>], vector<16xf32>,
        %swap3A_2345 = arith.index_cast %add3A_1858 : i32 to index
        %swap3A_2346 = arith.constant 16 : index
        %swap3A_2347 = tpu.vector_load %arg16[%swap3A_2345, %swap3A_2346] {strides = array<i32>} : memref<128x128xf32, #tpu.memory_space<vmem>>, vector<16xf32>,
        tpu.vector_store %arg16[%swap3A_2345, %swap3A_2346], %gather3A_2344 {strides = array<i32>} : memref<128x128xf32, #tpu.memory_space<vmem>>, vector<16xf32>,
        %add3A_2348 = arith.constant 32 : i32
        %add3A_2349 = vector.broadcast %add3A_2348 : i32 to vector<16xi32>
        %add3A_2350 = arith.addi %iota3A, %add3A_2349 : vector<16xi32>
        %min3A_2351 = arith.constant 99 : i32
        %min3A_2352 = vector.broadcast %min3A_2351 : i32 to vector<16xi32>
        %min3A_2353 = arith.minsi %add3A_2350, %min3A_2352 : vector<16xi32>
        %gather3A_2354 = tpu.vector_load_idx %arg15[%min3A_2353, %broadcast_in_dim3A_1887] : memref<100x128xf32, #tpu.memory_space<vmem>>[vector<16xi32>, vector<16xi32>], vector<16xf32>,
        %swap3A_2355 = arith.index_cast %add3A_1858 : i32 to index
        %swap3A_2356 = arith.constant 32 : index
        %swap3A_2357 = tpu.vector_load %arg16[%swap3A_2355, %swap3A_2356] {strides = array<i32>} : memref<128x128xf32, #tpu.memory_space<vmem>>, vector<16xf32>,
        tpu.vector_store %arg16[%swap3A_2355, %swap3A_2356], %gather3A_2354 {strides = array<i32>} : memref<128x128xf32, #tpu.memory_space<vmem>>, vector<16xf32>,
        %add3A_2358 = arith.constant 48 : i32
        %add3A_2359 = vector.broadcast %add3A_2358 : i32 to vector<16xi32>
        %add3A_2360 = arith.addi %iota3A, %add3A_2359 : vector<16xi32>
        %min3A_2361 = arith.constant 99 : i32
        %min3A_2362 = vector.broadcast %min3A_2361 : i32 to vector<16xi32>
        %min3A_2363 = arith.minsi %add3A_2360, %min3A_2362 : vector<16xi32>
        %gather3A_2364 = tpu.vector_load_idx %arg15[%min3A_2363, %broadcast_in_dim3A_1887] : memref<100x128xf32, #tpu.memory_space<vmem>>[vector<16xi32>, vector<16xi32>], vector<16xf32>,
        %swap3A_2365 = arith.index_cast %add3A_1858 : i32 to index
        %swap3A_2366 = arith.constant 48 : index
        %swap3A_2367 = tpu.vector_load %arg16[%swap3A_2365, %swap3A_2366] {strides = array<i32>} : memref<128x128xf32, #tpu.memory_space<vmem>>, vector<16xf32>,
        tpu.vector_store %arg16[%swap3A_2365, %swap3A_2366], %gather3A_2364 {strides = array<i32>} : memref<128x128xf32, #tpu.memory_space<vmem>>, vector<16xf32>,
        %add3A_2368 = arith.constant 64 : i32
        %add3A_2369 = vector.broadcast %add3A_2368 : i32 to vector<16xi32>
        %add3A_2370 = arith.addi %iota3A, %add3A_2369 : vector<16xi32>
        %min3A_2371 = arith.constant 99 : i32
        %min3A_2372 = vector.broadcast %min3A_2371 : i32 to vector<16xi32>
        %min3A_2373 = arith.minsi %add3A_2370, %min3A_2372 : vector<16xi32>
        %gather3A_2374 = tpu.vector_load_idx %arg15[%min3A_2373, %broadcast_in_dim3A_1887] : memref<100x128xf32, #tpu.memory_space<vmem>>[vector<16xi32>, vector<16xi32>], vector<16xf32>,
        %swap3A_2375 = arith.index_cast %add3A_1858 : i32 to index
        %swap3A_2376 = arith.constant 64 : index
        %swap3A_2377 = tpu.vector_load %arg16[%swap3A_2375, %swap3A_2376] {strides = array<i32>} : memref<128x128xf32, #tpu.memory_space<vmem>>, vector<16xf32>,
        tpu.vector_store %arg16[%swap3A_2375, %swap3A_2376], %gather3A_2374 {strides = array<i32>} : memref<128x128xf32, #tpu.memory_space<vmem>>, vector<16xf32>,
        %add3A_2378 = arith.constant 80 : i32
        %add3A_2379 = vector.broadcast %add3A_2378 : i32 to vector<16xi32>
        %add3A_2380 = arith.addi %iota3A, %add3A_2379 : vector<16xi32>
        %min3A_2381 = arith.constant 99 : i32
        %min3A_2382 = vector.broadcast %min3A_2381 : i32 to vector<16xi32>
        %min3A_2383 = arith.minsi %add3A_2380, %min3A_2382 : vector<16xi32>
        %gather3A_2384 = tpu.vector_load_idx %arg15[%min3A_2383, %broadcast_in_dim3A_1887] : memref<100x128xf32, #tpu.memory_space<vmem>>[vector<16xi32>, vector<16xi32>], vector<16xf32>,
        %swap3A_2385 = arith.index_cast %add3A_1858 : i32 to index
        %swap3A_2386 = arith.constant 80 : index
        %swap3A_2387 = tpu.vector_load %arg16[%swap3A_2385, %swap3A_2386] {strides = array<i32>} : memref<128x128xf32, #tpu.memory_space<vmem>>, vector<16xf32>,
        tpu.vector_store %arg16[%swap3A_2385, %swap3A_2386], %gather3A_2384 {strides = array<i32>} : memref<128x128xf32, #tpu.memory_space<vmem>>, vector<16xf32>,
        %add3A_2388 = arith.constant 96 : i32
        %add3A_2389 = vector.broadcast %add3A_2388 : i32 to vector<16xi32>
        %add3A_2390 = arith.addi %iota3A, %add3A_2389 : vector<16xi32>
        %min3A_2391 = arith.constant 99 : i32
        %min3A_2392 = vector.broadcast %min3A_2391 : i32 to vector<16xi32>
        %min3A_2393 = arith.minsi %add3A_2390, %min3A_2392 : vector<16xi32>
        %gather3A_2394 = tpu.vector_load_idx %arg15[%min3A_2393, %broadcast_in_dim3A_1887] : memref<100x128xf32, #tpu.memory_space<vmem>>[vector<16xi32>, vector<16xi32>], vector<16xf32>,
        %swap3A_2395 = arith.index_cast %add3A_1858 : i32 to index
        %swap3A_2396 = arith.constant 96 : index
        %swap3A_2397 = tpu.vector_load %arg16[%swap3A_2395, %swap3A_2396] {strides = array<i32>} : memref<128x128xf32, #tpu.memory_space<vmem>>, vector<16xf32>,
        tpu.vector_store %arg16[%swap3A_2395, %swap3A_2396], %gather3A_2394 {strides = array<i32>} : memref<128x128xf32, #tpu.memory_space<vmem>>, vector<16xf32>,
      } else {
      }
      %not3A_1891 = arith.constant true
      %not3A_1892 = arith.xori %or3A_771, %not3A_1891 : i1
      %convert_element_type3A_1893 = arith.extui %not3A_1892 : i1 to i32
      %cond3A_1894 = arith.constant 0 : i32
      %cond3A_1895 = arith.cmpi ne, %convert_element_type3A_1893, %cond3A_1894 : i32
      scf.if %cond3A_1895 {
        %add3A_2330 = arith.constant 0 : i32
        %add3A_2331 = vector.broadcast %add3A_2330 : i32 to vector<16xi32>
        %add3A_2332 = arith.addi %iota3A, %add3A_2331 : vector<16xi32>
        %min3A_2333 = arith.constant 99 : i32
        %min3A_2334 = vector.broadcast %min3A_2333 : i32 to vector<16xi32>
        %min3A_2335 = arith.minsi %add3A_2332, %min3A_2334 : vector<16xi32>
        %gather3A = tpu.vector_load_idx %arg14[%min3A_2335, %broadcast_in_dim3A_1887] : memref<100x128xf32, #tpu.memory_space<vmem>>[vector<16xi32>, vector<16xi32>], vector<16xf32>,
        %swap3A = arith.index_cast %add3A_1858 : i32 to index
        %swap3A_2336 = arith.constant 0 : index
        %swap3A_2337 = tpu.vector_load %arg16[%swap3A, %swap3A_2336] {strides = array<i32>} : memref<128x128xf32, #tpu.memory_space<vmem>>, vector<16xf32>,
        tpu.vector_store %arg16[%swap3A, %swap3A_2336], %gather3A {strides = array<i32>} : memref<128x128xf32, #tpu.memory_space<vmem>>, vector<16xf32>,
        %add3A_2338 = arith.constant 16 : i32
        %add3A_2339 = vector.broadcast %add3A_2338 : i32 to vector<16xi32>
        %add3A_2340 = arith.addi %iota3A, %add3A_2339 : vector<16xi32>
        %min3A_2341 = arith.constant 99 : i32
        %min3A_2342 = vector.broadcast %min3A_2341 : i32 to vector<16xi32>
        %min3A_2343 = arith.minsi %add3A_2340, %min3A_2342 : vector<16xi32>
        %gather3A_2344 = tpu.vector_load_idx %arg14[%min3A_2343, %broadcast_in_dim3A_1887] : memref<100x128xf32, #tpu.memory_space<vmem>>[vector<16xi32>, vector<16xi32>], vector<16xf32>,
        %swap3A_2345 = arith.index_cast %add3A_1858 : i32 to index
        %swap3A_2346 = arith.constant 16 : index
        %swap3A_2347 = tpu.vector_load %arg16[%swap3A_2345, %swap3A_2346] {strides = array<i32>} : memref<128x128xf32, #tpu.memory_space<vmem>>, vector<16xf32>,
        tpu.vector_store %arg16[%swap3A_2345, %swap3A_2346], %gather3A_2344 {strides = array<i32>} : memref<128x128xf32, #tpu.memory_space<vmem>>, vector<16xf32>,
        %add3A_2348 = arith.constant 32 : i32
        %add3A_2349 = vector.broadcast %add3A_2348 : i32 to vector<16xi32>
        %add3A_2350 = arith.addi %iota3A, %add3A_2349 : vector<16xi32>
        %min3A_2351 = arith.constant 99 : i32
        %min3A_2352 = vector.broadcast %min3A_2351 : i32 to vector<16xi32>
        %min3A_2353 = arith.minsi %add3A_2350, %min3A_2352 : vector<16xi32>
        %gather3A_2354 = tpu.vector_load_idx %arg14[%min3A_2353, %broadcast_in_dim3A_1887] : memref<100x128xf32, #tpu.memory_space<vmem>>[vector<16xi32>, vector<16xi32>], vector<16xf32>,
        %swap3A_2355 = arith.index_cast %add3A_1858 : i32 to index
        %swap3A_2356 = arith.constant 32 : index
        %swap3A_2357 = tpu.vector_load %arg16[%swap3A_2355, %swap3A_2356] {strides = array<i32>} : memref<128x128xf32, #tpu.memory_space<vmem>>, vector<16xf32>,
        tpu.vector_store %arg16[%swap3A_2355, %swap3A_2356], %gather3A_2354 {strides = array<i32>} : memref<128x128xf32, #tpu.memory_space<vmem>>, vector<16xf32>,
        %add3A_2358 = arith.constant 48 : i32
        %add3A_2359 = vector.broadcast %add3A_2358 : i32 to vector<16xi32>
        %add3A_2360 = arith.addi %iota3A, %add3A_2359 : vector<16xi32>
        %min3A_2361 = arith.constant 99 : i32
        %min3A_2362 = vector.broadcast %min3A_2361 : i32 to vector<16xi32>
        %min3A_2363 = arith.minsi %add3A_2360, %min3A_2362 : vector<16xi32>
        %gather3A_2364 = tpu.vector_load_idx %arg14[%min3A_2363, %broadcast_in_dim3A_1887] : memref<100x128xf32, #tpu.memory_space<vmem>>[vector<16xi32>, vector<16xi32>], vector<16xf32>,
        %swap3A_2365 = arith.index_cast %add3A_1858 : i32 to index
        %swap3A_2366 = arith.constant 48 : index
        %swap3A_2367 = tpu.vector_load %arg16[%swap3A_2365, %swap3A_2366] {strides = array<i32>} : memref<128x128xf32, #tpu.memory_space<vmem>>, vector<16xf32>,
        tpu.vector_store %arg16[%swap3A_2365, %swap3A_2366], %gather3A_2364 {strides = array<i32>} : memref<128x128xf32, #tpu.memory_space<vmem>>, vector<16xf32>,
        %add3A_2368 = arith.constant 64 : i32
        %add3A_2369 = vector.broadcast %add3A_2368 : i32 to vector<16xi32>
        %add3A_2370 = arith.addi %iota3A, %add3A_2369 : vector<16xi32>
        %min3A_2371 = arith.constant 99 : i32
        %min3A_2372 = vector.broadcast %min3A_2371 : i32 to vector<16xi32>
        %min3A_2373 = arith.minsi %add3A_2370, %min3A_2372 : vector<16xi32>
        %gather3A_2374 = tpu.vector_load_idx %arg14[%min3A_2373, %broadcast_in_dim3A_1887] : memref<100x128xf32, #tpu.memory_space<vmem>>[vector<16xi32>, vector<16xi32>], vector<16xf32>,
        %swap3A_2375 = arith.index_cast %add3A_1858 : i32 to index
        %swap3A_2376 = arith.constant 64 : index
        %swap3A_2377 = tpu.vector_load %arg16[%swap3A_2375, %swap3A_2376] {strides = array<i32>} : memref<128x128xf32, #tpu.memory_space<vmem>>, vector<16xf32>,
        tpu.vector_store %arg16[%swap3A_2375, %swap3A_2376], %gather3A_2374 {strides = array<i32>} : memref<128x128xf32, #tpu.memory_space<vmem>>, vector<16xf32>,
        %add3A_2378 = arith.constant 80 : i32
        %add3A_2379 = vector.broadcast %add3A_2378 : i32 to vector<16xi32>
        %add3A_2380 = arith.addi %iota3A, %add3A_2379 : vector<16xi32>
        %min3A_2381 = arith.constant 99 : i32
        %min3A_2382 = vector.broadcast %min3A_2381 : i32 to vector<16xi32>
        %min3A_2383 = arith.minsi %add3A_2380, %min3A_2382 : vector<16xi32>
        %gather3A_2384 = tpu.vector_load_idx %arg14[%min3A_2383, %broadcast_in_dim3A_1887] : memref<100x128xf32, #tpu.memory_space<vmem>>[vector<16xi32>, vector<16xi32>], vector<16xf32>,
        %swap3A_2385 = arith.index_cast %add3A_1858 : i32 to index
        %swap3A_2386 = arith.constant 80 : index
        %swap3A_2387 = tpu.vector_load %arg16[%swap3A_2385, %swap3A_2386] {strides = array<i32>} : memref<128x128xf32, #tpu.memory_space<vmem>>, vector<16xf32>,
        tpu.vector_store %arg16[%swap3A_2385, %swap3A_2386], %gather3A_2384 {strides = array<i32>} : memref<128x128xf32, #tpu.memory_space<vmem>>, vector<16xf32>,
        %add3A_2388 = arith.constant 96 : i32
        %add3A_2389 = vector.broadcast %add3A_2388 : i32 to vector<16xi32>
        %add3A_2390 = arith.addi %iota3A, %add3A_2389 : vector<16xi32>
        %min3A_2391 = arith.constant 99 : i32
        %min3A_2392 = vector.broadcast %min3A_2391 : i32 to vector<16xi32>
        %min3A_2393 = arith.minsi %add3A_2390, %min3A_2392 : vector<16xi32>
        %gather3A_2394 = tpu.vector_load_idx %arg14[%min3A_2393, %broadcast_in_dim3A_1887] : memref<100x128xf32, #tpu.memory_space<vmem>>[vector<16xi32>, vector<16xi32>], vector<16xf32>,
        %swap3A_2395 = arith.index_cast %add3A_1858 : i32 to index
        %swap3A_2396 = arith.constant 96 : index
        %swap3A_2397 = tpu.vector_load %arg16[%swap3A_2395, %swap3A_2396] {strides = array<i32>} : memref<128x128xf32, #tpu.memory_space<vmem>>, vector<16xf32>,
        tpu.vector_store %arg16[%swap3A_2395, %swap3A_2396], %gather3A_2394 {strides = array<i32>} : memref<128x128xf32, #tpu.memory_space<vmem>>, vector<16xf32>,
      } else {
      }
      %slice3A_1896 = vector.extract_strided_slice %get3A_524 {offsets = [14], sizes = [1], strides = [1]} : vector<16xi32> to vector<1xi32>
      %squeeze3A_1897 = vector.extract %slice3A_1896[0] : i32 from vector<1xi32>
      %convert_element_type3A_1898 = arith.extui %or3A_981 : i1 to i32
      %cond3A_1899 = arith.constant 0 : i32
      %cond3A_1900 = arith.cmpi ne, %convert_element_type3A_1898, %cond3A_1899 : i32
      scf.if %cond3A_1900 {
        %jit3A_2330 = arith.constant 128 : i32
        %div3A_2331 = arith.divsi %squeeze3A_1897, %jit3A_2330 : i32
        %sign3A_2332 = arith.constant 0 : i32
        %sign3A_2333 = arith.cmpi sgt, %squeeze3A_1897, %sign3A_2332 : i32
        %sign3A_2334 = arith.extui %sign3A_2333 : i1 to i32
        %sign3A_2335 = arith.constant 0 : i32
        %sign3A_2336 = arith.cmpi slt, %squeeze3A_1897, %sign3A_2335 : i32
        %sign3A_2337 = arith.extui %sign3A_2336 : i1 to i32
        %sign3A_2338 = arith.subi %sign3A_2334, %sign3A_2337 : i32
        %sign3A_2339 = arith.constant 0 : i32
        %sign3A_2340 = arith.cmpi sgt, %jit3A_2330, %sign3A_2339 : i32
        %sign3A_2341 = arith.extui %sign3A_2340 : i1 to i32
        %sign3A_2342 = arith.constant 0 : i32
        %sign3A_2343 = arith.cmpi slt, %jit3A_2330, %sign3A_2342 : i32
        %sign3A_2344 = arith.extui %sign3A_2343 : i1 to i32
        %sign3A_2345 = arith.subi %sign3A_2341, %sign3A_2344 : i32
        %ne3A_2346 = arith.cmpi ne, %sign3A_2338, %sign3A_2345 : i32
        %rem3A_2347 = arith.remsi %squeeze3A_1897, %jit3A_2330 : i32
        %ne3A_2348 = arith.constant 0 : i32
        %ne3A_2349 = arith.cmpi ne, %rem3A_2347, %ne3A_2348 : i32
        %and3A_2350 = arith.andi %ne3A_2346, %ne3A_2349 : i1
        %sub3A_2351 = arith.constant 1 : i32
        %sub3A_2352 = arith.subi %div3A_2331, %sub3A_2351 : i32
        %select_n3A_2353 = arith.select %and3A_2350, %sub3A_2352, %div3A_2331 : i32
        %mul3A_2354 = arith.constant 128 : i32
        %mul3A_2355 = arith.muli %select_n3A_2353, %mul3A_2354 : i32
        %multiple_of3A_2356 = tpu.assume_multiple %mul3A_2355, 128 : i32
        %dma_start3A_2357 = arith.constant 0 : i32
        %dma_start3A_2358 = tpu.memref_slice %arg4[%dma_start3A_2357, %multiple_of3A_2356] : memref<100x1000000xf32, #tpu.memory_space<hbm>> -> memref<100x128xf32, #tpu.memory_space<hbm>>
        %dma_start3A_2359 = arith.constant 0 : i32
        %dma_start3A_2360 = tpu.memref_slice %arg4[%dma_start3A_2359, %multiple_of3A_2356] : memref<100x1000000xf32, #tpu.memory_space<hbm>> -> memref<100x128xf32, #tpu.memory_space<hbm>>
        tpu.enqueue_dma source(%dma_start3A_2360 : memref<100x128xf32, #tpu.memory_space<hbm>>) target(%arg14 : memref<100x128xf32, #tpu.memory_space<vmem>>) target_semaphore(%arg23 : memref<!tpu.dma_semaphore, #tpu.memory_space<semaphore_mem>>)
      } else {
      }
      %convert_element_type3A_1901 = arith.extui %or3A_801 : i1 to i32
      %cond3A_1902 = arith.constant 0 : i32
      %cond3A_1903 = arith.cmpi ne, %convert_element_type3A_1901, %cond3A_1902 : i32
      scf.if %cond3A_1903 {
        %dma_wait3A_2330 = arith.constant 0 : i32
        %dma_wait3A_2331 = arith.constant 0 : i32
        %dma_wait3A_2332 = tpu.memref_slice %arg4[%dma_wait3A_2330, %dma_wait3A_2331] : memref<100x1000000xf32, #tpu.memory_space<hbm>> -> memref<100x128xf32, #tpu.memory_space<hbm>>
        %dma_wait3A_2333 = arith.constant 0 : i32
        %dma_wait3A_2334 = arith.constant 0 : i32
        %dma_wait3A_2335 = tpu.memref_slice %arg4[%dma_wait3A_2333, %dma_wait3A_2334] : memref<100x1000000xf32, #tpu.memory_space<hbm>> -> memref<100x128xf32, #tpu.memory_space<hbm>>
        tpu.wait_dma2 semaphore(%arg17 : memref<!tpu.dma_semaphore, #tpu.memory_space<semaphore_mem>>) src(%dma_wait3A_2335 : memref<100x128xf32, #tpu.memory_space<hbm>>) dst(%arg8 : memref<100x128xf32, #tpu.memory_space<vmem>>)
      } else {
      }
      %slice3A_1904 = vector.extract_strided_slice %get3A_524 {offsets = [8], sizes = [1], strides = [1]} : vector<16xi32> to vector<1xi32>
      %squeeze3A_1905 = vector.extract %slice3A_1904[0] : i32 from vector<1xi32>
      %mul3A_1906 = arith.constant 16 : i32
      %mul3A_1907 = arith.muli %scan3A_518, %mul3A_1906 : i32
      %add3A_1908 = arith.constant 8 : i32
      %add3A_1909 = arith.addi %mul3A_1907, %add3A_1908 : i32
      %jit3A_1910 = arith.constant 128 : i32
      %div3A_1911 = arith.divsi %squeeze3A_1905, %jit3A_1910 : i32
      %sign3A_1912 = arith.constant 0 : i32
      %sign3A_1913 = arith.cmpi sgt, %squeeze3A_1905, %sign3A_1912 : i32
      %sign3A_1914 = arith.extui %sign3A_1913 : i1 to i32
      %sign3A_1915 = arith.constant 0 : i32
      %sign3A_1916 = arith.cmpi slt, %squeeze3A_1905, %sign3A_1915 : i32
      %sign3A_1917 = arith.extui %sign3A_1916 : i1 to i32
      %sign3A_1918 = arith.subi %sign3A_1914, %sign3A_1917 : i32
      %sign3A_1919 = arith.constant 0 : i32
      %sign3A_1920 = arith.cmpi sgt, %jit3A_1910, %sign3A_1919 : i32
      %sign3A_1921 = arith.extui %sign3A_1920 : i1 to i32
      %sign3A_1922 = arith.constant 0 : i32
      %sign3A_1923 = arith.cmpi slt, %jit3A_1910, %sign3A_1922 : i32
      %sign3A_1924 = arith.extui %sign3A_1923 : i1 to i32
      %sign3A_1925 = arith.subi %sign3A_1921, %sign3A_1924 : i32
      %ne3A_1926 = arith.cmpi ne, %sign3A_1918, %sign3A_1925 : i32
      %rem3A_1927 = arith.remsi %squeeze3A_1905, %jit3A_1910 : i32
      %ne3A_1928 = arith.constant 0 : i32
      %ne3A_1929 = arith.cmpi ne, %rem3A_1927, %ne3A_1928 : i32
      %and3A_1930 = arith.andi %ne3A_1926, %ne3A_1929 : i1
      %sub3A_1931 = arith.constant 1 : i32
      %sub3A_1932 = arith.subi %div3A_1911, %sub3A_1931 : i32
      %select_n3A_1933 = arith.select %and3A_1930, %sub3A_1932, %div3A_1911 : i32
      %mul3A_1934 = arith.constant 128 : i32
      %mul3A_1935 = arith.muli %select_n3A_1933, %mul3A_1934 : i32
      %multiple_of3A_1936 = tpu.assume_multiple %mul3A_1935, 128 : i32
      %sub3A_1937 = arith.subi %squeeze3A_1905, %multiple_of3A_1936 : i32
      %broadcast_in_dim3A_1938 = vector.broadcast %sub3A_1937 : i32 to vector<16xi32>
      %convert_element_type3A_1939 = arith.extui %or3A_801 : i1 to i32
      %cond3A_1940 = arith.constant 0 : i32
      %cond3A_1941 = arith.cmpi ne, %convert_element_type3A_1939, %cond3A_1940 : i32
      scf.if %cond3A_1941 {
        %add3A_2330 = arith.constant 0 : i32
        %add3A_2331 = vector.broadcast %add3A_2330 : i32 to vector<16xi32>
        %add3A_2332 = arith.addi %iota3A, %add3A_2331 : vector<16xi32>
        %min3A_2333 = arith.constant 99 : i32
        %min3A_2334 = vector.broadcast %min3A_2333 : i32 to vector<16xi32>
        %min3A_2335 = arith.minsi %add3A_2332, %min3A_2334 : vector<16xi32>
        %gather3A = tpu.vector_load_idx %arg8[%min3A_2335, %broadcast_in_dim3A_1938] : memref<100x128xf32, #tpu.memory_space<vmem>>[vector<16xi32>, vector<16xi32>], vector<16xf32>,
        %swap3A = arith.index_cast %add3A_1909 : i32 to index
        %swap3A_2336 = arith.constant 0 : index
        %swap3A_2337 = tpu.vector_load %arg16[%swap3A, %swap3A_2336] {strides = array<i32>} : memref<128x128xf32, #tpu.memory_space<vmem>>, vector<16xf32>,
        tpu.vector_store %arg16[%swap3A, %swap3A_2336], %gather3A {strides = array<i32>} : memref<128x128xf32, #tpu.memory_space<vmem>>, vector<16xf32>,
        %add3A_2338 = arith.constant 16 : i32
        %add3A_2339 = vector.broadcast %add3A_2338 : i32 to vector<16xi32>
        %add3A_2340 = arith.addi %iota3A, %add3A_2339 : vector<16xi32>
        %min3A_2341 = arith.constant 99 : i32
        %min3A_2342 = vector.broadcast %min3A_2341 : i32 to vector<16xi32>
        %min3A_2343 = arith.minsi %add3A_2340, %min3A_2342 : vector<16xi32>
        %gather3A_2344 = tpu.vector_load_idx %arg8[%min3A_2343, %broadcast_in_dim3A_1938] : memref<100x128xf32, #tpu.memory_space<vmem>>[vector<16xi32>, vector<16xi32>], vector<16xf32>,
        %swap3A_2345 = arith.index_cast %add3A_1909 : i32 to index
        %swap3A_2346 = arith.constant 16 : index
        %swap3A_2347 = tpu.vector_load %arg16[%swap3A_2345, %swap3A_2346] {strides = array<i32>} : memref<128x128xf32, #tpu.memory_space<vmem>>, vector<16xf32>,
        tpu.vector_store %arg16[%swap3A_2345, %swap3A_2346], %gather3A_2344 {strides = array<i32>} : memref<128x128xf32, #tpu.memory_space<vmem>>, vector<16xf32>,
        %add3A_2348 = arith.constant 32 : i32
        %add3A_2349 = vector.broadcast %add3A_2348 : i32 to vector<16xi32>
        %add3A_2350 = arith.addi %iota3A, %add3A_2349 : vector<16xi32>
        %min3A_2351 = arith.constant 99 : i32
        %min3A_2352 = vector.broadcast %min3A_2351 : i32 to vector<16xi32>
        %min3A_2353 = arith.minsi %add3A_2350, %min3A_2352 : vector<16xi32>
        %gather3A_2354 = tpu.vector_load_idx %arg8[%min3A_2353, %broadcast_in_dim3A_1938] : memref<100x128xf32, #tpu.memory_space<vmem>>[vector<16xi32>, vector<16xi32>], vector<16xf32>,
        %swap3A_2355 = arith.index_cast %add3A_1909 : i32 to index
        %swap3A_2356 = arith.constant 32 : index
        %swap3A_2357 = tpu.vector_load %arg16[%swap3A_2355, %swap3A_2356] {strides = array<i32>} : memref<128x128xf32, #tpu.memory_space<vmem>>, vector<16xf32>,
        tpu.vector_store %arg16[%swap3A_2355, %swap3A_2356], %gather3A_2354 {strides = array<i32>} : memref<128x128xf32, #tpu.memory_space<vmem>>, vector<16xf32>,
        %add3A_2358 = arith.constant 48 : i32
        %add3A_2359 = vector.broadcast %add3A_2358 : i32 to vector<16xi32>
        %add3A_2360 = arith.addi %iota3A, %add3A_2359 : vector<16xi32>
        %min3A_2361 = arith.constant 99 : i32
        %min3A_2362 = vector.broadcast %min3A_2361 : i32 to vector<16xi32>
        %min3A_2363 = arith.minsi %add3A_2360, %min3A_2362 : vector<16xi32>
        %gather3A_2364 = tpu.vector_load_idx %arg8[%min3A_2363, %broadcast_in_dim3A_1938] : memref<100x128xf32, #tpu.memory_space<vmem>>[vector<16xi32>, vector<16xi32>], vector<16xf32>,
        %swap3A_2365 = arith.index_cast %add3A_1909 : i32 to index
        %swap3A_2366 = arith.constant 48 : index
        %swap3A_2367 = tpu.vector_load %arg16[%swap3A_2365, %swap3A_2366] {strides = array<i32>} : memref<128x128xf32, #tpu.memory_space<vmem>>, vector<16xf32>,
        tpu.vector_store %arg16[%swap3A_2365, %swap3A_2366], %gather3A_2364 {strides = array<i32>} : memref<128x128xf32, #tpu.memory_space<vmem>>, vector<16xf32>,
        %add3A_2368 = arith.constant 64 : i32
        %add3A_2369 = vector.broadcast %add3A_2368 : i32 to vector<16xi32>
        %add3A_2370 = arith.addi %iota3A, %add3A_2369 : vector<16xi32>
        %min3A_2371 = arith.constant 99 : i32
        %min3A_2372 = vector.broadcast %min3A_2371 : i32 to vector<16xi32>
        %min3A_2373 = arith.minsi %add3A_2370, %min3A_2372 : vector<16xi32>
        %gather3A_2374 = tpu.vector_load_idx %arg8[%min3A_2373, %broadcast_in_dim3A_1938] : memref<100x128xf32, #tpu.memory_space<vmem>>[vector<16xi32>, vector<16xi32>], vector<16xf32>,
        %swap3A_2375 = arith.index_cast %add3A_1909 : i32 to index
        %swap3A_2376 = arith.constant 64 : index
        %swap3A_2377 = tpu.vector_load %arg16[%swap3A_2375, %swap3A_2376] {strides = array<i32>} : memref<128x128xf32, #tpu.memory_space<vmem>>, vector<16xf32>,
        tpu.vector_store %arg16[%swap3A_2375, %swap3A_2376], %gather3A_2374 {strides = array<i32>} : memref<128x128xf32, #tpu.memory_space<vmem>>, vector<16xf32>,
        %add3A_2378 = arith.constant 80 : i32
        %add3A_2379 = vector.broadcast %add3A_2378 : i32 to vector<16xi32>
        %add3A_2380 = arith.addi %iota3A, %add3A_2379 : vector<16xi32>
        %min3A_2381 = arith.constant 99 : i32
        %min3A_2382 = vector.broadcast %min3A_2381 : i32 to vector<16xi32>
        %min3A_2383 = arith.minsi %add3A_2380, %min3A_2382 : vector<16xi32>
        %gather3A_2384 = tpu.vector_load_idx %arg8[%min3A_2383, %broadcast_in_dim3A_1938] : memref<100x128xf32, #tpu.memory_space<vmem>>[vector<16xi32>, vector<16xi32>], vector<16xf32>,
        %swap3A_2385 = arith.index_cast %add3A_1909 : i32 to index
        %swap3A_2386 = arith.constant 80 : index
        %swap3A_2387 = tpu.vector_load %arg16[%swap3A_2385, %swap3A_2386] {strides = array<i32>} : memref<128x128xf32, #tpu.memory_space<vmem>>, vector<16xf32>,
        tpu.vector_store %arg16[%swap3A_2385, %swap3A_2386], %gather3A_2384 {strides = array<i32>} : memref<128x128xf32, #tpu.memory_space<vmem>>, vector<16xf32>,
        %add3A_2388 = arith.constant 96 : i32
        %add3A_2389 = vector.broadcast %add3A_2388 : i32 to vector<16xi32>
        %add3A_2390 = arith.addi %iota3A, %add3A_2389 : vector<16xi32>
        %min3A_2391 = arith.constant 99 : i32
        %min3A_2392 = vector.broadcast %min3A_2391 : i32 to vector<16xi32>
        %min3A_2393 = arith.minsi %add3A_2390, %min3A_2392 : vector<16xi32>
        %gather3A_2394 = tpu.vector_load_idx %arg8[%min3A_2393, %broadcast_in_dim3A_1938] : memref<100x128xf32, #tpu.memory_space<vmem>>[vector<16xi32>, vector<16xi32>], vector<16xf32>,
        %swap3A_2395 = arith.index_cast %add3A_1909 : i32 to index
        %swap3A_2396 = arith.constant 96 : index
        %swap3A_2397 = tpu.vector_load %arg16[%swap3A_2395, %swap3A_2396] {strides = array<i32>} : memref<128x128xf32, #tpu.memory_space<vmem>>, vector<16xf32>,
        tpu.vector_store %arg16[%swap3A_2395, %swap3A_2396], %gather3A_2394 {strides = array<i32>} : memref<128x128xf32, #tpu.memory_space<vmem>>, vector<16xf32>,
      } else {
      }
      %not3A_1942 = arith.constant true
      %not3A_1943 = arith.xori %or3A_801, %not3A_1942 : i1
      %convert_element_type3A_1944 = arith.extui %not3A_1943 : i1 to i32
      %cond3A_1945 = arith.constant 0 : i32
      %cond3A_1946 = arith.cmpi ne, %convert_element_type3A_1944, %cond3A_1945 : i32
      scf.if %cond3A_1946 {
        %add3A_2330 = arith.constant 0 : i32
        %add3A_2331 = vector.broadcast %add3A_2330 : i32 to vector<16xi32>
        %add3A_2332 = arith.addi %iota3A, %add3A_2331 : vector<16xi32>
        %min3A_2333 = arith.constant 99 : i32
        %min3A_2334 = vector.broadcast %min3A_2333 : i32 to vector<16xi32>
        %min3A_2335 = arith.minsi %add3A_2332, %min3A_2334 : vector<16xi32>
        %gather3A = tpu.vector_load_idx %arg15[%min3A_2335, %broadcast_in_dim3A_1938] : memref<100x128xf32, #tpu.memory_space<vmem>>[vector<16xi32>, vector<16xi32>], vector<16xf32>,
        %swap3A = arith.index_cast %add3A_1909 : i32 to index
        %swap3A_2336 = arith.constant 0 : index
        %swap3A_2337 = tpu.vector_load %arg16[%swap3A, %swap3A_2336] {strides = array<i32>} : memref<128x128xf32, #tpu.memory_space<vmem>>, vector<16xf32>,
        tpu.vector_store %arg16[%swap3A, %swap3A_2336], %gather3A {strides = array<i32>} : memref<128x128xf32, #tpu.memory_space<vmem>>, vector<16xf32>,
        %add3A_2338 = arith.constant 16 : i32
        %add3A_2339 = vector.broadcast %add3A_2338 : i32 to vector<16xi32>
        %add3A_2340 = arith.addi %iota3A, %add3A_2339 : vector<16xi32>
        %min3A_2341 = arith.constant 99 : i32
        %min3A_2342 = vector.broadcast %min3A_2341 : i32 to vector<16xi32>
        %min3A_2343 = arith.minsi %add3A_2340, %min3A_2342 : vector<16xi32>
        %gather3A_2344 = tpu.vector_load_idx %arg15[%min3A_2343, %broadcast_in_dim3A_1938] : memref<100x128xf32, #tpu.memory_space<vmem>>[vector<16xi32>, vector<16xi32>], vector<16xf32>,
        %swap3A_2345 = arith.index_cast %add3A_1909 : i32 to index
        %swap3A_2346 = arith.constant 16 : index
        %swap3A_2347 = tpu.vector_load %arg16[%swap3A_2345, %swap3A_2346] {strides = array<i32>} : memref<128x128xf32, #tpu.memory_space<vmem>>, vector<16xf32>,
        tpu.vector_store %arg16[%swap3A_2345, %swap3A_2346], %gather3A_2344 {strides = array<i32>} : memref<128x128xf32, #tpu.memory_space<vmem>>, vector<16xf32>,
        %add3A_2348 = arith.constant 32 : i32
        %add3A_2349 = vector.broadcast %add3A_2348 : i32 to vector<16xi32>
        %add3A_2350 = arith.addi %iota3A, %add3A_2349 : vector<16xi32>
        %min3A_2351 = arith.constant 99 : i32
        %min3A_2352 = vector.broadcast %min3A_2351 : i32 to vector<16xi32>
        %min3A_2353 = arith.minsi %add3A_2350, %min3A_2352 : vector<16xi32>
        %gather3A_2354 = tpu.vector_load_idx %arg15[%min3A_2353, %broadcast_in_dim3A_1938] : memref<100x128xf32, #tpu.memory_space<vmem>>[vector<16xi32>, vector<16xi32>], vector<16xf32>,
        %swap3A_2355 = arith.index_cast %add3A_1909 : i32 to index
        %swap3A_2356 = arith.constant 32 : index
        %swap3A_2357 = tpu.vector_load %arg16[%swap3A_2355, %swap3A_2356] {strides = array<i32>} : memref<128x128xf32, #tpu.memory_space<vmem>>, vector<16xf32>,
        tpu.vector_store %arg16[%swap3A_2355, %swap3A_2356], %gather3A_2354 {strides = array<i32>} : memref<128x128xf32, #tpu.memory_space<vmem>>, vector<16xf32>,
        %add3A_2358 = arith.constant 48 : i32
        %add3A_2359 = vector.broadcast %add3A_2358 : i32 to vector<16xi32>
        %add3A_2360 = arith.addi %iota3A, %add3A_2359 : vector<16xi32>
        %min3A_2361 = arith.constant 99 : i32
        %min3A_2362 = vector.broadcast %min3A_2361 : i32 to vector<16xi32>
        %min3A_2363 = arith.minsi %add3A_2360, %min3A_2362 : vector<16xi32>
        %gather3A_2364 = tpu.vector_load_idx %arg15[%min3A_2363, %broadcast_in_dim3A_1938] : memref<100x128xf32, #tpu.memory_space<vmem>>[vector<16xi32>, vector<16xi32>], vector<16xf32>,
        %swap3A_2365 = arith.index_cast %add3A_1909 : i32 to index
        %swap3A_2366 = arith.constant 48 : index
        %swap3A_2367 = tpu.vector_load %arg16[%swap3A_2365, %swap3A_2366] {strides = array<i32>} : memref<128x128xf32, #tpu.memory_space<vmem>>, vector<16xf32>,
        tpu.vector_store %arg16[%swap3A_2365, %swap3A_2366], %gather3A_2364 {strides = array<i32>} : memref<128x128xf32, #tpu.memory_space<vmem>>, vector<16xf32>,
        %add3A_2368 = arith.constant 64 : i32
        %add3A_2369 = vector.broadcast %add3A_2368 : i32 to vector<16xi32>
        %add3A_2370 = arith.addi %iota3A, %add3A_2369 : vector<16xi32>
        %min3A_2371 = arith.constant 99 : i32
        %min3A_2372 = vector.broadcast %min3A_2371 : i32 to vector<16xi32>
        %min3A_2373 = arith.minsi %add3A_2370, %min3A_2372 : vector<16xi32>
        %gather3A_2374 = tpu.vector_load_idx %arg15[%min3A_2373, %broadcast_in_dim3A_1938] : memref<100x128xf32, #tpu.memory_space<vmem>>[vector<16xi32>, vector<16xi32>], vector<16xf32>,
        %swap3A_2375 = arith.index_cast %add3A_1909 : i32 to index
        %swap3A_2376 = arith.constant 64 : index
        %swap3A_2377 = tpu.vector_load %arg16[%swap3A_2375, %swap3A_2376] {strides = array<i32>} : memref<128x128xf32, #tpu.memory_space<vmem>>, vector<16xf32>,
        tpu.vector_store %arg16[%swap3A_2375, %swap3A_2376], %gather3A_2374 {strides = array<i32>} : memref<128x128xf32, #tpu.memory_space<vmem>>, vector<16xf32>,
        %add3A_2378 = arith.constant 80 : i32
        %add3A_2379 = vector.broadcast %add3A_2378 : i32 to vector<16xi32>
        %add3A_2380 = arith.addi %iota3A, %add3A_2379 : vector<16xi32>
        %min3A_2381 = arith.constant 99 : i32
        %min3A_2382 = vector.broadcast %min3A_2381 : i32 to vector<16xi32>
        %min3A_2383 = arith.minsi %add3A_2380, %min3A_2382 : vector<16xi32>
        %gather3A_2384 = tpu.vector_load_idx %arg15[%min3A_2383, %broadcast_in_dim3A_1938] : memref<100x128xf32, #tpu.memory_space<vmem>>[vector<16xi32>, vector<16xi32>], vector<16xf32>,
        %swap3A_2385 = arith.index_cast %add3A_1909 : i32 to index
        %swap3A_2386 = arith.constant 80 : index
        %swap3A_2387 = tpu.vector_load %arg16[%swap3A_2385, %swap3A_2386] {strides = array<i32>} : memref<128x128xf32, #tpu.memory_space<vmem>>, vector<16xf32>,
        tpu.vector_store %arg16[%swap3A_2385, %swap3A_2386], %gather3A_2384 {strides = array<i32>} : memref<128x128xf32, #tpu.memory_space<vmem>>, vector<16xf32>,
        %add3A_2388 = arith.constant 96 : i32
        %add3A_2389 = vector.broadcast %add3A_2388 : i32 to vector<16xi32>
        %add3A_2390 = arith.addi %iota3A, %add3A_2389 : vector<16xi32>
        %min3A_2391 = arith.constant 99 : i32
        %min3A_2392 = vector.broadcast %min3A_2391 : i32 to vector<16xi32>
        %min3A_2393 = arith.minsi %add3A_2390, %min3A_2392 : vector<16xi32>
        %gather3A_2394 = tpu.vector_load_idx %arg15[%min3A_2393, %broadcast_in_dim3A_1938] : memref<100x128xf32, #tpu.memory_space<vmem>>[vector<16xi32>, vector<16xi32>], vector<16xf32>,
        %swap3A_2395 = arith.index_cast %add3A_1909 : i32 to index
        %swap3A_2396 = arith.constant 96 : index
        %swap3A_2397 = tpu.vector_load %arg16[%swap3A_2395, %swap3A_2396] {strides = array<i32>} : memref<128x128xf32, #tpu.memory_space<vmem>>, vector<16xf32>,
        tpu.vector_store %arg16[%swap3A_2395, %swap3A_2396], %gather3A_2394 {strides = array<i32>} : memref<128x128xf32, #tpu.memory_space<vmem>>, vector<16xf32>,
      } else {
      }
      %slice3A_1947 = vector.extract_strided_slice %get3A_524 {offsets = [15], sizes = [1], strides = [1]} : vector<16xi32> to vector<1xi32>
      %squeeze3A_1948 = vector.extract %slice3A_1947[0] : i32 from vector<1xi32>
      %convert_element_type3A_1949 = arith.extui %or3A_1011 : i1 to i32
      %cond3A_1950 = arith.constant 0 : i32
      %cond3A_1951 = arith.cmpi ne, %convert_element_type3A_1949, %cond3A_1950 : i32
      scf.if %cond3A_1951 {
        %jit3A_2330 = arith.constant 128 : i32
        %div3A_2331 = arith.divsi %squeeze3A_1948, %jit3A_2330 : i32
        %sign3A_2332 = arith.constant 0 : i32
        %sign3A_2333 = arith.cmpi sgt, %squeeze3A_1948, %sign3A_2332 : i32
        %sign3A_2334 = arith.extui %sign3A_2333 : i1 to i32
        %sign3A_2335 = arith.constant 0 : i32
        %sign3A_2336 = arith.cmpi slt, %squeeze3A_1948, %sign3A_2335 : i32
        %sign3A_2337 = arith.extui %sign3A_2336 : i1 to i32
        %sign3A_2338 = arith.subi %sign3A_2334, %sign3A_2337 : i32
        %sign3A_2339 = arith.constant 0 : i32
        %sign3A_2340 = arith.cmpi sgt, %jit3A_2330, %sign3A_2339 : i32
        %sign3A_2341 = arith.extui %sign3A_2340 : i1 to i32
        %sign3A_2342 = arith.constant 0 : i32
        %sign3A_2343 = arith.cmpi slt, %jit3A_2330, %sign3A_2342 : i32
        %sign3A_2344 = arith.extui %sign3A_2343 : i1 to i32
        %sign3A_2345 = arith.subi %sign3A_2341, %sign3A_2344 : i32
        %ne3A_2346 = arith.cmpi ne, %sign3A_2338, %sign3A_2345 : i32
        %rem3A_2347 = arith.remsi %squeeze3A_1948, %jit3A_2330 : i32
        %ne3A_2348 = arith.constant 0 : i32
        %ne3A_2349 = arith.cmpi ne, %rem3A_2347, %ne3A_2348 : i32
        %and3A_2350 = arith.andi %ne3A_2346, %ne3A_2349 : i1
        %sub3A_2351 = arith.constant 1 : i32
        %sub3A_2352 = arith.subi %div3A_2331, %sub3A_2351 : i32
        %select_n3A_2353 = arith.select %and3A_2350, %sub3A_2352, %div3A_2331 : i32
        %mul3A_2354 = arith.constant 128 : i32
        %mul3A_2355 = arith.muli %select_n3A_2353, %mul3A_2354 : i32
        %multiple_of3A_2356 = tpu.assume_multiple %mul3A_2355, 128 : i32
        %dma_start3A_2357 = arith.constant 0 : i32
        %dma_start3A_2358 = tpu.memref_slice %arg4[%dma_start3A_2357, %multiple_of3A_2356] : memref<100x1000000xf32, #tpu.memory_space<hbm>> -> memref<100x128xf32, #tpu.memory_space<hbm>>
        %dma_start3A_2359 = arith.constant 0 : i32
        %dma_start3A_2360 = tpu.memref_slice %arg4[%dma_start3A_2359, %multiple_of3A_2356] : memref<100x1000000xf32, #tpu.memory_space<hbm>> -> memref<100x128xf32, #tpu.memory_space<hbm>>
        tpu.enqueue_dma source(%dma_start3A_2360 : memref<100x128xf32, #tpu.memory_space<hbm>>) target(%arg15 : memref<100x128xf32, #tpu.memory_space<vmem>>) target_semaphore(%arg24 : memref<!tpu.dma_semaphore, #tpu.memory_space<semaphore_mem>>)
      } else {
      }
      %convert_element_type3A_1952 = arith.extui %or3A_831 : i1 to i32
      %cond3A_1953 = arith.constant 0 : i32
      %cond3A_1954 = arith.cmpi ne, %convert_element_type3A_1952, %cond3A_1953 : i32
      scf.if %cond3A_1954 {
        %dma_wait3A_2330 = arith.constant 0 : i32
        %dma_wait3A_2331 = arith.constant 0 : i32
        %dma_wait3A_2332 = tpu.memref_slice %arg4[%dma_wait3A_2330, %dma_wait3A_2331] : memref<100x1000000xf32, #tpu.memory_space<hbm>> -> memref<100x128xf32, #tpu.memory_space<hbm>>
        %dma_wait3A_2333 = arith.constant 0 : i32
        %dma_wait3A_2334 = arith.constant 0 : i32
        %dma_wait3A_2335 = tpu.memref_slice %arg4[%dma_wait3A_2333, %dma_wait3A_2334] : memref<100x1000000xf32, #tpu.memory_space<hbm>> -> memref<100x128xf32, #tpu.memory_space<hbm>>
        tpu.wait_dma2 semaphore(%arg18 : memref<!tpu.dma_semaphore, #tpu.memory_space<semaphore_mem>>) src(%dma_wait3A_2335 : memref<100x128xf32, #tpu.memory_space<hbm>>) dst(%arg9 : memref<100x128xf32, #tpu.memory_space<vmem>>)
      } else {
      }
      %slice3A_1955 = vector.extract_strided_slice %get3A_524 {offsets = [9], sizes = [1], strides = [1]} : vector<16xi32> to vector<1xi32>
      %squeeze3A_1956 = vector.extract %slice3A_1955[0] : i32 from vector<1xi32>
      %mul3A_1957 = arith.constant 16 : i32
      %mul3A_1958 = arith.muli %scan3A_518, %mul3A_1957 : i32
      %add3A_1959 = arith.constant 9 : i32
      %add3A_1960 = arith.addi %mul3A_1958, %add3A_1959 : i32
      %jit3A_1961 = arith.constant 128 : i32
      %div3A_1962 = arith.divsi %squeeze3A_1956, %jit3A_1961 : i32
      %sign3A_1963 = arith.constant 0 : i32
      %sign3A_1964 = arith.cmpi sgt, %squeeze3A_1956, %sign3A_1963 : i32
      %sign3A_1965 = arith.extui %sign3A_1964 : i1 to i32
      %sign3A_1966 = arith.constant 0 : i32
      %sign3A_1967 = arith.cmpi slt, %squeeze3A_1956, %sign3A_1966 : i32
      %sign3A_1968 = arith.extui %sign3A_1967 : i1 to i32
      %sign3A_1969 = arith.subi %sign3A_1965, %sign3A_1968 : i32
      %sign3A_1970 = arith.constant 0 : i32
      %sign3A_1971 = arith.cmpi sgt, %jit3A_1961, %sign3A_1970 : i32
      %sign3A_1972 = arith.extui %sign3A_1971 : i1 to i32
      %sign3A_1973 = arith.constant 0 : i32
      %sign3A_1974 = arith.cmpi slt, %jit3A_1961, %sign3A_1973 : i32
      %sign3A_1975 = arith.extui %sign3A_1974 : i1 to i32
      %sign3A_1976 = arith.subi %sign3A_1972, %sign3A_1975 : i32
      %ne3A_1977 = arith.cmpi ne, %sign3A_1969, %sign3A_1976 : i32
      %rem3A_1978 = arith.remsi %squeeze3A_1956, %jit3A_1961 : i32
      %ne3A_1979 = arith.constant 0 : i32
      %ne3A_1980 = arith.cmpi ne, %rem3A_1978, %ne3A_1979 : i32
      %and3A_1981 = arith.andi %ne3A_1977, %ne3A_1980 : i1
      %sub3A_1982 = arith.constant 1 : i32
      %sub3A_1983 = arith.subi %div3A_1962, %sub3A_1982 : i32
      %select_n3A_1984 = arith.select %and3A_1981, %sub3A_1983, %div3A_1962 : i32
      %mul3A_1985 = arith.constant 128 : i32
      %mul3A_1986 = arith.muli %select_n3A_1984, %mul3A_1985 : i32
      %multiple_of3A_1987 = tpu.assume_multiple %mul3A_1986, 128 : i32
      %sub3A_1988 = arith.subi %squeeze3A_1956, %multiple_of3A_1987 : i32
      %broadcast_in_dim3A_1989 = vector.broadcast %sub3A_1988 : i32 to vector<16xi32>
      %convert_element_type3A_1990 = arith.extui %or3A_831 : i1 to i32
      %cond3A_1991 = arith.constant 0 : i32
      %cond3A_1992 = arith.cmpi ne, %convert_element_type3A_1990, %cond3A_1991 : i32
      scf.if %cond3A_1992 {
        %add3A_2330 = arith.constant 0 : i32
        %add3A_2331 = vector.broadcast %add3A_2330 : i32 to vector<16xi32>
        %add3A_2332 = arith.addi %iota3A, %add3A_2331 : vector<16xi32>
        %min3A_2333 = arith.constant 99 : i32
        %min3A_2334 = vector.broadcast %min3A_2333 : i32 to vector<16xi32>
        %min3A_2335 = arith.minsi %add3A_2332, %min3A_2334 : vector<16xi32>
        %gather3A = tpu.vector_load_idx %arg9[%min3A_2335, %broadcast_in_dim3A_1989] : memref<100x128xf32, #tpu.memory_space<vmem>>[vector<16xi32>, vector<16xi32>], vector<16xf32>,
        %swap3A = arith.index_cast %add3A_1960 : i32 to index
        %swap3A_2336 = arith.constant 0 : index
        %swap3A_2337 = tpu.vector_load %arg16[%swap3A, %swap3A_2336] {strides = array<i32>} : memref<128x128xf32, #tpu.memory_space<vmem>>, vector<16xf32>,
        tpu.vector_store %arg16[%swap3A, %swap3A_2336], %gather3A {strides = array<i32>} : memref<128x128xf32, #tpu.memory_space<vmem>>, vector<16xf32>,
        %add3A_2338 = arith.constant 16 : i32
        %add3A_2339 = vector.broadcast %add3A_2338 : i32 to vector<16xi32>
        %add3A_2340 = arith.addi %iota3A, %add3A_2339 : vector<16xi32>
        %min3A_2341 = arith.constant 99 : i32
        %min3A_2342 = vector.broadcast %min3A_2341 : i32 to vector<16xi32>
        %min3A_2343 = arith.minsi %add3A_2340, %min3A_2342 : vector<16xi32>
        %gather3A_2344 = tpu.vector_load_idx %arg9[%min3A_2343, %broadcast_in_dim3A_1989] : memref<100x128xf32, #tpu.memory_space<vmem>>[vector<16xi32>, vector<16xi32>], vector<16xf32>,
        %swap3A_2345 = arith.index_cast %add3A_1960 : i32 to index
        %swap3A_2346 = arith.constant 16 : index
        %swap3A_2347 = tpu.vector_load %arg16[%swap3A_2345, %swap3A_2346] {strides = array<i32>} : memref<128x128xf32, #tpu.memory_space<vmem>>, vector<16xf32>,
        tpu.vector_store %arg16[%swap3A_2345, %swap3A_2346], %gather3A_2344 {strides = array<i32>} : memref<128x128xf32, #tpu.memory_space<vmem>>, vector<16xf32>,
        %add3A_2348 = arith.constant 32 : i32
        %add3A_2349 = vector.broadcast %add3A_2348 : i32 to vector<16xi32>
        %add3A_2350 = arith.addi %iota3A, %add3A_2349 : vector<16xi32>
        %min3A_2351 = arith.constant 99 : i32
        %min3A_2352 = vector.broadcast %min3A_2351 : i32 to vector<16xi32>
        %min3A_2353 = arith.minsi %add3A_2350, %min3A_2352 : vector<16xi32>
        %gather3A_2354 = tpu.vector_load_idx %arg9[%min3A_2353, %broadcast_in_dim3A_1989] : memref<100x128xf32, #tpu.memory_space<vmem>>[vector<16xi32>, vector<16xi32>], vector<16xf32>,
        %swap3A_2355 = arith.index_cast %add3A_1960 : i32 to index
        %swap3A_2356 = arith.constant 32 : index
        %swap3A_2357 = tpu.vector_load %arg16[%swap3A_2355, %swap3A_2356] {strides = array<i32>} : memref<128x128xf32, #tpu.memory_space<vmem>>, vector<16xf32>,
        tpu.vector_store %arg16[%swap3A_2355, %swap3A_2356], %gather3A_2354 {strides = array<i32>} : memref<128x128xf32, #tpu.memory_space<vmem>>, vector<16xf32>,
        %add3A_2358 = arith.constant 48 : i32
        %add3A_2359 = vector.broadcast %add3A_2358 : i32 to vector<16xi32>
        %add3A_2360 = arith.addi %iota3A, %add3A_2359 : vector<16xi32>
        %min3A_2361 = arith.constant 99 : i32
        %min3A_2362 = vector.broadcast %min3A_2361 : i32 to vector<16xi32>
        %min3A_2363 = arith.minsi %add3A_2360, %min3A_2362 : vector<16xi32>
        %gather3A_2364 = tpu.vector_load_idx %arg9[%min3A_2363, %broadcast_in_dim3A_1989] : memref<100x128xf32, #tpu.memory_space<vmem>>[vector<16xi32>, vector<16xi32>], vector<16xf32>,
        %swap3A_2365 = arith.index_cast %add3A_1960 : i32 to index
        %swap3A_2366 = arith.constant 48 : index
        %swap3A_2367 = tpu.vector_load %arg16[%swap3A_2365, %swap3A_2366] {strides = array<i32>} : memref<128x128xf32, #tpu.memory_space<vmem>>, vector<16xf32>,
        tpu.vector_store %arg16[%swap3A_2365, %swap3A_2366], %gather3A_2364 {strides = array<i32>} : memref<128x128xf32, #tpu.memory_space<vmem>>, vector<16xf32>,
        %add3A_2368 = arith.constant 64 : i32
        %add3A_2369 = vector.broadcast %add3A_2368 : i32 to vector<16xi32>
        %add3A_2370 = arith.addi %iota3A, %add3A_2369 : vector<16xi32>
        %min3A_2371 = arith.constant 99 : i32
        %min3A_2372 = vector.broadcast %min3A_2371 : i32 to vector<16xi32>
        %min3A_2373 = arith.minsi %add3A_2370, %min3A_2372 : vector<16xi32>
        %gather3A_2374 = tpu.vector_load_idx %arg9[%min3A_2373, %broadcast_in_dim3A_1989] : memref<100x128xf32, #tpu.memory_space<vmem>>[vector<16xi32>, vector<16xi32>], vector<16xf32>,
        %swap3A_2375 = arith.index_cast %add3A_1960 : i32 to index
        %swap3A_2376 = arith.constant 64 : index
        %swap3A_2377 = tpu.vector_load %arg16[%swap3A_2375, %swap3A_2376] {strides = array<i32>} : memref<128x128xf32, #tpu.memory_space<vmem>>, vector<16xf32>,
        tpu.vector_store %arg16[%swap3A_2375, %swap3A_2376], %gather3A_2374 {strides = array<i32>} : memref<128x128xf32, #tpu.memory_space<vmem>>, vector<16xf32>,
        %add3A_2378 = arith.constant 80 : i32
        %add3A_2379 = vector.broadcast %add3A_2378 : i32 to vector<16xi32>
        %add3A_2380 = arith.addi %iota3A, %add3A_2379 : vector<16xi32>
        %min3A_2381 = arith.constant 99 : i32
        %min3A_2382 = vector.broadcast %min3A_2381 : i32 to vector<16xi32>
        %min3A_2383 = arith.minsi %add3A_2380, %min3A_2382 : vector<16xi32>
        %gather3A_2384 = tpu.vector_load_idx %arg9[%min3A_2383, %broadcast_in_dim3A_1989] : memref<100x128xf32, #tpu.memory_space<vmem>>[vector<16xi32>, vector<16xi32>], vector<16xf32>,
        %swap3A_2385 = arith.index_cast %add3A_1960 : i32 to index
        %swap3A_2386 = arith.constant 80 : index
        %swap3A_2387 = tpu.vector_load %arg16[%swap3A_2385, %swap3A_2386] {strides = array<i32>} : memref<128x128xf32, #tpu.memory_space<vmem>>, vector<16xf32>,
        tpu.vector_store %arg16[%swap3A_2385, %swap3A_2386], %gather3A_2384 {strides = array<i32>} : memref<128x128xf32, #tpu.memory_space<vmem>>, vector<16xf32>,
        %add3A_2388 = arith.constant 96 : i32
        %add3A_2389 = vector.broadcast %add3A_2388 : i32 to vector<16xi32>
        %add3A_2390 = arith.addi %iota3A, %add3A_2389 : vector<16xi32>
        %min3A_2391 = arith.constant 99 : i32
        %min3A_2392 = vector.broadcast %min3A_2391 : i32 to vector<16xi32>
        %min3A_2393 = arith.minsi %add3A_2390, %min3A_2392 : vector<16xi32>
        %gather3A_2394 = tpu.vector_load_idx %arg9[%min3A_2393, %broadcast_in_dim3A_1989] : memref<100x128xf32, #tpu.memory_space<vmem>>[vector<16xi32>, vector<16xi32>], vector<16xf32>,
        %swap3A_2395 = arith.index_cast %add3A_1960 : i32 to index
        %swap3A_2396 = arith.constant 96 : index
        %swap3A_2397 = tpu.vector_load %arg16[%swap3A_2395, %swap3A_2396] {strides = array<i32>} : memref<128x128xf32, #tpu.memory_space<vmem>>, vector<16xf32>,
        tpu.vector_store %arg16[%swap3A_2395, %swap3A_2396], %gather3A_2394 {strides = array<i32>} : memref<128x128xf32, #tpu.memory_space<vmem>>, vector<16xf32>,
      } else {
      }
      %not3A_1993 = arith.constant true
      %not3A_1994 = arith.xori %or3A_831, %not3A_1993 : i1
      %convert_element_type3A_1995 = arith.extui %not3A_1994 : i1 to i32
      %cond3A_1996 = arith.constant 0 : i32
      %cond3A_1997 = arith.cmpi ne, %convert_element_type3A_1995, %cond3A_1996 : i32
      scf.if %cond3A_1997 {
        %add3A_2330 = arith.constant 0 : i32
        %add3A_2331 = vector.broadcast %add3A_2330 : i32 to vector<16xi32>
        %add3A_2332 = arith.addi %iota3A, %add3A_2331 : vector<16xi32>
        %min3A_2333 = arith.constant 99 : i32
        %min3A_2334 = vector.broadcast %min3A_2333 : i32 to vector<16xi32>
        %min3A_2335 = arith.minsi %add3A_2332, %min3A_2334 : vector<16xi32>
        %gather3A = tpu.vector_load_idx %arg8[%min3A_2335, %broadcast_in_dim3A_1989] : memref<100x128xf32, #tpu.memory_space<vmem>>[vector<16xi32>, vector<16xi32>], vector<16xf32>,
        %swap3A = arith.index_cast %add3A_1960 : i32 to index
        %swap3A_2336 = arith.constant 0 : index
        %swap3A_2337 = tpu.vector_load %arg16[%swap3A, %swap3A_2336] {strides = array<i32>} : memref<128x128xf32, #tpu.memory_space<vmem>>, vector<16xf32>,
        tpu.vector_store %arg16[%swap3A, %swap3A_2336], %gather3A {strides = array<i32>} : memref<128x128xf32, #tpu.memory_space<vmem>>, vector<16xf32>,
        %add3A_2338 = arith.constant 16 : i32
        %add3A_2339 = vector.broadcast %add3A_2338 : i32 to vector<16xi32>
        %add3A_2340 = arith.addi %iota3A, %add3A_2339 : vector<16xi32>
        %min3A_2341 = arith.constant 99 : i32
        %min3A_2342 = vector.broadcast %min3A_2341 : i32 to vector<16xi32>
        %min3A_2343 = arith.minsi %add3A_2340, %min3A_2342 : vector<16xi32>
        %gather3A_2344 = tpu.vector_load_idx %arg8[%min3A_2343, %broadcast_in_dim3A_1989] : memref<100x128xf32, #tpu.memory_space<vmem>>[vector<16xi32>, vector<16xi32>], vector<16xf32>,
        %swap3A_2345 = arith.index_cast %add3A_1960 : i32 to index
        %swap3A_2346 = arith.constant 16 : index
        %swap3A_2347 = tpu.vector_load %arg16[%swap3A_2345, %swap3A_2346] {strides = array<i32>} : memref<128x128xf32, #tpu.memory_space<vmem>>, vector<16xf32>,
        tpu.vector_store %arg16[%swap3A_2345, %swap3A_2346], %gather3A_2344 {strides = array<i32>} : memref<128x128xf32, #tpu.memory_space<vmem>>, vector<16xf32>,
        %add3A_2348 = arith.constant 32 : i32
        %add3A_2349 = vector.broadcast %add3A_2348 : i32 to vector<16xi32>
        %add3A_2350 = arith.addi %iota3A, %add3A_2349 : vector<16xi32>
        %min3A_2351 = arith.constant 99 : i32
        %min3A_2352 = vector.broadcast %min3A_2351 : i32 to vector<16xi32>
        %min3A_2353 = arith.minsi %add3A_2350, %min3A_2352 : vector<16xi32>
        %gather3A_2354 = tpu.vector_load_idx %arg8[%min3A_2353, %broadcast_in_dim3A_1989] : memref<100x128xf32, #tpu.memory_space<vmem>>[vector<16xi32>, vector<16xi32>], vector<16xf32>,
        %swap3A_2355 = arith.index_cast %add3A_1960 : i32 to index
        %swap3A_2356 = arith.constant 32 : index
        %swap3A_2357 = tpu.vector_load %arg16[%swap3A_2355, %swap3A_2356] {strides = array<i32>} : memref<128x128xf32, #tpu.memory_space<vmem>>, vector<16xf32>,
        tpu.vector_store %arg16[%swap3A_2355, %swap3A_2356], %gather3A_2354 {strides = array<i32>} : memref<128x128xf32, #tpu.memory_space<vmem>>, vector<16xf32>,
        %add3A_2358 = arith.constant 48 : i32
        %add3A_2359 = vector.broadcast %add3A_2358 : i32 to vector<16xi32>
        %add3A_2360 = arith.addi %iota3A, %add3A_2359 : vector<16xi32>
        %min3A_2361 = arith.constant 99 : i32
        %min3A_2362 = vector.broadcast %min3A_2361 : i32 to vector<16xi32>
        %min3A_2363 = arith.minsi %add3A_2360, %min3A_2362 : vector<16xi32>
        %gather3A_2364 = tpu.vector_load_idx %arg8[%min3A_2363, %broadcast_in_dim3A_1989] : memref<100x128xf32, #tpu.memory_space<vmem>>[vector<16xi32>, vector<16xi32>], vector<16xf32>,
        %swap3A_2365 = arith.index_cast %add3A_1960 : i32 to index
        %swap3A_2366 = arith.constant 48 : index
        %swap3A_2367 = tpu.vector_load %arg16[%swap3A_2365, %swap3A_2366] {strides = array<i32>} : memref<128x128xf32, #tpu.memory_space<vmem>>, vector<16xf32>,
        tpu.vector_store %arg16[%swap3A_2365, %swap3A_2366], %gather3A_2364 {strides = array<i32>} : memref<128x128xf32, #tpu.memory_space<vmem>>, vector<16xf32>,
        %add3A_2368 = arith.constant 64 : i32
        %add3A_2369 = vector.broadcast %add3A_2368 : i32 to vector<16xi32>
        %add3A_2370 = arith.addi %iota3A, %add3A_2369 : vector<16xi32>
        %min3A_2371 = arith.constant 99 : i32
        %min3A_2372 = vector.broadcast %min3A_2371 : i32 to vector<16xi32>
        %min3A_2373 = arith.minsi %add3A_2370, %min3A_2372 : vector<16xi32>
        %gather3A_2374 = tpu.vector_load_idx %arg8[%min3A_2373, %broadcast_in_dim3A_1989] : memref<100x128xf32, #tpu.memory_space<vmem>>[vector<16xi32>, vector<16xi32>], vector<16xf32>,
        %swap3A_2375 = arith.index_cast %add3A_1960 : i32 to index
        %swap3A_2376 = arith.constant 64 : index
        %swap3A_2377 = tpu.vector_load %arg16[%swap3A_2375, %swap3A_2376] {strides = array<i32>} : memref<128x128xf32, #tpu.memory_space<vmem>>, vector<16xf32>,
        tpu.vector_store %arg16[%swap3A_2375, %swap3A_2376], %gather3A_2374 {strides = array<i32>} : memref<128x128xf32, #tpu.memory_space<vmem>>, vector<16xf32>,
        %add3A_2378 = arith.constant 80 : i32
        %add3A_2379 = vector.broadcast %add3A_2378 : i32 to vector<16xi32>
        %add3A_2380 = arith.addi %iota3A, %add3A_2379 : vector<16xi32>
        %min3A_2381 = arith.constant 99 : i32
        %min3A_2382 = vector.broadcast %min3A_2381 : i32 to vector<16xi32>
        %min3A_2383 = arith.minsi %add3A_2380, %min3A_2382 : vector<16xi32>
        %gather3A_2384 = tpu.vector_load_idx %arg8[%min3A_2383, %broadcast_in_dim3A_1989] : memref<100x128xf32, #tpu.memory_space<vmem>>[vector<16xi32>, vector<16xi32>], vector<16xf32>,
        %swap3A_2385 = arith.index_cast %add3A_1960 : i32 to index
        %swap3A_2386 = arith.constant 80 : index
        %swap3A_2387 = tpu.vector_load %arg16[%swap3A_2385, %swap3A_2386] {strides = array<i32>} : memref<128x128xf32, #tpu.memory_space<vmem>>, vector<16xf32>,
        tpu.vector_store %arg16[%swap3A_2385, %swap3A_2386], %gather3A_2384 {strides = array<i32>} : memref<128x128xf32, #tpu.memory_space<vmem>>, vector<16xf32>,
        %add3A_2388 = arith.constant 96 : i32
        %add3A_2389 = vector.broadcast %add3A_2388 : i32 to vector<16xi32>
        %add3A_2390 = arith.addi %iota3A, %add3A_2389 : vector<16xi32>
        %min3A_2391 = arith.constant 99 : i32
        %min3A_2392 = vector.broadcast %min3A_2391 : i32 to vector<16xi32>
        %min3A_2393 = arith.minsi %add3A_2390, %min3A_2392 : vector<16xi32>
        %gather3A_2394 = tpu.vector_load_idx %arg8[%min3A_2393, %broadcast_in_dim3A_1989] : memref<100x128xf32, #tpu.memory_space<vmem>>[vector<16xi32>, vector<16xi32>], vector<16xf32>,
        %swap3A_2395 = arith.index_cast %add3A_1960 : i32 to index
        %swap3A_2396 = arith.constant 96 : index
        %swap3A_2397 = tpu.vector_load %arg16[%swap3A_2395, %swap3A_2396] {strides = array<i32>} : memref<128x128xf32, #tpu.memory_space<vmem>>, vector<16xf32>,
        tpu.vector_store %arg16[%swap3A_2395, %swap3A_2396], %gather3A_2394 {strides = array<i32>} : memref<128x128xf32, #tpu.memory_space<vmem>>, vector<16xf32>,
      } else {
      }
      %slice3A_1998 = vector.extract_strided_slice %get3A_531 {offsets = [0], sizes = [1], strides = [1]} : vector<16xi32> to vector<1xi32>
      %squeeze3A_1999 = vector.extract %slice3A_1998[0] : i32 from vector<1xi32>
      %not3A_2000 = arith.constant true
      %not3A_2001 = arith.xori %ge3A_1494, %not3A_2000 : i1
      %and3A_2002 = arith.andi %or3A_1041, %not3A_2001 : i1
      %convert_element_type3A_2003 = arith.extui %and3A_2002 : i1 to i32
      %cond3A_2004 = arith.constant 0 : i32
      %cond3A_2005 = arith.cmpi ne, %convert_element_type3A_2003, %cond3A_2004 : i32
      scf.if %cond3A_2005 {
        %jit3A_2330 = arith.constant 128 : i32
        %div3A_2331 = arith.divsi %squeeze3A_1999, %jit3A_2330 : i32
        %sign3A_2332 = arith.constant 0 : i32
        %sign3A_2333 = arith.cmpi sgt, %squeeze3A_1999, %sign3A_2332 : i32
        %sign3A_2334 = arith.extui %sign3A_2333 : i1 to i32
        %sign3A_2335 = arith.constant 0 : i32
        %sign3A_2336 = arith.cmpi slt, %squeeze3A_1999, %sign3A_2335 : i32
        %sign3A_2337 = arith.extui %sign3A_2336 : i1 to i32
        %sign3A_2338 = arith.subi %sign3A_2334, %sign3A_2337 : i32
        %sign3A_2339 = arith.constant 0 : i32
        %sign3A_2340 = arith.cmpi sgt, %jit3A_2330, %sign3A_2339 : i32
        %sign3A_2341 = arith.extui %sign3A_2340 : i1 to i32
        %sign3A_2342 = arith.constant 0 : i32
        %sign3A_2343 = arith.cmpi slt, %jit3A_2330, %sign3A_2342 : i32
        %sign3A_2344 = arith.extui %sign3A_2343 : i1 to i32
        %sign3A_2345 = arith.subi %sign3A_2341, %sign3A_2344 : i32
        %ne3A_2346 = arith.cmpi ne, %sign3A_2338, %sign3A_2345 : i32
        %rem3A_2347 = arith.remsi %squeeze3A_1999, %jit3A_2330 : i32
        %ne3A_2348 = arith.constant 0 : i32
        %ne3A_2349 = arith.cmpi ne, %rem3A_2347, %ne3A_2348 : i32
        %and3A_2350 = arith.andi %ne3A_2346, %ne3A_2349 : i1
        %sub3A_2351 = arith.constant 1 : i32
        %sub3A_2352 = arith.subi %div3A_2331, %sub3A_2351 : i32
        %select_n3A_2353 = arith.select %and3A_2350, %sub3A_2352, %div3A_2331 : i32
        %mul3A_2354 = arith.constant 128 : i32
        %mul3A_2355 = arith.muli %select_n3A_2353, %mul3A_2354 : i32
        %multiple_of3A_2356 = tpu.assume_multiple %mul3A_2355, 128 : i32
        %dma_start3A_2357 = arith.constant 0 : i32
        %dma_start3A_2358 = tpu.memref_slice %arg4[%dma_start3A_2357, %multiple_of3A_2356] : memref<100x1000000xf32, #tpu.memory_space<hbm>> -> memref<100x128xf32, #tpu.memory_space<hbm>>
        %dma_start3A_2359 = arith.constant 0 : i32
        %dma_start3A_2360 = tpu.memref_slice %arg4[%dma_start3A_2359, %multiple_of3A_2356] : memref<100x1000000xf32, #tpu.memory_space<hbm>> -> memref<100x128xf32, #tpu.memory_space<hbm>>
        tpu.enqueue_dma source(%dma_start3A_2360 : memref<100x128xf32, #tpu.memory_space<hbm>>) target(%arg8 : memref<100x128xf32, #tpu.memory_space<vmem>>) target_semaphore(%arg17 : memref<!tpu.dma_semaphore, #tpu.memory_space<semaphore_mem>>)
      } else {
      }
      %convert_element_type3A_2006 = arith.extui %or3A_861 : i1 to i32
      %cond3A_2007 = arith.constant 0 : i32
      %cond3A_2008 = arith.cmpi ne, %convert_element_type3A_2006, %cond3A_2007 : i32
      scf.if %cond3A_2008 {
        %dma_wait3A_2330 = arith.constant 0 : i32
        %dma_wait3A_2331 = arith.constant 0 : i32
        %dma_wait3A_2332 = tpu.memref_slice %arg4[%dma_wait3A_2330, %dma_wait3A_2331] : memref<100x1000000xf32, #tpu.memory_space<hbm>> -> memref<100x128xf32, #tpu.memory_space<hbm>>
        %dma_wait3A_2333 = arith.constant 0 : i32
        %dma_wait3A_2334 = arith.constant 0 : i32
        %dma_wait3A_2335 = tpu.memref_slice %arg4[%dma_wait3A_2333, %dma_wait3A_2334] : memref<100x1000000xf32, #tpu.memory_space<hbm>> -> memref<100x128xf32, #tpu.memory_space<hbm>>
        tpu.wait_dma2 semaphore(%arg19 : memref<!tpu.dma_semaphore, #tpu.memory_space<semaphore_mem>>) src(%dma_wait3A_2335 : memref<100x128xf32, #tpu.memory_space<hbm>>) dst(%arg10 : memref<100x128xf32, #tpu.memory_space<vmem>>)
      } else {
      }
      %slice3A_2009 = vector.extract_strided_slice %get3A_524 {offsets = [10], sizes = [1], strides = [1]} : vector<16xi32> to vector<1xi32>
      %squeeze3A_2010 = vector.extract %slice3A_2009[0] : i32 from vector<1xi32>
      %mul3A_2011 = arith.constant 16 : i32
      %mul3A_2012 = arith.muli %scan3A_518, %mul3A_2011 : i32
      %add3A_2013 = arith.constant 10 : i32
      %add3A_2014 = arith.addi %mul3A_2012, %add3A_2013 : i32
      %jit3A_2015 = arith.constant 128 : i32
      %div3A_2016 = arith.divsi %squeeze3A_2010, %jit3A_2015 : i32
      %sign3A_2017 = arith.constant 0 : i32
      %sign3A_2018 = arith.cmpi sgt, %squeeze3A_2010, %sign3A_2017 : i32
      %sign3A_2019 = arith.extui %sign3A_2018 : i1 to i32
      %sign3A_2020 = arith.constant 0 : i32
      %sign3A_2021 = arith.cmpi slt, %squeeze3A_2010, %sign3A_2020 : i32
      %sign3A_2022 = arith.extui %sign3A_2021 : i1 to i32
      %sign3A_2023 = arith.subi %sign3A_2019, %sign3A_2022 : i32
      %sign3A_2024 = arith.constant 0 : i32
      %sign3A_2025 = arith.cmpi sgt, %jit3A_2015, %sign3A_2024 : i32
      %sign3A_2026 = arith.extui %sign3A_2025 : i1 to i32
      %sign3A_2027 = arith.constant 0 : i32
      %sign3A_2028 = arith.cmpi slt, %jit3A_2015, %sign3A_2027 : i32
      %sign3A_2029 = arith.extui %sign3A_2028 : i1 to i32
      %sign3A_2030 = arith.subi %sign3A_2026, %sign3A_2029 : i32
      %ne3A_2031 = arith.cmpi ne, %sign3A_2023, %sign3A_2030 : i32
      %rem3A_2032 = arith.remsi %squeeze3A_2010, %jit3A_2015 : i32
      %ne3A_2033 = arith.constant 0 : i32
      %ne3A_2034 = arith.cmpi ne, %rem3A_2032, %ne3A_2033 : i32
      %and3A_2035 = arith.andi %ne3A_2031, %ne3A_2034 : i1
      %sub3A_2036 = arith.constant 1 : i32
      %sub3A_2037 = arith.subi %div3A_2016, %sub3A_2036 : i32
      %select_n3A_2038 = arith.select %and3A_2035, %sub3A_2037, %div3A_2016 : i32
      %mul3A_2039 = arith.constant 128 : i32
      %mul3A_2040 = arith.muli %select_n3A_2038, %mul3A_2039 : i32
      %multiple_of3A_2041 = tpu.assume_multiple %mul3A_2040, 128 : i32
      %sub3A_2042 = arith.subi %squeeze3A_2010, %multiple_of3A_2041 : i32
      %broadcast_in_dim3A_2043 = vector.broadcast %sub3A_2042 : i32 to vector<16xi32>
      %convert_element_type3A_2044 = arith.extui %or3A_861 : i1 to i32
      %cond3A_2045 = arith.constant 0 : i32
      %cond3A_2046 = arith.cmpi ne, %convert_element_type3A_2044, %cond3A_2045 : i32
      scf.if %cond3A_2046 {
        %add3A_2330 = arith.constant 0 : i32
        %add3A_2331 = vector.broadcast %add3A_2330 : i32 to vector<16xi32>
        %add3A_2332 = arith.addi %iota3A, %add3A_2331 : vector<16xi32>
        %min3A_2333 = arith.constant 99 : i32
        %min3A_2334 = vector.broadcast %min3A_2333 : i32 to vector<16xi32>
        %min3A_2335 = arith.minsi %add3A_2332, %min3A_2334 : vector<16xi32>
        %gather3A = tpu.vector_load_idx %arg10[%min3A_2335, %broadcast_in_dim3A_2043] : memref<100x128xf32, #tpu.memory_space<vmem>>[vector<16xi32>, vector<16xi32>], vector<16xf32>,
        %swap3A = arith.index_cast %add3A_2014 : i32 to index
        %swap3A_2336 = arith.constant 0 : index
        %swap3A_2337 = tpu.vector_load %arg16[%swap3A, %swap3A_2336] {strides = array<i32>} : memref<128x128xf32, #tpu.memory_space<vmem>>, vector<16xf32>,
        tpu.vector_store %arg16[%swap3A, %swap3A_2336], %gather3A {strides = array<i32>} : memref<128x128xf32, #tpu.memory_space<vmem>>, vector<16xf32>,
        %add3A_2338 = arith.constant 16 : i32
        %add3A_2339 = vector.broadcast %add3A_2338 : i32 to vector<16xi32>
        %add3A_2340 = arith.addi %iota3A, %add3A_2339 : vector<16xi32>
        %min3A_2341 = arith.constant 99 : i32
        %min3A_2342 = vector.broadcast %min3A_2341 : i32 to vector<16xi32>
        %min3A_2343 = arith.minsi %add3A_2340, %min3A_2342 : vector<16xi32>
        %gather3A_2344 = tpu.vector_load_idx %arg10[%min3A_2343, %broadcast_in_dim3A_2043] : memref<100x128xf32, #tpu.memory_space<vmem>>[vector<16xi32>, vector<16xi32>], vector<16xf32>,
        %swap3A_2345 = arith.index_cast %add3A_2014 : i32 to index
        %swap3A_2346 = arith.constant 16 : index
        %swap3A_2347 = tpu.vector_load %arg16[%swap3A_2345, %swap3A_2346] {strides = array<i32>} : memref<128x128xf32, #tpu.memory_space<vmem>>, vector<16xf32>,
        tpu.vector_store %arg16[%swap3A_2345, %swap3A_2346], %gather3A_2344 {strides = array<i32>} : memref<128x128xf32, #tpu.memory_space<vmem>>, vector<16xf32>,
        %add3A_2348 = arith.constant 32 : i32
        %add3A_2349 = vector.broadcast %add3A_2348 : i32 to vector<16xi32>
        %add3A_2350 = arith.addi %iota3A, %add3A_2349 : vector<16xi32>
        %min3A_2351 = arith.constant 99 : i32
        %min3A_2352 = vector.broadcast %min3A_2351 : i32 to vector<16xi32>
        %min3A_2353 = arith.minsi %add3A_2350, %min3A_2352 : vector<16xi32>
        %gather3A_2354 = tpu.vector_load_idx %arg10[%min3A_2353, %broadcast_in_dim3A_2043] : memref<100x128xf32, #tpu.memory_space<vmem>>[vector<16xi32>, vector<16xi32>], vector<16xf32>,
        %swap3A_2355 = arith.index_cast %add3A_2014 : i32 to index
        %swap3A_2356 = arith.constant 32 : index
        %swap3A_2357 = tpu.vector_load %arg16[%swap3A_2355, %swap3A_2356] {strides = array<i32>} : memref<128x128xf32, #tpu.memory_space<vmem>>, vector<16xf32>,
        tpu.vector_store %arg16[%swap3A_2355, %swap3A_2356], %gather3A_2354 {strides = array<i32>} : memref<128x128xf32, #tpu.memory_space<vmem>>, vector<16xf32>,
        %add3A_2358 = arith.constant 48 : i32
        %add3A_2359 = vector.broadcast %add3A_2358 : i32 to vector<16xi32>
        %add3A_2360 = arith.addi %iota3A, %add3A_2359 : vector<16xi32>
        %min3A_2361 = arith.constant 99 : i32
        %min3A_2362 = vector.broadcast %min3A_2361 : i32 to vector<16xi32>
        %min3A_2363 = arith.minsi %add3A_2360, %min3A_2362 : vector<16xi32>
        %gather3A_2364 = tpu.vector_load_idx %arg10[%min3A_2363, %broadcast_in_dim3A_2043] : memref<100x128xf32, #tpu.memory_space<vmem>>[vector<16xi32>, vector<16xi32>], vector<16xf32>,
        %swap3A_2365 = arith.index_cast %add3A_2014 : i32 to index
        %swap3A_2366 = arith.constant 48 : index
        %swap3A_2367 = tpu.vector_load %arg16[%swap3A_2365, %swap3A_2366] {strides = array<i32>} : memref<128x128xf32, #tpu.memory_space<vmem>>, vector<16xf32>,
        tpu.vector_store %arg16[%swap3A_2365, %swap3A_2366], %gather3A_2364 {strides = array<i32>} : memref<128x128xf32, #tpu.memory_space<vmem>>, vector<16xf32>,
        %add3A_2368 = arith.constant 64 : i32
        %add3A_2369 = vector.broadcast %add3A_2368 : i32 to vector<16xi32>
        %add3A_2370 = arith.addi %iota3A, %add3A_2369 : vector<16xi32>
        %min3A_2371 = arith.constant 99 : i32
        %min3A_2372 = vector.broadcast %min3A_2371 : i32 to vector<16xi32>
        %min3A_2373 = arith.minsi %add3A_2370, %min3A_2372 : vector<16xi32>
        %gather3A_2374 = tpu.vector_load_idx %arg10[%min3A_2373, %broadcast_in_dim3A_2043] : memref<100x128xf32, #tpu.memory_space<vmem>>[vector<16xi32>, vector<16xi32>], vector<16xf32>,
        %swap3A_2375 = arith.index_cast %add3A_2014 : i32 to index
        %swap3A_2376 = arith.constant 64 : index
        %swap3A_2377 = tpu.vector_load %arg16[%swap3A_2375, %swap3A_2376] {strides = array<i32>} : memref<128x128xf32, #tpu.memory_space<vmem>>, vector<16xf32>,
        tpu.vector_store %arg16[%swap3A_2375, %swap3A_2376], %gather3A_2374 {strides = array<i32>} : memref<128x128xf32, #tpu.memory_space<vmem>>, vector<16xf32>,
        %add3A_2378 = arith.constant 80 : i32
        %add3A_2379 = vector.broadcast %add3A_2378 : i32 to vector<16xi32>
        %add3A_2380 = arith.addi %iota3A, %add3A_2379 : vector<16xi32>
        %min3A_2381 = arith.constant 99 : i32
        %min3A_2382 = vector.broadcast %min3A_2381 : i32 to vector<16xi32>
        %min3A_2383 = arith.minsi %add3A_2380, %min3A_2382 : vector<16xi32>
        %gather3A_2384 = tpu.vector_load_idx %arg10[%min3A_2383, %broadcast_in_dim3A_2043] : memref<100x128xf32, #tpu.memory_space<vmem>>[vector<16xi32>, vector<16xi32>], vector<16xf32>,
        %swap3A_2385 = arith.index_cast %add3A_2014 : i32 to index
        %swap3A_2386 = arith.constant 80 : index
        %swap3A_2387 = tpu.vector_load %arg16[%swap3A_2385, %swap3A_2386] {strides = array<i32>} : memref<128x128xf32, #tpu.memory_space<vmem>>, vector<16xf32>,
        tpu.vector_store %arg16[%swap3A_2385, %swap3A_2386], %gather3A_2384 {strides = array<i32>} : memref<128x128xf32, #tpu.memory_space<vmem>>, vector<16xf32>,
        %add3A_2388 = arith.constant 96 : i32
        %add3A_2389 = vector.broadcast %add3A_2388 : i32 to vector<16xi32>
        %add3A_2390 = arith.addi %iota3A, %add3A_2389 : vector<16xi32>
        %min3A_2391 = arith.constant 99 : i32
        %min3A_2392 = vector.broadcast %min3A_2391 : i32 to vector<16xi32>
        %min3A_2393 = arith.minsi %add3A_2390, %min3A_2392 : vector<16xi32>
        %gather3A_2394 = tpu.vector_load_idx %arg10[%min3A_2393, %broadcast_in_dim3A_2043] : memref<100x128xf32, #tpu.memory_space<vmem>>[vector<16xi32>, vector<16xi32>], vector<16xf32>,
        %swap3A_2395 = arith.index_cast %add3A_2014 : i32 to index
        %swap3A_2396 = arith.constant 96 : index
        %swap3A_2397 = tpu.vector_load %arg16[%swap3A_2395, %swap3A_2396] {strides = array<i32>} : memref<128x128xf32, #tpu.memory_space<vmem>>, vector<16xf32>,
        tpu.vector_store %arg16[%swap3A_2395, %swap3A_2396], %gather3A_2394 {strides = array<i32>} : memref<128x128xf32, #tpu.memory_space<vmem>>, vector<16xf32>,
      } else {
      }
      %not3A_2047 = arith.constant true
      %not3A_2048 = arith.xori %or3A_861, %not3A_2047 : i1
      %convert_element_type3A_2049 = arith.extui %not3A_2048 : i1 to i32
      %cond3A_2050 = arith.constant 0 : i32
      %cond3A_2051 = arith.cmpi ne, %convert_element_type3A_2049, %cond3A_2050 : i32
      scf.if %cond3A_2051 {
        %add3A_2330 = arith.constant 0 : i32
        %add3A_2331 = vector.broadcast %add3A_2330 : i32 to vector<16xi32>
        %add3A_2332 = arith.addi %iota3A, %add3A_2331 : vector<16xi32>
        %min3A_2333 = arith.constant 99 : i32
        %min3A_2334 = vector.broadcast %min3A_2333 : i32 to vector<16xi32>
        %min3A_2335 = arith.minsi %add3A_2332, %min3A_2334 : vector<16xi32>
        %gather3A = tpu.vector_load_idx %arg9[%min3A_2335, %broadcast_in_dim3A_2043] : memref<100x128xf32, #tpu.memory_space<vmem>>[vector<16xi32>, vector<16xi32>], vector<16xf32>,
        %swap3A = arith.index_cast %add3A_2014 : i32 to index
        %swap3A_2336 = arith.constant 0 : index
        %swap3A_2337 = tpu.vector_load %arg16[%swap3A, %swap3A_2336] {strides = array<i32>} : memref<128x128xf32, #tpu.memory_space<vmem>>, vector<16xf32>,
        tpu.vector_store %arg16[%swap3A, %swap3A_2336], %gather3A {strides = array<i32>} : memref<128x128xf32, #tpu.memory_space<vmem>>, vector<16xf32>,
        %add3A_2338 = arith.constant 16 : i32
        %add3A_2339 = vector.broadcast %add3A_2338 : i32 to vector<16xi32>
        %add3A_2340 = arith.addi %iota3A, %add3A_2339 : vector<16xi32>
        %min3A_2341 = arith.constant 99 : i32
        %min3A_2342 = vector.broadcast %min3A_2341 : i32 to vector<16xi32>
        %min3A_2343 = arith.minsi %add3A_2340, %min3A_2342 : vector<16xi32>
        %gather3A_2344 = tpu.vector_load_idx %arg9[%min3A_2343, %broadcast_in_dim3A_2043] : memref<100x128xf32, #tpu.memory_space<vmem>>[vector<16xi32>, vector<16xi32>], vector<16xf32>,
        %swap3A_2345 = arith.index_cast %add3A_2014 : i32 to index
        %swap3A_2346 = arith.constant 16 : index
        %swap3A_2347 = tpu.vector_load %arg16[%swap3A_2345, %swap3A_2346] {strides = array<i32>} : memref<128x128xf32, #tpu.memory_space<vmem>>, vector<16xf32>,
        tpu.vector_store %arg16[%swap3A_2345, %swap3A_2346], %gather3A_2344 {strides = array<i32>} : memref<128x128xf32, #tpu.memory_space<vmem>>, vector<16xf32>,
        %add3A_2348 = arith.constant 32 : i32
        %add3A_2349 = vector.broadcast %add3A_2348 : i32 to vector<16xi32>
        %add3A_2350 = arith.addi %iota3A, %add3A_2349 : vector<16xi32>
        %min3A_2351 = arith.constant 99 : i32
        %min3A_2352 = vector.broadcast %min3A_2351 : i32 to vector<16xi32>
        %min3A_2353 = arith.minsi %add3A_2350, %min3A_2352 : vector<16xi32>
        %gather3A_2354 = tpu.vector_load_idx %arg9[%min3A_2353, %broadcast_in_dim3A_2043] : memref<100x128xf32, #tpu.memory_space<vmem>>[vector<16xi32>, vector<16xi32>], vector<16xf32>,
        %swap3A_2355 = arith.index_cast %add3A_2014 : i32 to index
        %swap3A_2356 = arith.constant 32 : index
        %swap3A_2357 = tpu.vector_load %arg16[%swap3A_2355, %swap3A_2356] {strides = array<i32>} : memref<128x128xf32, #tpu.memory_space<vmem>>, vector<16xf32>,
        tpu.vector_store %arg16[%swap3A_2355, %swap3A_2356], %gather3A_2354 {strides = array<i32>} : memref<128x128xf32, #tpu.memory_space<vmem>>, vector<16xf32>,
        %add3A_2358 = arith.constant 48 : i32
        %add3A_2359 = vector.broadcast %add3A_2358 : i32 to vector<16xi32>
        %add3A_2360 = arith.addi %iota3A, %add3A_2359 : vector<16xi32>
        %min3A_2361 = arith.constant 99 : i32
        %min3A_2362 = vector.broadcast %min3A_2361 : i32 to vector<16xi32>
        %min3A_2363 = arith.minsi %add3A_2360, %min3A_2362 : vector<16xi32>
        %gather3A_2364 = tpu.vector_load_idx %arg9[%min3A_2363, %broadcast_in_dim3A_2043] : memref<100x128xf32, #tpu.memory_space<vmem>>[vector<16xi32>, vector<16xi32>], vector<16xf32>,
        %swap3A_2365 = arith.index_cast %add3A_2014 : i32 to index
        %swap3A_2366 = arith.constant 48 : index
        %swap3A_2367 = tpu.vector_load %arg16[%swap3A_2365, %swap3A_2366] {strides = array<i32>} : memref<128x128xf32, #tpu.memory_space<vmem>>, vector<16xf32>,
        tpu.vector_store %arg16[%swap3A_2365, %swap3A_2366], %gather3A_2364 {strides = array<i32>} : memref<128x128xf32, #tpu.memory_space<vmem>>, vector<16xf32>,
        %add3A_2368 = arith.constant 64 : i32
        %add3A_2369 = vector.broadcast %add3A_2368 : i32 to vector<16xi32>
        %add3A_2370 = arith.addi %iota3A, %add3A_2369 : vector<16xi32>
        %min3A_2371 = arith.constant 99 : i32
        %min3A_2372 = vector.broadcast %min3A_2371 : i32 to vector<16xi32>
        %min3A_2373 = arith.minsi %add3A_2370, %min3A_2372 : vector<16xi32>
        %gather3A_2374 = tpu.vector_load_idx %arg9[%min3A_2373, %broadcast_in_dim3A_2043] : memref<100x128xf32, #tpu.memory_space<vmem>>[vector<16xi32>, vector<16xi32>], vector<16xf32>,
        %swap3A_2375 = arith.index_cast %add3A_2014 : i32 to index
        %swap3A_2376 = arith.constant 64 : index
        %swap3A_2377 = tpu.vector_load %arg16[%swap3A_2375, %swap3A_2376] {strides = array<i32>} : memref<128x128xf32, #tpu.memory_space<vmem>>, vector<16xf32>,
        tpu.vector_store %arg16[%swap3A_2375, %swap3A_2376], %gather3A_2374 {strides = array<i32>} : memref<128x128xf32, #tpu.memory_space<vmem>>, vector<16xf32>,
        %add3A_2378 = arith.constant 80 : i32
        %add3A_2379 = vector.broadcast %add3A_2378 : i32 to vector<16xi32>
        %add3A_2380 = arith.addi %iota3A, %add3A_2379 : vector<16xi32>
        %min3A_2381 = arith.constant 99 : i32
        %min3A_2382 = vector.broadcast %min3A_2381 : i32 to vector<16xi32>
        %min3A_2383 = arith.minsi %add3A_2380, %min3A_2382 : vector<16xi32>
        %gather3A_2384 = tpu.vector_load_idx %arg9[%min3A_2383, %broadcast_in_dim3A_2043] : memref<100x128xf32, #tpu.memory_space<vmem>>[vector<16xi32>, vector<16xi32>], vector<16xf32>,
        %swap3A_2385 = arith.index_cast %add3A_2014 : i32 to index
        %swap3A_2386 = arith.constant 80 : index
        %swap3A_2387 = tpu.vector_load %arg16[%swap3A_2385, %swap3A_2386] {strides = array<i32>} : memref<128x128xf32, #tpu.memory_space<vmem>>, vector<16xf32>,
        tpu.vector_store %arg16[%swap3A_2385, %swap3A_2386], %gather3A_2384 {strides = array<i32>} : memref<128x128xf32, #tpu.memory_space<vmem>>, vector<16xf32>,
        %add3A_2388 = arith.constant 96 : i32
        %add3A_2389 = vector.broadcast %add3A_2388 : i32 to vector<16xi32>
        %add3A_2390 = arith.addi %iota3A, %add3A_2389 : vector<16xi32>
        %min3A_2391 = arith.constant 99 : i32
        %min3A_2392 = vector.broadcast %min3A_2391 : i32 to vector<16xi32>
        %min3A_2393 = arith.minsi %add3A_2390, %min3A_2392 : vector<16xi32>
        %gather3A_2394 = tpu.vector_load_idx %arg9[%min3A_2393, %broadcast_in_dim3A_2043] : memref<100x128xf32, #tpu.memory_space<vmem>>[vector<16xi32>, vector<16xi32>], vector<16xf32>,
        %swap3A_2395 = arith.index_cast %add3A_2014 : i32 to index
        %swap3A_2396 = arith.constant 96 : index
        %swap3A_2397 = tpu.vector_load %arg16[%swap3A_2395, %swap3A_2396] {strides = array<i32>} : memref<128x128xf32, #tpu.memory_space<vmem>>, vector<16xf32>,
        tpu.vector_store %arg16[%swap3A_2395, %swap3A_2396], %gather3A_2394 {strides = array<i32>} : memref<128x128xf32, #tpu.memory_space<vmem>>, vector<16xf32>,
      } else {
      }
      %slice3A_2052 = vector.extract_strided_slice %get3A_531 {offsets = [1], sizes = [1], strides = [1]} : vector<16xi32> to vector<1xi32>
      %squeeze3A_2053 = vector.extract %slice3A_2052[0] : i32 from vector<1xi32>
      %not3A_2054 = arith.constant true
      %not3A_2055 = arith.xori %ge3A_1494, %not3A_2054 : i1
      %and3A_2056 = arith.andi %or3A_1071, %not3A_2055 : i1
      %convert_element_type3A_2057 = arith.extui %and3A_2056 : i1 to i32
      %cond3A_2058 = arith.constant 0 : i32
      %cond3A_2059 = arith.cmpi ne, %convert_element_type3A_2057, %cond3A_2058 : i32
      scf.if %cond3A_2059 {
        %jit3A_2330 = arith.constant 128 : i32
        %div3A_2331 = arith.divsi %squeeze3A_2053, %jit3A_2330 : i32
        %sign3A_2332 = arith.constant 0 : i32
        %sign3A_2333 = arith.cmpi sgt, %squeeze3A_2053, %sign3A_2332 : i32
        %sign3A_2334 = arith.extui %sign3A_2333 : i1 to i32
        %sign3A_2335 = arith.constant 0 : i32
        %sign3A_2336 = arith.cmpi slt, %squeeze3A_2053, %sign3A_2335 : i32
        %sign3A_2337 = arith.extui %sign3A_2336 : i1 to i32
        %sign3A_2338 = arith.subi %sign3A_2334, %sign3A_2337 : i32
        %sign3A_2339 = arith.constant 0 : i32
        %sign3A_2340 = arith.cmpi sgt, %jit3A_2330, %sign3A_2339 : i32
        %sign3A_2341 = arith.extui %sign3A_2340 : i1 to i32
        %sign3A_2342 = arith.constant 0 : i32
        %sign3A_2343 = arith.cmpi slt, %jit3A_2330, %sign3A_2342 : i32
        %sign3A_2344 = arith.extui %sign3A_2343 : i1 to i32
        %sign3A_2345 = arith.subi %sign3A_2341, %sign3A_2344 : i32
        %ne3A_2346 = arith.cmpi ne, %sign3A_2338, %sign3A_2345 : i32
        %rem3A_2347 = arith.remsi %squeeze3A_2053, %jit3A_2330 : i32
        %ne3A_2348 = arith.constant 0 : i32
        %ne3A_2349 = arith.cmpi ne, %rem3A_2347, %ne3A_2348 : i32
        %and3A_2350 = arith.andi %ne3A_2346, %ne3A_2349 : i1
        %sub3A_2351 = arith.constant 1 : i32
        %sub3A_2352 = arith.subi %div3A_2331, %sub3A_2351 : i32
        %select_n3A_2353 = arith.select %and3A_2350, %sub3A_2352, %div3A_2331 : i32
        %mul3A_2354 = arith.constant 128 : i32
        %mul3A_2355 = arith.muli %select_n3A_2353, %mul3A_2354 : i32
        %multiple_of3A_2356 = tpu.assume_multiple %mul3A_2355, 128 : i32
        %dma_start3A_2357 = arith.constant 0 : i32
        %dma_start3A_2358 = tpu.memref_slice %arg4[%dma_start3A_2357, %multiple_of3A_2356] : memref<100x1000000xf32, #tpu.memory_space<hbm>> -> memref<100x128xf32, #tpu.memory_space<hbm>>
        %dma_start3A_2359 = arith.constant 0 : i32
        %dma_start3A_2360 = tpu.memref_slice %arg4[%dma_start3A_2359, %multiple_of3A_2356] : memref<100x1000000xf32, #tpu.memory_space<hbm>> -> memref<100x128xf32, #tpu.memory_space<hbm>>
        tpu.enqueue_dma source(%dma_start3A_2360 : memref<100x128xf32, #tpu.memory_space<hbm>>) target(%arg9 : memref<100x128xf32, #tpu.memory_space<vmem>>) target_semaphore(%arg18 : memref<!tpu.dma_semaphore, #tpu.memory_space<semaphore_mem>>)
      } else {
      }
      %convert_element_type3A_2060 = arith.extui %or3A_891 : i1 to i32
      %cond3A_2061 = arith.constant 0 : i32
      %cond3A_2062 = arith.cmpi ne, %convert_element_type3A_2060, %cond3A_2061 : i32
      scf.if %cond3A_2062 {
        %dma_wait3A_2330 = arith.constant 0 : i32
        %dma_wait3A_2331 = arith.constant 0 : i32
        %dma_wait3A_2332 = tpu.memref_slice %arg4[%dma_wait3A_2330, %dma_wait3A_2331] : memref<100x1000000xf32, #tpu.memory_space<hbm>> -> memref<100x128xf32, #tpu.memory_space<hbm>>
        %dma_wait3A_2333 = arith.constant 0 : i32
        %dma_wait3A_2334 = arith.constant 0 : i32
        %dma_wait3A_2335 = tpu.memref_slice %arg4[%dma_wait3A_2333, %dma_wait3A_2334] : memref<100x1000000xf32, #tpu.memory_space<hbm>> -> memref<100x128xf32, #tpu.memory_space<hbm>>
        tpu.wait_dma2 semaphore(%arg20 : memref<!tpu.dma_semaphore, #tpu.memory_space<semaphore_mem>>) src(%dma_wait3A_2335 : memref<100x128xf32, #tpu.memory_space<hbm>>) dst(%arg11 : memref<100x128xf32, #tpu.memory_space<vmem>>)
      } else {
      }
      %slice3A_2063 = vector.extract_strided_slice %get3A_524 {offsets = [11], sizes = [1], strides = [1]} : vector<16xi32> to vector<1xi32>
      %squeeze3A_2064 = vector.extract %slice3A_2063[0] : i32 from vector<1xi32>
      %mul3A_2065 = arith.constant 16 : i32
      %mul3A_2066 = arith.muli %scan3A_518, %mul3A_2065 : i32
      %add3A_2067 = arith.constant 11 : i32
      %add3A_2068 = arith.addi %mul3A_2066, %add3A_2067 : i32
      %jit3A_2069 = arith.constant 128 : i32
      %div3A_2070 = arith.divsi %squeeze3A_2064, %jit3A_2069 : i32
      %sign3A_2071 = arith.constant 0 : i32
      %sign3A_2072 = arith.cmpi sgt, %squeeze3A_2064, %sign3A_2071 : i32
      %sign3A_2073 = arith.extui %sign3A_2072 : i1 to i32
      %sign3A_2074 = arith.constant 0 : i32
      %sign3A_2075 = arith.cmpi slt, %squeeze3A_2064, %sign3A_2074 : i32
      %sign3A_2076 = arith.extui %sign3A_2075 : i1 to i32
      %sign3A_2077 = arith.subi %sign3A_2073, %sign3A_2076 : i32
      %sign3A_2078 = arith.constant 0 : i32
      %sign3A_2079 = arith.cmpi sgt, %jit3A_2069, %sign3A_2078 : i32
      %sign3A_2080 = arith.extui %sign3A_2079 : i1 to i32
      %sign3A_2081 = arith.constant 0 : i32
      %sign3A_2082 = arith.cmpi slt, %jit3A_2069, %sign3A_2081 : i32
      %sign3A_2083 = arith.extui %sign3A_2082 : i1 to i32
      %sign3A_2084 = arith.subi %sign3A_2080, %sign3A_2083 : i32
      %ne3A_2085 = arith.cmpi ne, %sign3A_2077, %sign3A_2084 : i32
      %rem3A_2086 = arith.remsi %squeeze3A_2064, %jit3A_2069 : i32
      %ne3A_2087 = arith.constant 0 : i32
      %ne3A_2088 = arith.cmpi ne, %rem3A_2086, %ne3A_2087 : i32
      %and3A_2089 = arith.andi %ne3A_2085, %ne3A_2088 : i1
      %sub3A_2090 = arith.constant 1 : i32
      %sub3A_2091 = arith.subi %div3A_2070, %sub3A_2090 : i32
      %select_n3A_2092 = arith.select %and3A_2089, %sub3A_2091, %div3A_2070 : i32
      %mul3A_2093 = arith.constant 128 : i32
      %mul3A_2094 = arith.muli %select_n3A_2092, %mul3A_2093 : i32
      %multiple_of3A_2095 = tpu.assume_multiple %mul3A_2094, 128 : i32
      %sub3A_2096 = arith.subi %squeeze3A_2064, %multiple_of3A_2095 : i32
      %broadcast_in_dim3A_2097 = vector.broadcast %sub3A_2096 : i32 to vector<16xi32>
      %convert_element_type3A_2098 = arith.extui %or3A_891 : i1 to i32
      %cond3A_2099 = arith.constant 0 : i32
      %cond3A_2100 = arith.cmpi ne, %convert_element_type3A_2098, %cond3A_2099 : i32
      scf.if %cond3A_2100 {
        %add3A_2330 = arith.constant 0 : i32
        %add3A_2331 = vector.broadcast %add3A_2330 : i32 to vector<16xi32>
        %add3A_2332 = arith.addi %iota3A, %add3A_2331 : vector<16xi32>
        %min3A_2333 = arith.constant 99 : i32
        %min3A_2334 = vector.broadcast %min3A_2333 : i32 to vector<16xi32>
        %min3A_2335 = arith.minsi %add3A_2332, %min3A_2334 : vector<16xi32>
        %gather3A = tpu.vector_load_idx %arg11[%min3A_2335, %broadcast_in_dim3A_2097] : memref<100x128xf32, #tpu.memory_space<vmem>>[vector<16xi32>, vector<16xi32>], vector<16xf32>,
        %swap3A = arith.index_cast %add3A_2068 : i32 to index
        %swap3A_2336 = arith.constant 0 : index
        %swap3A_2337 = tpu.vector_load %arg16[%swap3A, %swap3A_2336] {strides = array<i32>} : memref<128x128xf32, #tpu.memory_space<vmem>>, vector<16xf32>,
        tpu.vector_store %arg16[%swap3A, %swap3A_2336], %gather3A {strides = array<i32>} : memref<128x128xf32, #tpu.memory_space<vmem>>, vector<16xf32>,
        %add3A_2338 = arith.constant 16 : i32
        %add3A_2339 = vector.broadcast %add3A_2338 : i32 to vector<16xi32>
        %add3A_2340 = arith.addi %iota3A, %add3A_2339 : vector<16xi32>
        %min3A_2341 = arith.constant 99 : i32
        %min3A_2342 = vector.broadcast %min3A_2341 : i32 to vector<16xi32>
        %min3A_2343 = arith.minsi %add3A_2340, %min3A_2342 : vector<16xi32>
        %gather3A_2344 = tpu.vector_load_idx %arg11[%min3A_2343, %broadcast_in_dim3A_2097] : memref<100x128xf32, #tpu.memory_space<vmem>>[vector<16xi32>, vector<16xi32>], vector<16xf32>,
        %swap3A_2345 = arith.index_cast %add3A_2068 : i32 to index
        %swap3A_2346 = arith.constant 16 : index
        %swap3A_2347 = tpu.vector_load %arg16[%swap3A_2345, %swap3A_2346] {strides = array<i32>} : memref<128x128xf32, #tpu.memory_space<vmem>>, vector<16xf32>,
        tpu.vector_store %arg16[%swap3A_2345, %swap3A_2346], %gather3A_2344 {strides = array<i32>} : memref<128x128xf32, #tpu.memory_space<vmem>>, vector<16xf32>,
        %add3A_2348 = arith.constant 32 : i32
        %add3A_2349 = vector.broadcast %add3A_2348 : i32 to vector<16xi32>
        %add3A_2350 = arith.addi %iota3A, %add3A_2349 : vector<16xi32>
        %min3A_2351 = arith.constant 99 : i32
        %min3A_2352 = vector.broadcast %min3A_2351 : i32 to vector<16xi32>
        %min3A_2353 = arith.minsi %add3A_2350, %min3A_2352 : vector<16xi32>
        %gather3A_2354 = tpu.vector_load_idx %arg11[%min3A_2353, %broadcast_in_dim3A_2097] : memref<100x128xf32, #tpu.memory_space<vmem>>[vector<16xi32>, vector<16xi32>], vector<16xf32>,
        %swap3A_2355 = arith.index_cast %add3A_2068 : i32 to index
        %swap3A_2356 = arith.constant 32 : index
        %swap3A_2357 = tpu.vector_load %arg16[%swap3A_2355, %swap3A_2356] {strides = array<i32>} : memref<128x128xf32, #tpu.memory_space<vmem>>, vector<16xf32>,
        tpu.vector_store %arg16[%swap3A_2355, %swap3A_2356], %gather3A_2354 {strides = array<i32>} : memref<128x128xf32, #tpu.memory_space<vmem>>, vector<16xf32>,
        %add3A_2358 = arith.constant 48 : i32
        %add3A_2359 = vector.broadcast %add3A_2358 : i32 to vector<16xi32>
        %add3A_2360 = arith.addi %iota3A, %add3A_2359 : vector<16xi32>
        %min3A_2361 = arith.constant 99 : i32
        %min3A_2362 = vector.broadcast %min3A_2361 : i32 to vector<16xi32>
        %min3A_2363 = arith.minsi %add3A_2360, %min3A_2362 : vector<16xi32>
        %gather3A_2364 = tpu.vector_load_idx %arg11[%min3A_2363, %broadcast_in_dim3A_2097] : memref<100x128xf32, #tpu.memory_space<vmem>>[vector<16xi32>, vector<16xi32>], vector<16xf32>,
        %swap3A_2365 = arith.index_cast %add3A_2068 : i32 to index
        %swap3A_2366 = arith.constant 48 : index
        %swap3A_2367 = tpu.vector_load %arg16[%swap3A_2365, %swap3A_2366] {strides = array<i32>} : memref<128x128xf32, #tpu.memory_space<vmem>>, vector<16xf32>,
        tpu.vector_store %arg16[%swap3A_2365, %swap3A_2366], %gather3A_2364 {strides = array<i32>} : memref<128x128xf32, #tpu.memory_space<vmem>>, vector<16xf32>,
        %add3A_2368 = arith.constant 64 : i32
        %add3A_2369 = vector.broadcast %add3A_2368 : i32 to vector<16xi32>
        %add3A_2370 = arith.addi %iota3A, %add3A_2369 : vector<16xi32>
        %min3A_2371 = arith.constant 99 : i32
        %min3A_2372 = vector.broadcast %min3A_2371 : i32 to vector<16xi32>
        %min3A_2373 = arith.minsi %add3A_2370, %min3A_2372 : vector<16xi32>
        %gather3A_2374 = tpu.vector_load_idx %arg11[%min3A_2373, %broadcast_in_dim3A_2097] : memref<100x128xf32, #tpu.memory_space<vmem>>[vector<16xi32>, vector<16xi32>], vector<16xf32>,
        %swap3A_2375 = arith.index_cast %add3A_2068 : i32 to index
        %swap3A_2376 = arith.constant 64 : index
        %swap3A_2377 = tpu.vector_load %arg16[%swap3A_2375, %swap3A_2376] {strides = array<i32>} : memref<128x128xf32, #tpu.memory_space<vmem>>, vector<16xf32>,
        tpu.vector_store %arg16[%swap3A_2375, %swap3A_2376], %gather3A_2374 {strides = array<i32>} : memref<128x128xf32, #tpu.memory_space<vmem>>, vector<16xf32>,
        %add3A_2378 = arith.constant 80 : i32
        %add3A_2379 = vector.broadcast %add3A_2378 : i32 to vector<16xi32>
        %add3A_2380 = arith.addi %iota3A, %add3A_2379 : vector<16xi32>
        %min3A_2381 = arith.constant 99 : i32
        %min3A_2382 = vector.broadcast %min3A_2381 : i32 to vector<16xi32>
        %min3A_2383 = arith.minsi %add3A_2380, %min3A_2382 : vector<16xi32>
        %gather3A_2384 = tpu.vector_load_idx %arg11[%min3A_2383, %broadcast_in_dim3A_2097] : memref<100x128xf32, #tpu.memory_space<vmem>>[vector<16xi32>, vector<16xi32>], vector<16xf32>,
        %swap3A_2385 = arith.index_cast %add3A_2068 : i32 to index
        %swap3A_2386 = arith.constant 80 : index
        %swap3A_2387 = tpu.vector_load %arg16[%swap3A_2385, %swap3A_2386] {strides = array<i32>} : memref<128x128xf32, #tpu.memory_space<vmem>>, vector<16xf32>,
        tpu.vector_store %arg16[%swap3A_2385, %swap3A_2386], %gather3A_2384 {strides = array<i32>} : memref<128x128xf32, #tpu.memory_space<vmem>>, vector<16xf32>,
        %add3A_2388 = arith.constant 96 : i32
        %add3A_2389 = vector.broadcast %add3A_2388 : i32 to vector<16xi32>
        %add3A_2390 = arith.addi %iota3A, %add3A_2389 : vector<16xi32>
        %min3A_2391 = arith.constant 99 : i32
        %min3A_2392 = vector.broadcast %min3A_2391 : i32 to vector<16xi32>
        %min3A_2393 = arith.minsi %add3A_2390, %min3A_2392 : vector<16xi32>
        %gather3A_2394 = tpu.vector_load_idx %arg11[%min3A_2393, %broadcast_in_dim3A_2097] : memref<100x128xf32, #tpu.memory_space<vmem>>[vector<16xi32>, vector<16xi32>], vector<16xf32>,
        %swap3A_2395 = arith.index_cast %add3A_2068 : i32 to index
        %swap3A_2396 = arith.constant 96 : index
        %swap3A_2397 = tpu.vector_load %arg16[%swap3A_2395, %swap3A_2396] {strides = array<i32>} : memref<128x128xf32, #tpu.memory_space<vmem>>, vector<16xf32>,
        tpu.vector_store %arg16[%swap3A_2395, %swap3A_2396], %gather3A_2394 {strides = array<i32>} : memref<128x128xf32, #tpu.memory_space<vmem>>, vector<16xf32>,
      } else {
      }
      %not3A_2101 = arith.constant true
      %not3A_2102 = arith.xori %or3A_891, %not3A_2101 : i1
      %convert_element_type3A_2103 = arith.extui %not3A_2102 : i1 to i32
      %cond3A_2104 = arith.constant 0 : i32
      %cond3A_2105 = arith.cmpi ne, %convert_element_type3A_2103, %cond3A_2104 : i32
      scf.if %cond3A_2105 {
        %add3A_2330 = arith.constant 0 : i32
        %add3A_2331 = vector.broadcast %add3A_2330 : i32 to vector<16xi32>
        %add3A_2332 = arith.addi %iota3A, %add3A_2331 : vector<16xi32>
        %min3A_2333 = arith.constant 99 : i32
        %min3A_2334 = vector.broadcast %min3A_2333 : i32 to vector<16xi32>
        %min3A_2335 = arith.minsi %add3A_2332, %min3A_2334 : vector<16xi32>
        %gather3A = tpu.vector_load_idx %arg10[%min3A_2335, %broadcast_in_dim3A_2097] : memref<100x128xf32, #tpu.memory_space<vmem>>[vector<16xi32>, vector<16xi32>], vector<16xf32>,
        %swap3A = arith.index_cast %add3A_2068 : i32 to index
        %swap3A_2336 = arith.constant 0 : index
        %swap3A_2337 = tpu.vector_load %arg16[%swap3A, %swap3A_2336] {strides = array<i32>} : memref<128x128xf32, #tpu.memory_space<vmem>>, vector<16xf32>,
        tpu.vector_store %arg16[%swap3A, %swap3A_2336], %gather3A {strides = array<i32>} : memref<128x128xf32, #tpu.memory_space<vmem>>, vector<16xf32>,
        %add3A_2338 = arith.constant 16 : i32
        %add3A_2339 = vector.broadcast %add3A_2338 : i32 to vector<16xi32>
        %add3A_2340 = arith.addi %iota3A, %add3A_2339 : vector<16xi32>
        %min3A_2341 = arith.constant 99 : i32
        %min3A_2342 = vector.broadcast %min3A_2341 : i32 to vector<16xi32>
        %min3A_2343 = arith.minsi %add3A_2340, %min3A_2342 : vector<16xi32>
        %gather3A_2344 = tpu.vector_load_idx %arg10[%min3A_2343, %broadcast_in_dim3A_2097] : memref<100x128xf32, #tpu.memory_space<vmem>>[vector<16xi32>, vector<16xi32>], vector<16xf32>,
        %swap3A_2345 = arith.index_cast %add3A_2068 : i32 to index
        %swap3A_2346 = arith.constant 16 : index
        %swap3A_2347 = tpu.vector_load %arg16[%swap3A_2345, %swap3A_2346] {strides = array<i32>} : memref<128x128xf32, #tpu.memory_space<vmem>>, vector<16xf32>,
        tpu.vector_store %arg16[%swap3A_2345, %swap3A_2346], %gather3A_2344 {strides = array<i32>} : memref<128x128xf32, #tpu.memory_space<vmem>>, vector<16xf32>,
        %add3A_2348 = arith.constant 32 : i32
        %add3A_2349 = vector.broadcast %add3A_2348 : i32 to vector<16xi32>
        %add3A_2350 = arith.addi %iota3A, %add3A_2349 : vector<16xi32>
        %min3A_2351 = arith.constant 99 : i32
        %min3A_2352 = vector.broadcast %min3A_2351 : i32 to vector<16xi32>
        %min3A_2353 = arith.minsi %add3A_2350, %min3A_2352 : vector<16xi32>
        %gather3A_2354 = tpu.vector_load_idx %arg10[%min3A_2353, %broadcast_in_dim3A_2097] : memref<100x128xf32, #tpu.memory_space<vmem>>[vector<16xi32>, vector<16xi32>], vector<16xf32>,
        %swap3A_2355 = arith.index_cast %add3A_2068 : i32 to index
        %swap3A_2356 = arith.constant 32 : index
        %swap3A_2357 = tpu.vector_load %arg16[%swap3A_2355, %swap3A_2356] {strides = array<i32>} : memref<128x128xf32, #tpu.memory_space<vmem>>, vector<16xf32>,
        tpu.vector_store %arg16[%swap3A_2355, %swap3A_2356], %gather3A_2354 {strides = array<i32>} : memref<128x128xf32, #tpu.memory_space<vmem>>, vector<16xf32>,
        %add3A_2358 = arith.constant 48 : i32
        %add3A_2359 = vector.broadcast %add3A_2358 : i32 to vector<16xi32>
        %add3A_2360 = arith.addi %iota3A, %add3A_2359 : vector<16xi32>
        %min3A_2361 = arith.constant 99 : i32
        %min3A_2362 = vector.broadcast %min3A_2361 : i32 to vector<16xi32>
        %min3A_2363 = arith.minsi %add3A_2360, %min3A_2362 : vector<16xi32>
        %gather3A_2364 = tpu.vector_load_idx %arg10[%min3A_2363, %broadcast_in_dim3A_2097] : memref<100x128xf32, #tpu.memory_space<vmem>>[vector<16xi32>, vector<16xi32>], vector<16xf32>,
        %swap3A_2365 = arith.index_cast %add3A_2068 : i32 to index
        %swap3A_2366 = arith.constant 48 : index
        %swap3A_2367 = tpu.vector_load %arg16[%swap3A_2365, %swap3A_2366] {strides = array<i32>} : memref<128x128xf32, #tpu.memory_space<vmem>>, vector<16xf32>,
        tpu.vector_store %arg16[%swap3A_2365, %swap3A_2366], %gather3A_2364 {strides = array<i32>} : memref<128x128xf32, #tpu.memory_space<vmem>>, vector<16xf32>,
        %add3A_2368 = arith.constant 64 : i32
        %add3A_2369 = vector.broadcast %add3A_2368 : i32 to vector<16xi32>
        %add3A_2370 = arith.addi %iota3A, %add3A_2369 : vector<16xi32>
        %min3A_2371 = arith.constant 99 : i32
        %min3A_2372 = vector.broadcast %min3A_2371 : i32 to vector<16xi32>
        %min3A_2373 = arith.minsi %add3A_2370, %min3A_2372 : vector<16xi32>
        %gather3A_2374 = tpu.vector_load_idx %arg10[%min3A_2373, %broadcast_in_dim3A_2097] : memref<100x128xf32, #tpu.memory_space<vmem>>[vector<16xi32>, vector<16xi32>], vector<16xf32>,
        %swap3A_2375 = arith.index_cast %add3A_2068 : i32 to index
        %swap3A_2376 = arith.constant 64 : index
        %swap3A_2377 = tpu.vector_load %arg16[%swap3A_2375, %swap3A_2376] {strides = array<i32>} : memref<128x128xf32, #tpu.memory_space<vmem>>, vector<16xf32>,
        tpu.vector_store %arg16[%swap3A_2375, %swap3A_2376], %gather3A_2374 {strides = array<i32>} : memref<128x128xf32, #tpu.memory_space<vmem>>, vector<16xf32>,
        %add3A_2378 = arith.constant 80 : i32
        %add3A_2379 = vector.broadcast %add3A_2378 : i32 to vector<16xi32>
        %add3A_2380 = arith.addi %iota3A, %add3A_2379 : vector<16xi32>
        %min3A_2381 = arith.constant 99 : i32
        %min3A_2382 = vector.broadcast %min3A_2381 : i32 to vector<16xi32>
        %min3A_2383 = arith.minsi %add3A_2380, %min3A_2382 : vector<16xi32>
        %gather3A_2384 = tpu.vector_load_idx %arg10[%min3A_2383, %broadcast_in_dim3A_2097] : memref<100x128xf32, #tpu.memory_space<vmem>>[vector<16xi32>, vector<16xi32>], vector<16xf32>,
        %swap3A_2385 = arith.index_cast %add3A_2068 : i32 to index
        %swap3A_2386 = arith.constant 80 : index
        %swap3A_2387 = tpu.vector_load %arg16[%swap3A_2385, %swap3A_2386] {strides = array<i32>} : memref<128x128xf32, #tpu.memory_space<vmem>>, vector<16xf32>,
        tpu.vector_store %arg16[%swap3A_2385, %swap3A_2386], %gather3A_2384 {strides = array<i32>} : memref<128x128xf32, #tpu.memory_space<vmem>>, vector<16xf32>,
        %add3A_2388 = arith.constant 96 : i32
        %add3A_2389 = vector.broadcast %add3A_2388 : i32 to vector<16xi32>
        %add3A_2390 = arith.addi %iota3A, %add3A_2389 : vector<16xi32>
        %min3A_2391 = arith.constant 99 : i32
        %min3A_2392 = vector.broadcast %min3A_2391 : i32 to vector<16xi32>
        %min3A_2393 = arith.minsi %add3A_2390, %min3A_2392 : vector<16xi32>
        %gather3A_2394 = tpu.vector_load_idx %arg10[%min3A_2393, %broadcast_in_dim3A_2097] : memref<100x128xf32, #tpu.memory_space<vmem>>[vector<16xi32>, vector<16xi32>], vector<16xf32>,
        %swap3A_2395 = arith.index_cast %add3A_2068 : i32 to index
        %swap3A_2396 = arith.constant 96 : index
        %swap3A_2397 = tpu.vector_load %arg16[%swap3A_2395, %swap3A_2396] {strides = array<i32>} : memref<128x128xf32, #tpu.memory_space<vmem>>, vector<16xf32>,
        tpu.vector_store %arg16[%swap3A_2395, %swap3A_2396], %gather3A_2394 {strides = array<i32>} : memref<128x128xf32, #tpu.memory_space<vmem>>, vector<16xf32>,
      } else {
      }
      %slice3A_2106 = vector.extract_strided_slice %get3A_531 {offsets = [2], sizes = [1], strides = [1]} : vector<16xi32> to vector<1xi32>
      %squeeze3A_2107 = vector.extract %slice3A_2106[0] : i32 from vector<1xi32>
      %not3A_2108 = arith.constant true
      %not3A_2109 = arith.xori %ge3A_1494, %not3A_2108 : i1
      %and3A_2110 = arith.andi %or3A_1101, %not3A_2109 : i1
      %convert_element_type3A_2111 = arith.extui %and3A_2110 : i1 to i32
      %cond3A_2112 = arith.constant 0 : i32
      %cond3A_2113 = arith.cmpi ne, %convert_element_type3A_2111, %cond3A_2112 : i32
      scf.if %cond3A_2113 {
        %jit3A_2330 = arith.constant 128 : i32
        %div3A_2331 = arith.divsi %squeeze3A_2107, %jit3A_2330 : i32
        %sign3A_2332 = arith.constant 0 : i32
        %sign3A_2333 = arith.cmpi sgt, %squeeze3A_2107, %sign3A_2332 : i32
        %sign3A_2334 = arith.extui %sign3A_2333 : i1 to i32
        %sign3A_2335 = arith.constant 0 : i32
        %sign3A_2336 = arith.cmpi slt, %squeeze3A_2107, %sign3A_2335 : i32
        %sign3A_2337 = arith.extui %sign3A_2336 : i1 to i32
        %sign3A_2338 = arith.subi %sign3A_2334, %sign3A_2337 : i32
        %sign3A_2339 = arith.constant 0 : i32
        %sign3A_2340 = arith.cmpi sgt, %jit3A_2330, %sign3A_2339 : i32
        %sign3A_2341 = arith.extui %sign3A_2340 : i1 to i32
        %sign3A_2342 = arith.constant 0 : i32
        %sign3A_2343 = arith.cmpi slt, %jit3A_2330, %sign3A_2342 : i32
        %sign3A_2344 = arith.extui %sign3A_2343 : i1 to i32
        %sign3A_2345 = arith.subi %sign3A_2341, %sign3A_2344 : i32
        %ne3A_2346 = arith.cmpi ne, %sign3A_2338, %sign3A_2345 : i32
        %rem3A_2347 = arith.remsi %squeeze3A_2107, %jit3A_2330 : i32
        %ne3A_2348 = arith.constant 0 : i32
        %ne3A_2349 = arith.cmpi ne, %rem3A_2347, %ne3A_2348 : i32
        %and3A_2350 = arith.andi %ne3A_2346, %ne3A_2349 : i1
        %sub3A_2351 = arith.constant 1 : i32
        %sub3A_2352 = arith.subi %div3A_2331, %sub3A_2351 : i32
        %select_n3A_2353 = arith.select %and3A_2350, %sub3A_2352, %div3A_2331 : i32
        %mul3A_2354 = arith.constant 128 : i32
        %mul3A_2355 = arith.muli %select_n3A_2353, %mul3A_2354 : i32
        %multiple_of3A_2356 = tpu.assume_multiple %mul3A_2355, 128 : i32
        %dma_start3A_2357 = arith.constant 0 : i32
        %dma_start3A_2358 = tpu.memref_slice %arg4[%dma_start3A_2357, %multiple_of3A_2356] : memref<100x1000000xf32, #tpu.memory_space<hbm>> -> memref<100x128xf32, #tpu.memory_space<hbm>>
        %dma_start3A_2359 = arith.constant 0 : i32
        %dma_start3A_2360 = tpu.memref_slice %arg4[%dma_start3A_2359, %multiple_of3A_2356] : memref<100x1000000xf32, #tpu.memory_space<hbm>> -> memref<100x128xf32, #tpu.memory_space<hbm>>
        tpu.enqueue_dma source(%dma_start3A_2360 : memref<100x128xf32, #tpu.memory_space<hbm>>) target(%arg10 : memref<100x128xf32, #tpu.memory_space<vmem>>) target_semaphore(%arg19 : memref<!tpu.dma_semaphore, #tpu.memory_space<semaphore_mem>>)
      } else {
      }
      %convert_element_type3A_2114 = arith.extui %or3A_921 : i1 to i32
      %cond3A_2115 = arith.constant 0 : i32
      %cond3A_2116 = arith.cmpi ne, %convert_element_type3A_2114, %cond3A_2115 : i32
      scf.if %cond3A_2116 {
        %dma_wait3A_2330 = arith.constant 0 : i32
        %dma_wait3A_2331 = arith.constant 0 : i32
        %dma_wait3A_2332 = tpu.memref_slice %arg4[%dma_wait3A_2330, %dma_wait3A_2331] : memref<100x1000000xf32, #tpu.memory_space<hbm>> -> memref<100x128xf32, #tpu.memory_space<hbm>>
        %dma_wait3A_2333 = arith.constant 0 : i32
        %dma_wait3A_2334 = arith.constant 0 : i32
        %dma_wait3A_2335 = tpu.memref_slice %arg4[%dma_wait3A_2333, %dma_wait3A_2334] : memref<100x1000000xf32, #tpu.memory_space<hbm>> -> memref<100x128xf32, #tpu.memory_space<hbm>>
        tpu.wait_dma2 semaphore(%arg21 : memref<!tpu.dma_semaphore, #tpu.memory_space<semaphore_mem>>) src(%dma_wait3A_2335 : memref<100x128xf32, #tpu.memory_space<hbm>>) dst(%arg12 : memref<100x128xf32, #tpu.memory_space<vmem>>)
      } else {
      }
      %slice3A_2117 = vector.extract_strided_slice %get3A_524 {offsets = [12], sizes = [1], strides = [1]} : vector<16xi32> to vector<1xi32>
      %squeeze3A_2118 = vector.extract %slice3A_2117[0] : i32 from vector<1xi32>
      %mul3A_2119 = arith.constant 16 : i32
      %mul3A_2120 = arith.muli %scan3A_518, %mul3A_2119 : i32
      %add3A_2121 = arith.constant 12 : i32
      %add3A_2122 = arith.addi %mul3A_2120, %add3A_2121 : i32
      %jit3A_2123 = arith.constant 128 : i32
      %div3A_2124 = arith.divsi %squeeze3A_2118, %jit3A_2123 : i32
      %sign3A_2125 = arith.constant 0 : i32
      %sign3A_2126 = arith.cmpi sgt, %squeeze3A_2118, %sign3A_2125 : i32
      %sign3A_2127 = arith.extui %sign3A_2126 : i1 to i32
      %sign3A_2128 = arith.constant 0 : i32
      %sign3A_2129 = arith.cmpi slt, %squeeze3A_2118, %sign3A_2128 : i32
      %sign3A_2130 = arith.extui %sign3A_2129 : i1 to i32
      %sign3A_2131 = arith.subi %sign3A_2127, %sign3A_2130 : i32
      %sign3A_2132 = arith.constant 0 : i32
      %sign3A_2133 = arith.cmpi sgt, %jit3A_2123, %sign3A_2132 : i32
      %sign3A_2134 = arith.extui %sign3A_2133 : i1 to i32
      %sign3A_2135 = arith.constant 0 : i32
      %sign3A_2136 = arith.cmpi slt, %jit3A_2123, %sign3A_2135 : i32
      %sign3A_2137 = arith.extui %sign3A_2136 : i1 to i32
      %sign3A_2138 = arith.subi %sign3A_2134, %sign3A_2137 : i32
      %ne3A_2139 = arith.cmpi ne, %sign3A_2131, %sign3A_2138 : i32
      %rem3A_2140 = arith.remsi %squeeze3A_2118, %jit3A_2123 : i32
      %ne3A_2141 = arith.constant 0 : i32
      %ne3A_2142 = arith.cmpi ne, %rem3A_2140, %ne3A_2141 : i32
      %and3A_2143 = arith.andi %ne3A_2139, %ne3A_2142 : i1
      %sub3A_2144 = arith.constant 1 : i32
      %sub3A_2145 = arith.subi %div3A_2124, %sub3A_2144 : i32
      %select_n3A_2146 = arith.select %and3A_2143, %sub3A_2145, %div3A_2124 : i32
      %mul3A_2147 = arith.constant 128 : i32
      %mul3A_2148 = arith.muli %select_n3A_2146, %mul3A_2147 : i32
      %multiple_of3A_2149 = tpu.assume_multiple %mul3A_2148, 128 : i32
      %sub3A_2150 = arith.subi %squeeze3A_2118, %multiple_of3A_2149 : i32
      %broadcast_in_dim3A_2151 = vector.broadcast %sub3A_2150 : i32 to vector<16xi32>
      %convert_element_type3A_2152 = arith.extui %or3A_921 : i1 to i32
      %cond3A_2153 = arith.constant 0 : i32
      %cond3A_2154 = arith.cmpi ne, %convert_element_type3A_2152, %cond3A_2153 : i32
      scf.if %cond3A_2154 {
        %add3A_2330 = arith.constant 0 : i32
        %add3A_2331 = vector.broadcast %add3A_2330 : i32 to vector<16xi32>
        %add3A_2332 = arith.addi %iota3A, %add3A_2331 : vector<16xi32>
        %min3A_2333 = arith.constant 99 : i32
        %min3A_2334 = vector.broadcast %min3A_2333 : i32 to vector<16xi32>
        %min3A_2335 = arith.minsi %add3A_2332, %min3A_2334 : vector<16xi32>
        %gather3A = tpu.vector_load_idx %arg12[%min3A_2335, %broadcast_in_dim3A_2151] : memref<100x128xf32, #tpu.memory_space<vmem>>[vector<16xi32>, vector<16xi32>], vector<16xf32>,
        %swap3A = arith.index_cast %add3A_2122 : i32 to index
        %swap3A_2336 = arith.constant 0 : index
        %swap3A_2337 = tpu.vector_load %arg16[%swap3A, %swap3A_2336] {strides = array<i32>} : memref<128x128xf32, #tpu.memory_space<vmem>>, vector<16xf32>,
        tpu.vector_store %arg16[%swap3A, %swap3A_2336], %gather3A {strides = array<i32>} : memref<128x128xf32, #tpu.memory_space<vmem>>, vector<16xf32>,
        %add3A_2338 = arith.constant 16 : i32
        %add3A_2339 = vector.broadcast %add3A_2338 : i32 to vector<16xi32>
        %add3A_2340 = arith.addi %iota3A, %add3A_2339 : vector<16xi32>
        %min3A_2341 = arith.constant 99 : i32
        %min3A_2342 = vector.broadcast %min3A_2341 : i32 to vector<16xi32>
        %min3A_2343 = arith.minsi %add3A_2340, %min3A_2342 : vector<16xi32>
        %gather3A_2344 = tpu.vector_load_idx %arg12[%min3A_2343, %broadcast_in_dim3A_2151] : memref<100x128xf32, #tpu.memory_space<vmem>>[vector<16xi32>, vector<16xi32>], vector<16xf32>,
        %swap3A_2345 = arith.index_cast %add3A_2122 : i32 to index
        %swap3A_2346 = arith.constant 16 : index
        %swap3A_2347 = tpu.vector_load %arg16[%swap3A_2345, %swap3A_2346] {strides = array<i32>} : memref<128x128xf32, #tpu.memory_space<vmem>>, vector<16xf32>,
        tpu.vector_store %arg16[%swap3A_2345, %swap3A_2346], %gather3A_2344 {strides = array<i32>} : memref<128x128xf32, #tpu.memory_space<vmem>>, vector<16xf32>,
        %add3A_2348 = arith.constant 32 : i32
        %add3A_2349 = vector.broadcast %add3A_2348 : i32 to vector<16xi32>
        %add3A_2350 = arith.addi %iota3A, %add3A_2349 : vector<16xi32>
        %min3A_2351 = arith.constant 99 : i32
        %min3A_2352 = vector.broadcast %min3A_2351 : i32 to vector<16xi32>
        %min3A_2353 = arith.minsi %add3A_2350, %min3A_2352 : vector<16xi32>
        %gather3A_2354 = tpu.vector_load_idx %arg12[%min3A_2353, %broadcast_in_dim3A_2151] : memref<100x128xf32, #tpu.memory_space<vmem>>[vector<16xi32>, vector<16xi32>], vector<16xf32>,
        %swap3A_2355 = arith.index_cast %add3A_2122 : i32 to index
        %swap3A_2356 = arith.constant 32 : index
        %swap3A_2357 = tpu.vector_load %arg16[%swap3A_2355, %swap3A_2356] {strides = array<i32>} : memref<128x128xf32, #tpu.memory_space<vmem>>, vector<16xf32>,
        tpu.vector_store %arg16[%swap3A_2355, %swap3A_2356], %gather3A_2354 {strides = array<i32>} : memref<128x128xf32, #tpu.memory_space<vmem>>, vector<16xf32>,
        %add3A_2358 = arith.constant 48 : i32
        %add3A_2359 = vector.broadcast %add3A_2358 : i32 to vector<16xi32>
        %add3A_2360 = arith.addi %iota3A, %add3A_2359 : vector<16xi32>
        %min3A_2361 = arith.constant 99 : i32
        %min3A_2362 = vector.broadcast %min3A_2361 : i32 to vector<16xi32>
        %min3A_2363 = arith.minsi %add3A_2360, %min3A_2362 : vector<16xi32>
        %gather3A_2364 = tpu.vector_load_idx %arg12[%min3A_2363, %broadcast_in_dim3A_2151] : memref<100x128xf32, #tpu.memory_space<vmem>>[vector<16xi32>, vector<16xi32>], vector<16xf32>,
        %swap3A_2365 = arith.index_cast %add3A_2122 : i32 to index
        %swap3A_2366 = arith.constant 48 : index
        %swap3A_2367 = tpu.vector_load %arg16[%swap3A_2365, %swap3A_2366] {strides = array<i32>} : memref<128x128xf32, #tpu.memory_space<vmem>>, vector<16xf32>,
        tpu.vector_store %arg16[%swap3A_2365, %swap3A_2366], %gather3A_2364 {strides = array<i32>} : memref<128x128xf32, #tpu.memory_space<vmem>>, vector<16xf32>,
        %add3A_2368 = arith.constant 64 : i32
        %add3A_2369 = vector.broadcast %add3A_2368 : i32 to vector<16xi32>
        %add3A_2370 = arith.addi %iota3A, %add3A_2369 : vector<16xi32>
        %min3A_2371 = arith.constant 99 : i32
        %min3A_2372 = vector.broadcast %min3A_2371 : i32 to vector<16xi32>
        %min3A_2373 = arith.minsi %add3A_2370, %min3A_2372 : vector<16xi32>
        %gather3A_2374 = tpu.vector_load_idx %arg12[%min3A_2373, %broadcast_in_dim3A_2151] : memref<100x128xf32, #tpu.memory_space<vmem>>[vector<16xi32>, vector<16xi32>], vector<16xf32>,
        %swap3A_2375 = arith.index_cast %add3A_2122 : i32 to index
        %swap3A_2376 = arith.constant 64 : index
        %swap3A_2377 = tpu.vector_load %arg16[%swap3A_2375, %swap3A_2376] {strides = array<i32>} : memref<128x128xf32, #tpu.memory_space<vmem>>, vector<16xf32>,
        tpu.vector_store %arg16[%swap3A_2375, %swap3A_2376], %gather3A_2374 {strides = array<i32>} : memref<128x128xf32, #tpu.memory_space<vmem>>, vector<16xf32>,
        %add3A_2378 = arith.constant 80 : i32
        %add3A_2379 = vector.broadcast %add3A_2378 : i32 to vector<16xi32>
        %add3A_2380 = arith.addi %iota3A, %add3A_2379 : vector<16xi32>
        %min3A_2381 = arith.constant 99 : i32
        %min3A_2382 = vector.broadcast %min3A_2381 : i32 to vector<16xi32>
        %min3A_2383 = arith.minsi %add3A_2380, %min3A_2382 : vector<16xi32>
        %gather3A_2384 = tpu.vector_load_idx %arg12[%min3A_2383, %broadcast_in_dim3A_2151] : memref<100x128xf32, #tpu.memory_space<vmem>>[vector<16xi32>, vector<16xi32>], vector<16xf32>,
        %swap3A_2385 = arith.index_cast %add3A_2122 : i32 to index
        %swap3A_2386 = arith.constant 80 : index
        %swap3A_2387 = tpu.vector_load %arg16[%swap3A_2385, %swap3A_2386] {strides = array<i32>} : memref<128x128xf32, #tpu.memory_space<vmem>>, vector<16xf32>,
        tpu.vector_store %arg16[%swap3A_2385, %swap3A_2386], %gather3A_2384 {strides = array<i32>} : memref<128x128xf32, #tpu.memory_space<vmem>>, vector<16xf32>,
        %add3A_2388 = arith.constant 96 : i32
        %add3A_2389 = vector.broadcast %add3A_2388 : i32 to vector<16xi32>
        %add3A_2390 = arith.addi %iota3A, %add3A_2389 : vector<16xi32>
        %min3A_2391 = arith.constant 99 : i32
        %min3A_2392 = vector.broadcast %min3A_2391 : i32 to vector<16xi32>
        %min3A_2393 = arith.minsi %add3A_2390, %min3A_2392 : vector<16xi32>
        %gather3A_2394 = tpu.vector_load_idx %arg12[%min3A_2393, %broadcast_in_dim3A_2151] : memref<100x128xf32, #tpu.memory_space<vmem>>[vector<16xi32>, vector<16xi32>], vector<16xf32>,
        %swap3A_2395 = arith.index_cast %add3A_2122 : i32 to index
        %swap3A_2396 = arith.constant 96 : index
        %swap3A_2397 = tpu.vector_load %arg16[%swap3A_2395, %swap3A_2396] {strides = array<i32>} : memref<128x128xf32, #tpu.memory_space<vmem>>, vector<16xf32>,
        tpu.vector_store %arg16[%swap3A_2395, %swap3A_2396], %gather3A_2394 {strides = array<i32>} : memref<128x128xf32, #tpu.memory_space<vmem>>, vector<16xf32>,
      } else {
      }
      %not3A_2155 = arith.constant true
      %not3A_2156 = arith.xori %or3A_921, %not3A_2155 : i1
      %convert_element_type3A_2157 = arith.extui %not3A_2156 : i1 to i32
      %cond3A_2158 = arith.constant 0 : i32
      %cond3A_2159 = arith.cmpi ne, %convert_element_type3A_2157, %cond3A_2158 : i32
      scf.if %cond3A_2159 {
        %add3A_2330 = arith.constant 0 : i32
        %add3A_2331 = vector.broadcast %add3A_2330 : i32 to vector<16xi32>
        %add3A_2332 = arith.addi %iota3A, %add3A_2331 : vector<16xi32>
        %min3A_2333 = arith.constant 99 : i32
        %min3A_2334 = vector.broadcast %min3A_2333 : i32 to vector<16xi32>
        %min3A_2335 = arith.minsi %add3A_2332, %min3A_2334 : vector<16xi32>
        %gather3A = tpu.vector_load_idx %arg11[%min3A_2335, %broadcast_in_dim3A_2151] : memref<100x128xf32, #tpu.memory_space<vmem>>[vector<16xi32>, vector<16xi32>], vector<16xf32>,
        %swap3A = arith.index_cast %add3A_2122 : i32 to index
        %swap3A_2336 = arith.constant 0 : index
        %swap3A_2337 = tpu.vector_load %arg16[%swap3A, %swap3A_2336] {strides = array<i32>} : memref<128x128xf32, #tpu.memory_space<vmem>>, vector<16xf32>,
        tpu.vector_store %arg16[%swap3A, %swap3A_2336], %gather3A {strides = array<i32>} : memref<128x128xf32, #tpu.memory_space<vmem>>, vector<16xf32>,
        %add3A_2338 = arith.constant 16 : i32
        %add3A_2339 = vector.broadcast %add3A_2338 : i32 to vector<16xi32>
        %add3A_2340 = arith.addi %iota3A, %add3A_2339 : vector<16xi32>
        %min3A_2341 = arith.constant 99 : i32
        %min3A_2342 = vector.broadcast %min3A_2341 : i32 to vector<16xi32>
        %min3A_2343 = arith.minsi %add3A_2340, %min3A_2342 : vector<16xi32>
        %gather3A_2344 = tpu.vector_load_idx %arg11[%min3A_2343, %broadcast_in_dim3A_2151] : memref<100x128xf32, #tpu.memory_space<vmem>>[vector<16xi32>, vector<16xi32>], vector<16xf32>,
        %swap3A_2345 = arith.index_cast %add3A_2122 : i32 to index
        %swap3A_2346 = arith.constant 16 : index
        %swap3A_2347 = tpu.vector_load %arg16[%swap3A_2345, %swap3A_2346] {strides = array<i32>} : memref<128x128xf32, #tpu.memory_space<vmem>>, vector<16xf32>,
        tpu.vector_store %arg16[%swap3A_2345, %swap3A_2346], %gather3A_2344 {strides = array<i32>} : memref<128x128xf32, #tpu.memory_space<vmem>>, vector<16xf32>,
        %add3A_2348 = arith.constant 32 : i32
        %add3A_2349 = vector.broadcast %add3A_2348 : i32 to vector<16xi32>
        %add3A_2350 = arith.addi %iota3A, %add3A_2349 : vector<16xi32>
        %min3A_2351 = arith.constant 99 : i32
        %min3A_2352 = vector.broadcast %min3A_2351 : i32 to vector<16xi32>
        %min3A_2353 = arith.minsi %add3A_2350, %min3A_2352 : vector<16xi32>
        %gather3A_2354 = tpu.vector_load_idx %arg11[%min3A_2353, %broadcast_in_dim3A_2151] : memref<100x128xf32, #tpu.memory_space<vmem>>[vector<16xi32>, vector<16xi32>], vector<16xf32>,
        %swap3A_2355 = arith.index_cast %add3A_2122 : i32 to index
        %swap3A_2356 = arith.constant 32 : index
        %swap3A_2357 = tpu.vector_load %arg16[%swap3A_2355, %swap3A_2356] {strides = array<i32>} : memref<128x128xf32, #tpu.memory_space<vmem>>, vector<16xf32>,
        tpu.vector_store %arg16[%swap3A_2355, %swap3A_2356], %gather3A_2354 {strides = array<i32>} : memref<128x128xf32, #tpu.memory_space<vmem>>, vector<16xf32>,
        %add3A_2358 = arith.constant 48 : i32
        %add3A_2359 = vector.broadcast %add3A_2358 : i32 to vector<16xi32>
        %add3A_2360 = arith.addi %iota3A, %add3A_2359 : vector<16xi32>
        %min3A_2361 = arith.constant 99 : i32
        %min3A_2362 = vector.broadcast %min3A_2361 : i32 to vector<16xi32>
        %min3A_2363 = arith.minsi %add3A_2360, %min3A_2362 : vector<16xi32>
        %gather3A_2364 = tpu.vector_load_idx %arg11[%min3A_2363, %broadcast_in_dim3A_2151] : memref<100x128xf32, #tpu.memory_space<vmem>>[vector<16xi32>, vector<16xi32>], vector<16xf32>,
        %swap3A_2365 = arith.index_cast %add3A_2122 : i32 to index
        %swap3A_2366 = arith.constant 48 : index
        %swap3A_2367 = tpu.vector_load %arg16[%swap3A_2365, %swap3A_2366] {strides = array<i32>} : memref<128x128xf32, #tpu.memory_space<vmem>>, vector<16xf32>,
        tpu.vector_store %arg16[%swap3A_2365, %swap3A_2366], %gather3A_2364 {strides = array<i32>} : memref<128x128xf32, #tpu.memory_space<vmem>>, vector<16xf32>,
        %add3A_2368 = arith.constant 64 : i32
        %add3A_2369 = vector.broadcast %add3A_2368 : i32 to vector<16xi32>
        %add3A_2370 = arith.addi %iota3A, %add3A_2369 : vector<16xi32>
        %min3A_2371 = arith.constant 99 : i32
        %min3A_2372 = vector.broadcast %min3A_2371 : i32 to vector<16xi32>
        %min3A_2373 = arith.minsi %add3A_2370, %min3A_2372 : vector<16xi32>
        %gather3A_2374 = tpu.vector_load_idx %arg11[%min3A_2373, %broadcast_in_dim3A_2151] : memref<100x128xf32, #tpu.memory_space<vmem>>[vector<16xi32>, vector<16xi32>], vector<16xf32>,
        %swap3A_2375 = arith.index_cast %add3A_2122 : i32 to index
        %swap3A_2376 = arith.constant 64 : index
        %swap3A_2377 = tpu.vector_load %arg16[%swap3A_2375, %swap3A_2376] {strides = array<i32>} : memref<128x128xf32, #tpu.memory_space<vmem>>, vector<16xf32>,
        tpu.vector_store %arg16[%swap3A_2375, %swap3A_2376], %gather3A_2374 {strides = array<i32>} : memref<128x128xf32, #tpu.memory_space<vmem>>, vector<16xf32>,
        %add3A_2378 = arith.constant 80 : i32
        %add3A_2379 = vector.broadcast %add3A_2378 : i32 to vector<16xi32>
        %add3A_2380 = arith.addi %iota3A, %add3A_2379 : vector<16xi32>
        %min3A_2381 = arith.constant 99 : i32
        %min3A_2382 = vector.broadcast %min3A_2381 : i32 to vector<16xi32>
        %min3A_2383 = arith.minsi %add3A_2380, %min3A_2382 : vector<16xi32>
        %gather3A_2384 = tpu.vector_load_idx %arg11[%min3A_2383, %broadcast_in_dim3A_2151] : memref<100x128xf32, #tpu.memory_space<vmem>>[vector<16xi32>, vector<16xi32>], vector<16xf32>,
        %swap3A_2385 = arith.index_cast %add3A_2122 : i32 to index
        %swap3A_2386 = arith.constant 80 : index
        %swap3A_2387 = tpu.vector_load %arg16[%swap3A_2385, %swap3A_2386] {strides = array<i32>} : memref<128x128xf32, #tpu.memory_space<vmem>>, vector<16xf32>,
        tpu.vector_store %arg16[%swap3A_2385, %swap3A_2386], %gather3A_2384 {strides = array<i32>} : memref<128x128xf32, #tpu.memory_space<vmem>>, vector<16xf32>,
        %add3A_2388 = arith.constant 96 : i32
        %add3A_2389 = vector.broadcast %add3A_2388 : i32 to vector<16xi32>
        %add3A_2390 = arith.addi %iota3A, %add3A_2389 : vector<16xi32>
        %min3A_2391 = arith.constant 99 : i32
        %min3A_2392 = vector.broadcast %min3A_2391 : i32 to vector<16xi32>
        %min3A_2393 = arith.minsi %add3A_2390, %min3A_2392 : vector<16xi32>
        %gather3A_2394 = tpu.vector_load_idx %arg11[%min3A_2393, %broadcast_in_dim3A_2151] : memref<100x128xf32, #tpu.memory_space<vmem>>[vector<16xi32>, vector<16xi32>], vector<16xf32>,
        %swap3A_2395 = arith.index_cast %add3A_2122 : i32 to index
        %swap3A_2396 = arith.constant 96 : index
        %swap3A_2397 = tpu.vector_load %arg16[%swap3A_2395, %swap3A_2396] {strides = array<i32>} : memref<128x128xf32, #tpu.memory_space<vmem>>, vector<16xf32>,
        tpu.vector_store %arg16[%swap3A_2395, %swap3A_2396], %gather3A_2394 {strides = array<i32>} : memref<128x128xf32, #tpu.memory_space<vmem>>, vector<16xf32>,
      } else {
      }
      %slice3A_2160 = vector.extract_strided_slice %get3A_531 {offsets = [3], sizes = [1], strides = [1]} : vector<16xi32> to vector<1xi32>
      %squeeze3A_2161 = vector.extract %slice3A_2160[0] : i32 from vector<1xi32>
      %not3A_2162 = arith.constant true
      %not3A_2163 = arith.xori %ge3A_1494, %not3A_2162 : i1
      %and3A_2164 = arith.andi %or3A_1131, %not3A_2163 : i1
      %convert_element_type3A_2165 = arith.extui %and3A_2164 : i1 to i32
      %cond3A_2166 = arith.constant 0 : i32
      %cond3A_2167 = arith.cmpi ne, %convert_element_type3A_2165, %cond3A_2166 : i32
      scf.if %cond3A_2167 {
        %jit3A_2330 = arith.constant 128 : i32
        %div3A_2331 = arith.divsi %squeeze3A_2161, %jit3A_2330 : i32
        %sign3A_2332 = arith.constant 0 : i32
        %sign3A_2333 = arith.cmpi sgt, %squeeze3A_2161, %sign3A_2332 : i32
        %sign3A_2334 = arith.extui %sign3A_2333 : i1 to i32
        %sign3A_2335 = arith.constant 0 : i32
        %sign3A_2336 = arith.cmpi slt, %squeeze3A_2161, %sign3A_2335 : i32
        %sign3A_2337 = arith.extui %sign3A_2336 : i1 to i32
        %sign3A_2338 = arith.subi %sign3A_2334, %sign3A_2337 : i32
        %sign3A_2339 = arith.constant 0 : i32
        %sign3A_2340 = arith.cmpi sgt, %jit3A_2330, %sign3A_2339 : i32
        %sign3A_2341 = arith.extui %sign3A_2340 : i1 to i32
        %sign3A_2342 = arith.constant 0 : i32
        %sign3A_2343 = arith.cmpi slt, %jit3A_2330, %sign3A_2342 : i32
        %sign3A_2344 = arith.extui %sign3A_2343 : i1 to i32
        %sign3A_2345 = arith.subi %sign3A_2341, %sign3A_2344 : i32
        %ne3A_2346 = arith.cmpi ne, %sign3A_2338, %sign3A_2345 : i32
        %rem3A_2347 = arith.remsi %squeeze3A_2161, %jit3A_2330 : i32
        %ne3A_2348 = arith.constant 0 : i32
        %ne3A_2349 = arith.cmpi ne, %rem3A_2347, %ne3A_2348 : i32
        %and3A_2350 = arith.andi %ne3A_2346, %ne3A_2349 : i1
        %sub3A_2351 = arith.constant 1 : i32
        %sub3A_2352 = arith.subi %div3A_2331, %sub3A_2351 : i32
        %select_n3A_2353 = arith.select %and3A_2350, %sub3A_2352, %div3A_2331 : i32
        %mul3A_2354 = arith.constant 128 : i32
        %mul3A_2355 = arith.muli %select_n3A_2353, %mul3A_2354 : i32
        %multiple_of3A_2356 = tpu.assume_multiple %mul3A_2355, 128 : i32
        %dma_start3A_2357 = arith.constant 0 : i32
        %dma_start3A_2358 = tpu.memref_slice %arg4[%dma_start3A_2357, %multiple_of3A_2356] : memref<100x1000000xf32, #tpu.memory_space<hbm>> -> memref<100x128xf32, #tpu.memory_space<hbm>>
        %dma_start3A_2359 = arith.constant 0 : i32
        %dma_start3A_2360 = tpu.memref_slice %arg4[%dma_start3A_2359, %multiple_of3A_2356] : memref<100x1000000xf32, #tpu.memory_space<hbm>> -> memref<100x128xf32, #tpu.memory_space<hbm>>
        tpu.enqueue_dma source(%dma_start3A_2360 : memref<100x128xf32, #tpu.memory_space<hbm>>) target(%arg11 : memref<100x128xf32, #tpu.memory_space<vmem>>) target_semaphore(%arg20 : memref<!tpu.dma_semaphore, #tpu.memory_space<semaphore_mem>>)
      } else {
      }
      %convert_element_type3A_2168 = arith.extui %or3A_951 : i1 to i32
      %cond3A_2169 = arith.constant 0 : i32
      %cond3A_2170 = arith.cmpi ne, %convert_element_type3A_2168, %cond3A_2169 : i32
      scf.if %cond3A_2170 {
        %dma_wait3A_2330 = arith.constant 0 : i32
        %dma_wait3A_2331 = arith.constant 0 : i32
        %dma_wait3A_2332 = tpu.memref_slice %arg4[%dma_wait3A_2330, %dma_wait3A_2331] : memref<100x1000000xf32, #tpu.memory_space<hbm>> -> memref<100x128xf32, #tpu.memory_space<hbm>>
        %dma_wait3A_2333 = arith.constant 0 : i32
        %dma_wait3A_2334 = arith.constant 0 : i32
        %dma_wait3A_2335 = tpu.memref_slice %arg4[%dma_wait3A_2333, %dma_wait3A_2334] : memref<100x1000000xf32, #tpu.memory_space<hbm>> -> memref<100x128xf32, #tpu.memory_space<hbm>>
        tpu.wait_dma2 semaphore(%arg22 : memref<!tpu.dma_semaphore, #tpu.memory_space<semaphore_mem>>) src(%dma_wait3A_2335 : memref<100x128xf32, #tpu.memory_space<hbm>>) dst(%arg13 : memref<100x128xf32, #tpu.memory_space<vmem>>)
      } else {
      }
      %slice3A_2171 = vector.extract_strided_slice %get3A_524 {offsets = [13], sizes = [1], strides = [1]} : vector<16xi32> to vector<1xi32>
      %squeeze3A_2172 = vector.extract %slice3A_2171[0] : i32 from vector<1xi32>
      %mul3A_2173 = arith.constant 16 : i32
      %mul3A_2174 = arith.muli %scan3A_518, %mul3A_2173 : i32
      %add3A_2175 = arith.constant 13 : i32
      %add3A_2176 = arith.addi %mul3A_2174, %add3A_2175 : i32
      %jit3A_2177 = arith.constant 128 : i32
      %div3A_2178 = arith.divsi %squeeze3A_2172, %jit3A_2177 : i32
      %sign3A_2179 = arith.constant 0 : i32
      %sign3A_2180 = arith.cmpi sgt, %squeeze3A_2172, %sign3A_2179 : i32
      %sign3A_2181 = arith.extui %sign3A_2180 : i1 to i32
      %sign3A_2182 = arith.constant 0 : i32
      %sign3A_2183 = arith.cmpi slt, %squeeze3A_2172, %sign3A_2182 : i32
      %sign3A_2184 = arith.extui %sign3A_2183 : i1 to i32
      %sign3A_2185 = arith.subi %sign3A_2181, %sign3A_2184 : i32
      %sign3A_2186 = arith.constant 0 : i32
      %sign3A_2187 = arith.cmpi sgt, %jit3A_2177, %sign3A_2186 : i32
      %sign3A_2188 = arith.extui %sign3A_2187 : i1 to i32
      %sign3A_2189 = arith.constant 0 : i32
      %sign3A_2190 = arith.cmpi slt, %jit3A_2177, %sign3A_2189 : i32
      %sign3A_2191 = arith.extui %sign3A_2190 : i1 to i32
      %sign3A_2192 = arith.subi %sign3A_2188, %sign3A_2191 : i32
      %ne3A_2193 = arith.cmpi ne, %sign3A_2185, %sign3A_2192 : i32
      %rem3A_2194 = arith.remsi %squeeze3A_2172, %jit3A_2177 : i32
      %ne3A_2195 = arith.constant 0 : i32
      %ne3A_2196 = arith.cmpi ne, %rem3A_2194, %ne3A_2195 : i32
      %and3A_2197 = arith.andi %ne3A_2193, %ne3A_2196 : i1
      %sub3A_2198 = arith.constant 1 : i32
      %sub3A_2199 = arith.subi %div3A_2178, %sub3A_2198 : i32
      %select_n3A_2200 = arith.select %and3A_2197, %sub3A_2199, %div3A_2178 : i32
      %mul3A_2201 = arith.constant 128 : i32
      %mul3A_2202 = arith.muli %select_n3A_2200, %mul3A_2201 : i32
      %multiple_of3A_2203 = tpu.assume_multiple %mul3A_2202, 128 : i32
      %sub3A_2204 = arith.subi %squeeze3A_2172, %multiple_of3A_2203 : i32
      %broadcast_in_dim3A_2205 = vector.broadcast %sub3A_2204 : i32 to vector<16xi32>
      %convert_element_type3A_2206 = arith.extui %or3A_951 : i1 to i32
      %cond3A_2207 = arith.constant 0 : i32
      %cond3A_2208 = arith.cmpi ne, %convert_element_type3A_2206, %cond3A_2207 : i32
      scf.if %cond3A_2208 {
        %add3A_2330 = arith.constant 0 : i32
        %add3A_2331 = vector.broadcast %add3A_2330 : i32 to vector<16xi32>
        %add3A_2332 = arith.addi %iota3A, %add3A_2331 : vector<16xi32>
        %min3A_2333 = arith.constant 99 : i32
        %min3A_2334 = vector.broadcast %min3A_2333 : i32 to vector<16xi32>
        %min3A_2335 = arith.minsi %add3A_2332, %min3A_2334 : vector<16xi32>
        %gather3A = tpu.vector_load_idx %arg13[%min3A_2335, %broadcast_in_dim3A_2205] : memref<100x128xf32, #tpu.memory_space<vmem>>[vector<16xi32>, vector<16xi32>], vector<16xf32>,
        %swap3A = arith.index_cast %add3A_2176 : i32 to index
        %swap3A_2336 = arith.constant 0 : index
        %swap3A_2337 = tpu.vector_load %arg16[%swap3A, %swap3A_2336] {strides = array<i32>} : memref<128x128xf32, #tpu.memory_space<vmem>>, vector<16xf32>,
        tpu.vector_store %arg16[%swap3A, %swap3A_2336], %gather3A {strides = array<i32>} : memref<128x128xf32, #tpu.memory_space<vmem>>, vector<16xf32>,
        %add3A_2338 = arith.constant 16 : i32
        %add3A_2339 = vector.broadcast %add3A_2338 : i32 to vector<16xi32>
        %add3A_2340 = arith.addi %iota3A, %add3A_2339 : vector<16xi32>
        %min3A_2341 = arith.constant 99 : i32
        %min3A_2342 = vector.broadcast %min3A_2341 : i32 to vector<16xi32>
        %min3A_2343 = arith.minsi %add3A_2340, %min3A_2342 : vector<16xi32>
        %gather3A_2344 = tpu.vector_load_idx %arg13[%min3A_2343, %broadcast_in_dim3A_2205] : memref<100x128xf32, #tpu.memory_space<vmem>>[vector<16xi32>, vector<16xi32>], vector<16xf32>,
        %swap3A_2345 = arith.index_cast %add3A_2176 : i32 to index
        %swap3A_2346 = arith.constant 16 : index
        %swap3A_2347 = tpu.vector_load %arg16[%swap3A_2345, %swap3A_2346] {strides = array<i32>} : memref<128x128xf32, #tpu.memory_space<vmem>>, vector<16xf32>,
        tpu.vector_store %arg16[%swap3A_2345, %swap3A_2346], %gather3A_2344 {strides = array<i32>} : memref<128x128xf32, #tpu.memory_space<vmem>>, vector<16xf32>,
        %add3A_2348 = arith.constant 32 : i32
        %add3A_2349 = vector.broadcast %add3A_2348 : i32 to vector<16xi32>
        %add3A_2350 = arith.addi %iota3A, %add3A_2349 : vector<16xi32>
        %min3A_2351 = arith.constant 99 : i32
        %min3A_2352 = vector.broadcast %min3A_2351 : i32 to vector<16xi32>
        %min3A_2353 = arith.minsi %add3A_2350, %min3A_2352 : vector<16xi32>
        %gather3A_2354 = tpu.vector_load_idx %arg13[%min3A_2353, %broadcast_in_dim3A_2205] : memref<100x128xf32, #tpu.memory_space<vmem>>[vector<16xi32>, vector<16xi32>], vector<16xf32>,
        %swap3A_2355 = arith.index_cast %add3A_2176 : i32 to index
        %swap3A_2356 = arith.constant 32 : index
        %swap3A_2357 = tpu.vector_load %arg16[%swap3A_2355, %swap3A_2356] {strides = array<i32>} : memref<128x128xf32, #tpu.memory_space<vmem>>, vector<16xf32>,
        tpu.vector_store %arg16[%swap3A_2355, %swap3A_2356], %gather3A_2354 {strides = array<i32>} : memref<128x128xf32, #tpu.memory_space<vmem>>, vector<16xf32>,
        %add3A_2358 = arith.constant 48 : i32
        %add3A_2359 = vector.broadcast %add3A_2358 : i32 to vector<16xi32>
        %add3A_2360 = arith.addi %iota3A, %add3A_2359 : vector<16xi32>
        %min3A_2361 = arith.constant 99 : i32
        %min3A_2362 = vector.broadcast %min3A_2361 : i32 to vector<16xi32>
        %min3A_2363 = arith.minsi %add3A_2360, %min3A_2362 : vector<16xi32>
        %gather3A_2364 = tpu.vector_load_idx %arg13[%min3A_2363, %broadcast_in_dim3A_2205] : memref<100x128xf32, #tpu.memory_space<vmem>>[vector<16xi32>, vector<16xi32>], vector<16xf32>,
        %swap3A_2365 = arith.index_cast %add3A_2176 : i32 to index
        %swap3A_2366 = arith.constant 48 : index
        %swap3A_2367 = tpu.vector_load %arg16[%swap3A_2365, %swap3A_2366] {strides = array<i32>} : memref<128x128xf32, #tpu.memory_space<vmem>>, vector<16xf32>,
        tpu.vector_store %arg16[%swap3A_2365, %swap3A_2366], %gather3A_2364 {strides = array<i32>} : memref<128x128xf32, #tpu.memory_space<vmem>>, vector<16xf32>,
        %add3A_2368 = arith.constant 64 : i32
        %add3A_2369 = vector.broadcast %add3A_2368 : i32 to vector<16xi32>
        %add3A_2370 = arith.addi %iota3A, %add3A_2369 : vector<16xi32>
        %min3A_2371 = arith.constant 99 : i32
        %min3A_2372 = vector.broadcast %min3A_2371 : i32 to vector<16xi32>
        %min3A_2373 = arith.minsi %add3A_2370, %min3A_2372 : vector<16xi32>
        %gather3A_2374 = tpu.vector_load_idx %arg13[%min3A_2373, %broadcast_in_dim3A_2205] : memref<100x128xf32, #tpu.memory_space<vmem>>[vector<16xi32>, vector<16xi32>], vector<16xf32>,
        %swap3A_2375 = arith.index_cast %add3A_2176 : i32 to index
        %swap3A_2376 = arith.constant 64 : index
        %swap3A_2377 = tpu.vector_load %arg16[%swap3A_2375, %swap3A_2376] {strides = array<i32>} : memref<128x128xf32, #tpu.memory_space<vmem>>, vector<16xf32>,
        tpu.vector_store %arg16[%swap3A_2375, %swap3A_2376], %gather3A_2374 {strides = array<i32>} : memref<128x128xf32, #tpu.memory_space<vmem>>, vector<16xf32>,
        %add3A_2378 = arith.constant 80 : i32
        %add3A_2379 = vector.broadcast %add3A_2378 : i32 to vector<16xi32>
        %add3A_2380 = arith.addi %iota3A, %add3A_2379 : vector<16xi32>
        %min3A_2381 = arith.constant 99 : i32
        %min3A_2382 = vector.broadcast %min3A_2381 : i32 to vector<16xi32>
        %min3A_2383 = arith.minsi %add3A_2380, %min3A_2382 : vector<16xi32>
        %gather3A_2384 = tpu.vector_load_idx %arg13[%min3A_2383, %broadcast_in_dim3A_2205] : memref<100x128xf32, #tpu.memory_space<vmem>>[vector<16xi32>, vector<16xi32>], vector<16xf32>,
        %swap3A_2385 = arith.index_cast %add3A_2176 : i32 to index
        %swap3A_2386 = arith.constant 80 : index
        %swap3A_2387 = tpu.vector_load %arg16[%swap3A_2385, %swap3A_2386] {strides = array<i32>} : memref<128x128xf32, #tpu.memory_space<vmem>>, vector<16xf32>,
        tpu.vector_store %arg16[%swap3A_2385, %swap3A_2386], %gather3A_2384 {strides = array<i32>} : memref<128x128xf32, #tpu.memory_space<vmem>>, vector<16xf32>,
        %add3A_2388 = arith.constant 96 : i32
        %add3A_2389 = vector.broadcast %add3A_2388 : i32 to vector<16xi32>
        %add3A_2390 = arith.addi %iota3A, %add3A_2389 : vector<16xi32>
        %min3A_2391 = arith.constant 99 : i32
        %min3A_2392 = vector.broadcast %min3A_2391 : i32 to vector<16xi32>
        %min3A_2393 = arith.minsi %add3A_2390, %min3A_2392 : vector<16xi32>
        %gather3A_2394 = tpu.vector_load_idx %arg13[%min3A_2393, %broadcast_in_dim3A_2205] : memref<100x128xf32, #tpu.memory_space<vmem>>[vector<16xi32>, vector<16xi32>], vector<16xf32>,
        %swap3A_2395 = arith.index_cast %add3A_2176 : i32 to index
        %swap3A_2396 = arith.constant 96 : index
        %swap3A_2397 = tpu.vector_load %arg16[%swap3A_2395, %swap3A_2396] {strides = array<i32>} : memref<128x128xf32, #tpu.memory_space<vmem>>, vector<16xf32>,
        tpu.vector_store %arg16[%swap3A_2395, %swap3A_2396], %gather3A_2394 {strides = array<i32>} : memref<128x128xf32, #tpu.memory_space<vmem>>, vector<16xf32>,
      } else {
      }
      %not3A_2209 = arith.constant true
      %not3A_2210 = arith.xori %or3A_951, %not3A_2209 : i1
      %convert_element_type3A_2211 = arith.extui %not3A_2210 : i1 to i32
      %cond3A_2212 = arith.constant 0 : i32
      %cond3A_2213 = arith.cmpi ne, %convert_element_type3A_2211, %cond3A_2212 : i32
      scf.if %cond3A_2213 {
        %add3A_2330 = arith.constant 0 : i32
        %add3A_2331 = vector.broadcast %add3A_2330 : i32 to vector<16xi32>
        %add3A_2332 = arith.addi %iota3A, %add3A_2331 : vector<16xi32>
        %min3A_2333 = arith.constant 99 : i32
        %min3A_2334 = vector.broadcast %min3A_2333 : i32 to vector<16xi32>
        %min3A_2335 = arith.minsi %add3A_2332, %min3A_2334 : vector<16xi32>
        %gather3A = tpu.vector_load_idx %arg12[%min3A_2335, %broadcast_in_dim3A_2205] : memref<100x128xf32, #tpu.memory_space<vmem>>[vector<16xi32>, vector<16xi32>], vector<16xf32>,
        %swap3A = arith.index_cast %add3A_2176 : i32 to index
        %swap3A_2336 = arith.constant 0 : index
        %swap3A_2337 = tpu.vector_load %arg16[%swap3A, %swap3A_2336] {strides = array<i32>} : memref<128x128xf32, #tpu.memory_space<vmem>>, vector<16xf32>,
        tpu.vector_store %arg16[%swap3A, %swap3A_2336], %gather3A {strides = array<i32>} : memref<128x128xf32, #tpu.memory_space<vmem>>, vector<16xf32>,
        %add3A_2338 = arith.constant 16 : i32
        %add3A_2339 = vector.broadcast %add3A_2338 : i32 to vector<16xi32>
        %add3A_2340 = arith.addi %iota3A, %add3A_2339 : vector<16xi32>
        %min3A_2341 = arith.constant 99 : i32
        %min3A_2342 = vector.broadcast %min3A_2341 : i32 to vector<16xi32>
        %min3A_2343 = arith.minsi %add3A_2340, %min3A_2342 : vector<16xi32>
        %gather3A_2344 = tpu.vector_load_idx %arg12[%min3A_2343, %broadcast_in_dim3A_2205] : memref<100x128xf32, #tpu.memory_space<vmem>>[vector<16xi32>, vector<16xi32>], vector<16xf32>,
        %swap3A_2345 = arith.index_cast %add3A_2176 : i32 to index
        %swap3A_2346 = arith.constant 16 : index
        %swap3A_2347 = tpu.vector_load %arg16[%swap3A_2345, %swap3A_2346] {strides = array<i32>} : memref<128x128xf32, #tpu.memory_space<vmem>>, vector<16xf32>,
        tpu.vector_store %arg16[%swap3A_2345, %swap3A_2346], %gather3A_2344 {strides = array<i32>} : memref<128x128xf32, #tpu.memory_space<vmem>>, vector<16xf32>,
        %add3A_2348 = arith.constant 32 : i32
        %add3A_2349 = vector.broadcast %add3A_2348 : i32 to vector<16xi32>
        %add3A_2350 = arith.addi %iota3A, %add3A_2349 : vector<16xi32>
        %min3A_2351 = arith.constant 99 : i32
        %min3A_2352 = vector.broadcast %min3A_2351 : i32 to vector<16xi32>
        %min3A_2353 = arith.minsi %add3A_2350, %min3A_2352 : vector<16xi32>
        %gather3A_2354 = tpu.vector_load_idx %arg12[%min3A_2353, %broadcast_in_dim3A_2205] : memref<100x128xf32, #tpu.memory_space<vmem>>[vector<16xi32>, vector<16xi32>], vector<16xf32>,
        %swap3A_2355 = arith.index_cast %add3A_2176 : i32 to index
        %swap3A_2356 = arith.constant 32 : index
        %swap3A_2357 = tpu.vector_load %arg16[%swap3A_2355, %swap3A_2356] {strides = array<i32>} : memref<128x128xf32, #tpu.memory_space<vmem>>, vector<16xf32>,
        tpu.vector_store %arg16[%swap3A_2355, %swap3A_2356], %gather3A_2354 {strides = array<i32>} : memref<128x128xf32, #tpu.memory_space<vmem>>, vector<16xf32>,
        %add3A_2358 = arith.constant 48 : i32
        %add3A_2359 = vector.broadcast %add3A_2358 : i32 to vector<16xi32>
        %add3A_2360 = arith.addi %iota3A, %add3A_2359 : vector<16xi32>
        %min3A_2361 = arith.constant 99 : i32
        %min3A_2362 = vector.broadcast %min3A_2361 : i32 to vector<16xi32>
        %min3A_2363 = arith.minsi %add3A_2360, %min3A_2362 : vector<16xi32>
        %gather3A_2364 = tpu.vector_load_idx %arg12[%min3A_2363, %broadcast_in_dim3A_2205] : memref<100x128xf32, #tpu.memory_space<vmem>>[vector<16xi32>, vector<16xi32>], vector<16xf32>,
        %swap3A_2365 = arith.index_cast %add3A_2176 : i32 to index
        %swap3A_2366 = arith.constant 48 : index
        %swap3A_2367 = tpu.vector_load %arg16[%swap3A_2365, %swap3A_2366] {strides = array<i32>} : memref<128x128xf32, #tpu.memory_space<vmem>>, vector<16xf32>,
        tpu.vector_store %arg16[%swap3A_2365, %swap3A_2366], %gather3A_2364 {strides = array<i32>} : memref<128x128xf32, #tpu.memory_space<vmem>>, vector<16xf32>,
        %add3A_2368 = arith.constant 64 : i32
        %add3A_2369 = vector.broadcast %add3A_2368 : i32 to vector<16xi32>
        %add3A_2370 = arith.addi %iota3A, %add3A_2369 : vector<16xi32>
        %min3A_2371 = arith.constant 99 : i32
        %min3A_2372 = vector.broadcast %min3A_2371 : i32 to vector<16xi32>
        %min3A_2373 = arith.minsi %add3A_2370, %min3A_2372 : vector<16xi32>
        %gather3A_2374 = tpu.vector_load_idx %arg12[%min3A_2373, %broadcast_in_dim3A_2205] : memref<100x128xf32, #tpu.memory_space<vmem>>[vector<16xi32>, vector<16xi32>], vector<16xf32>,
        %swap3A_2375 = arith.index_cast %add3A_2176 : i32 to index
        %swap3A_2376 = arith.constant 64 : index
        %swap3A_2377 = tpu.vector_load %arg16[%swap3A_2375, %swap3A_2376] {strides = array<i32>} : memref<128x128xf32, #tpu.memory_space<vmem>>, vector<16xf32>,
        tpu.vector_store %arg16[%swap3A_2375, %swap3A_2376], %gather3A_2374 {strides = array<i32>} : memref<128x128xf32, #tpu.memory_space<vmem>>, vector<16xf32>,
        %add3A_2378 = arith.constant 80 : i32
        %add3A_2379 = vector.broadcast %add3A_2378 : i32 to vector<16xi32>
        %add3A_2380 = arith.addi %iota3A, %add3A_2379 : vector<16xi32>
        %min3A_2381 = arith.constant 99 : i32
        %min3A_2382 = vector.broadcast %min3A_2381 : i32 to vector<16xi32>
        %min3A_2383 = arith.minsi %add3A_2380, %min3A_2382 : vector<16xi32>
        %gather3A_2384 = tpu.vector_load_idx %arg12[%min3A_2383, %broadcast_in_dim3A_2205] : memref<100x128xf32, #tpu.memory_space<vmem>>[vector<16xi32>, vector<16xi32>], vector<16xf32>,
        %swap3A_2385 = arith.index_cast %add3A_2176 : i32 to index
        %swap3A_2386 = arith.constant 80 : index
        %swap3A_2387 = tpu.vector_load %arg16[%swap3A_2385, %swap3A_2386] {strides = array<i32>} : memref<128x128xf32, #tpu.memory_space<vmem>>, vector<16xf32>,
        tpu.vector_store %arg16[%swap3A_2385, %swap3A_2386], %gather3A_2384 {strides = array<i32>} : memref<128x128xf32, #tpu.memory_space<vmem>>, vector<16xf32>,
        %add3A_2388 = arith.constant 96 : i32
        %add3A_2389 = vector.broadcast %add3A_2388 : i32 to vector<16xi32>
        %add3A_2390 = arith.addi %iota3A, %add3A_2389 : vector<16xi32>
        %min3A_2391 = arith.constant 99 : i32
        %min3A_2392 = vector.broadcast %min3A_2391 : i32 to vector<16xi32>
        %min3A_2393 = arith.minsi %add3A_2390, %min3A_2392 : vector<16xi32>
        %gather3A_2394 = tpu.vector_load_idx %arg12[%min3A_2393, %broadcast_in_dim3A_2205] : memref<100x128xf32, #tpu.memory_space<vmem>>[vector<16xi32>, vector<16xi32>], vector<16xf32>,
        %swap3A_2395 = arith.index_cast %add3A_2176 : i32 to index
        %swap3A_2396 = arith.constant 96 : index
        %swap3A_2397 = tpu.vector_load %arg16[%swap3A_2395, %swap3A_2396] {strides = array<i32>} : memref<128x128xf32, #tpu.memory_space<vmem>>, vector<16xf32>,
        tpu.vector_store %arg16[%swap3A_2395, %swap3A_2396], %gather3A_2394 {strides = array<i32>} : memref<128x128xf32, #tpu.memory_space<vmem>>, vector<16xf32>,
      } else {
      }
      %slice3A_2214 = vector.extract_strided_slice %get3A_531 {offsets = [4], sizes = [1], strides = [1]} : vector<16xi32> to vector<1xi32>
      %squeeze3A_2215 = vector.extract %slice3A_2214[0] : i32 from vector<1xi32>
      %not3A_2216 = arith.constant true
      %not3A_2217 = arith.xori %ge3A_1494, %not3A_2216 : i1
      %and3A_2218 = arith.andi %or3A_1161, %not3A_2217 : i1
      %convert_element_type3A_2219 = arith.extui %and3A_2218 : i1 to i32
      %cond3A_2220 = arith.constant 0 : i32
      %cond3A_2221 = arith.cmpi ne, %convert_element_type3A_2219, %cond3A_2220 : i32
      scf.if %cond3A_2221 {
        %jit3A_2330 = arith.constant 128 : i32
        %div3A_2331 = arith.divsi %squeeze3A_2215, %jit3A_2330 : i32
        %sign3A_2332 = arith.constant 0 : i32
        %sign3A_2333 = arith.cmpi sgt, %squeeze3A_2215, %sign3A_2332 : i32
        %sign3A_2334 = arith.extui %sign3A_2333 : i1 to i32
        %sign3A_2335 = arith.constant 0 : i32
        %sign3A_2336 = arith.cmpi slt, %squeeze3A_2215, %sign3A_2335 : i32
        %sign3A_2337 = arith.extui %sign3A_2336 : i1 to i32
        %sign3A_2338 = arith.subi %sign3A_2334, %sign3A_2337 : i32
        %sign3A_2339 = arith.constant 0 : i32
        %sign3A_2340 = arith.cmpi sgt, %jit3A_2330, %sign3A_2339 : i32
        %sign3A_2341 = arith.extui %sign3A_2340 : i1 to i32
        %sign3A_2342 = arith.constant 0 : i32
        %sign3A_2343 = arith.cmpi slt, %jit3A_2330, %sign3A_2342 : i32
        %sign3A_2344 = arith.extui %sign3A_2343 : i1 to i32
        %sign3A_2345 = arith.subi %sign3A_2341, %sign3A_2344 : i32
        %ne3A_2346 = arith.cmpi ne, %sign3A_2338, %sign3A_2345 : i32
        %rem3A_2347 = arith.remsi %squeeze3A_2215, %jit3A_2330 : i32
        %ne3A_2348 = arith.constant 0 : i32
        %ne3A_2349 = arith.cmpi ne, %rem3A_2347, %ne3A_2348 : i32
        %and3A_2350 = arith.andi %ne3A_2346, %ne3A_2349 : i1
        %sub3A_2351 = arith.constant 1 : i32
        %sub3A_2352 = arith.subi %div3A_2331, %sub3A_2351 : i32
        %select_n3A_2353 = arith.select %and3A_2350, %sub3A_2352, %div3A_2331 : i32
        %mul3A_2354 = arith.constant 128 : i32
        %mul3A_2355 = arith.muli %select_n3A_2353, %mul3A_2354 : i32
        %multiple_of3A_2356 = tpu.assume_multiple %mul3A_2355, 128 : i32
        %dma_start3A_2357 = arith.constant 0 : i32
        %dma_start3A_2358 = tpu.memref_slice %arg4[%dma_start3A_2357, %multiple_of3A_2356] : memref<100x1000000xf32, #tpu.memory_space<hbm>> -> memref<100x128xf32, #tpu.memory_space<hbm>>
        %dma_start3A_2359 = arith.constant 0 : i32
        %dma_start3A_2360 = tpu.memref_slice %arg4[%dma_start3A_2359, %multiple_of3A_2356] : memref<100x1000000xf32, #tpu.memory_space<hbm>> -> memref<100x128xf32, #tpu.memory_space<hbm>>
        tpu.enqueue_dma source(%dma_start3A_2360 : memref<100x128xf32, #tpu.memory_space<hbm>>) target(%arg12 : memref<100x128xf32, #tpu.memory_space<vmem>>) target_semaphore(%arg21 : memref<!tpu.dma_semaphore, #tpu.memory_space<semaphore_mem>>)
      } else {
      }
      %convert_element_type3A_2222 = arith.extui %or3A_981 : i1 to i32
      %cond3A_2223 = arith.constant 0 : i32
      %cond3A_2224 = arith.cmpi ne, %convert_element_type3A_2222, %cond3A_2223 : i32
      scf.if %cond3A_2224 {
        %dma_wait3A_2330 = arith.constant 0 : i32
        %dma_wait3A_2331 = arith.constant 0 : i32
        %dma_wait3A_2332 = tpu.memref_slice %arg4[%dma_wait3A_2330, %dma_wait3A_2331] : memref<100x1000000xf32, #tpu.memory_space<hbm>> -> memref<100x128xf32, #tpu.memory_space<hbm>>
        %dma_wait3A_2333 = arith.constant 0 : i32
        %dma_wait3A_2334 = arith.constant 0 : i32
        %dma_wait3A_2335 = tpu.memref_slice %arg4[%dma_wait3A_2333, %dma_wait3A_2334] : memref<100x1000000xf32, #tpu.memory_space<hbm>> -> memref<100x128xf32, #tpu.memory_space<hbm>>
        tpu.wait_dma2 semaphore(%arg23 : memref<!tpu.dma_semaphore, #tpu.memory_space<semaphore_mem>>) src(%dma_wait3A_2335 : memref<100x128xf32, #tpu.memory_space<hbm>>) dst(%arg14 : memref<100x128xf32, #tpu.memory_space<vmem>>)
      } else {
      }
      %slice3A_2225 = vector.extract_strided_slice %get3A_524 {offsets = [14], sizes = [1], strides = [1]} : vector<16xi32> to vector<1xi32>
      %squeeze3A_2226 = vector.extract %slice3A_2225[0] : i32 from vector<1xi32>
      %mul3A_2227 = arith.constant 16 : i32
      %mul3A_2228 = arith.muli %scan3A_518, %mul3A_2227 : i32
      %add3A_2229 = arith.constant 14 : i32
      %add3A_2230 = arith.addi %mul3A_2228, %add3A_2229 : i32
      %jit3A_2231 = arith.constant 128 : i32
      %div3A_2232 = arith.divsi %squeeze3A_2226, %jit3A_2231 : i32
      %sign3A_2233 = arith.constant 0 : i32
      %sign3A_2234 = arith.cmpi sgt, %squeeze3A_2226, %sign3A_2233 : i32
      %sign3A_2235 = arith.extui %sign3A_2234 : i1 to i32
      %sign3A_2236 = arith.constant 0 : i32
      %sign3A_2237 = arith.cmpi slt, %squeeze3A_2226, %sign3A_2236 : i32
      %sign3A_2238 = arith.extui %sign3A_2237 : i1 to i32
      %sign3A_2239 = arith.subi %sign3A_2235, %sign3A_2238 : i32
      %sign3A_2240 = arith.constant 0 : i32
      %sign3A_2241 = arith.cmpi sgt, %jit3A_2231, %sign3A_2240 : i32
      %sign3A_2242 = arith.extui %sign3A_2241 : i1 to i32
      %sign3A_2243 = arith.constant 0 : i32
      %sign3A_2244 = arith.cmpi slt, %jit3A_2231, %sign3A_2243 : i32
      %sign3A_2245 = arith.extui %sign3A_2244 : i1 to i32
      %sign3A_2246 = arith.subi %sign3A_2242, %sign3A_2245 : i32
      %ne3A_2247 = arith.cmpi ne, %sign3A_2239, %sign3A_2246 : i32
      %rem3A_2248 = arith.remsi %squeeze3A_2226, %jit3A_2231 : i32
      %ne3A_2249 = arith.constant 0 : i32
      %ne3A_2250 = arith.cmpi ne, %rem3A_2248, %ne3A_2249 : i32
      %and3A_2251 = arith.andi %ne3A_2247, %ne3A_2250 : i1
      %sub3A_2252 = arith.constant 1 : i32
      %sub3A_2253 = arith.subi %div3A_2232, %sub3A_2252 : i32
      %select_n3A_2254 = arith.select %and3A_2251, %sub3A_2253, %div3A_2232 : i32
      %mul3A_2255 = arith.constant 128 : i32
      %mul3A_2256 = arith.muli %select_n3A_2254, %mul3A_2255 : i32
      %multiple_of3A_2257 = tpu.assume_multiple %mul3A_2256, 128 : i32
      %sub3A_2258 = arith.subi %squeeze3A_2226, %multiple_of3A_2257 : i32
      %broadcast_in_dim3A_2259 = vector.broadcast %sub3A_2258 : i32 to vector<16xi32>
      %convert_element_type3A_2260 = arith.extui %or3A_981 : i1 to i32
      %cond3A_2261 = arith.constant 0 : i32
      %cond3A_2262 = arith.cmpi ne, %convert_element_type3A_2260, %cond3A_2261 : i32
      scf.if %cond3A_2262 {
        %add3A_2330 = arith.constant 0 : i32
        %add3A_2331 = vector.broadcast %add3A_2330 : i32 to vector<16xi32>
        %add3A_2332 = arith.addi %iota3A, %add3A_2331 : vector<16xi32>
        %min3A_2333 = arith.constant 99 : i32
        %min3A_2334 = vector.broadcast %min3A_2333 : i32 to vector<16xi32>
        %min3A_2335 = arith.minsi %add3A_2332, %min3A_2334 : vector<16xi32>
        %gather3A = tpu.vector_load_idx %arg14[%min3A_2335, %broadcast_in_dim3A_2259] : memref<100x128xf32, #tpu.memory_space<vmem>>[vector<16xi32>, vector<16xi32>], vector<16xf32>,
        %swap3A = arith.index_cast %add3A_2230 : i32 to index
        %swap3A_2336 = arith.constant 0 : index
        %swap3A_2337 = tpu.vector_load %arg16[%swap3A, %swap3A_2336] {strides = array<i32>} : memref<128x128xf32, #tpu.memory_space<vmem>>, vector<16xf32>,
        tpu.vector_store %arg16[%swap3A, %swap3A_2336], %gather3A {strides = array<i32>} : memref<128x128xf32, #tpu.memory_space<vmem>>, vector<16xf32>,
        %add3A_2338 = arith.constant 16 : i32
        %add3A_2339 = vector.broadcast %add3A_2338 : i32 to vector<16xi32>
        %add3A_2340 = arith.addi %iota3A, %add3A_2339 : vector<16xi32>
        %min3A_2341 = arith.constant 99 : i32
        %min3A_2342 = vector.broadcast %min3A_2341 : i32 to vector<16xi32>
        %min3A_2343 = arith.minsi %add3A_2340, %min3A_2342 : vector<16xi32>
        %gather3A_2344 = tpu.vector_load_idx %arg14[%min3A_2343, %broadcast_in_dim3A_2259] : memref<100x128xf32, #tpu.memory_space<vmem>>[vector<16xi32>, vector<16xi32>], vector<16xf32>,
        %swap3A_2345 = arith.index_cast %add3A_2230 : i32 to index
        %swap3A_2346 = arith.constant 16 : index
        %swap3A_2347 = tpu.vector_load %arg16[%swap3A_2345, %swap3A_2346] {strides = array<i32>} : memref<128x128xf32, #tpu.memory_space<vmem>>, vector<16xf32>,
        tpu.vector_store %arg16[%swap3A_2345, %swap3A_2346], %gather3A_2344 {strides = array<i32>} : memref<128x128xf32, #tpu.memory_space<vmem>>, vector<16xf32>,
        %add3A_2348 = arith.constant 32 : i32
        %add3A_2349 = vector.broadcast %add3A_2348 : i32 to vector<16xi32>
        %add3A_2350 = arith.addi %iota3A, %add3A_2349 : vector<16xi32>
        %min3A_2351 = arith.constant 99 : i32
        %min3A_2352 = vector.broadcast %min3A_2351 : i32 to vector<16xi32>
        %min3A_2353 = arith.minsi %add3A_2350, %min3A_2352 : vector<16xi32>
        %gather3A_2354 = tpu.vector_load_idx %arg14[%min3A_2353, %broadcast_in_dim3A_2259] : memref<100x128xf32, #tpu.memory_space<vmem>>[vector<16xi32>, vector<16xi32>], vector<16xf32>,
        %swap3A_2355 = arith.index_cast %add3A_2230 : i32 to index
        %swap3A_2356 = arith.constant 32 : index
        %swap3A_2357 = tpu.vector_load %arg16[%swap3A_2355, %swap3A_2356] {strides = array<i32>} : memref<128x128xf32, #tpu.memory_space<vmem>>, vector<16xf32>,
        tpu.vector_store %arg16[%swap3A_2355, %swap3A_2356], %gather3A_2354 {strides = array<i32>} : memref<128x128xf32, #tpu.memory_space<vmem>>, vector<16xf32>,
        %add3A_2358 = arith.constant 48 : i32
        %add3A_2359 = vector.broadcast %add3A_2358 : i32 to vector<16xi32>
        %add3A_2360 = arith.addi %iota3A, %add3A_2359 : vector<16xi32>
        %min3A_2361 = arith.constant 99 : i32
        %min3A_2362 = vector.broadcast %min3A_2361 : i32 to vector<16xi32>
        %min3A_2363 = arith.minsi %add3A_2360, %min3A_2362 : vector<16xi32>
        %gather3A_2364 = tpu.vector_load_idx %arg14[%min3A_2363, %broadcast_in_dim3A_2259] : memref<100x128xf32, #tpu.memory_space<vmem>>[vector<16xi32>, vector<16xi32>], vector<16xf32>,
        %swap3A_2365 = arith.index_cast %add3A_2230 : i32 to index
        %swap3A_2366 = arith.constant 48 : index
        %swap3A_2367 = tpu.vector_load %arg16[%swap3A_2365, %swap3A_2366] {strides = array<i32>} : memref<128x128xf32, #tpu.memory_space<vmem>>, vector<16xf32>,
        tpu.vector_store %arg16[%swap3A_2365, %swap3A_2366], %gather3A_2364 {strides = array<i32>} : memref<128x128xf32, #tpu.memory_space<vmem>>, vector<16xf32>,
        %add3A_2368 = arith.constant 64 : i32
        %add3A_2369 = vector.broadcast %add3A_2368 : i32 to vector<16xi32>
        %add3A_2370 = arith.addi %iota3A, %add3A_2369 : vector<16xi32>
        %min3A_2371 = arith.constant 99 : i32
        %min3A_2372 = vector.broadcast %min3A_2371 : i32 to vector<16xi32>
        %min3A_2373 = arith.minsi %add3A_2370, %min3A_2372 : vector<16xi32>
        %gather3A_2374 = tpu.vector_load_idx %arg14[%min3A_2373, %broadcast_in_dim3A_2259] : memref<100x128xf32, #tpu.memory_space<vmem>>[vector<16xi32>, vector<16xi32>], vector<16xf32>,
        %swap3A_2375 = arith.index_cast %add3A_2230 : i32 to index
        %swap3A_2376 = arith.constant 64 : index
        %swap3A_2377 = tpu.vector_load %arg16[%swap3A_2375, %swap3A_2376] {strides = array<i32>} : memref<128x128xf32, #tpu.memory_space<vmem>>, vector<16xf32>,
        tpu.vector_store %arg16[%swap3A_2375, %swap3A_2376], %gather3A_2374 {strides = array<i32>} : memref<128x128xf32, #tpu.memory_space<vmem>>, vector<16xf32>,
        %add3A_2378 = arith.constant 80 : i32
        %add3A_2379 = vector.broadcast %add3A_2378 : i32 to vector<16xi32>
        %add3A_2380 = arith.addi %iota3A, %add3A_2379 : vector<16xi32>
        %min3A_2381 = arith.constant 99 : i32
        %min3A_2382 = vector.broadcast %min3A_2381 : i32 to vector<16xi32>
        %min3A_2383 = arith.minsi %add3A_2380, %min3A_2382 : vector<16xi32>
        %gather3A_2384 = tpu.vector_load_idx %arg14[%min3A_2383, %broadcast_in_dim3A_2259] : memref<100x128xf32, #tpu.memory_space<vmem>>[vector<16xi32>, vector<16xi32>], vector<16xf32>,
        %swap3A_2385 = arith.index_cast %add3A_2230 : i32 to index
        %swap3A_2386 = arith.constant 80 : index
        %swap3A_2387 = tpu.vector_load %arg16[%swap3A_2385, %swap3A_2386] {strides = array<i32>} : memref<128x128xf32, #tpu.memory_space<vmem>>, vector<16xf32>,
        tpu.vector_store %arg16[%swap3A_2385, %swap3A_2386], %gather3A_2384 {strides = array<i32>} : memref<128x128xf32, #tpu.memory_space<vmem>>, vector<16xf32>,
        %add3A_2388 = arith.constant 96 : i32
        %add3A_2389 = vector.broadcast %add3A_2388 : i32 to vector<16xi32>
        %add3A_2390 = arith.addi %iota3A, %add3A_2389 : vector<16xi32>
        %min3A_2391 = arith.constant 99 : i32
        %min3A_2392 = vector.broadcast %min3A_2391 : i32 to vector<16xi32>
        %min3A_2393 = arith.minsi %add3A_2390, %min3A_2392 : vector<16xi32>
        %gather3A_2394 = tpu.vector_load_idx %arg14[%min3A_2393, %broadcast_in_dim3A_2259] : memref<100x128xf32, #tpu.memory_space<vmem>>[vector<16xi32>, vector<16xi32>], vector<16xf32>,
        %swap3A_2395 = arith.index_cast %add3A_2230 : i32 to index
        %swap3A_2396 = arith.constant 96 : index
        %swap3A_2397 = tpu.vector_load %arg16[%swap3A_2395, %swap3A_2396] {strides = array<i32>} : memref<128x128xf32, #tpu.memory_space<vmem>>, vector<16xf32>,
        tpu.vector_store %arg16[%swap3A_2395, %swap3A_2396], %gather3A_2394 {strides = array<i32>} : memref<128x128xf32, #tpu.memory_space<vmem>>, vector<16xf32>,
      } else {
      }
      %not3A_2263 = arith.constant true
      %not3A_2264 = arith.xori %or3A_981, %not3A_2263 : i1
      %convert_element_type3A_2265 = arith.extui %not3A_2264 : i1 to i32
      %cond3A_2266 = arith.constant 0 : i32
      %cond3A_2267 = arith.cmpi ne, %convert_element_type3A_2265, %cond3A_2266 : i32
      scf.if %cond3A_2267 {
        %add3A_2330 = arith.constant 0 : i32
        %add3A_2331 = vector.broadcast %add3A_2330 : i32 to vector<16xi32>
        %add3A_2332 = arith.addi %iota3A, %add3A_2331 : vector<16xi32>
        %min3A_2333 = arith.constant 99 : i32
        %min3A_2334 = vector.broadcast %min3A_2333 : i32 to vector<16xi32>
        %min3A_2335 = arith.minsi %add3A_2332, %min3A_2334 : vector<16xi32>
        %gather3A = tpu.vector_load_idx %arg13[%min3A_2335, %broadcast_in_dim3A_2259] : memref<100x128xf32, #tpu.memory_space<vmem>>[vector<16xi32>, vector<16xi32>], vector<16xf32>,
        %swap3A = arith.index_cast %add3A_2230 : i32 to index
        %swap3A_2336 = arith.constant 0 : index
        %swap3A_2337 = tpu.vector_load %arg16[%swap3A, %swap3A_2336] {strides = array<i32>} : memref<128x128xf32, #tpu.memory_space<vmem>>, vector<16xf32>,
        tpu.vector_store %arg16[%swap3A, %swap3A_2336], %gather3A {strides = array<i32>} : memref<128x128xf32, #tpu.memory_space<vmem>>, vector<16xf32>,
        %add3A_2338 = arith.constant 16 : i32
        %add3A_2339 = vector.broadcast %add3A_2338 : i32 to vector<16xi32>
        %add3A_2340 = arith.addi %iota3A, %add3A_2339 : vector<16xi32>
        %min3A_2341 = arith.constant 99 : i32
        %min3A_2342 = vector.broadcast %min3A_2341 : i32 to vector<16xi32>
        %min3A_2343 = arith.minsi %add3A_2340, %min3A_2342 : vector<16xi32>
        %gather3A_2344 = tpu.vector_load_idx %arg13[%min3A_2343, %broadcast_in_dim3A_2259] : memref<100x128xf32, #tpu.memory_space<vmem>>[vector<16xi32>, vector<16xi32>], vector<16xf32>,
        %swap3A_2345 = arith.index_cast %add3A_2230 : i32 to index
        %swap3A_2346 = arith.constant 16 : index
        %swap3A_2347 = tpu.vector_load %arg16[%swap3A_2345, %swap3A_2346] {strides = array<i32>} : memref<128x128xf32, #tpu.memory_space<vmem>>, vector<16xf32>,
        tpu.vector_store %arg16[%swap3A_2345, %swap3A_2346], %gather3A_2344 {strides = array<i32>} : memref<128x128xf32, #tpu.memory_space<vmem>>, vector<16xf32>,
        %add3A_2348 = arith.constant 32 : i32
        %add3A_2349 = vector.broadcast %add3A_2348 : i32 to vector<16xi32>
        %add3A_2350 = arith.addi %iota3A, %add3A_2349 : vector<16xi32>
        %min3A_2351 = arith.constant 99 : i32
        %min3A_2352 = vector.broadcast %min3A_2351 : i32 to vector<16xi32>
        %min3A_2353 = arith.minsi %add3A_2350, %min3A_2352 : vector<16xi32>
        %gather3A_2354 = tpu.vector_load_idx %arg13[%min3A_2353, %broadcast_in_dim3A_2259] : memref<100x128xf32, #tpu.memory_space<vmem>>[vector<16xi32>, vector<16xi32>], vector<16xf32>,
        %swap3A_2355 = arith.index_cast %add3A_2230 : i32 to index
        %swap3A_2356 = arith.constant 32 : index
        %swap3A_2357 = tpu.vector_load %arg16[%swap3A_2355, %swap3A_2356] {strides = array<i32>} : memref<128x128xf32, #tpu.memory_space<vmem>>, vector<16xf32>,
        tpu.vector_store %arg16[%swap3A_2355, %swap3A_2356], %gather3A_2354 {strides = array<i32>} : memref<128x128xf32, #tpu.memory_space<vmem>>, vector<16xf32>,
        %add3A_2358 = arith.constant 48 : i32
        %add3A_2359 = vector.broadcast %add3A_2358 : i32 to vector<16xi32>
        %add3A_2360 = arith.addi %iota3A, %add3A_2359 : vector<16xi32>
        %min3A_2361 = arith.constant 99 : i32
        %min3A_2362 = vector.broadcast %min3A_2361 : i32 to vector<16xi32>
        %min3A_2363 = arith.minsi %add3A_2360, %min3A_2362 : vector<16xi32>
        %gather3A_2364 = tpu.vector_load_idx %arg13[%min3A_2363, %broadcast_in_dim3A_2259] : memref<100x128xf32, #tpu.memory_space<vmem>>[vector<16xi32>, vector<16xi32>], vector<16xf32>,
        %swap3A_2365 = arith.index_cast %add3A_2230 : i32 to index
        %swap3A_2366 = arith.constant 48 : index
        %swap3A_2367 = tpu.vector_load %arg16[%swap3A_2365, %swap3A_2366] {strides = array<i32>} : memref<128x128xf32, #tpu.memory_space<vmem>>, vector<16xf32>,
        tpu.vector_store %arg16[%swap3A_2365, %swap3A_2366], %gather3A_2364 {strides = array<i32>} : memref<128x128xf32, #tpu.memory_space<vmem>>, vector<16xf32>,
        %add3A_2368 = arith.constant 64 : i32
        %add3A_2369 = vector.broadcast %add3A_2368 : i32 to vector<16xi32>
        %add3A_2370 = arith.addi %iota3A, %add3A_2369 : vector<16xi32>
        %min3A_2371 = arith.constant 99 : i32
        %min3A_2372 = vector.broadcast %min3A_2371 : i32 to vector<16xi32>
        %min3A_2373 = arith.minsi %add3A_2370, %min3A_2372 : vector<16xi32>
        %gather3A_2374 = tpu.vector_load_idx %arg13[%min3A_2373, %broadcast_in_dim3A_2259] : memref<100x128xf32, #tpu.memory_space<vmem>>[vector<16xi32>, vector<16xi32>], vector<16xf32>,
        %swap3A_2375 = arith.index_cast %add3A_2230 : i32 to index
        %swap3A_2376 = arith.constant 64 : index
        %swap3A_2377 = tpu.vector_load %arg16[%swap3A_2375, %swap3A_2376] {strides = array<i32>} : memref<128x128xf32, #tpu.memory_space<vmem>>, vector<16xf32>,
        tpu.vector_store %arg16[%swap3A_2375, %swap3A_2376], %gather3A_2374 {strides = array<i32>} : memref<128x128xf32, #tpu.memory_space<vmem>>, vector<16xf32>,
        %add3A_2378 = arith.constant 80 : i32
        %add3A_2379 = vector.broadcast %add3A_2378 : i32 to vector<16xi32>
        %add3A_2380 = arith.addi %iota3A, %add3A_2379 : vector<16xi32>
        %min3A_2381 = arith.constant 99 : i32
        %min3A_2382 = vector.broadcast %min3A_2381 : i32 to vector<16xi32>
        %min3A_2383 = arith.minsi %add3A_2380, %min3A_2382 : vector<16xi32>
        %gather3A_2384 = tpu.vector_load_idx %arg13[%min3A_2383, %broadcast_in_dim3A_2259] : memref<100x128xf32, #tpu.memory_space<vmem>>[vector<16xi32>, vector<16xi32>], vector<16xf32>,
        %swap3A_2385 = arith.index_cast %add3A_2230 : i32 to index
        %swap3A_2386 = arith.constant 80 : index
        %swap3A_2387 = tpu.vector_load %arg16[%swap3A_2385, %swap3A_2386] {strides = array<i32>} : memref<128x128xf32, #tpu.memory_space<vmem>>, vector<16xf32>,
        tpu.vector_store %arg16[%swap3A_2385, %swap3A_2386], %gather3A_2384 {strides = array<i32>} : memref<128x128xf32, #tpu.memory_space<vmem>>, vector<16xf32>,
        %add3A_2388 = arith.constant 96 : i32
        %add3A_2389 = vector.broadcast %add3A_2388 : i32 to vector<16xi32>
        %add3A_2390 = arith.addi %iota3A, %add3A_2389 : vector<16xi32>
        %min3A_2391 = arith.constant 99 : i32
        %min3A_2392 = vector.broadcast %min3A_2391 : i32 to vector<16xi32>
        %min3A_2393 = arith.minsi %add3A_2390, %min3A_2392 : vector<16xi32>
        %gather3A_2394 = tpu.vector_load_idx %arg13[%min3A_2393, %broadcast_in_dim3A_2259] : memref<100x128xf32, #tpu.memory_space<vmem>>[vector<16xi32>, vector<16xi32>], vector<16xf32>,
        %swap3A_2395 = arith.index_cast %add3A_2230 : i32 to index
        %swap3A_2396 = arith.constant 96 : index
        %swap3A_2397 = tpu.vector_load %arg16[%swap3A_2395, %swap3A_2396] {strides = array<i32>} : memref<128x128xf32, #tpu.memory_space<vmem>>, vector<16xf32>,
        tpu.vector_store %arg16[%swap3A_2395, %swap3A_2396], %gather3A_2394 {strides = array<i32>} : memref<128x128xf32, #tpu.memory_space<vmem>>, vector<16xf32>,
      } else {
      }
      %slice3A_2268 = vector.extract_strided_slice %get3A_531 {offsets = [5], sizes = [1], strides = [1]} : vector<16xi32> to vector<1xi32>
      %squeeze3A_2269 = vector.extract %slice3A_2268[0] : i32 from vector<1xi32>
      %not3A_2270 = arith.constant true
      %not3A_2271 = arith.xori %ge3A_1494, %not3A_2270 : i1
      %and3A_2272 = arith.andi %or3A_1191, %not3A_2271 : i1
      %convert_element_type3A_2273 = arith.extui %and3A_2272 : i1 to i32
      %cond3A_2274 = arith.constant 0 : i32
      %cond3A_2275 = arith.cmpi ne, %convert_element_type3A_2273, %cond3A_2274 : i32
      scf.if %cond3A_2275 {
        %jit3A_2330 = arith.constant 128 : i32
        %div3A_2331 = arith.divsi %squeeze3A_2269, %jit3A_2330 : i32
        %sign3A_2332 = arith.constant 0 : i32
        %sign3A_2333 = arith.cmpi sgt, %squeeze3A_2269, %sign3A_2332 : i32
        %sign3A_2334 = arith.extui %sign3A_2333 : i1 to i32
        %sign3A_2335 = arith.constant 0 : i32
        %sign3A_2336 = arith.cmpi slt, %squeeze3A_2269, %sign3A_2335 : i32
        %sign3A_2337 = arith.extui %sign3A_2336 : i1 to i32
        %sign3A_2338 = arith.subi %sign3A_2334, %sign3A_2337 : i32
        %sign3A_2339 = arith.constant 0 : i32
        %sign3A_2340 = arith.cmpi sgt, %jit3A_2330, %sign3A_2339 : i32
        %sign3A_2341 = arith.extui %sign3A_2340 : i1 to i32
        %sign3A_2342 = arith.constant 0 : i32
        %sign3A_2343 = arith.cmpi slt, %jit3A_2330, %sign3A_2342 : i32
        %sign3A_2344 = arith.extui %sign3A_2343 : i1 to i32
        %sign3A_2345 = arith.subi %sign3A_2341, %sign3A_2344 : i32
        %ne3A_2346 = arith.cmpi ne, %sign3A_2338, %sign3A_2345 : i32
        %rem3A_2347 = arith.remsi %squeeze3A_2269, %jit3A_2330 : i32
        %ne3A_2348 = arith.constant 0 : i32
        %ne3A_2349 = arith.cmpi ne, %rem3A_2347, %ne3A_2348 : i32
        %and3A_2350 = arith.andi %ne3A_2346, %ne3A_2349 : i1
        %sub3A_2351 = arith.constant 1 : i32
        %sub3A_2352 = arith.subi %div3A_2331, %sub3A_2351 : i32
        %select_n3A_2353 = arith.select %and3A_2350, %sub3A_2352, %div3A_2331 : i32
        %mul3A_2354 = arith.constant 128 : i32
        %mul3A_2355 = arith.muli %select_n3A_2353, %mul3A_2354 : i32
        %multiple_of3A_2356 = tpu.assume_multiple %mul3A_2355, 128 : i32
        %dma_start3A_2357 = arith.constant 0 : i32
        %dma_start3A_2358 = tpu.memref_slice %arg4[%dma_start3A_2357, %multiple_of3A_2356] : memref<100x1000000xf32, #tpu.memory_space<hbm>> -> memref<100x128xf32, #tpu.memory_space<hbm>>
        %dma_start3A_2359 = arith.constant 0 : i32
        %dma_start3A_2360 = tpu.memref_slice %arg4[%dma_start3A_2359, %multiple_of3A_2356] : memref<100x1000000xf32, #tpu.memory_space<hbm>> -> memref<100x128xf32, #tpu.memory_space<hbm>>
        tpu.enqueue_dma source(%dma_start3A_2360 : memref<100x128xf32, #tpu.memory_space<hbm>>) target(%arg13 : memref<100x128xf32, #tpu.memory_space<vmem>>) target_semaphore(%arg22 : memref<!tpu.dma_semaphore, #tpu.memory_space<semaphore_mem>>)
      } else {
      }
      %convert_element_type3A_2276 = arith.extui %or3A_1011 : i1 to i32
      %cond3A_2277 = arith.constant 0 : i32
      %cond3A_2278 = arith.cmpi ne, %convert_element_type3A_2276, %cond3A_2277 : i32
      scf.if %cond3A_2278 {
        %dma_wait3A_2330 = arith.constant 0 : i32
        %dma_wait3A_2331 = arith.constant 0 : i32
        %dma_wait3A_2332 = tpu.memref_slice %arg4[%dma_wait3A_2330, %dma_wait3A_2331] : memref<100x1000000xf32, #tpu.memory_space<hbm>> -> memref<100x128xf32, #tpu.memory_space<hbm>>
        %dma_wait3A_2333 = arith.constant 0 : i32
        %dma_wait3A_2334 = arith.constant 0 : i32
        %dma_wait3A_2335 = tpu.memref_slice %arg4[%dma_wait3A_2333, %dma_wait3A_2334] : memref<100x1000000xf32, #tpu.memory_space<hbm>> -> memref<100x128xf32, #tpu.memory_space<hbm>>
        tpu.wait_dma2 semaphore(%arg24 : memref<!tpu.dma_semaphore, #tpu.memory_space<semaphore_mem>>) src(%dma_wait3A_2335 : memref<100x128xf32, #tpu.memory_space<hbm>>) dst(%arg15 : memref<100x128xf32, #tpu.memory_space<vmem>>)
      } else {
      }
      %slice3A_2279 = vector.extract_strided_slice %get3A_524 {offsets = [15], sizes = [1], strides = [1]} : vector<16xi32> to vector<1xi32>
      %squeeze3A_2280 = vector.extract %slice3A_2279[0] : i32 from vector<1xi32>
      %mul3A_2281 = arith.constant 16 : i32
      %mul3A_2282 = arith.muli %scan3A_518, %mul3A_2281 : i32
      %add3A_2283 = arith.constant 15 : i32
      %add3A_2284 = arith.addi %mul3A_2282, %add3A_2283 : i32
      %jit3A_2285 = arith.constant 128 : i32
      %div3A_2286 = arith.divsi %squeeze3A_2280, %jit3A_2285 : i32
      %sign3A_2287 = arith.constant 0 : i32
      %sign3A_2288 = arith.cmpi sgt, %squeeze3A_2280, %sign3A_2287 : i32
      %sign3A_2289 = arith.extui %sign3A_2288 : i1 to i32
      %sign3A_2290 = arith.constant 0 : i32
      %sign3A_2291 = arith.cmpi slt, %squeeze3A_2280, %sign3A_2290 : i32
      %sign3A_2292 = arith.extui %sign3A_2291 : i1 to i32
      %sign3A_2293 = arith.subi %sign3A_2289, %sign3A_2292 : i32
      %sign3A_2294 = arith.constant 0 : i32
      %sign3A_2295 = arith.cmpi sgt, %jit3A_2285, %sign3A_2294 : i32
      %sign3A_2296 = arith.extui %sign3A_2295 : i1 to i32
      %sign3A_2297 = arith.constant 0 : i32
      %sign3A_2298 = arith.cmpi slt, %jit3A_2285, %sign3A_2297 : i32
      %sign3A_2299 = arith.extui %sign3A_2298 : i1 to i32
      %sign3A_2300 = arith.subi %sign3A_2296, %sign3A_2299 : i32
      %ne3A_2301 = arith.cmpi ne, %sign3A_2293, %sign3A_2300 : i32
      %rem3A_2302 = arith.remsi %squeeze3A_2280, %jit3A_2285 : i32
      %ne3A_2303 = arith.constant 0 : i32
      %ne3A_2304 = arith.cmpi ne, %rem3A_2302, %ne3A_2303 : i32
      %and3A_2305 = arith.andi %ne3A_2301, %ne3A_2304 : i1
      %sub3A_2306 = arith.constant 1 : i32
      %sub3A_2307 = arith.subi %div3A_2286, %sub3A_2306 : i32
      %select_n3A_2308 = arith.select %and3A_2305, %sub3A_2307, %div3A_2286 : i32
      %mul3A_2309 = arith.constant 128 : i32
      %mul3A_2310 = arith.muli %select_n3A_2308, %mul3A_2309 : i32
      %multiple_of3A_2311 = tpu.assume_multiple %mul3A_2310, 128 : i32
      %sub3A_2312 = arith.subi %squeeze3A_2280, %multiple_of3A_2311 : i32
      %broadcast_in_dim3A_2313 = vector.broadcast %sub3A_2312 : i32 to vector<16xi32>
      %convert_element_type3A_2314 = arith.extui %or3A_1011 : i1 to i32
      %cond3A_2315 = arith.constant 0 : i32
      %cond3A_2316 = arith.cmpi ne, %convert_element_type3A_2314, %cond3A_2315 : i32
      scf.if %cond3A_2316 {
        %add3A_2330 = arith.constant 0 : i32
        %add3A_2331 = vector.broadcast %add3A_2330 : i32 to vector<16xi32>
        %add3A_2332 = arith.addi %iota3A, %add3A_2331 : vector<16xi32>
        %min3A_2333 = arith.constant 99 : i32
        %min3A_2334 = vector.broadcast %min3A_2333 : i32 to vector<16xi32>
        %min3A_2335 = arith.minsi %add3A_2332, %min3A_2334 : vector<16xi32>
        %gather3A = tpu.vector_load_idx %arg15[%min3A_2335, %broadcast_in_dim3A_2313] : memref<100x128xf32, #tpu.memory_space<vmem>>[vector<16xi32>, vector<16xi32>], vector<16xf32>,
        %swap3A = arith.index_cast %add3A_2284 : i32 to index
        %swap3A_2336 = arith.constant 0 : index
        %swap3A_2337 = tpu.vector_load %arg16[%swap3A, %swap3A_2336] {strides = array<i32>} : memref<128x128xf32, #tpu.memory_space<vmem>>, vector<16xf32>,
        tpu.vector_store %arg16[%swap3A, %swap3A_2336], %gather3A {strides = array<i32>} : memref<128x128xf32, #tpu.memory_space<vmem>>, vector<16xf32>,
        %add3A_2338 = arith.constant 16 : i32
        %add3A_2339 = vector.broadcast %add3A_2338 : i32 to vector<16xi32>
        %add3A_2340 = arith.addi %iota3A, %add3A_2339 : vector<16xi32>
        %min3A_2341 = arith.constant 99 : i32
        %min3A_2342 = vector.broadcast %min3A_2341 : i32 to vector<16xi32>
        %min3A_2343 = arith.minsi %add3A_2340, %min3A_2342 : vector<16xi32>
        %gather3A_2344 = tpu.vector_load_idx %arg15[%min3A_2343, %broadcast_in_dim3A_2313] : memref<100x128xf32, #tpu.memory_space<vmem>>[vector<16xi32>, vector<16xi32>], vector<16xf32>,
        %swap3A_2345 = arith.index_cast %add3A_2284 : i32 to index
        %swap3A_2346 = arith.constant 16 : index
        %swap3A_2347 = tpu.vector_load %arg16[%swap3A_2345, %swap3A_2346] {strides = array<i32>} : memref<128x128xf32, #tpu.memory_space<vmem>>, vector<16xf32>,
        tpu.vector_store %arg16[%swap3A_2345, %swap3A_2346], %gather3A_2344 {strides = array<i32>} : memref<128x128xf32, #tpu.memory_space<vmem>>, vector<16xf32>,
        %add3A_2348 = arith.constant 32 : i32
        %add3A_2349 = vector.broadcast %add3A_2348 : i32 to vector<16xi32>
        %add3A_2350 = arith.addi %iota3A, %add3A_2349 : vector<16xi32>
        %min3A_2351 = arith.constant 99 : i32
        %min3A_2352 = vector.broadcast %min3A_2351 : i32 to vector<16xi32>
        %min3A_2353 = arith.minsi %add3A_2350, %min3A_2352 : vector<16xi32>
        %gather3A_2354 = tpu.vector_load_idx %arg15[%min3A_2353, %broadcast_in_dim3A_2313] : memref<100x128xf32, #tpu.memory_space<vmem>>[vector<16xi32>, vector<16xi32>], vector<16xf32>,
        %swap3A_2355 = arith.index_cast %add3A_2284 : i32 to index
        %swap3A_2356 = arith.constant 32 : index
        %swap3A_2357 = tpu.vector_load %arg16[%swap3A_2355, %swap3A_2356] {strides = array<i32>} : memref<128x128xf32, #tpu.memory_space<vmem>>, vector<16xf32>,
        tpu.vector_store %arg16[%swap3A_2355, %swap3A_2356], %gather3A_2354 {strides = array<i32>} : memref<128x128xf32, #tpu.memory_space<vmem>>, vector<16xf32>,
        %add3A_2358 = arith.constant 48 : i32
        %add3A_2359 = vector.broadcast %add3A_2358 : i32 to vector<16xi32>
        %add3A_2360 = arith.addi %iota3A, %add3A_2359 : vector<16xi32>
        %min3A_2361 = arith.constant 99 : i32
        %min3A_2362 = vector.broadcast %min3A_2361 : i32 to vector<16xi32>
        %min3A_2363 = arith.minsi %add3A_2360, %min3A_2362 : vector<16xi32>
        %gather3A_2364 = tpu.vector_load_idx %arg15[%min3A_2363, %broadcast_in_dim3A_2313] : memref<100x128xf32, #tpu.memory_space<vmem>>[vector<16xi32>, vector<16xi32>], vector<16xf32>,
        %swap3A_2365 = arith.index_cast %add3A_2284 : i32 to index
        %swap3A_2366 = arith.constant 48 : index
        %swap3A_2367 = tpu.vector_load %arg16[%swap3A_2365, %swap3A_2366] {strides = array<i32>} : memref<128x128xf32, #tpu.memory_space<vmem>>, vector<16xf32>,
        tpu.vector_store %arg16[%swap3A_2365, %swap3A_2366], %gather3A_2364 {strides = array<i32>} : memref<128x128xf32, #tpu.memory_space<vmem>>, vector<16xf32>,
        %add3A_2368 = arith.constant 64 : i32
        %add3A_2369 = vector.broadcast %add3A_2368 : i32 to vector<16xi32>
        %add3A_2370 = arith.addi %iota3A, %add3A_2369 : vector<16xi32>
        %min3A_2371 = arith.constant 99 : i32
        %min3A_2372 = vector.broadcast %min3A_2371 : i32 to vector<16xi32>
        %min3A_2373 = arith.minsi %add3A_2370, %min3A_2372 : vector<16xi32>
        %gather3A_2374 = tpu.vector_load_idx %arg15[%min3A_2373, %broadcast_in_dim3A_2313] : memref<100x128xf32, #tpu.memory_space<vmem>>[vector<16xi32>, vector<16xi32>], vector<16xf32>,
        %swap3A_2375 = arith.index_cast %add3A_2284 : i32 to index
        %swap3A_2376 = arith.constant 64 : index
        %swap3A_2377 = tpu.vector_load %arg16[%swap3A_2375, %swap3A_2376] {strides = array<i32>} : memref<128x128xf32, #tpu.memory_space<vmem>>, vector<16xf32>,
        tpu.vector_store %arg16[%swap3A_2375, %swap3A_2376], %gather3A_2374 {strides = array<i32>} : memref<128x128xf32, #tpu.memory_space<vmem>>, vector<16xf32>,
        %add3A_2378 = arith.constant 80 : i32
        %add3A_2379 = vector.broadcast %add3A_2378 : i32 to vector<16xi32>
        %add3A_2380 = arith.addi %iota3A, %add3A_2379 : vector<16xi32>
        %min3A_2381 = arith.constant 99 : i32
        %min3A_2382 = vector.broadcast %min3A_2381 : i32 to vector<16xi32>
        %min3A_2383 = arith.minsi %add3A_2380, %min3A_2382 : vector<16xi32>
        %gather3A_2384 = tpu.vector_load_idx %arg15[%min3A_2383, %broadcast_in_dim3A_2313] : memref<100x128xf32, #tpu.memory_space<vmem>>[vector<16xi32>, vector<16xi32>], vector<16xf32>,
        %swap3A_2385 = arith.index_cast %add3A_2284 : i32 to index
        %swap3A_2386 = arith.constant 80 : index
        %swap3A_2387 = tpu.vector_load %arg16[%swap3A_2385, %swap3A_2386] {strides = array<i32>} : memref<128x128xf32, #tpu.memory_space<vmem>>, vector<16xf32>,
        tpu.vector_store %arg16[%swap3A_2385, %swap3A_2386], %gather3A_2384 {strides = array<i32>} : memref<128x128xf32, #tpu.memory_space<vmem>>, vector<16xf32>,
        %add3A_2388 = arith.constant 96 : i32
        %add3A_2389 = vector.broadcast %add3A_2388 : i32 to vector<16xi32>
        %add3A_2390 = arith.addi %iota3A, %add3A_2389 : vector<16xi32>
        %min3A_2391 = arith.constant 99 : i32
        %min3A_2392 = vector.broadcast %min3A_2391 : i32 to vector<16xi32>
        %min3A_2393 = arith.minsi %add3A_2390, %min3A_2392 : vector<16xi32>
        %gather3A_2394 = tpu.vector_load_idx %arg15[%min3A_2393, %broadcast_in_dim3A_2313] : memref<100x128xf32, #tpu.memory_space<vmem>>[vector<16xi32>, vector<16xi32>], vector<16xf32>,
        %swap3A_2395 = arith.index_cast %add3A_2284 : i32 to index
        %swap3A_2396 = arith.constant 96 : index
        %swap3A_2397 = tpu.vector_load %arg16[%swap3A_2395, %swap3A_2396] {strides = array<i32>} : memref<128x128xf32, #tpu.memory_space<vmem>>, vector<16xf32>,
        tpu.vector_store %arg16[%swap3A_2395, %swap3A_2396], %gather3A_2394 {strides = array<i32>} : memref<128x128xf32, #tpu.memory_space<vmem>>, vector<16xf32>,
      } else {
      }
      %not3A_2317 = arith.constant true
      %not3A_2318 = arith.xori %or3A_1011, %not3A_2317 : i1
      %convert_element_type3A_2319 = arith.extui %not3A_2318 : i1 to i32
      %cond3A_2320 = arith.constant 0 : i32
      %cond3A_2321 = arith.cmpi ne, %convert_element_type3A_2319, %cond3A_2320 : i32
      scf.if %cond3A_2321 {
        %add3A_2330 = arith.constant 0 : i32
        %add3A_2331 = vector.broadcast %add3A_2330 : i32 to vector<16xi32>
        %add3A_2332 = arith.addi %iota3A, %add3A_2331 : vector<16xi32>
        %min3A_2333 = arith.constant 99 : i32
        %min3A_2334 = vector.broadcast %min3A_2333 : i32 to vector<16xi32>
        %min3A_2335 = arith.minsi %add3A_2332, %min3A_2334 : vector<16xi32>
        %gather3A = tpu.vector_load_idx %arg14[%min3A_2335, %broadcast_in_dim3A_2313] : memref<100x128xf32, #tpu.memory_space<vmem>>[vector<16xi32>, vector<16xi32>], vector<16xf32>,
        %swap3A = arith.index_cast %add3A_2284 : i32 to index
        %swap3A_2336 = arith.constant 0 : index
        %swap3A_2337 = tpu.vector_load %arg16[%swap3A, %swap3A_2336] {strides = array<i32>} : memref<128x128xf32, #tpu.memory_space<vmem>>, vector<16xf32>,
        tpu.vector_store %arg16[%swap3A, %swap3A_2336], %gather3A {strides = array<i32>} : memref<128x128xf32, #tpu.memory_space<vmem>>, vector<16xf32>,
        %add3A_2338 = arith.constant 16 : i32
        %add3A_2339 = vector.broadcast %add3A_2338 : i32 to vector<16xi32>
        %add3A_2340 = arith.addi %iota3A, %add3A_2339 : vector<16xi32>
        %min3A_2341 = arith.constant 99 : i32
        %min3A_2342 = vector.broadcast %min3A_2341 : i32 to vector<16xi32>
        %min3A_2343 = arith.minsi %add3A_2340, %min3A_2342 : vector<16xi32>
        %gather3A_2344 = tpu.vector_load_idx %arg14[%min3A_2343, %broadcast_in_dim3A_2313] : memref<100x128xf32, #tpu.memory_space<vmem>>[vector<16xi32>, vector<16xi32>], vector<16xf32>,
        %swap3A_2345 = arith.index_cast %add3A_2284 : i32 to index
        %swap3A_2346 = arith.constant 16 : index
        %swap3A_2347 = tpu.vector_load %arg16[%swap3A_2345, %swap3A_2346] {strides = array<i32>} : memref<128x128xf32, #tpu.memory_space<vmem>>, vector<16xf32>,
        tpu.vector_store %arg16[%swap3A_2345, %swap3A_2346], %gather3A_2344 {strides = array<i32>} : memref<128x128xf32, #tpu.memory_space<vmem>>, vector<16xf32>,
        %add3A_2348 = arith.constant 32 : i32
        %add3A_2349 = vector.broadcast %add3A_2348 : i32 to vector<16xi32>
        %add3A_2350 = arith.addi %iota3A, %add3A_2349 : vector<16xi32>
        %min3A_2351 = arith.constant 99 : i32
        %min3A_2352 = vector.broadcast %min3A_2351 : i32 to vector<16xi32>
        %min3A_2353 = arith.minsi %add3A_2350, %min3A_2352 : vector<16xi32>
        %gather3A_2354 = tpu.vector_load_idx %arg14[%min3A_2353, %broadcast_in_dim3A_2313] : memref<100x128xf32, #tpu.memory_space<vmem>>[vector<16xi32>, vector<16xi32>], vector<16xf32>,
        %swap3A_2355 = arith.index_cast %add3A_2284 : i32 to index
        %swap3A_2356 = arith.constant 32 : index
        %swap3A_2357 = tpu.vector_load %arg16[%swap3A_2355, %swap3A_2356] {strides = array<i32>} : memref<128x128xf32, #tpu.memory_space<vmem>>, vector<16xf32>,
        tpu.vector_store %arg16[%swap3A_2355, %swap3A_2356], %gather3A_2354 {strides = array<i32>} : memref<128x128xf32, #tpu.memory_space<vmem>>, vector<16xf32>,
        %add3A_2358 = arith.constant 48 : i32
        %add3A_2359 = vector.broadcast %add3A_2358 : i32 to vector<16xi32>
        %add3A_2360 = arith.addi %iota3A, %add3A_2359 : vector<16xi32>
        %min3A_2361 = arith.constant 99 : i32
        %min3A_2362 = vector.broadcast %min3A_2361 : i32 to vector<16xi32>
        %min3A_2363 = arith.minsi %add3A_2360, %min3A_2362 : vector<16xi32>
        %gather3A_2364 = tpu.vector_load_idx %arg14[%min3A_2363, %broadcast_in_dim3A_2313] : memref<100x128xf32, #tpu.memory_space<vmem>>[vector<16xi32>, vector<16xi32>], vector<16xf32>,
        %swap3A_2365 = arith.index_cast %add3A_2284 : i32 to index
        %swap3A_2366 = arith.constant 48 : index
        %swap3A_2367 = tpu.vector_load %arg16[%swap3A_2365, %swap3A_2366] {strides = array<i32>} : memref<128x128xf32, #tpu.memory_space<vmem>>, vector<16xf32>,
        tpu.vector_store %arg16[%swap3A_2365, %swap3A_2366], %gather3A_2364 {strides = array<i32>} : memref<128x128xf32, #tpu.memory_space<vmem>>, vector<16xf32>,
        %add3A_2368 = arith.constant 64 : i32
        %add3A_2369 = vector.broadcast %add3A_2368 : i32 to vector<16xi32>
        %add3A_2370 = arith.addi %iota3A, %add3A_2369 : vector<16xi32>
        %min3A_2371 = arith.constant 99 : i32
        %min3A_2372 = vector.broadcast %min3A_2371 : i32 to vector<16xi32>
        %min3A_2373 = arith.minsi %add3A_2370, %min3A_2372 : vector<16xi32>
        %gather3A_2374 = tpu.vector_load_idx %arg14[%min3A_2373, %broadcast_in_dim3A_2313] : memref<100x128xf32, #tpu.memory_space<vmem>>[vector<16xi32>, vector<16xi32>], vector<16xf32>,
        %swap3A_2375 = arith.index_cast %add3A_2284 : i32 to index
        %swap3A_2376 = arith.constant 64 : index
        %swap3A_2377 = tpu.vector_load %arg16[%swap3A_2375, %swap3A_2376] {strides = array<i32>} : memref<128x128xf32, #tpu.memory_space<vmem>>, vector<16xf32>,
        tpu.vector_store %arg16[%swap3A_2375, %swap3A_2376], %gather3A_2374 {strides = array<i32>} : memref<128x128xf32, #tpu.memory_space<vmem>>, vector<16xf32>,
        %add3A_2378 = arith.constant 80 : i32
        %add3A_2379 = vector.broadcast %add3A_2378 : i32 to vector<16xi32>
        %add3A_2380 = arith.addi %iota3A, %add3A_2379 : vector<16xi32>
        %min3A_2381 = arith.constant 99 : i32
        %min3A_2382 = vector.broadcast %min3A_2381 : i32 to vector<16xi32>
        %min3A_2383 = arith.minsi %add3A_2380, %min3A_2382 : vector<16xi32>
        %gather3A_2384 = tpu.vector_load_idx %arg14[%min3A_2383, %broadcast_in_dim3A_2313] : memref<100x128xf32, #tpu.memory_space<vmem>>[vector<16xi32>, vector<16xi32>], vector<16xf32>,
        %swap3A_2385 = arith.index_cast %add3A_2284 : i32 to index
        %swap3A_2386 = arith.constant 80 : index
        %swap3A_2387 = tpu.vector_load %arg16[%swap3A_2385, %swap3A_2386] {strides = array<i32>} : memref<128x128xf32, #tpu.memory_space<vmem>>, vector<16xf32>,
        tpu.vector_store %arg16[%swap3A_2385, %swap3A_2386], %gather3A_2384 {strides = array<i32>} : memref<128x128xf32, #tpu.memory_space<vmem>>, vector<16xf32>,
        %add3A_2388 = arith.constant 96 : i32
        %add3A_2389 = vector.broadcast %add3A_2388 : i32 to vector<16xi32>
        %add3A_2390 = arith.addi %iota3A, %add3A_2389 : vector<16xi32>
        %min3A_2391 = arith.constant 99 : i32
        %min3A_2392 = vector.broadcast %min3A_2391 : i32 to vector<16xi32>
        %min3A_2393 = arith.minsi %add3A_2390, %min3A_2392 : vector<16xi32>
        %gather3A_2394 = tpu.vector_load_idx %arg14[%min3A_2393, %broadcast_in_dim3A_2313] : memref<100x128xf32, #tpu.memory_space<vmem>>[vector<16xi32>, vector<16xi32>], vector<16xf32>,
        %swap3A_2395 = arith.index_cast %add3A_2284 : i32 to index
        %swap3A_2396 = arith.constant 96 : index
        %swap3A_2397 = tpu.vector_load %arg16[%swap3A_2395, %swap3A_2396] {strides = array<i32>} : memref<128x128xf32, #tpu.memory_space<vmem>>, vector<16xf32>,
        tpu.vector_store %arg16[%swap3A_2395, %swap3A_2396], %gather3A_2394 {strides = array<i32>} : memref<128x128xf32, #tpu.memory_space<vmem>>, vector<16xf32>,
      } else {
      }
      %slice3A_2322 = vector.extract_strided_slice %get3A_531 {offsets = [6], sizes = [1], strides = [1]} : vector<16xi32> to vector<1xi32>
      %squeeze3A_2323 = vector.extract %slice3A_2322[0] : i32 from vector<1xi32>
      %not3A_2324 = arith.constant true
      %not3A_2325 = arith.xori %ge3A_1494, %not3A_2324 : i1
      %and3A_2326 = arith.andi %or3A_1221, %not3A_2325 : i1
      %convert_element_type3A_2327 = arith.extui %and3A_2326 : i1 to i32
      %cond3A_2328 = arith.constant 0 : i32
      %cond3A_2329 = arith.cmpi ne, %convert_element_type3A_2327, %cond3A_2328 : i32
      scf.if %cond3A_2329 {
        %jit3A_2330 = arith.constant 128 : i32
        %div3A_2331 = arith.divsi %squeeze3A_2323, %jit3A_2330 : i32
        %sign3A_2332 = arith.constant 0 : i32
        %sign3A_2333 = arith.cmpi sgt, %squeeze3A_2323, %sign3A_2332 : i32
        %sign3A_2334 = arith.extui %sign3A_2333 : i1 to i32
        %sign3A_2335 = arith.constant 0 : i32
        %sign3A_2336 = arith.cmpi slt, %squeeze3A_2323, %sign3A_2335 : i32
        %sign3A_2337 = arith.extui %sign3A_2336 : i1 to i32
        %sign3A_2338 = arith.subi %sign3A_2334, %sign3A_2337 : i32
        %sign3A_2339 = arith.constant 0 : i32
        %sign3A_2340 = arith.cmpi sgt, %jit3A_2330, %sign3A_2339 : i32
        %sign3A_2341 = arith.extui %sign3A_2340 : i1 to i32
        %sign3A_2342 = arith.constant 0 : i32
        %sign3A_2343 = arith.cmpi slt, %jit3A_2330, %sign3A_2342 : i32
        %sign3A_2344 = arith.extui %sign3A_2343 : i1 to i32
        %sign3A_2345 = arith.subi %sign3A_2341, %sign3A_2344 : i32
        %ne3A_2346 = arith.cmpi ne, %sign3A_2338, %sign3A_2345 : i32
        %rem3A_2347 = arith.remsi %squeeze3A_2323, %jit3A_2330 : i32
        %ne3A_2348 = arith.constant 0 : i32
        %ne3A_2349 = arith.cmpi ne, %rem3A_2347, %ne3A_2348 : i32
        %and3A_2350 = arith.andi %ne3A_2346, %ne3A_2349 : i1
        %sub3A_2351 = arith.constant 1 : i32
        %sub3A_2352 = arith.subi %div3A_2331, %sub3A_2351 : i32
        %select_n3A_2353 = arith.select %and3A_2350, %sub3A_2352, %div3A_2331 : i32
        %mul3A_2354 = arith.constant 128 : i32
        %mul3A_2355 = arith.muli %select_n3A_2353, %mul3A_2354 : i32
        %multiple_of3A_2356 = tpu.assume_multiple %mul3A_2355, 128 : i32
        %dma_start3A_2357 = arith.constant 0 : i32
        %dma_start3A_2358 = tpu.memref_slice %arg4[%dma_start3A_2357, %multiple_of3A_2356] : memref<100x1000000xf32, #tpu.memory_space<hbm>> -> memref<100x128xf32, #tpu.memory_space<hbm>>
        %dma_start3A_2359 = arith.constant 0 : i32
        %dma_start3A_2360 = tpu.memref_slice %arg4[%dma_start3A_2359, %multiple_of3A_2356] : memref<100x1000000xf32, #tpu.memory_space<hbm>> -> memref<100x128xf32, #tpu.memory_space<hbm>>
        tpu.enqueue_dma source(%dma_start3A_2360 : memref<100x128xf32, #tpu.memory_space<hbm>>) target(%arg14 : memref<100x128xf32, #tpu.memory_space<vmem>>) target_semaphore(%arg23 : memref<!tpu.dma_semaphore, #tpu.memory_space<semaphore_mem>>)
      } else {
      }
      scf.yield %select_n3A_1007, %or3A_1011 : i32, i1
    }
    %scan3A_513 = arith.constant 8 : i32
    %dma_start3A = arith.constant 0 : i32
    %dma_start3A_514 = arith.constant 0 : i32
    %dma_start3A_515 = tpu.memref_slice %arg5[%dma_start3A, %dma_start3A_514] : memref<4096x128xf32, #tpu.memory_space<hbm>> -> memref<4096x128xf32, #tpu.memory_space<hbm>>
    tpu.enqueue_indirect_dma source(%arg16 : memref<128x128xf32, #tpu.memory_space<vmem>>) target(%dma_start3A_515 : memref<4096x128xf32, #tpu.memory_space<hbm>>) offsets(%arg7 : memref<128xi32, #tpu.memory_space<vmem>>) semaphore(%arg25 : memref<!tpu.dma_semaphore, #tpu.memory_space<semaphore_mem>>)
    %dma_wait3A = arith.constant 0 : i32
    %dma_wait3A_516 = arith.constant 0 : i32
    %dma_wait3A_517 = tpu.memref_slice %arg5[%dma_wait3A, %dma_wait3A_516] : memref<4096x128xf32, #tpu.memory_space<hbm>> -> memref<4096x128xf32, #tpu.memory_space<hbm>>
    tpu.wait_indirect_dma semaphore(%arg25 : memref<!tpu.dma_semaphore, #tpu.memory_space<semaphore_mem>>) src(%arg16 : memref<128x128xf32, #tpu.memory_space<vmem>>) dst(%dma_wait3A_517 : memref<4096x128xf32, #tpu.memory_space<hbm>>)
    return
  }
}

module attributes {stable_mosaic.version = 14 : i64} {
  func.func @_stage2_body(%arg0: memref<4096x128xf32, #tpu.memory_space<vmem>>, %arg1: memref<4096x128xf32, #tpu.memory_space<vmem>>, %arg2: memref<4096x8xf32, #tpu.memory_space<vmem>>, %arg3: memref<1x1xf32, #tpu.memory_space<smem>>, %arg4: memref<1x1xf32, #tpu.memory_space<smem>>) attributes {dimension_semantics = [], scalar_prefetch = 0 : i64, scratch_operands = 0 : i64, tpu.core_type = #tpu.core_type<tc>} {
    %get3A = arith.constant 0 : index
    %get3A_0 = arith.constant 0 : index
    %get3A_1 = vector.load %arg0[%get3A, %get3A_0] : memref<4096x128xf32, #tpu.memory_space<vmem>>, vector<4096x100xf32>
    %get3A_2 = arith.constant 0 : index
    %get3A_3 = arith.constant 0 : index
    %get3A_4 = vector.load %arg1[%get3A_2, %get3A_3] : memref<4096x128xf32, #tpu.memory_space<vmem>>, vector<4096x100xf32>
    %mul3A = arith.mulf %get3A_1, %get3A_4 : vector<4096x100xf32>
    %reduce_sum3A = arith.constant dense<0.000000e+00> : vector<4096xf32>
    %reduce_sum3A_5 = vector.multi_reduction <add>, %mul3A, %reduce_sum3A [1] : vector<4096x100xf32> to vector<4096xf32>
    %broadcast_in_dim3A = vector.shape_cast %reduce_sum3A_5 : vector<4096xf32> to vector<4096x1xf32>
    %mul3A_6 = arith.constant 0.699999988 : f32
    %mul3A_7 = vector.broadcast %mul3A_6 : f32 to vector<4096x1xf32>
    %mul3A_8 = arith.mulf %mul3A_7, %broadcast_in_dim3A : vector<4096x1xf32>
    %get3A_9 = arith.constant 0 : index
    %get3A_10 = arith.constant 0 : index
    %get3A_11 = vector.load %arg2[%get3A_9, %get3A_10] : memref<4096x8xf32, #tpu.memory_space<vmem>>, vector<4096x1xf32>
    %add3A = arith.addf %mul3A_8, %get3A_11 : vector<4096x1xf32>
    %sub3A = arith.constant 1.000000e+00 : f32
    %sub3A_12 = vector.broadcast %sub3A : f32 to vector<4096x1xf32>
    %sub3A_13 = arith.subf %sub3A_12, %add3A : vector<4096x1xf32>
    %log3A = math.log %sub3A_13 : vector<4096x1xf32>
    %get3A_14 = arith.constant 0 : index
    %get3A_15 = arith.constant 0 : index
    %get3A_16 = memref.load %arg3[%get3A_14, %get3A_15] : memref<1x1xf32, #tpu.memory_space<smem>>
    %reduce_sum3A_17 = vector.shape_cast %log3A : vector<4096x1xf32> to vector<1x4096x1xf32>
    %reduce_sum3A_18 = arith.constant dense<0.000000e+00> : vector<1xf32>
    %reduce_sum3A_19 = vector.multi_reduction <add>, %reduce_sum3A_17, %reduce_sum3A_18 [1, 2] : vector<1x4096x1xf32> to vector<1xf32>
    %reduce_sum3A_20 = vector.shape_cast %reduce_sum3A_19 : vector<1xf32> to vector<1x1x1xf32>
    %reduce_sum3A_21 = vector.extract %reduce_sum3A_20[0, 0, 0] : f32 from vector<1x1x1xf32>
    %div3A = arith.constant 4.096000e+03 : f32
    %div3A_22 = arith.divf %reduce_sum3A_21, %div3A : f32
    %mul3A_23 = arith.constant 3.000000e+00 : f32
    %mul3A_24 = arith.mulf %mul3A_23, %div3A_22 : f32
    %add3A_25 = arith.addf %get3A_16, %mul3A_24 : f32
    %swap3A = arith.constant 0 : index
    %swap3A_26 = arith.constant 0 : index
    %swap3A_27 = memref.load %arg4[%swap3A, %swap3A_26] : memref<1x1xf32, #tpu.memory_space<smem>>
    memref.store %add3A_25, %arg4[%swap3A, %swap3A_26] : memref<1x1xf32, #tpu.memory_space<smem>>
    return
  }
}

module attributes {stable_mosaic.version = 14 : i64} {
  func.func @_stage1_body(%arg0: memref<100x4096xf32, #tpu.memory_space<vmem>>, %arg1: memref<1x4096xi32, #tpu.memory_space<vmem>>, %arg2: memref<4096x128xf32, #tpu.memory_space<vmem>>, %arg3: memref<4096x8xf32, #tpu.memory_space<vmem>>, %arg4: memref<1x1xf32, #tpu.memory_space<smem>>) attributes {dimension_semantics = [], scalar_prefetch = 0 : i64, scratch_operands = 0 : i64, tpu.core_type = #tpu.core_type<tc>} {
    %get3A = arith.constant 0 : index
    %get3A_0 = arith.constant 0 : index
    %get3A_1 = vector.load %arg0[%get3A, %get3A_0] : memref<100x4096xf32, #tpu.memory_space<vmem>>, vector<100x4096xf32>
    %reduce_max3A = arith.constant dense<0xFF800000> : vector<4096xf32>
    %reduce_max3A_2 = vector.multi_reduction <maximumf>, %get3A_1, %reduce_max3A [0] : vector<100x4096xf32> to vector<4096xf32>
    %broadcast_in_dim3A = vector.shape_cast %reduce_max3A_2 : vector<4096xf32> to vector<1x4096xf32>
    %sub3A = vector.broadcast %broadcast_in_dim3A : vector<1x4096xf32> to vector<100x4096xf32>
    %sub3A_3 = arith.subf %get3A_1, %sub3A : vector<100x4096xf32>
    %exp3A = math.exp %sub3A_3 : vector<100x4096xf32>
    %reduce_sum3A = arith.constant dense<0.000000e+00> : vector<4096xf32>
    %reduce_sum3A_4 = vector.multi_reduction <add>, %exp3A, %reduce_sum3A [0] : vector<100x4096xf32> to vector<4096xf32>
    %broadcast_in_dim3A_5 = vector.shape_cast %reduce_sum3A_4 : vector<4096xf32> to vector<1x4096xf32>
    %div3A = vector.broadcast %broadcast_in_dim3A_5 : vector<1x4096xf32> to vector<100x4096xf32>
    %div3A_6 = arith.divf %exp3A, %div3A : vector<100x4096xf32>
    %jit3A = arith.constant 9.99999974E-5 : f32
    %jit3A_7 = arith.constant 0.999899983 : f32
    %max3A = vector.broadcast %jit3A : f32 to vector<100x4096xf32>
    %max3A_8 = arith.maximumf %max3A, %div3A_6 : vector<100x4096xf32>
    %min3A = vector.broadcast %jit3A_7 : f32 to vector<100x4096xf32>
    %min3A_9 = arith.minimumf %min3A, %max3A_8 : vector<100x4096xf32>
    %reduce_sum3A_10 = arith.constant dense<0.000000e+00> : vector<4096xf32>
    %reduce_sum3A_11 = vector.multi_reduction <add>, %min3A_9, %reduce_sum3A_10 [0] : vector<100x4096xf32> to vector<4096xf32>
    %broadcast_in_dim3A_12 = vector.shape_cast %reduce_sum3A_11 : vector<4096xf32> to vector<1x4096xf32>
    %div3A_13 = vector.broadcast %broadcast_in_dim3A_12 : vector<1x4096xf32> to vector<100x4096xf32>
    %div3A_14 = arith.divf %min3A_9, %div3A_13 : vector<100x4096xf32>
    %transpose3A = tpu.transpose %min3A_9, [1, 0] : vector<100x4096xf32> -> vector<4096x100xf32>
    %swap3A = arith.constant 0 : index
    %swap3A_15 = arith.constant 0 : index
    %swap3A_16 = vector.load %arg2[%swap3A, %swap3A_15] : memref<4096x128xf32, #tpu.memory_space<vmem>>, vector<4096x100xf32>
    tpu.vector_store %arg2[%swap3A, %swap3A_15], %transpose3A {strides = array<i32>} : memref<4096x128xf32, #tpu.memory_space<vmem>>, vector<4096x100xf32>,
    %mul3A = arith.mulf %div3A_14, %min3A_9 : vector<100x4096xf32>
    %reduce_sum3A_17 = arith.constant dense<0.000000e+00> : vector<4096xf32>
    %reduce_sum3A_18 = vector.multi_reduction <add>, %mul3A, %reduce_sum3A_17 [0] : vector<100x4096xf32> to vector<4096xf32>
    %broadcast_in_dim3A_19 = vector.shape_cast %reduce_sum3A_18 : vector<4096xf32> to vector<1x4096xf32>
    %mul3A_20 = arith.constant 3.000000e-01 : f32
    %mul3A_21 = vector.broadcast %mul3A_20 : f32 to vector<1x4096xf32>
    %mul3A_22 = arith.mulf %mul3A_21, %broadcast_in_dim3A_19 : vector<1x4096xf32>
    %transpose3A_23 = tpu.transpose %mul3A_22, [1, 0] : vector<1x4096xf32> -> vector<4096x1xf32>
    %swap3A_24 = arith.constant 0 : index
    %swap3A_25 = arith.constant 0 : index
    %swap3A_26 = vector.load %arg3[%swap3A_24, %swap3A_25] : memref<4096x8xf32, #tpu.memory_space<vmem>>, vector<4096x1xf32>
    tpu.vector_store %arg3[%swap3A_24, %swap3A_25], %transpose3A_23 {strides = array<i32>} : memref<4096x8xf32, #tpu.memory_space<vmem>>, vector<4096x1xf32>,
    %sub3A_27 = vector.broadcast %broadcast_in_dim3A : vector<1x4096xf32> to vector<100x4096xf32>
    %sub3A_28 = arith.subf %get3A_1, %sub3A_27 : vector<100x4096xf32>
    %log3A = math.log %broadcast_in_dim3A_5 : vector<1x4096xf32>
    %sub3A_29 = vector.broadcast %log3A : vector<1x4096xf32> to vector<100x4096xf32>
    %sub3A_30 = arith.subf %sub3A_28, %sub3A_29 : vector<100x4096xf32>
    %iota3A = tpu.iota {dimensions = array<i32: 0>} : vector<100x4096xi32>
    %get3A_31 = arith.constant 0 : index
    %get3A_32 = arith.constant 0 : index
    %get3A_33 = vector.load %arg1[%get3A_31, %get3A_32] : memref<1x4096xi32, #tpu.memory_space<vmem>>, vector<1x4096xi32>
    %eq3A = vector.broadcast %get3A_33 : vector<1x4096xi32> to vector<100x4096xi32>
    %eq3A_34 = arith.cmpi eq, %iota3A, %eq3A : vector<100x4096xi32>
    %jit3A_35 = arith.constant 0.000000e+00 : f32
    %broadcast_in_dim3A_36 = vector.broadcast %jit3A_35 : f32 to vector<100x4096xf32>
    %select_n3A = arith.select %eq3A_34, %sub3A_30, %broadcast_in_dim3A_36 : vector<100x4096xi1>, vector<100x4096xf32>
    %reduce_sum3A_37 = vector.shape_cast %select_n3A : vector<100x4096xf32> to vector<1x100x4096xf32>
    %reduce_sum3A_38 = arith.constant dense<0.000000e+00> : vector<1xf32>
    %reduce_sum3A_39 = vector.multi_reduction <add>, %reduce_sum3A_37, %reduce_sum3A_38 [1, 2] : vector<1x100x4096xf32> to vector<1xf32>
    %reduce_sum3A_40 = vector.shape_cast %reduce_sum3A_39 : vector<1xf32> to vector<1x1x1xf32>
    %reduce_sum3A_41 = vector.extract %reduce_sum3A_40[0, 0, 0] : f32 from vector<1x1x1xf32>
    %neg3A = arith.constant 0.000000e+00 : f32
    %neg3A_42 = arith.subf %neg3A, %reduce_sum3A_41 : f32
    %div3A_43 = arith.constant 4.096000e+03 : f32
    %div3A_44 = arith.divf %neg3A_42, %div3A_43 : f32
    %swap3A_45 = arith.constant 0 : index
    %swap3A_46 = arith.constant 0 : index
    %swap3A_47 = memref.load %arg4[%swap3A_45, %swap3A_46] : memref<1x1xf32, #tpu.memory_space<smem>>
    memref.store %div3A_44, %arg4[%swap3A_45, %swap3A_46] : memref<1x1xf32, #tpu.memory_space<smem>>
    return
  }
}

</mosaic_0001>

<sc_bundles>
// kernel: kernel.5.cloned.1.call-start
scs
__scs_entry_jumppad:
0x0: {  	(pc) =	sbr.rel $0x88, $3  }
0x1: {  	(tag) =	ssettag $0x0;
	lr =	simm.s32 $0x1  }
0x2: {  	[smem:$0x3F9D] =	sst lr;
	_ =	strace $0xD0000000  }
0x3: {  	_ = 	snop  }
0x4: {  	_ = 	snop  }
0x5: {  	_ = 	snop  }
0x6: {  	_ = 	snop  }
0x7: {  	_ = 	snop  }
__scs_overlays_trampoline_lowered:
0x8: {  	[smem:$0x3FAC] =	sst s0  }
0x9: {  	[smem:$0x3FAD] =	sst s1  }
0xa: {  	[smem:$0x3FAE] =	sst s2  }
0xb: {  	[smem:$0x3FAF] =	sst s3  }
0xc: {  	[smem:$0x3FB0] =	sst s4  }
0xd: {  	[smem:$0x3FB1] =	sst s5  }
0xe: {  	[smem:$0x3FB2] =	sst s6  }
0xf: {  	[smem:$0x3FB3] =	sst s7  }
0x10: {  	[smem:$0x3FB4] =	sst s8  }
0x11: {  	[smem:$0x3FB5] =	sst s9;
	s0 =	simm.s32 @!p0 $0x0  }
0x12: {  	s1 =	sld [smem:$0x3F9B];
	s0 =	simm.s32 @p0 $0x1  }
0x13: {  	[smem:$0x3FB6] =	sst s0;
	s0 =	simm.s32 @!p1 $0x0  }
0x14: {  	s2 =	sld [smem:$0x3F9A];
	s0 =	simm.s32 @p1 $0x1  }
0x15: {  	[smem:$0x3FB7] =	sst s0;
	s0 =	simm.s32 @!p2 $0x0  }
0x16: {  	s3 =	sld [smem:$0x3FDB];
	s0 =	simm.s32 @p2 $0x1  }
0x17: {  	s4 =	simm.s32 $0x1BF5;
	[smem:$0x3FB9] =	sst s0  }
0x18: {  	s0 =	sld [smem:$0x3F9C];
	_ =	swait.ge [sflag:s4], $0x0  }
0x19: {  	s7 =	sld [smem:$0x3F9D]  }
0x1a: {  	s8 =	sadd.s32 $0xFFFFE003, lr  }
0x1b: {  	s9 =	sadd.s32 $0xFFFFFEF7, lr;
	s5 =	simm.s32 $0xFFFFFFFF;
	p2 =	slt.u32 s8, $0xFFFFF086  }
0x1c: {  	p1 =	slt.u32 s9, $0xF7A;
	s5 =	simm.s32 @!p2 $0x0  }
0x1d: {  	s5 =	simm.s32 @p1 $0x1;
	p0 =	seq.s32 s7, s2  }
0x1e: {  	s7 =	smul.u32 @!p0 $0xF7A, s2;
	p2 =	seq.s32 @!p0 s5, $0x0  }
0x1f: {  	s9 =	smul.u32 $0xF7A, s1;
	s8 =	simm.s32 @!p0 $0x1BF5;
	p2 =	por !p2, p0  }
0x20: {  	[sflag:s8] =	ssyncset.s32 @!p0 $0xFFFFF086;
	s6 =	sadd.s32 @!p0 s3, s7;
	s7 =	simm.s32 @!p0 $0x108  }
0x21: {  	s3 =	sadd.s32 s3, s9;
	s6 =	sadd.s32 @!p0 $0x88, s6;
	s7 =	simm.s32 @p2 $0x1082  }
0x22: {  	[simem:s7], [sflag:s8] =	dma.local @!p0 [hbm:s6], $0xF7A  }
0x23: {  	s9 =	sor.u32 $0xD0000000, s2;
	s6 =	simm.s32 $0x108;
	_ =	swait.ge @!p0 [sflag:s8], $0x0  }
0x24: {  	s3 =	sadd.s32 $0x88, s3;
	s6 =	simm.s32 @!p1 $0x1082;
	[sflag:s4] =	ssyncset.s32 $0xFFFFF086  }
0x25: {  	[simem:s6], [sflag:s4] =	dma.local [hbm:s3], $0xF7A  }
0x26: {  	[smem:$0x3F9D] =	sst s1;
	(tag) =	ssettag s2;
	_ =	strace s9  }
0x27: {  	s1 =	sld [smem:$0x3FAD]  }
0x28: {  	s2 =	sld [smem:$0x3FAE]  }
0x29: {  	s4 =	sld [smem:$0x3FB0]  }
0x2a: {  	p0 =	seq.s32 s5, $0x0;
	s5 =	sld [smem:$0x3FB1]  }
0x2b: {  	s6 =	sld [smem:$0x3FB2]  }
0x2c: {  	s7 =	sld [smem:$0x3FB3]  }
0x2d: {  	s3 =	simm.s32 $0x108;
	s8 =	sld [smem:$0x3FB4]  }
0x2e: {  	s3 =	simm.s32 @!p0 $0x1082;
	s9 =	sld [smem:$0x3FB5]  }
0x2f: {  	lr =	sadd.s32 s0, s3;
	s0 =	sld [smem:$0x3FAC]  }
0x30: {  	s3 =	sld [smem:$0x3FAF]  }
0x31: {  	[smem:$0x3FB8] =	sst s10  }
0x32: {  	s10 =	sld [smem:$0x3FB6];
	_ =	sdelay $0x3  }
0x33: {  	p0 =	seq.s32 s10, $0x1;
	s10 =	sld [smem:$0x3FB8];
	_ =	sdelay $0x3  }
0x34: {  	[smem:$0x3FB8] =	sst s10  }
0x35: {  	s10 =	sld [smem:$0x3FB7];
	_ =	sdelay $0x3  }
0x36: {  	p1 =	seq.s32 s10, $0x1;
	s10 =	sld [smem:$0x3FB8];
	_ =	sdelay $0x3  }
0x37: {  	[smem:$0x3FB8] =	sst s10  }
0x38: {  	s10 =	sld [smem:$0x3FB9]  }
0x39: {  	_ = 	snop;
	(pc) =	sbr.ind lr, $3  }
0x3a: {  	_ = 	snop  }
0x3b: {  	_ = 	snop  }
0x3c: {  	p2 =	seq.s32 s10, $0x1;
	s10 =	sld [smem:$0x3FB8]  }
0x3d: {  	_ =	shalt  }
0x3e: {  	_ =	shalt  }
0x3f: {  	_ =	shalt  }
0x40: {  	_ =	shalt  }
0x41: {  	_ =	shalt  }
0x42: {  	_ =	shalt  }
0x43: {  	_ =	shalt  }
0x44: {  	_ =	shalt  }
0x45: {  	_ =	shalt  }
0x46: {  	_ =	shalt  }
0x47: {  	_ =	shalt  }
0x48: {  	_ =	shalt  }
0x49: {  	_ =	shalt  }
0x4a: {  	_ =	shalt  }
0x4b: {  	_ =	shalt  }
0x4c: {  	_ =	shalt  }
0x4d: {  	_ =	shalt  }
0x4e: {  	_ =	shalt  }
0x4f: {  	_ =	shalt  }
0x50: {  	_ =	shalt  }
0x51: {  	_ =	shalt  }
0x52: {  	_ =	shalt  }
0x53: {  	_ =	shalt  }
0x54: {  	_ =	shalt  }
0x55: {  	_ =	shalt  }
0x56: {  	_ =	shalt  }
0x57: {  	_ =	shalt  }
0x58: {  	_ =	shalt  }
0x59: {  	_ =	shalt  }
0x5a: {  	_ =	shalt  }
0x5b: {  	_ =	shalt  }
0x5c: {  	_ =	shalt  }
0x5d: {  	_ =	shalt  }
0x5e: {  	_ =	shalt  }
0x5f: {  	_ =	shalt  }
0x60: {  	_ =	shalt  }
0x61: {  	_ =	shalt  }
0x62: {  	_ =	shalt  }
0x63: {  	_ =	shalt  }
0x64: {  	_ =	shalt  }
0x65: {  	_ =	shalt  }
0x66: {  	_ =	shalt  }
0x67: {  	_ =	shalt  }
0x68: {  	_ =	shalt  }
0x69: {  	_ =	shalt  }
0x6a: {  	_ =	shalt  }
0x6b: {  	_ =	shalt  }
0x6c: {  	_ =	shalt  }
0x6d: {  	_ =	shalt  }
0x6e: {  	_ =	shalt  }
0x6f: {  	_ =	shalt  }
0x70: {  	_ =	shalt  }
0x71: {  	_ =	shalt  }
0x72: {  	_ =	shalt  }
0x73: {  	_ =	shalt  }
0x74: {  	_ =	shalt  }
0x75: {  	_ =	shalt  }
0x76: {  	_ =	shalt  }
0x77: {  	_ =	shalt  }
0x78: {  	_ =	shalt  }
0x79: {  	_ =	shalt  }
0x7a: {  	_ =	shalt  }
0x7b: {  	_ =	shalt  }
0x7c: {  	_ =	shalt  }
0x7d: {  	_ =	shalt  }
0x7e: {  	_ =	shalt  }
0x7f: {  	_ =	shalt  }
0x80: {  	_ =	shalt  }
0x81: {  	_ =	shalt  }
0x82: {  	_ =	shalt  }
0x83: {  	_ =	shalt  }
0x84: {  	_ =	shalt  }
0x85: {  	_ =	shalt  }
0x86: {  	_ =	shalt  }
0x87: {  	_ =	shalt  }
.Lfunc_end0:
.L_simem_size_0:
called_computation_lowered:
.L_overlay_start_0:
0x88: {  	s2 =	sld [smem:$0x3FD9]  }
0x89: {  	s3 =	sld [smem:$0x3FFE];
	_ =	sdelay $0x1  }
0x8a: {  	s1 =	srdreg.scid  }
0x8b: {  	s0 =	sand.u32 $0x1, s1  }
0x8c: {  	s17 =	sshll.u32 s0, $0xA;
	s2 =	sadd.s32 s3, s2  }
0x8d: {  	s2 =	sadd.s32 s2, s17  }
0x8e: {  	[smem:$0x3FC4] =	sst s2  }
0x8f: {  	_ = 	snop  }
0x90: {  	s2 =	sld [smem:$0x3FC6];
	(tm) =	ssettm $0x1  }
0x91: {  	s18 =	sld [smem:$0x3FFB];
	_ =	sdelay $0x3  }
0x92: {  	_ =	strace s18  }
0x93: {  	s3 =	sld [smem:$0x3FFC];
	_ =	sdelay $0x3  }
0x94: {  	_ =	strace s3  }
0x95: {  	s3 =	sld [smem:$0x3FFD];
	_ =	sdelay $0x3  }
0x96: {  	_ =	strace s3  }
0x97: {  	_ =	strace $0x8FFFFFFF  }
0x98: {  	s19 =	sld [smem:$0x3FDB];
	_ =	sdelay $0x1  }
0x99: {  	s4 =	simm.s32 $_scs_section_size  }
0x9a: {  	s5 =	simm.s32 $_size__tile_overlayer_lowered;
	s6 =	simm.s32 $_tile_overlayer_lowered  }
0x9b: {  	s22 =	simm.s32 $0x1BFF;
	s21 =	sshll.u32 s6, $0x1;
	s3 =	sadd.s32 s4, s19  }
0x9c: {  	s7 =	simm.s32 $0x0;
	s20 =	sshll.u32 s5, $0x1;
	s5 =	sadd.s32 s21, s3  }
0x9d: {  	[timem:s7], [sflag:s22] =	dma.local [hbm:s5], s20  }
0x9e: {  	_ =	swait.ge [sflag:s22], s20  }
0x9f: {  	s4 =	ssub.s32 $0x0, s20;
	[sflag:s22] =	ssyncset.done $0x0  }
0xa0: {  	[sflag:s22] =	ssyncadd.s32 s4;
	_ =	sdelay $0x1  }
0xa1: {  	s23 =	simm.s32 $0x1B8B  }
0xa2: {  	_ =	swait.ge [sflag:s23], $0x1  }
0xa3: {  	[sflag:s23] =	ssyncset.done $0x0  }
0xa4: {  	s25 =	simm.s32 $0x1B8E;
	s24 =	sld [smem:$0x3FFE];
	[sflag:s23] =	ssyncadd.s32 $0xFFFFFFFF  }
0xa5: {  	s26 =	simm.s32 $execute0_lowered;
	[smem:$0x3FD2] =	sst s25  }
0xa6: {  	s5 =	sshll.u32 s26, $0x1;
	_ =	strace $0x80000046;
	[dreg:$0x1] =	wrdreg $0xFFFFFFFF  }
0xa7: {  	s28 =	simm.s32 $_size_execute0_lowered;
	s3 =	sadd.s32 s3, s5;
	[dreg:$0x0] =	wrdreg $0x0  }
0xa8: {  	s5 =	sshll.u32 s28, $0x1;
	[dreg:$0x2] =	wrdreg s3  }
0xa9: {  	[dreg:$0x3] =	wrdreg s5  }
0xaa: {  	[dreg:$0x4] =	wrdreg $0xC0  }
0xab: {  	_ =	task [dreg:s7], $0x5FFFF  }
0xac: {  	[dreg:$0x1] =	wrdreg $0xFFFFFFFF  }
0xad: {  	[dreg:$0x0] =	wrdreg $0x60  }
0xae: {  	[dreg:$0x2] =	wrdreg s24  }
0xaf: {  	[dreg:$0x3] =	wrdreg s2  }
0xb0: {  	[dreg:$0x4] =	wrdreg $0x9  }
0xb1: {  	_ =	task.clear_ibuf [dreg:s7], $0x5FFFF;
	_ =	strace $0x90000046  }
0xb2: {  	s29 =	simm.s32 $0x9;
	_ =	strace $0x80000048  }
0xb3: {  	_ =	swait.ge [sflag:s29], $0x1  }
0xb4: {  	[sflag:s29] =	ssyncadd.s32 $0xFFFFFFFF  }
0xb5: {  	_ =	strace $0x90000048  }
0xb6: {  	_ =	sfence  }
0xb7: {  	s30 =	sld [smem:$0x0];
	_ =	sdelay $0x2  }
0xb8: {  	s31 =	sshll.u32 s1, $0xD;
	s1 =	sshrl.u32 s1, $0x2  }
0xb9: {  	s3 =	sand.u32 $0x4000, s31;
	s1 =	sadd.s32 s1, s30  }
0xba: {  	s0 =	sor.u32 s3, s0;
	s1 =	sshll.u32 s1, $0x11  }
0xbb: {  	s0 =	sor.u32 s1, s0  }
0xbc: {  	s0 =	sadd.s32 $0x8F2B, s0  }
0xbd: {  	[sflag:s0] =	ssyncadd.remote.s32 $0x1  }
0xbe: {  	_ =	sfence.sel $0xFFFF  }
0xbf: {  	[dreg:$0x0] =	wrdreg $0xFFFFFFFF;
	(pc) =	sbr.abs _section_cstart, $3  }
0xc0: {  	[dreg:$0x1] =	wrdreg $0xFFFFFFFF  }
0xc1: {  	_ =	task.clear_ibuf [dreg:s7], $0x2FFFF;
	_ =	strace $0x9FFFFFFF  }
0xc2: {  	(tm) =	ssettm $0x7FFFFFFF  }
0xc3: {  	_ =	shalt  }
tec
execute0_lowered:
.L_overlay_start_1:
0x0: {  	(tag) =	ssettag $0x1  }
0x1: {  	s1 =	srdreg.scid  }
0x2: {  	s0 =	rddreg [dreg:$0x0];
	s3 =	stileid.u32;
	s1 =	sand.u32 $0x1, s1  }
0x3: {  	s3 =	sshll.u32 s3, $0x5;
	s2 =	ssub.s32 $0x2, s1;
	s1 =	sshll.u32 s1, $0x4  }
0x4: {  	s21 =	rddreg [dreg:$0x1];
	s4 =	simm.s32 $0x0;
	s1 =	sor.u32 s1, s3  }
0x5: {  	v0 =	vlaneseq.u32;
	v3 =	vimm.s32 $0x3180;
	vm0 =	vcmask $0x300;
	[smem:$0x7FF] =	sst s4;
	s1 =	sadd.s32 s0, s1;
	s0 =	sadd.s32 $0x400, s0  }
0x6: {  	vm14 =	vcmask $0x704;
	v0 =	vmul.u32 $0x80, v0;
	v4 =	vsel vm0, $0x3000, v3;
	_ =	strace $0x80000047;
	s29 =	sshrl.u32 s2, $0x1;
	[dreg:$0x4] =	wrdreg s0  }
0x7: {  	vm15 =	vcmask $0xB08;
	v6 =	vsel vm14, $0x3080, v4;
	s2 =	ssub.s32 s2, s29;
	[dreg:$0x3] =	wrdreg s1;
	s30 =	sadd.s32 $0x200, s1  }
0x8: {  	v1 =	vor.u32 $0x800, v0;
	v2 =	vor.u32 $0x1000, v0;
	v3 =	vor.u32 $0x1800, v0;
	s31 =	smax.u32 s2, $0x1;
	[dreg:$0x5] =	wrdreg s30  }
0x9: {  	s3 =	simm.s32 $0x80;
	v4 =	vor.u32 $0x2000, v0;
	v5 =	vor.u32 $0x2800, v0;
	v6 =	vsel vm15, $0x3100, v6;
	s2 =	simm.s32 $0x0;
	[dreg:$0x6] =	wrdreg s31  }
.LBB2_1:
0xa: {  	[dreg:$0x7] =	wrdreg s2  }
0xb: {  	s0 =	simm.s32 $0x0;
	s1 =	rddreg [dreg:$0x3];
	s6 =	simm.s32 $0xA  }
0xc: {  	[tilespmem:s0], [sflag:$0xA] =	stream.linear.gather [hbm4b:s1+s0], $0x80, $0x38;
	[tilespmem:$0x1E100] =	vst v63  }
0xd: {  	_ =	swait.ge [sflag:s6], $0x80  }
0xe: {  	[sflag:s6] =	ssyncset.done $0x0  }
0xf: {  	s7 =	rddreg [dreg:$0x5];
	[sflag:s6] =	ssyncadd.s32 $0xFFFFFF80  }
0x10: {  	[tilespmem:s3], [sflag:$0xA] =	stream.linear.gather [hbm4b:s7+s0], $0x80, $0x38;
	[tilespmem:$0x1E100] =	vst v63  }
0x11: {  	_ =	swait.ge [sflag:s6], $0x80  }
0x12: {  	[sflag:s6] =	ssyncset.done $0x0  }
0x13: {  	[sflag:s6] =	ssyncadd.s32 $0xFFFFFF80  }
0x14: {  	v7 =	vld [tilespmem:$0x0];
	_ =	sdelay $0x4  }
0x15: {  	(v2sf) =	vpush v7, $0x0  }
0x16: {  	(v2sf) =	vpush v7, $0x1;
	_ =	sdelay $0x1  }
0x17: {  	(v2sf) =	vpush v7, $0x2;
	_ =	sdelay $0x2  }
0x18: {  	(v2sf) =	vpush v7, $0x3;
	_ =	sdelay $0x2  }
0x19: {  	(v2sf) =	vpush v7, $0x4;
	_ =	sdelay $0x5  }
0x1a: {  	s8 =	spop (v2sf)  }
0x1b: {  	s9 =	sshra.s32 s8, $0x1F;
	s11 =	spop (v2sf)  }
0x1c: {  	s12 =	sand.u32 $0x7F, s8;
	p0 =	slt.s32 s8, $0x1;
	s1 =	sshrl.u32 s9, $0x19  }
0x1d: {  	p1 =	sne.s32 s12, $0x0;
	s13 =	spop (v2sf);
	s14 =	sshra.s32 s11, $0x1F  }
0x1e: {  	s4 =	sand.u32 $0x7F, s11;
	p3 =	slt.s32 s11, $0x1;
	s1 =	sadd.s32 s1, s8  }
0x1f: {  	p0 =	por !p0, !p1;
	s3 =	sshrl.u32 s14, $0x19;
	p2 =	sne.s32 s4, $0x0  }
0x20: {  	s4 =	simm.s32 $0x1;
	s5 =	spop (v2sf);
	s15 =	sand.u32 $0x7F, s13  }
0x21: {  	s16 =	sshra.s32 s13, $0x1F;
	p5 =	slt.s32 s13, $0x1;
	s1 =	sshra.s32 s1, $0x7  }
0x22: {  	p0 =	por !p0, !p0;
	s2 =	sadd.s32 s3, s11;
	p1 =	por !p3, !p2  }
0x23: {  	s3 =	simm.s32 $0x1;
	s6 =	spop (v2sf);
	p3 =	sne.s32 s15, $0x0  }
0x24: {  	s17 =	sshrl.u32 s16, $0x19;
	s18 =	sand.u32 $0x7F, s5;
	p6 =	slt.s32 s5, $0x1  }
0x25: {  	s19 =	sshra.s32 s5, $0x1F;
	p1 =	por !p1, !p1;
	s4 =	simm.s32 @!p0 $0x0  }
0x26: {  	s2 =	sshra.s32 s2, $0x7;
	p2 =	por !p5, !p3;
	s0 =	sadd.s32 s17, s13  }
0x27: {  	s7 =	sand.u32 $0x7F, s6;
	p5 =	slt.s32 s6, $0x1;
	s24 =	sshra.s32 s6, $0x1F  }
0x28: {  	s3 =	simm.s32 @!p1 $0x0;
	s1 =	ssub.s32 s1, s4;
	p2 =	por !p2, !p2  }
0x29: {  	s0 =	sshra.s32 s0, $0x7;
	s4 =	simm.s32 $0x1;
	s2 =	ssub.s32 s2, s3  }
0x2a: {  	p0 =	seq.s32 s1, $0xFFFFFFFF;
	s3 =	simm.s32 $0x1;
	p4 =	sne.s32 s2, s1  }
0x2b: {  	(v2sf) =	vpush v7, $0x5;
	s3 =	simm.s32 @!p2 $0x0;
	s1 =	sshll.u32 @!p0 s1, $0x7;
	s8 =	simm.s32 @!p0 $0x7A1400  }
0x2c: {  	s9 =	simm.s32 @!p0 $0x100;
	p1 =	por p4, p0;
	s0 =	ssub.s32 s0, s3  }
0x2d: {  	p4 =	sne.s32 s18, $0x0;
	s1 =	sand.u32 @!p0 $0x1FFFFF80, s1;
	s3 =	sshrl.u32 s19, $0x19  }
0x2e: {  	p3 =	seq.s32 s0, s2;
	p2 =	por !p6, !p4;
	p6 =	sne.s32 s7, $0x0  }
0x2f: {  	s1 =	sadd.s32 @!p0 s21, s1;
	s7 =	simm.s32 @!p0 $0x400;
	s3 =	sadd.s32 s3, s5  }
0x30: {  	[tilespmem:s9], [sflag:$0x1] =	stream.strided.gather @!p0 [hbm4b:s1+s7], $0x3000, s8, s7, $0x38;
	[tilespmem:$0x1E100] =	vst v63  }
0x31: {  	s5 =	simm.s32 @!p0 $0x0;
	p2 =	por !p2, !p2;
	s8 =	simm.s32 $0x1  }
0x32: {  	p3 =	por !p3, !p1;
	s1 =	sadd.s32 @!p0 $0xB71E00, s1;
	s9 =	simm.s32 @!p0 $0x3100  }
0x33: {  	s23 =	sshra.s32 s3, $0x7;
	s3 =	sshrl.u32 s24, $0x19;
	p1 =	por p0, p1  }
0x34: {  	s4 =	simm.s32 @!p2 $0x0;
	p2 =	por !p5, !p6;
	p3 =	por !p3, !p3  }
0x35: {  	s3 =	sadd.s32 s3, s6;
	s2 =	sshll.u32 @p1 s2, $0x7;
	s6 =	simm.s32 @p1 $0x7A1400  }
0x36: {  	[tilespmem:s9], [sflag:$0x1] =	stream.linear.gather @!p0 [hbm4b:s1+s5], $0x200, $0x38;
	[tilespmem:$0x1E100] =	vst v63  }
0x37: {  	p2 =	por !p2, !p2;
	s1 =	ssub.s32 s23, s4;
	s3 =	sshra.s32 s3, $0x7  }
0x38: {  	s2 =	sand.u32 @p1 $0x1FFFFF80, s2;
	s5 =	simm.s32 @p1 $0x400;
	s4 =	simm.s32 $0x1  }
0x39: {  	s8 =	simm.s32 @!p2 $0x0;
	p4 =	sne.s32 s1, s0;
	s2 =	sadd.s32 @p1 s21, s2  }
0x3a: {  	s20 =	spop (v2sf);
	p0 =	por p4, p3;
	s3 =	ssub.s32 s3, s8  }
0x3b: {  	s8 =	simm.s32 @p1 $0x3500;
	s22 =	sand.u32 $0x7F, s20;
	p5 =	slt.s32 s20, $0x1  }
0x3c: {  	[tilespmem:s8], [sflag:$0x2] =	stream.strided.gather @p1 [hbm4b:s2+s5], $0x3000, s6, s5, $0x38;
	[tilespmem:$0x1E100] =	vst v63  }
0x3d: {  	s25 =	sshra.s32 s20, $0x1F;
	s2 =	sadd.s32 @p1 $0xB71E00, s2;
	s5 =	simm.s32 @p1 $0x0  }
0x3e: {  	(v2sf) =	vpush v7, $0x6;
	s6 =	simm.s32 @p1 $0x6500;
	p6 =	sne.s32 s22, $0x0;
	s26 =	sshrl.u32 s25, $0x19  }
0x3f: {  	[tilespmem:s6], [sflag:$0x2] =	stream.linear.gather @p1 [hbm4b:s2+s5], $0x200, $0x38;
	[tilespmem:$0x1E100] =	vst v63  }
0x40: {  	p2 =	por !p5, !p6;
	p1 =	por !p1, !p3;
	p5 =	seq.s32 s3, s1  }
0x41: {  	s2 =	sadd.s32 s26, s20;
	p3 =	por !p5, !p0;
	s0 =	sshll.u32 @p1 s0, $0x7  }
0x42: {  	p2 =	por !p2, !p2;
	s5 =	simm.s32 @p1 $0x400;
	s0 =	sand.u32 @p1 $0x1FFFFF80, s0  }
0x43: {  	s6 =	simm.s32 @p1 $0x7A1400;
	s7 =	simm.s32 @p1 $0x6900;
	s0 =	sadd.s32 @p1 s21, s0  }
0x44: {  	[tilespmem:s7], [sflag:$0x3] =	stream.strided.gather @p1 [hbm4b:s0+s5], $0x3000, s6, s5, $0x38;
	[tilespmem:$0x1E100] =	vst v63  }
0x45: {  	s0 =	sadd.s32 @p1 $0xB71E00, s0;
	s5 =	simm.s32 @p1 $0x0;
	s6 =	simm.s32 @p1 $0x9900  }
0x46: {  	[tilespmem:s6], [sflag:$0x3] =	stream.linear.gather @p1 [hbm4b:s0+s5], $0x200, $0x38;
	[tilespmem:$0x1E100] =	vst v63  }
0x47: {  	s2 =	sshra.s32 s2, $0x7;
	s4 =	simm.s32 @!p2 $0x0;
	p1 =	por !p1, p0  }
0x48: {  	p6 =	por !p3, !p3;
	s2 =	ssub.s32 s2, s4;
	s1 =	sshll.u32 @p1 s1, $0x7  }
0x49: {  	p3 =	sne.s32 s2, s3;
	s6 =	simm.s32 @p1 $0x400;
	s1 =	sand.u32 @p1 $0x1FFFFF80, s1  }
0x4a: {  	s7 =	simm.s32 @p1 $0x7A1400;
	s8 =	simm.s32 @p1 $0x9D00;
	s1 =	sadd.s32 @p1 s21, s1  }
0x4b: {  	[tilespmem:s8], [sflag:$0x4] =	stream.strided.gather @p1 [hbm4b:s1+s6], $0x3000, s7, s6, $0x38;
	[tilespmem:$0x1E100] =	vst v63  }
0x4c: {  	p0 =	por p3, p6;
	s1 =	sadd.s32 @p1 $0xB71E00, s1  }
0x4d: {  	s6 =	simm.s32 @p1 $0x0;
	s7 =	simm.s32 @p1 $0xCD00;
	s28 =	spop (v2sf)  }
0x4e: {  	[tilespmem:s7], [sflag:$0x4] =	stream.linear.gather @p1 [hbm4b:s1+s6], $0x200, $0x38;
	[tilespmem:$0x1E100] =	vst v63  }
0x4f: {  	p1 =	por !p1, !p6;
	s30 =	sshra.s32 s28, $0x1F;
	s31 =	sand.u32 $0x7F, s28  }
0x50: {  	p4 =	slt.s32 s28, $0x1;
	s1 =	sshll.u32 @p1 s3, $0x7;
	s3 =	simm.s32 $0x1  }
0x51: {  	s5 =	simm.s32 @p1 $0x7A1400;
	s6 =	simm.s32 @p1 $0xD100;
	p5 =	sne.s32 s31, $0x0  }
0x52: {  	s4 =	sshrl.u32 s30, $0x19;
	s1 =	sand.u32 @p1 $0x1FFFFF80, s1;
	p2 =	por !p4, !p5  }
0x53: {  	s0 =	sadd.s32 s4, s28;
	s1 =	sadd.s32 @p1 s21, s1;
	s4 =	simm.s32 @p1 $0x400  }
0x54: {  	[tilespmem:s6], [sflag:$0x5] =	stream.strided.gather @p1 [hbm4b:s1+s4], $0x3000, s5, s4, $0x38;
	[tilespmem:$0x1E100] =	vst v63  }
0x55: {  	p2 =	por !p2, !p2;
	s0 =	sshra.s32 s0, $0x7;
	s1 =	sadd.s32 @p1 $0xB71E00, s1  }
0x56: {  	s4 =	simm.s32 @p1 $0x0;
	s5 =	simm.s32 @p1 $0x10100;
	s3 =	simm.s32 @!p2 $0x0  }
0x57: {  	[tilespmem:s5], [sflag:$0x5] =	stream.linear.gather @p1 [hbm4b:s1+s4], $0x200, $0x38;
	[tilespmem:$0x1E100] =	vst v63  }
0x58: {  	s0 =	ssub.s32 s0, s3;
	p1 =	por !p1, p0  }
0x59: {  	p6 =	seq.s32 s0, s2;
	s1 =	sshll.u32 @p1 s2, $0x7;
	s2 =	simm.s32 @p1 $0x400  }
0x5a: {  	s3 =	simm.s32 @p1 $0x7A1400;
	p0 =	por !p6, !p0;
	s1 =	sand.u32 @p1 $0x1FFFFF80, s1  }
0x5b: {  	s4 =	simm.s32 @p1 $0x10500;
	p0 =	por !p0, !p0;
	s1 =	sadd.s32 @p1 s21, s1  }
0x5c: {  	[tilespmem:s4], [sflag:$0x6] =	stream.strided.gather @p1 [hbm4b:s1+s2], $0x3000, s3, s2, $0x38;
	[tilespmem:$0x1E100] =	vst v63  }
0x5d: {  	s10 =	simm.s32 $0x0;
	s1 =	sadd.s32 @p1 $0xB71E00, s1;
	p0 =	por !p1, !p0  }
0x5e: {  	s2 =	simm.s32 @p1 $0x0;
	s3 =	simm.s32 @p1 $0x13500;
	s0 =	sshll.u32 @p0 s0, $0x7  }
0x5f: {  	[tilespmem:s3], [sflag:$0x6] =	stream.linear.gather @p1 [hbm4b:s1+s2], $0x200, $0x38;
	[tilespmem:$0x1E100] =	vst v63  }
0x60: {  	s29 =	simm.s32 $0xFFFFFFF8;
	s0 =	sand.u32 @p0 $0x1FFFFF80, s0;
	s1 =	simm.s32 @p0 $0x13900  }
0x61: {  	s2 =	simm.s32 @p0 $0x400;
	s3 =	simm.s32 @p0 $0x7A1400;
	s0 =	sadd.s32 @p0 s21, s0  }
0x62: {  	[tilespmem:s1], [sflag:$0x7] =	stream.strided.gather @p0 [hbm4b:s0+s2], $0x3000, s3, s2, $0x38;
	[tilespmem:$0x1E100] =	vst v63  }
0x63: {  	s19 =	simm.s32 $0x1A500;
	s0 =	sadd.s32 @p0 $0xB71E00, s0;
	s1 =	simm.s32 @p0 $0x16900  }
0x64: {  	[tilespmem:s1], [sflag:$0x7] =	stream.linear.gather @p0 [hbm4b:s0+s10], $0x200, $0x38;
	[tilespmem:$0x1E100] =	vst v63  }
0x65: {  	p3 =	por $0x1, $0x1;
	s2 =	simm.s32 $0xFFFFFFFF;
	s0 =	simm.s32 $0x0  }
.LBB2_2:
0x66: {  	v7 =	vld [tilespmem:s0+$0x0];
	_ =	sdelay $0x4  }
0x67: {  	(v2sf) =	vpush v7, $0x0  }
0x68: {  	(v2sf) =	vpush v7, $0x1  }
0x69: {  	(v2sf) =	vpush v7, $0x2  }
0x6a: {  	(v2sf) =	vpush v7, $0x3  }
0x6b: {  	(v2sf) =	vpush v7, $0x4  }
0x6c: {  	(v2sf) =	vpush v7, $0x5  }
0x6d: {  	(v2sf) =	vpush v7, $0x6  }
0x6e: {  	(v2sf) =	vpush v7, $0x7  }
0x6f: {  	(v2sf) =	vpush v7, $0x8  }
0x70: {  	(v2sf) =	vpush v7, $0x9  }
0x71: {  	s15 =	sadd.s32 $0x9, s29  }
0x72: {  	[dreg:$0x8] =	wrdreg s0;
	s0 =	smin.u32 s15, $0x7  }
0x73: {  	s0 =	sshll.u32 s0, $0x4;
	(v2sf) =	vpush v7, $0xA  }
0x74: {  	v8 =	vld [tilespmem:s0+$0x0];
	(v2sf) =	vpush v7, $0xB  }
0x75: {  	(v2sf) =	vpush v7, $0xC  }
0x76: {  	s3 =	spop (v2sf);
	(v2sf) =	vpush v7, $0xD  }
0x77: {  	s4 =	spop (v2sf);
	(v2sf) =	vpush v7, $0xE  }
0x78: {  	s7 =	spop (v2sf);
	(v2sf) =	vpush v7, $0xF  }
0x79: {  	s8 =	spop (v2sf);
	(v2sf) =	vpush v8, $0x0  }
0x7a: {  	s5 =	spop (v2sf);
	(v2sf) =	vpush v8, $0x1  }
0x7b: {  	s11 =	spop (v2sf);
	(v2sf) =	vpush v8, $0x2  }
0x7c: {  	s15 =	spop (v2sf);
	(v2sf) =	vpush v8, $0x3  }
0x7d: {  	s14 =	spop (v2sf);
	(v2sf) =	vpush v8, $0x4  }
0x7e: {  	s13 =	spop (v2sf);
	(v2sf) =	vpush v8, $0x5  }
0x7f: {  	s10 =	spop (v2sf);
	(v2sf) =	vpush v8, $0x6;
	_ =	sdelay $0x1  }
0x80: {  	s1 =	sand.u32 $0x7F, s3  }
0x81: {  	s6 =	sshra.s32 s3, $0x1F;
	p0 =	slt.s32 s3, $0x1;
	s0 =	spop (v2sf)  }
0x82: {  	p1 =	sne.s32 s1, $0x0;
	s16 =	sshrl.u32 s6, $0x19;
	s30 =	spop (v2sf)  }
0x83: {  	s6 =	simm.s32 $0x1;
	p0 =	por !p0, !p1;
	s28 =	spop (v2sf)  }
0x84: {  	s1 =	sadd.s32 s16, s3;
	p0 =	por !p0, !p0;
	s25 =	spop (v2sf)  }
0x85: {  	s1 =	sshra.s32 s1, $0x7;
	s6 =	simm.s32 @!p0 $0x0;
	s23 =	spop (v2sf)  }
0x86: {  	s16 =	ssub.s32 s1, s6;
	s17 =	spop (v2sf)  }
0x87: {  	p2 =	seq.s32 s16, s2;
	s1 =	spop (v2sf)  }
0x88: {  	s6 =	smov.u32 s16;
	p0 =	por !p3, !p2;
	s31 =	spop (v2sf)  }
0x89: {  	p0 =	por !p0, !p0;
	[dreg:$0xe] =	wrdreg s17;
	s9 =	spop (v2sf)  }
0x8a: {  	s6 =	smov.u32 @p0 s2;
	[dreg:$0xd] =	wrdreg s9;
	s18 =	spop (v2sf)  }
0x8b: {  	s20 =	sshll.u32 s6, $0x7;
	[dreg:$0xc] =	wrdreg s18;
	s22 =	spop (v2sf)  }
0x8c: {  	s6 =	ssub.s32 s3, s20;
	[dreg:$0xb] =	wrdreg s22;
	s24 =	spop (v2sf)  }
0x8d: {  	v7 =	vadd.s32 s6, v0;
	[dreg:$0xa] =	wrdreg s24;
	s26 =	spop (v2sf)  }
0x8e: {  	s2 =	simm.s32 @!p0 $0x1;
	[dreg:$0x9] =	wrdreg s26  }
0x8f: {  	_ =	swait.ge @!p0 [sflag:s2], $0x3200  }
0x90: {  	s24 =	simm.s32 @!p0 $0x100;
	[sflag:s2] =	ssyncset.done @!p0 $0x0  }
0x91: {  	s24 =	simm.s32 @p0 $0x16D00;
	[sflag:s2] =	ssyncadd.s32 @!p0 $0xFFFFCE00  }
0x92: {  	v7 =	vld.idx.msk [tilespmem:v7+s24+$0x0], $0xffff  }
0x93: {  	v8 =	vadd.s32 s6, v1  }
0x94: {  	s3 =	sand.u32 $0x7F, s4  }
0x95: {  	s12 =	sand.u32 $0x7F, s7;
	p2 =	slt.s32 s4, $0x1;
	p3 =	sne.s32 s3, $0x0  }
0x96: {  	p5 =	slt.s32 s7, $0x1;
	p4 =	sne.s32 s12, $0x0;
	p1 =	por !p2, !p3  }
0x97: {  	s12 =	sshra.s32 s8, $0x1F;
	s3 =	simm.s32 $0x1;
	p1 =	por !p1, !p1;
	[tilespmem:s19+$0xFFFFFC00] =	vst v7  }
0x98: {  	s20 =	sshrl.u32 s12, $0x19;
	p2 =	slt.s32 s8, $0x1;
	s3 =	simm.s32 @!p1 $0x0;
	v7 =	vld.idx.msk [tilespmem:v8+s24+$0x0], $0xffff  }
0x99: {  	p1 =	por !p5, !p4;
	p4 =	slt.s32 s5, $0x1;
	s9 =	sshra.s32 s4, $0x1F;
	v8 =	vadd.s32 s6, v2  }
0x9a: {  	p1 =	por !p1, !p1;
	s18 =	sand.u32 $0x7F, s8;
	s2 =	sshrl.u32 s9, $0x19  }
0x9b: {  	s17 =	sshra.s32 s7, $0x1F;
	p6 =	sne.s32 s18, $0x0;
	s2 =	sadd.s32 s2, s4  }
0x9c: {  	s18 =	sshra.s32 s11, $0x1F;
	s26 =	sand.u32 $0x7F, s5;
	s2 =	sshra.s32 s2, $0x7  }
0x9d: {  	s22 =	ssub.s32 s2, s3;
	s2 =	sshrl.u32 s17, $0x19;
	s3 =	simm.s32 $0x1;
	[tilespmem:s19+$0xFFFFFC10] =	vst v7  }
0x9e: {  	s17 =	sshra.s32 s5, $0x1F;
	s2 =	sadd.s32 s2, s7;
	s3 =	simm.s32 @!p1 $0x0;
	v7 =	vld.idx.msk [tilespmem:v8+s24+$0x0], $0xffff  }
0x9f: {  	p1 =	por !p2, !p6;
	p3 =	sne.s32 s22, s16;
	s2 =	sshra.s32 s2, $0x7;
	v8 =	vadd.s32 s6, v3  }
0xa0: {  	p1 =	por !p1, !p1;
	s9 =	ssub.s32 s2, s3;
	s2 =	sadd.s32 s20, s8  }
0xa1: {  	p6 =	por p3, p0;
	s3 =	simm.s32 $0x1;
	s2 =	sshra.s32 s2, $0x7  }
0xa2: {  	s3 =	simm.s32 @!p1 $0x0;
	p1 =	sne.s32 s26, $0x0;
	p5 =	seq.s32 s9, s22  }
0xa3: {  	s26 =	sand.u32 $0x7F, s15;
	s20 =	ssub.s32 s2, s3;
	s2 =	sshrl.u32 s17, $0x19;
	[tilespmem:s19+$0xFFFFFC20] =	vst v7  }
0xa4: {  	p0 =	por !p4, !p1;
	s3 =	simm.s32 $0x1;
	s17 =	sand.u32 $0x7F, s11;
	v7 =	vld.idx.msk [tilespmem:v8+s24+$0x0], $0xffff  }
0xa5: {  	p4 =	por !p5, !p6;
	p5 =	slt.s32 s11, $0x1;
	s2 =	sadd.s32 s2, s5;
	v8 =	vadd.s32 s6, v4  }
0xa6: {  	p0 =	por !p0, !p0;
	p3 =	sne.s32 s17, $0x0;
	p4 =	por !p4, !p4  }
0xa7: {  	s17 =	sshra.s32 s15, $0x1F;
	s2 =	sshra.s32 s2, $0x7;
	s3 =	simm.s32 @!p0 $0x0  }
0xa8: {  	p0 =	sne.s32 s20, s9;
	p1 =	por !p5, !p3;
	s12 =	ssub.s32 s2, s3  }
0xa9: {  	s2 =	sshrl.u32 s18, $0x19;
	p1 =	por !p1, !p1;
	s3 =	simm.s32 $0x1;
	[tilespmem:s19+$0xFFFFFC30] =	vst v7  }
0xaa: {  	p5 =	por p0, p4;
	p0 =	slt.s32 s15, $0x1;
	s18 =	sshra.s32 s14, $0x1F;
	v7 =	vld.idx.msk [tilespmem:v8+s24+$0x0], $0xffff  }
0xab: {  	s2 =	sadd.s32 s2, s11;
	s3 =	simm.s32 @!p1 $0x0;
	p1 =	sne.s32 s26, $0x0;
	v8 =	vadd.s32 s6, v5  }
0xac: {  	p3 =	seq.s32 s12, s20;
	s26 =	sand.u32 $0x7F, s14;
	s2 =	sshra.s32 s2, $0x7  }
0xad: {  	p2 =	por !p3, !p5;
	p1 =	por !p0, !p1;
	p0 =	slt.s32 s14, $0x1  }
0xae: {  	s2 =	ssub.s32 s2, s3;
	s3 =	sshrl.u32 s17, $0x19;
	p1 =	por !p1, !p1  }
0xaf: {  	s17 =	simm.s32 $0x1;
	p3 =	por !p2, !p2;
	s3 =	sadd.s32 s3, s15;
	[tilespmem:s19+$0xFFFFFC40] =	vst v7  }
0xb0: {  	s17 =	simm.s32 @!p1 $0x0;
	p1 =	sne.s32 s26, $0x0;
	p2 =	sne.s32 s2, s12;
	v7 =	vld.idx.msk [tilespmem:v8+s24+$0x0], $0xffff  }
0xb1: {  	s3 =	sshra.s32 s3, $0x7;
	p2 =	por p2, p3;
	p0 =	por !p0, !p1;
	v8 =	vadd.s32 s6, v6  }
0xb2: {  	s3 =	ssub.s32 s3, s17;
	s17 =	simm.s32 @!p2 $0x0;
	p0 =	por !p0, !p0  }
0xb3: {  	s17 =	simm.s32 @p2 $0x1;
	p1 =	seq.s32 s3, s2;
	s6 =	sshrl.u32 s18, $0x19  }
0xb4: {  	[smem:$0x7F8] =	sst s17;
	s17 =	simm.s32 $0x1;
	s6 =	sadd.s32 s6, s14  }
0xb5: {  	p1 =	por !p1, !p2;
	s17 =	simm.s32 @!p0 $0x0;
	s6 =	sshra.s32 s6, $0x7;
	[tilespmem:s19+$0xFFFFFC50] =	vst v7  }
0xb6: {  	p1 =	por !p1, !p1;
	s6 =	ssub.s32 s6, s17;
	v7 =	vld.idx.msk [tilespmem:v8+s24+$0x0], $0xffff  }
0xb7: {  	s16 =	smov.u32 @p6 s22;
	s17 =	simm.s32 @!p1 $0x0;
	p2 =	sne.s32 s6, s3  }
0xb8: {  	s16 =	sshll.u32 s16, $0x7;
	s17 =	simm.s32 @p1 $0x1;
	p1 =	por p2, p1  }
0xb9: {  	s4 =	ssub.s32 s4, s16;
	[smem:$0x7F9] =	sst s17;
	s17 =	sshll.u32 @p1 s6, $0x7  }
0xba: {  	s18 =	smov.u32 s21;
	s24 =	simm.s32 @p1 $0x400;
	s17 =	sand.u32 @p1 $0x1FFFFF80, s17  }
0xbb: {  	s26 =	simm.s32 @p1 $0x7A1400;
	s17 =	sadd.s32 @p1 s21, s17;
	s21 =	simm.s32 @p1 $0x16D00;
	[tilespmem:s19+$0xFFFFFC60] =	vst v7  }
0xbc: {  	[tilespmem:s21], [sflag:$0x8] =	stream.strided.gather @p1 [hbm4b:s17+s24], $0x3000, s26, s24, $0x38;
	[tilespmem:$0x1E100] =	vst v63  }
0xbd: {  	s16 =	sadd.s32 @p1 $0xB71E00, s17;
	s17 =	simm.s32 @p1 $0x0;
	s21 =	simm.s32 @p1 $0x19D00  }
0xbe: {  	v7 =	vadd.s32 s4, v0;
	[tilespmem:s21], [sflag:$0x8] =	stream.linear.gather @p1 [hbm4b:s16+s17], $0x200, $0x38;
	[tilespmem:$0x1E100] =	vst v63  }
0xbf: {  	s16 =	simm.s32 @p6 $0x2  }
0xc0: {  	_ =	swait.ge @p6 [sflag:s16], $0x3200  }
0xc1: {  	s17 =	simm.s32 $0x100;
	[sflag:s16] =	ssyncset.done @p6 $0x0  }
0xc2: {  	s17 =	simm.s32 @p6 $0x3500;
	[sflag:s16] =	ssyncadd.s32 @p6 $0xFFFFCE00  }
0xc3: {  	v7 =	vld.idx.msk [tilespmem:v7+s17+$0x0], $0xffff  }
0xc4: {  	v8 =	vadd.s32 s4, v1;
	_ =	sdelay $0x3  }
0xc5: {  	[tilespmem:s19+$0xFFFFFC80] =	vst v7  }
0xc6: {  	v7 =	vld.idx.msk [tilespmem:v8+s17+$0x0], $0xffff  }
0xc7: {  	v8 =	vadd.s32 s4, v2;
	_ =	sdelay $0x3  }
0xc8: {  	[tilespmem:s19+$0xFFFFFC90] =	vst v7  }
0xc9: {  	v7 =	vld.idx.msk [tilespmem:v8+s17+$0x0], $0xffff  }
0xca: {  	v8 =	vadd.s32 s4, v3;
	_ =	sdelay $0x3  }
0xcb: {  	[tilespmem:s19+$0xFFFFFCA0] =	vst v7  }
0xcc: {  	v7 =	vld.idx.msk [tilespmem:v8+s17+$0x0], $0xffff  }
0xcd: {  	v8 =	vadd.s32 s4, v4;
	_ =	sdelay $0x3  }
0xce: {  	[tilespmem:s19+$0xFFFFFCB0] =	vst v7  }
0xcf: {  	v7 =	vld.idx.msk [tilespmem:v8+s17+$0x0], $0xffff  }
0xd0: {  	v8 =	vadd.s32 s4, v5;
	_ =	sdelay $0x3  }
0xd1: {  	[tilespmem:s19+$0xFFFFFCC0] =	vst v7  }
0xd2: {  	s26 =	sand.u32 $0x7F, s13;
	v7 =	vld.idx.msk [tilespmem:v8+s17+$0x0], $0xffff  }
0xd3: {  	p2 =	slt.s32 s13, $0x1;
	s21 =	sshra.s32 s13, $0x1F;
	p6 =	sne.s32 s26, $0x0;
	v8 =	vadd.s32 s4, v6  }
0xd4: {  	s24 =	sshrl.u32 s21, $0x19;
	p0 =	por !p2, !p6  }
0xd5: {  	s16 =	simm.s32 $0x1;
	p0 =	por !p0, !p0;
	s4 =	sadd.s32 s24, s13  }
0xd6: {  	s16 =	simm.s32 @!p0 $0x0;
	s4 =	sshra.s32 s4, $0x7  }
0xd7: {  	s4 =	ssub.s32 s4, s16;
	[tilespmem:s19+$0xFFFFFCD0] =	vst v7  }
0xd8: {  	p2 =	seq.s32 s4, s6;
	v7 =	vld.idx.msk [tilespmem:v8+s17+$0x0], $0xffff  }
0xd9: {  	p0 =	por !p2, !p1  }
0xda: {  	p2 =	por !p0, !p0  }
0xdb: {  	s16 =	sshll.u32 @!p2 s4, $0x7  }
0xdc: {  	s21 =	simm.s32 @!p2 $0x400;
	s16 =	sand.u32 @!p2 $0x1FFFFF80, s16  }
0xdd: {  	s24 =	simm.s32 @!p2 $0x7A1400;
	s17 =	sadd.s32 @!p2 s18, s16;
	s16 =	simm.s32 @!p2 $0x100;
	[tilespmem:s19+$0xFFFFFCE0] =	vst v7  }
0xde: {  	[tilespmem:s16], [sflag:$0x1] =	stream.strided.gather @!p2 [hbm4b:s17+s21], $0x3000, s24, s21, $0x38;
	[tilespmem:$0x1E100] =	vst v63  }
0xdf: {  	s21 =	smov.u32 s9  }
0xe0: {  	s21 =	smov.u32 @p4 s22  }
0xe1: {  	s17 =	sadd.s32 @!p2 $0xB71E00, s17;
	s21 =	sshll.u32 s21, $0x7  }
0xe2: {  	s22 =	simm.s32 @!p2 $0x3100;
	s7 =	ssub.s32 s7, s21;
	s21 =	simm.s32 @!p2 $0x0  }
0xe3: {  	[tilespmem:s22], [sflag:$0x1] =	stream.linear.gather @!p2 [hbm4b:s17+s21], $0x200, $0x38;
	[tilespmem:$0x1E100] =	vst v63  }
0xe4: {  	s17 =	simm.s32 @!p2 $0x0  }
0xe5: {  	v7 =	vadd.s32 s7, v0;
	s17 =	simm.s32 @p2 $0x1  }
0xe6: {  	[smem:$0x7FA] =	sst s17;
	s17 =	simm.s32 @!p4 $0x3  }
0xe7: {  	_ =	swait.ge @!p4 [sflag:s17], $0x3200  }
0xe8: {  	s21 =	simm.s32 @!p4 $0x6900;
	[sflag:s17] =	ssyncset.done @!p4 $0x0  }
0xe9: {  	s21 =	simm.s32 @p4 $0x3500;
	[sflag:s17] =	ssyncadd.s32 @!p4 $0xFFFFCE00  }
0xea: {  	v7 =	vld.idx.msk [tilespmem:v7+s21+$0x0], $0xffff  }
0xeb: {  	v8 =	vadd.s32 s7, v1;
	_ =	sdelay $0x3  }
0xec: {  	[tilespmem:s19+$0xFFFFFD00] =	vst v7  }
0xed: {  	v7 =	vld.idx.msk [tilespmem:v8+s21+$0x0], $0xffff  }
0xee: {  	v8 =	vadd.s32 s7, v2;
	_ =	sdelay $0x3  }
0xef: {  	[tilespmem:s19+$0xFFFFFD10] =	vst v7  }
0xf0: {  	v7 =	vld.idx.msk [tilespmem:v8+s21+$0x0], $0xffff  }
0xf1: {  	v8 =	vadd.s32 s7, v3;
	_ =	sdelay $0x3  }
0xf2: {  	[tilespmem:s19+$0xFFFFFD20] =	vst v7  }
0xf3: {  	v7 =	vld.idx.msk [tilespmem:v8+s21+$0x0], $0xffff  }
0xf4: {  	v8 =	vadd.s32 s7, v4;
	_ =	sdelay $0x3  }
0xf5: {  	[tilespmem:s19+$0xFFFFFD30] =	vst v7  }
0xf6: {  	v7 =	vld.idx.msk [tilespmem:v8+s21+$0x0], $0xffff  }
0xf7: {  	v8 =	vadd.s32 s7, v5;
	_ =	sdelay $0x3  }
0xf8: {  	[tilespmem:s19+$0xFFFFFD40] =	vst v7  }
0xf9: {  	v7 =	vld.idx.msk [tilespmem:v8+s21+$0x0], $0xffff  }
0xfa: {  	s26 =	sand.u32 $0x7F, s10;
	v8 =	vadd.s32 s7, v6  }
0xfb: {  	p6 =	slt.s32 s10, $0x1;
	s22 =	sshra.s32 s10, $0x1F;
	p4 =	sne.s32 s26, $0x0  }
0xfc: {  	p0 =	por !p6, !p4;
	s7 =	sshrl.u32 s22, $0x19  }
0xfd: {  	s17 =	simm.s32 $0x1;
	p0 =	por !p0, !p0;
	s7 =	sadd.s32 s7, s10  }
0xfe: {  	s17 =	simm.s32 @!p0 $0x0;
	s7 =	sshra.s32 s7, $0x7;
	[tilespmem:s19+$0xFFFFFD50] =	vst v7  }
0xff: {  	s7 =	ssub.s32 s7, s17;
	v7 =	vld.idx.msk [tilespmem:v8+s21+$0x0], $0xffff  }
0x100: {  	p4 =	sne.s32 s7, s4  }
0x101: {  	s9 =	smov.u32 @p5 s20;
	p6 =	por p4, p2  }
0x102: {  	s9 =	sshll.u32 s9, $0x7;
	s17 =	sshll.u32 @p6 s7, $0x7  }
0x103: {  	s8 =	ssub.s32 s8, s9;
	s21 =	simm.s32 @p6 $0x400;
	s17 =	sand.u32 @p6 $0x1FFFFF80, s17  }
0x104: {  	s22 =	simm.s32 @p6 $0x7A1400;
	s24 =	simm.s32 @p6 $0x3500;
	s17 =	sadd.s32 @p6 s18, s17;
	[tilespmem:s19+$0xFFFFFD60] =	vst v7  }
0x105: {  	[tilespmem:s24], [sflag:$0x2] =	stream.strided.gather @p6 [hbm4b:s17+s21], $0x3000, s22, s21, $0x38;
	[tilespmem:$0x1E100] =	vst v63  }
0x106: {  	s9 =	sadd.s32 @p6 $0xB71E00, s17;
	s17 =	simm.s32 @p6 $0x0;
	s21 =	simm.s32 @p6 $0x6500  }
0x107: {  	v7 =	vadd.s32 s8, v0;
	[tilespmem:s21], [sflag:$0x2] =	stream.linear.gather @p6 [hbm4b:s9+s17], $0x200, $0x38;
	[tilespmem:$0x1E100] =	vst v63  }
0x108: {  	s9 =	simm.s32 @p5 $0x4  }
0x109: {  	_ =	swait.ge @p5 [sflag:s9], $0x3200  }
0x10a: {  	s17 =	simm.s32 $0x6900;
	[sflag:s9] =	ssyncset.done @p5 $0x0  }
0x10b: {  	s17 =	simm.s32 @p5 $0x9D00;
	[sflag:s9] =	ssyncadd.s32 @p5 $0xFFFFCE00  }
0x10c: {  	v7 =	vld.idx.msk [tilespmem:v7+s17+$0x0], $0xffff  }
0x10d: {  	v8 =	vadd.s32 s8, v1;
	_ =	sdelay $0x3  }
0x10e: {  	[tilespmem:s19+$0xFFFFFD80] =	vst v7  }
0x10f: {  	v7 =	vld.idx.msk [tilespmem:v8+s17+$0x0], $0xffff  }
0x110: {  	v8 =	vadd.s32 s8, v2;
	_ =	sdelay $0x3  }
0x111: {  	[tilespmem:s19+$0xFFFFFD90] =	vst v7  }
0x112: {  	v7 =	vld.idx.msk [tilespmem:v8+s17+$0x0], $0xffff  }
0x113: {  	v8 =	vadd.s32 s8, v3;
	_ =	sdelay $0x3  }
0x114: {  	[tilespmem:s19+$0xFFFFFDA0] =	vst v7  }
0x115: {  	v7 =	vld.idx.msk [tilespmem:v8+s17+$0x0], $0xffff  }
0x116: {  	v8 =	vadd.s32 s8, v4;
	_ =	sdelay $0x3  }
0x117: {  	[tilespmem:s19+$0xFFFFFDB0] =	vst v7  }
0x118: {  	v7 =	vld.idx.msk [tilespmem:v8+s17+$0x0], $0xffff  }
0x119: {  	v8 =	vadd.s32 s8, v5;
	_ =	sdelay $0x3  }
0x11a: {  	[tilespmem:s19+$0xFFFFFDC0] =	vst v7  }
0x11b: {  	s24 =	sand.u32 $0x7F, s0;
	v7 =	vld.idx.msk [tilespmem:v8+s17+$0x0], $0xffff  }
0x11c: {  	s26 =	sshra.s32 s0, $0x1F;
	p0 =	slt.s32 s0, $0x1;
	p5 =	sne.s32 s24, $0x0;
	v8 =	vadd.s32 s8, v6  }
0x11d: {  	s21 =	sshrl.u32 s26, $0x19;
	p4 =	por !p0, !p5  }
0x11e: {  	s9 =	simm.s32 $0x1;
	p4 =	por !p4, !p4;
	s8 =	sadd.s32 s21, s0  }
0x11f: {  	s9 =	simm.s32 @!p4 $0x0;
	s8 =	sshra.s32 s8, $0x7  }
0x120: {  	s9 =	ssub.s32 s8, s9;
	[tilespmem:s19+$0xFFFFFDD0] =	vst v7  }
0x121: {  	p2 =	seq.s32 s9, s7;
	v7 =	vld.idx.msk [tilespmem:v8+s17+$0x0], $0xffff  }
0x122: {  	p4 =	por !p2, !p6  }
0x123: {  	p5 =	por !p4, !p4  }
0x124: {  	s8 =	sshll.u32 @!p5 s9, $0x7  }
0x125: {  	s21 =	simm.s32 @!p5 $0x400;
	s8 =	sand.u32 @!p5 $0x1FFFFF80, s8  }
0x126: {  	s22 =	simm.s32 @!p5 $0x7A1400;
	s17 =	sadd.s32 @!p5 s18, s8;
	s8 =	simm.s32 @!p5 $0x6900;
	[tilespmem:s19+$0xFFFFFDE0] =	vst v7  }
0x127: {  	[tilespmem:s8], [sflag:$0x3] =	stream.strided.gather @!p5 [hbm4b:s17+s21], $0x3000, s22, s21, $0x38;
	[tilespmem:$0x1E100] =	vst v63  }
0x128: {  	s21 =	smov.u32 s12  }
0x129: {  	s21 =	smov.u32 @p3 s20  }
0x12a: {  	s17 =	sadd.s32 @!p5 $0xB71E00, s17;
	s20 =	sshll.u32 s21, $0x7  }
0x12b: {  	s21 =	simm.s32 @!p5 $0x9900;
	s5 =	ssub.s32 s5, s20;
	s20 =	simm.s32 @!p5 $0x0  }
0x12c: {  	[tilespmem:s21], [sflag:$0x3] =	stream.linear.gather @!p5 [hbm4b:s17+s20], $0x200, $0x38;
	v7 =	vadd.s32 s5, v0;
	[tilespmem:$0x1E100] =	vst v63  }
0x12d: {  	s17 =	simm.s32 @!p3 $0x5  }
0x12e: {  	_ =	swait.ge @!p3 [sflag:s17], $0x3200  }
0x12f: {  	s20 =	simm.s32 @!p3 $0xD100;
	[sflag:s17] =	ssyncset.done @!p3 $0x0  }
0x130: {  	s20 =	simm.s32 @p3 $0x9D00;
	[sflag:s17] =	ssyncadd.s32 @!p3 $0xFFFFCE00  }
0x131: {  	v7 =	vld.idx.msk [tilespmem:v7+s20+$0x0], $0xffff  }
0x132: {  	v8 =	vadd.s32 s5, v1;
	_ =	sdelay $0x3  }
0x133: {  	[tilespmem:s19+$0xFFFFFE00] =	vst v7  }
0x134: {  	v7 =	vld.idx.msk [tilespmem:v8+s20+$0x0], $0xffff  }
0x135: {  	v8 =	vadd.s32 s5, v2;
	_ =	sdelay $0x3  }
0x136: {  	[tilespmem:s19+$0xFFFFFE10] =	vst v7  }
0x137: {  	v7 =	vld.idx.msk [tilespmem:v8+s20+$0x0], $0xffff  }
0x138: {  	v8 =	vadd.s32 s5, v3;
	_ =	sdelay $0x3  }
0x139: {  	[tilespmem:s19+$0xFFFFFE20] =	vst v7  }
0x13a: {  	v7 =	vld.idx.msk [tilespmem:v8+s20+$0x0], $0xffff  }
0x13b: {  	v8 =	vadd.s32 s5, v4;
	_ =	sdelay $0x3  }
0x13c: {  	[tilespmem:s19+$0xFFFFFE30] =	vst v7  }
0x13d: {  	v7 =	vld.idx.msk [tilespmem:v8+s20+$0x0], $0xffff  }
0x13e: {  	v8 =	vadd.s32 s5, v5;
	_ =	sdelay $0x3  }
0x13f: {  	[tilespmem:s19+$0xFFFFFE40] =	vst v7  }
0x140: {  	v7 =	vld.idx.msk [tilespmem:v8+s20+$0x0], $0xffff  }
0x141: {  	s22 =	sand.u32 $0x7F, s30;
	v8 =	vadd.s32 s5, v6  }
0x142: {  	s24 =	sshra.s32 s30, $0x1F;
	p0 =	slt.s32 s30, $0x1;
	p4 =	sne.s32 s22, $0x0  }
0x143: {  	s26 =	sld [smem:$0x7F8];
	p3 =	por !p0, !p4;
	s5 =	sshrl.u32 s24, $0x19  }
0x144: {  	s17 =	simm.s32 $0x1;
	p3 =	por !p3, !p3;
	s5 =	sadd.s32 s5, s30  }
0x145: {  	s17 =	simm.s32 @!p3 $0x0;
	s5 =	sshra.s32 s5, $0x7;
	[tilespmem:s19+$0xFFFFFE50] =	vst v7  }
0x146: {  	s5 =	ssub.s32 s5, s17;
	v7 =	vld.idx.msk [tilespmem:v8+s20+$0x0], $0xffff  }
0x147: {  	p0 =	seq.s32 s26, $0x1;
	p2 =	sne.s32 s5, s9  }
0x148: {  	s12 =	smov.u32 @p0 s2;
	p4 =	por p2, p5  }
0x149: {  	s12 =	sshll.u32 s12, $0x7;
	s17 =	sshll.u32 @p4 s5, $0x7  }
0x14a: {  	s11 =	ssub.s32 s11, s12;
	s20 =	simm.s32 @p4 $0x400;
	s17 =	sand.u32 @p4 $0x1FFFFF80, s17  }
0x14b: {  	s21 =	simm.s32 @p4 $0x7A1400;
	s22 =	simm.s32 @p4 $0x9D00;
	s17 =	sadd.s32 @p4 s18, s17;
	[tilespmem:s19+$0xFFFFFE60] =	vst v7  }
0x14c: {  	[tilespmem:s22], [sflag:$0x4] =	stream.strided.gather @p4 [hbm4b:s17+s20], $0x3000, s21, s20, $0x38;
	[tilespmem:$0x1E100] =	vst v63  }
0x14d: {  	s12 =	sadd.s32 @p4 $0xB71E00, s17;
	s17 =	simm.s32 @p4 $0x0;
	s20 =	simm.s32 @p4 $0xCD00  }
0x14e: {  	v7 =	vadd.s32 s11, v0;
	[tilespmem:s20], [sflag:$0x4] =	stream.linear.gather @p4 [hbm4b:s12+s17], $0x200, $0x38;
	[tilespmem:$0x1E100] =	vst v63  }
0x14f: {  	s12 =	simm.s32 @p0 $0x6  }
0x150: {  	_ =	swait.ge @p0 [sflag:s12], $0x3200  }
0x151: {  	s17 =	simm.s32 $0xD100;
	[sflag:s12] =	ssyncset.done @p0 $0x0  }
0x152: {  	s17 =	simm.s32 @p0 $0x10500;
	[sflag:s12] =	ssyncadd.s32 @p0 $0xFFFFCE00  }
0x153: {  	v7 =	vld.idx.msk [tilespmem:v7+s17+$0x0], $0xffff  }
0x154: {  	v8 =	vadd.s32 s11, v1;
	_ =	sdelay $0x3  }
0x155: {  	[tilespmem:s19+$0xFFFFFE80] =	vst v7  }
0x156: {  	v7 =	vld.idx.msk [tilespmem:v8+s17+$0x0], $0xffff  }
0x157: {  	v8 =	vadd.s32 s11, v2;
	_ =	sdelay $0x3  }
0x158: {  	[tilespmem:s19+$0xFFFFFE90] =	vst v7  }
0x159: {  	v7 =	vld.idx.msk [tilespmem:v8+s17+$0x0], $0xffff  }
0x15a: {  	v8 =	vadd.s32 s11, v3;
	_ =	sdelay $0x3  }
0x15b: {  	[tilespmem:s19+$0xFFFFFEA0] =	vst v7  }
0x15c: {  	v7 =	vld.idx.msk [tilespmem:v8+s17+$0x0], $0xffff  }
0x15d: {  	v8 =	vadd.s32 s11, v4;
	_ =	sdelay $0x3  }
0x15e: {  	[tilespmem:s19+$0xFFFFFEB0] =	vst v7  }
0x15f: {  	v7 =	vld.idx.msk [tilespmem:v8+s17+$0x0], $0xffff  }
0x160: {  	v8 =	vadd.s32 s11, v5;
	_ =	sdelay $0x3  }
0x161: {  	[tilespmem:s19+$0xFFFFFEC0] =	vst v7  }
0x162: {  	s21 =	sand.u32 $0x7F, s28;
	v7 =	vld.idx.msk [tilespmem:v8+s17+$0x0], $0xffff  }
0x163: {  	s22 =	sshra.s32 s28, $0x1F;
	p3 =	sne.s32 s21, $0x0;
	p0 =	slt.s32 s28, $0x1;
	v8 =	vadd.s32 s11, v6  }
0x164: {  	s24 =	sshrl.u32 s22, $0x19;
	p2 =	por !p0, !p3  }
0x165: {  	s12 =	simm.s32 $0x1;
	p2 =	por !p2, !p2;
	s11 =	sadd.s32 s24, s28  }
0x166: {  	s12 =	simm.s32 @!p2 $0x0;
	s11 =	sshra.s32 s11, $0x7  }
0x167: {  	s11 =	ssub.s32 s11, s12;
	[tilespmem:s19+$0xFFFFFED0] =	vst v7  }
0x168: {  	p0 =	seq.s32 s11, s5;
	v7 =	vld.idx.msk [tilespmem:v8+s17+$0x0], $0xffff  }
0x169: {  	p2 =	por !p0, !p4  }
0x16a: {  	p3 =	por !p2, !p2  }
0x16b: {  	s12 =	sshll.u32 @!p3 s11, $0x7  }
0x16c: {  	s26 =	sld [smem:$0x7F9];
	s20 =	simm.s32 @!p3 $0x400;
	s12 =	sand.u32 @!p3 $0x1FFFFF80, s12  }
0x16d: {  	s21 =	simm.s32 @!p3 $0x7A1400;
	s17 =	sadd.s32 @!p3 s18, s12;
	s12 =	simm.s32 @!p3 $0xD100;
	[tilespmem:s19+$0xFFFFFEE0] =	vst v7  }
0x16e: {  	[tilespmem:s12], [sflag:$0x5] =	stream.strided.gather @!p3 [hbm4b:s17+s20], $0x3000, s21, s20, $0x38;
	[tilespmem:$0x1E100] =	vst v63  }
0x16f: {  	p0 =	seq.s32 s26, $0x1;
	s20 =	smov.u32 s3  }
0x170: {  	s20 =	smov.u32 @p0 s2  }
0x171: {  	s2 =	sshll.u32 s20, $0x7;
	s20 =	simm.s32 @!p3 $0x10100  }
0x172: {  	s2 =	ssub.s32 s15, s2;
	s15 =	sadd.s32 @!p3 $0xB71E00, s17;
	s17 =	simm.s32 @!p3 $0x0  }
0x173: {  	[tilespmem:s20], [sflag:$0x5] =	stream.linear.gather @!p3 [hbm4b:s15+s17], $0x200, $0x38;
	v7 =	vadd.s32 s2, v0;
	[tilespmem:$0x1E100] =	vst v63  }
0x174: {  	s15 =	simm.s32 @!p0 $0x7  }
0x175: {  	_ =	swait.ge @!p0 [sflag:s15], $0x3200  }
0x176: {  	s17 =	simm.s32 @!p0 $0x13900;
	[sflag:s15] =	ssyncset.done @!p0 $0x0  }
0x177: {  	s17 =	simm.s32 @p0 $0x10500;
	[sflag:s15] =	ssyncadd.s32 @!p0 $0xFFFFCE00  }
0x178: {  	v7 =	vld.idx.msk [tilespmem:v7+s17+$0x0], $0xffff  }
0x179: {  	v8 =	vadd.s32 s2, v1;
	_ =	sdelay $0x3  }
0x17a: {  	[tilespmem:s19+$0xFFFFFF00] =	vst v7  }
0x17b: {  	v7 =	vld.idx.msk [tilespmem:v8+s17+$0x0], $0xffff  }
0x17c: {  	v8 =	vadd.s32 s2, v2;
	_ =	sdelay $0x3  }
0x17d: {  	[tilespmem:s19+$0xFFFFFF10] =	vst v7  }
0x17e: {  	v7 =	vld.idx.msk [tilespmem:v8+s17+$0x0], $0xffff  }
0x17f: {  	v8 =	vadd.s32 s2, v3;
	_ =	sdelay $0x3  }
0x180: {  	[tilespmem:s19+$0xFFFFFF20] =	vst v7  }
0x181: {  	v7 =	vld.idx.msk [tilespmem:v8+s17+$0x0], $0xffff  }
0x182: {  	v8 =	vadd.s32 s2, v4;
	_ =	sdelay $0x3  }
0x183: {  	[tilespmem:s19+$0xFFFFFF30] =	vst v7  }
0x184: {  	v7 =	vld.idx.msk [tilespmem:v8+s17+$0x0], $0xffff  }
0x185: {  	v8 =	vadd.s32 s2, v5;
	_ =	sdelay $0x3  }
0x186: {  	[tilespmem:s19+$0xFFFFFF40] =	vst v7  }
0x187: {  	v7 =	vld.idx.msk [tilespmem:v8+s17+$0x0], $0xffff  }
0x188: {  	s20 =	sand.u32 $0x7F, s25;
	v8 =	vadd.s32 s2, v6  }
0x189: {  	s21 =	sshra.s32 s25, $0x1F;
	p2 =	sne.s32 s20, $0x0;
	p0 =	slt.s32 s25, $0x1  }
0x18a: {  	p0 =	por !p0, !p2;
	s2 =	sshrl.u32 s21, $0x19  }
0x18b: {  	s15 =	simm.s32 $0x1;
	p0 =	por !p0, !p0;
	s2 =	sadd.s32 s2, s25  }
0x18c: {  	s15 =	simm.s32 @!p0 $0x0;
	s2 =	sshra.s32 s2, $0x7;
	[tilespmem:s19+$0xFFFFFF50] =	vst v7  }
0x18d: {  	s15 =	ssub.s32 s2, s15;
	v7 =	vld.idx.msk [tilespmem:v8+s17+$0x0], $0xffff  }
0x18e: {  	p2 =	sne.s32 s15, s11  }
0x18f: {  	s3 =	smov.u32 @p1 s6;
	p2 =	por p2, p3  }
0x190: {  	s3 =	sshll.u32 s3, $0x7;
	s2 =	sshll.u32 @p2 s15, $0x7  }
0x191: {  	s3 =	ssub.s32 s14, s3;
	s17 =	simm.s32 @p2 $0x400;
	s2 =	sand.u32 @p2 $0x1FFFFF80, s2  }
0x192: {  	s20 =	simm.s32 @p2 $0x7A1400;
	s21 =	simm.s32 @p2 $0x10500;
	s2 =	sadd.s32 @p2 s18, s2;
	[tilespmem:s19+$0xFFFFFF60] =	vst v7  }
0x193: {  	[tilespmem:s21], [sflag:$0x6] =	stream.strided.gather @p2 [hbm4b:s2+s17], $0x3000, s20, s17, $0x38;
	[tilespmem:$0x1E100] =	vst v63  }
0x194: {  	s14 =	simm.s32 @p2 $0x0;
	s2 =	sadd.s32 @p2 $0xB71E00, s2;
	s17 =	simm.s32 @p2 $0x13500  }
0x195: {  	[tilespmem:s17], [sflag:$0x6] =	stream.linear.gather @p2 [hbm4b:s2+s14], $0x200, $0x38;
	[tilespmem:$0x1E100] =	vst v63  }
0x196: {  	s2 =	simm.s32 @!p2 $0x0  }
0x197: {  	v7 =	vadd.s32 s3, v0;
	s2 =	simm.s32 @p2 $0x1  }
0x198: {  	[smem:$0x7FC] =	sst s2;
	s2 =	simm.s32 @p1 $0x8  }
0x199: {  	_ =	swait.ge @p1 [sflag:s2], $0x3200  }
0x19a: {  	s17 =	simm.s32 $0x13900;
	[sflag:s2] =	ssyncset.done @p1 $0x0  }
0x19b: {  	s17 =	simm.s32 @p1 $0x16D00;
	[sflag:s2] =	ssyncadd.s32 @p1 $0xFFFFCE00  }
0x19c: {  	v7 =	vld.idx.msk [tilespmem:v7+s17+$0x0], $0xffff  }
0x19d: {  	v8 =	vadd.s32 s3, v1;
	_ =	sdelay $0x3  }
0x19e: {  	[tilespmem:s19+$0xFFFFFF80] =	vst v7  }
0x19f: {  	v7 =	vld.idx.msk [tilespmem:v8+s17+$0x0], $0xffff  }
0x1a0: {  	v8 =	vadd.s32 s3, v2;
	_ =	sdelay $0x3  }
0x1a1: {  	[tilespmem:s19+$0xFFFFFF90] =	vst v7  }
0x1a2: {  	v7 =	vld.idx.msk [tilespmem:v8+s17+$0x0], $0xffff  }
0x1a3: {  	v8 =	vadd.s32 s3, v3;
	_ =	sdelay $0x3  }
0x1a4: {  	[tilespmem:s19+$0xFFFFFFA0] =	vst v7  }
0x1a5: {  	v7 =	vld.idx.msk [tilespmem:v8+s17+$0x0], $0xffff  }
0x1a6: {  	v8 =	vadd.s32 s3, v4;
	_ =	sdelay $0x3  }
0x1a7: {  	[tilespmem:s19+$0xFFFFFFB0] =	vst v7  }
0x1a8: {  	v7 =	vld.idx.msk [tilespmem:v8+s17+$0x0], $0xffff  }
0x1a9: {  	v8 =	vadd.s32 s3, v5;
	_ =	sdelay $0x2  }
0x1aa: {  	s22 =	sand.u32 $0x7F, s23  }
0x1ab: {  	s24 =	sshra.s32 s23, $0x1F;
	p0 =	slt.s32 s23, $0x1;
	p1 =	sne.s32 s22, $0x0;
	[tilespmem:s19+$0xFFFFFFC0] =	vst v7  }
0x1ac: {  	s2 =	sshrl.u32 s24, $0x19;
	p0 =	por !p0, !p1;
	v7 =	vld.idx.msk [tilespmem:v8+s17+$0x0], $0xffff  }
0x1ad: {  	s2 =	sadd.s32 s2, s23;
	p0 =	por !p0, !p0;
	v8 =	vadd.s32 s3, v6;
	s3 =	simm.s32 $0x1  }
0x1ae: {  	s2 =	sshra.s32 s2, $0x7;
	s3 =	simm.s32 @!p0 $0x0  }
0x1af: {  	s14 =	ssub.s32 s2, s3  }
0x1b0: {  	p1 =	seq.s32 s14, s15  }
0x1b1: {  	p0 =	por !p1, !p2;
	[tilespmem:s19+$0xFFFFFFD0] =	vst v7  }
0x1b2: {  	p0 =	por !p0, !p0;
	v7 =	vld.idx.msk [tilespmem:v8+s17+$0x0], $0xffff  }
0x1b3: {  	s2 =	simm.s32 @!p0 $0x0  }
0x1b4: {  	s2 =	simm.s32 @p0 $0x1  }
0x1b5: {  	[smem:$0x7FD] =	sst s2;
	s2 =	sshll.u32 @!p0 s14, $0x7  }
0x1b6: {  	s26 =	sld [smem:$0x7FA];
	s17 =	simm.s32 @!p0 $0x400;
	s2 =	sand.u32 @!p0 $0x1FFFFF80, s2  }
0x1b7: {  	s20 =	simm.s32 @!p0 $0x7A1400;
	s3 =	simm.s32 @!p0 $0x13900;
	s2 =	sadd.s32 @!p0 s18, s2;
	[tilespmem:s19+$0xFFFFFFE0] =	vst v7  }
0x1b8: {  	[tilespmem:s3], [sflag:$0x7] =	stream.strided.gather @!p0 [hbm4b:s2+s17], $0x3000, s20, s17, $0x38;
	[tilespmem:$0x1E100] =	vst v63  }
0x1b9: {  	p1 =	seq.s32 s26, $0x1;
	s17 =	smov.u32 s4  }
0x1ba: {  	s17 =	smov.u32 @p1 s6  }
0x1bb: {  	s2 =	sadd.s32 @!p0 $0xB71E00, s2;
	s6 =	sshll.u32 s17, $0x7  }
0x1bc: {  	s17 =	simm.s32 @!p0 $0x16900;
	s6 =	ssub.s32 s13, s6;
	s13 =	simm.s32 @!p0 $0x0  }
0x1bd: {  	[tilespmem:s17], [sflag:$0x7] =	stream.linear.gather @!p0 [hbm4b:s2+s13], $0x200, $0x38;
	v7 =	vadd.s32 s6, v0;
	[tilespmem:$0x1E100] =	vst v63  }
0x1be: {  	s2 =	simm.s32 @!p1 $0x1  }
0x1bf: {  	_ =	swait.ge @!p1 [sflag:s2], $0x3200  }
0x1c0: {  	[sflag:s2] =	ssyncset.done @!p1 $0x0  }
0x1c1: {  	s16 =	simm.s32 @p1 $0x16D00;
	[sflag:s2] =	ssyncadd.s32 @!p1 $0xFFFFCE00  }
0x1c2: {  	v7 =	vld.idx.msk [tilespmem:v7+s16+$0x0], $0xffff  }
0x1c3: {  	v8 =	vadd.s32 s6, v1;
	_ =	sdelay $0x3  }
0x1c4: {  	[tilespmem:s19+$0x0] =	vst v7  }
0x1c5: {  	v7 =	vld.idx.msk [tilespmem:v8+s16+$0x0], $0xffff  }
0x1c6: {  	v8 =	vadd.s32 s6, v2;
	_ =	sdelay $0x3  }
0x1c7: {  	[tilespmem:s19+$0x10] =	vst v7  }
0x1c8: {  	v7 =	vld.idx.msk [tilespmem:v8+s16+$0x0], $0xffff  }
0x1c9: {  	v8 =	vadd.s32 s6, v3;
	_ =	sdelay $0x3  }
0x1ca: {  	[tilespmem:s19+$0x20] =	vst v7  }
0x1cb: {  	v7 =	vld.idx.msk [tilespmem:v8+s16+$0x0], $0xffff  }
0x1cc: {  	v8 =	vadd.s32 s6, v4;
	_ =	sdelay $0x3  }
0x1cd: {  	[tilespmem:s19+$0x30] =	vst v7  }
0x1ce: {  	v7 =	vld.idx.msk [tilespmem:v8+s16+$0x0], $0xffff  }
0x1cf: {  	v8 =	vadd.s32 s6, v5;
	_ =	sdelay $0x3  }
0x1d0: {  	[tilespmem:s19+$0x40] =	vst v7  }
0x1d1: {  	s21 =	smov.u32 s18;
	s18 =	rddreg [dreg:$0xe];
	v7 =	vld.idx.msk [tilespmem:v8+s16+$0x0], $0xffff  }
0x1d2: {  	s17 =	sand.u32 $0x7F, s18;
	v8 =	vadd.s32 s6, v6  }
0x1d3: {  	s20 =	sshra.s32 s18, $0x1F;
	p2 =	slt.s32 s18, $0x1;
	p1 =	sne.s32 s17, $0x0  }
0x1d4: {  	s22 =	sld [smem:$0x7FD];
	s2 =	sshrl.u32 s20, $0x19;
	p0 =	por !p2, !p1  }
0x1d5: {  	s2 =	sadd.s32 s2, s18;
	p0 =	por !p0, !p0;
	s6 =	simm.s32 $0x1  }
0x1d6: {  	s2 =	sshra.s32 s2, $0x7;
	s6 =	simm.s32 @!p0 $0x0;
	[tilespmem:s19+$0x50] =	vst v7  }
0x1d7: {  	s13 =	ssub.s32 s2, s6;
	v7 =	vld.idx.msk [tilespmem:v8+s16+$0x0], $0xffff  }
0x1d8: {  	p2 =	seq.s32 s22, $0x1;
	p1 =	sne.s32 s13, s14  }
0x1d9: {  	s4 =	smov.u32 @p6 s7;
	p2 =	por p1, p2  }
0x1da: {  	s4 =	sshll.u32 s4, $0x7;
	s2 =	sshll.u32 @p2 s13, $0x7  }
0x1db: {  	s4 =	ssub.s32 s10, s4;
	s6 =	simm.s32 @p2 $0x400;
	s2 =	sand.u32 @p2 $0x1FFFFF80, s2  }
0x1dc: {  	s17 =	simm.s32 @p2 $0x16D00;
	s16 =	simm.s32 @p2 $0x7A1400;
	s2 =	sadd.s32 @p2 s21, s2;
	[tilespmem:s19+$0x60] =	vst v7  }
0x1dd: {  	[tilespmem:s17], [sflag:$0x8] =	stream.strided.gather @p2 [hbm4b:s2+s6], $0x3000, s16, s6, $0x38;
	[tilespmem:$0x1E100] =	vst v63  }
0x1de: {  	s10 =	simm.s32 @p2 $0x19D00;
	s2 =	sadd.s32 @p2 $0xB71E00, s2;
	s6 =	simm.s32 @p2 $0x0  }
0x1df: {  	v7 =	vadd.s32 s4, v0;
	[tilespmem:s10], [sflag:$0x8] =	stream.linear.gather @p2 [hbm4b:s2+s6], $0x200, $0x38;
	[tilespmem:$0x1E100] =	vst v63  }
0x1e0: {  	s2 =	simm.s32 @p6 $0x2  }
0x1e1: {  	_ =	swait.ge @p6 [sflag:s2], $0x3200  }
0x1e2: {  	s6 =	simm.s32 $0x100;
	[sflag:s2] =	ssyncset.done @p6 $0x0  }
0x1e3: {  	s6 =	simm.s32 @p6 $0x3500;
	[sflag:s2] =	ssyncadd.s32 @p6 $0xFFFFCE00  }
0x1e4: {  	v7 =	vld.idx.msk [tilespmem:v7+s6+$0x0], $0xffff  }
0x1e5: {  	v8 =	vadd.s32 s4, v1;
	_ =	sdelay $0x3  }
0x1e6: {  	[tilespmem:s19+$0x80] =	vst v7  }
0x1e7: {  	v7 =	vld.idx.msk [tilespmem:v8+s6+$0x0], $0xffff  }
0x1e8: {  	v8 =	vadd.s32 s4, v2;
	_ =	sdelay $0x3  }
0x1e9: {  	[tilespmem:s19+$0x90] =	vst v7  }
0x1ea: {  	v7 =	vld.idx.msk [tilespmem:v8+s6+$0x0], $0xffff  }
0x1eb: {  	v8 =	vadd.s32 s4, v3;
	_ =	sdelay $0x3  }
0x1ec: {  	[tilespmem:s19+$0xA0] =	vst v7  }
0x1ed: {  	v7 =	vld.idx.msk [tilespmem:v8+s6+$0x0], $0xffff  }
0x1ee: {  	v8 =	vadd.s32 s4, v4;
	_ =	sdelay $0x3  }
0x1ef: {  	[tilespmem:s19+$0xB0] =	vst v7  }
0x1f0: {  	v7 =	vld.idx.msk [tilespmem:v8+s6+$0x0], $0xffff  }
0x1f1: {  	v8 =	vadd.s32 s4, v5;
	_ =	sdelay $0x2  }
0x1f2: {  	s24 =	sand.u32 $0x7F, s1  }
0x1f3: {  	s26 =	sshra.s32 s1, $0x1F;
	p1 =	sne.s32 s24, $0x0;
	p6 =	slt.s32 s1, $0x1;
	[tilespmem:s19+$0xC0] =	vst v7  }
0x1f4: {  	s2 =	sshrl.u32 s26, $0x19;
	p0 =	por !p6, !p1;
	v7 =	vld.idx.msk [tilespmem:v8+s6+$0x0], $0xffff  }
0x1f5: {  	s1 =	sadd.s32 s2, s1;
	s2 =	simm.s32 $0x1;
	p0 =	por !p0, !p0;
	v8 =	vadd.s32 s4, v6  }
0x1f6: {  	s1 =	sshra.s32 s1, $0x7;
	s2 =	simm.s32 @!p0 $0x0  }
0x1f7: {  	s1 =	ssub.s32 s1, s2  }
0x1f8: {  	p6 =	por !p2, !p2;
	p1 =	sne.s32 s1, s13  }
0x1f9: {  	p0 =	por p1, p6;
	[tilespmem:s19+$0xD0] =	vst v7  }
0x1fa: {  	p6 =	por !p0, !p0;
	p0 =	seq.s32 s29, $0xFFFFFFFF;
	v7 =	vld.idx.msk [tilespmem:v8+s6+$0x0], $0xffff  }
0x1fb: {  	s2 =	simm.s32 @!p0 $0x0  }
0x1fc: {  	s2 =	simm.s32 @p0 $0x1;
	p0 =	por p0, p6  }
0x1fd: {  	[smem:$0x7FB] =	sst s2;
	s2 =	sshll.u32 @!p0 s1, $0x7  }
0x1fe: {  	s10 =	simm.s32 @!p0 $0x100;
	s2 =	sand.u32 @!p0 $0x1FFFFF80, s2  }
0x1ff: {  	s2 =	sadd.s32 @!p0 s21, s2;
	s4 =	simm.s32 @!p0 $0x400;
	s6 =	simm.s32 @!p0 $0x7A1400;
	[tilespmem:s19+$0xE0] =	vst v7  }
0x200: {  	[tilespmem:s10], [sflag:$0x1] =	stream.strided.gather @!p0 [hbm4b:s2+s4], $0x3000, s6, s4, $0x38;
	[tilespmem:$0x1E100] =	vst v63  }
0x201: {  	s4 =	smov.u32 s9  }
0x202: {  	s4 =	smov.u32 @p5 s7  }
0x203: {  	s2 =	sadd.s32 @!p0 $0xB71E00, s2;
	s4 =	sshll.u32 s4, $0x7  }
0x204: {  	s6 =	simm.s32 @!p0 $0x0;
	s0 =	ssub.s32 s0, s4;
	s4 =	simm.s32 @!p0 $0x3100  }
0x205: {  	[tilespmem:s4], [sflag:$0x1] =	stream.linear.gather @!p0 [hbm4b:s2+s6], $0x200, $0x38;
	v7 =	vadd.s32 s0, v0;
	[tilespmem:$0x1E100] =	vst v63  }
0x206: {  	s2 =	simm.s32 @!p5 $0x3  }
0x207: {  	_ =	swait.ge @!p5 [sflag:s2], $0x3200  }
0x208: {  	[sflag:s2] =	ssyncset.done @!p5 $0x0  }
0x209: {  	s8 =	simm.s32 @p5 $0x3500;
	[sflag:s2] =	ssyncadd.s32 @!p5 $0xFFFFCE00  }
0x20a: {  	v7 =	vld.idx.msk [tilespmem:v7+s8+$0x0], $0xffff  }
0x20b: {  	v8 =	vadd.s32 s0, v1;
	_ =	sdelay $0x3  }
0x20c: {  	[tilespmem:s19+$0x100] =	vst v7  }
0x20d: {  	v7 =	vld.idx.msk [tilespmem:v8+s8+$0x0], $0xffff  }
0x20e: {  	v8 =	vadd.s32 s0, v2;
	_ =	sdelay $0x3  }
0x20f: {  	[tilespmem:s19+$0x110] =	vst v7  }
0x210: {  	v7 =	vld.idx.msk [tilespmem:v8+s8+$0x0], $0xffff  }
0x211: {  	v8 =	vadd.s32 s0, v3;
	_ =	sdelay $0x3  }
0x212: {  	[tilespmem:s19+$0x120] =	vst v7  }
0x213: {  	v7 =	vld.idx.msk [tilespmem:v8+s8+$0x0], $0xffff  }
0x214: {  	v8 =	vadd.s32 s0, v4;
	_ =	sdelay $0x3  }
0x215: {  	[tilespmem:s19+$0x130] =	vst v7  }
0x216: {  	v7 =	vld.idx.msk [tilespmem:v8+s8+$0x0], $0xffff  }
0x217: {  	v8 =	vadd.s32 s0, v5;
	_ =	sdelay $0x3  }
0x218: {  	s10 =	sand.u32 $0x7F, s31;
	[tilespmem:s19+$0x140] =	vst v7  }
0x219: {  	s16 =	sshra.s32 s31, $0x1F;
	p1 =	sne.s32 s10, $0x0;
	p5 =	slt.s32 s31, $0x1;
	v7 =	vld.idx.msk [tilespmem:v8+s8+$0x0], $0xffff  }
0x21a: {  	s17 =	sshrl.u32 s16, $0x19;
	p0 =	por !p5, !p1;
	v8 =	vadd.s32 s0, v6  }
0x21b: {  	s4 =	simm.s32 $0x1;
	s2 =	sadd.s32 s17, s31;
	p0 =	por !p0, !p0  }
0x21c: {  	s20 =	sshra.s32 s2, $0x7;
	s4 =	simm.s32 @!p0 $0x0  }
0x21d: {  	s22 =	sld [smem:$0x7FB];
	s0 =	ssub.s32 s20, s4  }
0x21e: {  	p1 =	sne.s32 s0, s1;
	[tilespmem:s19+$0x150] =	vst v7  }
0x21f: {  	p0 =	por p1, p6;
	v7 =	vld.idx.msk [tilespmem:v8+s8+$0x0], $0xffff  }
0x220: {  	p6 =	seq.s32 s22, $0x1;
	p0 =	por !p0, !p0  }
0x221: {  	p5 =	por p6, p0  }
0x222: {  	s1 =	sshll.u32 @!p5 s0, $0x7  }
0x223: {  	s9 =	smov.u32 @p4 s5;
	s2 =	simm.s32 @!p5 $0x400;
	s1 =	sand.u32 @!p5 $0x1FFFFF80, s1  }
0x224: {  	s4 =	simm.s32 @!p5 $0x7A1400;
	s6 =	simm.s32 @!p5 $0x3500;
	s1 =	sadd.s32 @!p5 s21, s1;
	[tilespmem:s19+$0x160] =	vst v7  }
0x225: {  	[tilespmem:s6], [sflag:$0x2] =	stream.strided.gather @!p5 [hbm4b:s1+s2], $0x3000, s4, s2, $0x38;
	[tilespmem:$0x1E100] =	vst v63  }
0x226: {  	s24 =	sshll.u32 s9, $0x7;
	s1 =	sadd.s32 @!p5 $0xB71E00, s1  }
0x227: {  	s4 =	simm.s32 @!p5 $0x0;
	s2 =	ssub.s32 s30, s24;
	s6 =	simm.s32 @!p5 $0x6500  }
0x228: {  	v7 =	vadd.s32 s2, v0;
	[tilespmem:s6], [sflag:$0x2] =	stream.linear.gather @!p5 [hbm4b:s1+s4], $0x200, $0x38;
	[tilespmem:$0x1E100] =	vst v63  }
0x229: {  	s1 =	simm.s32 @p4 $0x4  }
0x22a: {  	_ =	swait.ge @p4 [sflag:s1], $0x3200  }
0x22b: {  	s4 =	simm.s32 $0x6900;
	[sflag:s1] =	ssyncset.done @p4 $0x0  }
0x22c: {  	s4 =	simm.s32 @p4 $0x9D00;
	[sflag:s1] =	ssyncadd.s32 @p4 $0xFFFFCE00  }
0x22d: {  	v7 =	vld.idx.msk [tilespmem:v7+s4+$0x0], $0xffff  }
0x22e: {  	v8 =	vadd.s32 s2, v1;
	_ =	sdelay $0x3  }
0x22f: {  	[tilespmem:s19+$0x180] =	vst v7  }
0x230: {  	v7 =	vld.idx.msk [tilespmem:v8+s4+$0x0], $0xffff  }
0x231: {  	v8 =	vadd.s32 s2, v2;
	_ =	sdelay $0x3  }
0x232: {  	[tilespmem:s19+$0x190] =	vst v7  }
0x233: {  	v7 =	vld.idx.msk [tilespmem:v8+s4+$0x0], $0xffff  }
0x234: {  	v8 =	vadd.s32 s2, v3;
	_ =	sdelay $0x3  }
0x235: {  	[tilespmem:s19+$0x1A0] =	vst v7  }
0x236: {  	v7 =	vld.idx.msk [tilespmem:v8+s4+$0x0], $0xffff  }
0x237: {  	v8 =	vadd.s32 s2, v4;
	_ =	sdelay $0x3  }
0x238: {  	[tilespmem:s19+$0x1B0] =	vst v7  }
0x239: {  	v7 =	vld.idx.msk [tilespmem:v8+s4+$0x0], $0xffff  }
0x23a: {  	v8 =	vadd.s32 s2, v5;
	_ =	sdelay $0x2  }
0x23b: {  	s26 =	rddreg [dreg:$0xd]  }
0x23c: {  	s30 =	sand.u32 $0x7F, s26;
	[tilespmem:s19+$0x1C0] =	vst v7  }
0x23d: {  	s31 =	sshra.s32 s26, $0x1F;
	p5 =	slt.s32 s26, $0x1;
	p4 =	sne.s32 s30, $0x0;
	v7 =	vld.idx.msk [tilespmem:v8+s4+$0x0], $0xffff  }
0x23e: {  	s1 =	sshrl.u32 s31, $0x19;
	p1 =	por !p5, !p4;
	v8 =	vadd.s32 s2, v6  }
0x23f: {  	s6 =	simm.s32 $0x1;
	s1 =	sadd.s32 s1, s26;
	p1 =	por !p1, !p1  }
0x240: {  	s1 =	sshra.s32 s1, $0x7;
	s6 =	simm.s32 @!p1 $0x0  }
0x241: {  	s1 =	ssub.s32 s1, s6  }
0x242: {  	p5 =	sne.s32 s1, s0;
	[tilespmem:s19+$0x1D0] =	vst v7  }
0x243: {  	p0 =	por p5, p0;
	v7 =	vld.idx.msk [tilespmem:v8+s4+$0x0], $0xffff  }
0x244: {  	p0 =	por !p0, !p0  }
0x245: {  	p4 =	por p6, p0  }
0x246: {  	s0 =	sshll.u32 @!p4 s1, $0x7  }
0x247: {  	s6 =	simm.s32 @!p4 $0x6900;
	s0 =	sand.u32 @!p4 $0x1FFFFF80, s0  }
0x248: {  	s0 =	sadd.s32 @!p4 s21, s0;
	s2 =	simm.s32 @!p4 $0x400;
	s4 =	simm.s32 @!p4 $0x7A1400;
	[tilespmem:s19+$0x1E0] =	vst v7  }
0x249: {  	[tilespmem:s6], [sflag:$0x3] =	stream.strided.gather @!p4 [hbm4b:s0+s2], $0x3000, s4, s2, $0x38;
	[tilespmem:$0x1E100] =	vst v63  }
0x24a: {  	s2 =	smov.u32 s11  }
0x24b: {  	s2 =	smov.u32 @p3 s5  }
0x24c: {  	s0 =	sadd.s32 @!p4 $0xB71E00, s0;
	s2 =	sshll.u32 s2, $0x7  }
0x24d: {  	s4 =	simm.s32 @!p4 $0x0;
	s5 =	simm.s32 @!p4 $0x9900;
	s2 =	ssub.s32 s28, s2  }
0x24e: {  	[tilespmem:s5], [sflag:$0x3] =	stream.linear.gather @!p4 [hbm4b:s0+s4], $0x200, $0x38;
	v7 =	vadd.s32 s2, v0;
	[tilespmem:$0x1E100] =	vst v63  }
0x24f: {  	s0 =	simm.s32 @!p3 $0x5  }
0x250: {  	_ =	swait.ge @!p3 [sflag:s0], $0x3200  }
0x251: {  	[sflag:s0] =	ssyncset.done @!p3 $0x0  }
0x252: {  	s12 =	simm.s32 @p3 $0x9D00;
	[sflag:s0] =	ssyncadd.s32 @!p3 $0xFFFFCE00  }
0x253: {  	v7 =	vld.idx.msk [tilespmem:v7+s12+$0x0], $0xffff  }
0x254: {  	v8 =	vadd.s32 s2, v1;
	_ =	sdelay $0x3  }
0x255: {  	[tilespmem:s19+$0x200] =	vst v7  }
0x256: {  	v7 =	vld.idx.msk [tilespmem:v8+s12+$0x0], $0xffff  }
0x257: {  	v8 =	vadd.s32 s2, v2;
	_ =	sdelay $0x3  }
0x258: {  	[tilespmem:s19+$0x210] =	vst v7  }
0x259: {  	v7 =	vld.idx.msk [tilespmem:v8+s12+$0x0], $0xffff  }
0x25a: {  	v8 =	vadd.s32 s2, v3;
	_ =	sdelay $0x3  }
0x25b: {  	[tilespmem:s19+$0x220] =	vst v7  }
0x25c: {  	v7 =	vld.idx.msk [tilespmem:v8+s12+$0x0], $0xffff  }
0x25d: {  	v8 =	vadd.s32 s2, v4;
	_ =	sdelay $0x3  }
0x25e: {  	[tilespmem:s19+$0x230] =	vst v7  }
0x25f: {  	v7 =	vld.idx.msk [tilespmem:v8+s12+$0x0], $0xffff  }
0x260: {  	v8 =	vadd.s32 s2, v5;
	_ =	sdelay $0x2  }
0x261: {  	s7 =	rddreg [dreg:$0xc]  }
0x262: {  	s8 =	sand.u32 $0x7F, s7;
	[tilespmem:s19+$0x240] =	vst v7  }
0x263: {  	s9 =	sshra.s32 s7, $0x1F;
	p4 =	slt.s32 s7, $0x1;
	p3 =	sne.s32 s8, $0x0;
	v7 =	vld.idx.msk [tilespmem:v8+s12+$0x0], $0xffff  }
0x264: {  	s0 =	sshrl.u32 s9, $0x19;
	p1 =	por !p4, !p3;
	v8 =	vadd.s32 s2, v6  }
0x265: {  	s4 =	simm.s32 $0x1;
	s0 =	sadd.s32 s0, s7;
	p1 =	por !p1, !p1  }
0x266: {  	s0 =	sshra.s32 s0, $0x7;
	s4 =	simm.s32 @!p1 $0x0  }
0x267: {  	s0 =	ssub.s32 s0, s4  }
0x268: {  	p5 =	sne.s32 s0, s1;
	[tilespmem:s19+$0x250] =	vst v7  }
0x269: {  	s10 =	sld [smem:$0x7FC];
	p0 =	por p5, p0;
	v7 =	vld.idx.msk [tilespmem:v8+s12+$0x0], $0xffff  }
0x26a: {  	p0 =	por !p0, !p0  }
0x26b: {  	p3 =	por p6, p0  }
0x26c: {  	p1 =	seq.s32 s10, $0x1;
	s1 =	sshll.u32 @!p3 s0, $0x7  }
0x26d: {  	s11 =	smov.u32 @p1 s15;
	s4 =	simm.s32 @!p3 $0x7A1400;
	s1 =	sand.u32 @!p3 $0x1FFFFF80, s1  }
0x26e: {  	s5 =	simm.s32 @!p3 $0x9D00;
	s1 =	sadd.s32 @!p3 s21, s1;
	s2 =	simm.s32 @!p3 $0x400;
	[tilespmem:s19+$0x260] =	vst v7  }
0x26f: {  	[tilespmem:s5], [sflag:$0x4] =	stream.strided.gather @!p3 [hbm4b:s1+s2], $0x3000, s4, s2, $0x38;
	[tilespmem:$0x1E100] =	vst v63  }
0x270: {  	s11 =	sshll.u32 s11, $0x7;
	s1 =	sadd.s32 @!p3 $0xB71E00, s1  }
0x271: {  	s4 =	simm.s32 @!p3 $0x0;
	s2 =	ssub.s32 s25, s11;
	s5 =	simm.s32 @!p3 $0xCD00  }
0x272: {  	v7 =	vadd.s32 s2, v0;
	[tilespmem:s5], [sflag:$0x4] =	stream.linear.gather @!p3 [hbm4b:s1+s4], $0x200, $0x38;
	[tilespmem:$0x1E100] =	vst v63  }
0x273: {  	s1 =	simm.s32 @p1 $0x6  }
0x274: {  	_ =	swait.ge @p1 [sflag:s1], $0x3200  }
0x275: {  	s4 =	simm.s32 $0xD100;
	[sflag:s1] =	ssyncset.done @p1 $0x0  }
0x276: {  	s4 =	simm.s32 @p1 $0x10500;
	[sflag:s1] =	ssyncadd.s32 @p1 $0xFFFFCE00  }
0x277: {  	v7 =	vld.idx.msk [tilespmem:v7+s4+$0x0], $0xffff  }
0x278: {  	v8 =	vadd.s32 s2, v1;
	_ =	sdelay $0x3  }
0x279: {  	[tilespmem:s19+$0x280] =	vst v7  }
0x27a: {  	v7 =	vld.idx.msk [tilespmem:v8+s4+$0x0], $0xffff  }
0x27b: {  	v8 =	vadd.s32 s2, v2;
	_ =	sdelay $0x3  }
0x27c: {  	[tilespmem:s19+$0x290] =	vst v7  }
0x27d: {  	v7 =	vld.idx.msk [tilespmem:v8+s4+$0x0], $0xffff  }
0x27e: {  	v8 =	vadd.s32 s2, v3;
	_ =	sdelay $0x3  }
0x27f: {  	[tilespmem:s19+$0x2A0] =	vst v7  }
0x280: {  	v7 =	vld.idx.msk [tilespmem:v8+s4+$0x0], $0xffff  }
0x281: {  	v8 =	vadd.s32 s2, v4;
	_ =	sdelay $0x3  }
0x282: {  	[tilespmem:s19+$0x2B0] =	vst v7  }
0x283: {  	v7 =	vld.idx.msk [tilespmem:v8+s4+$0x0], $0xffff  }
0x284: {  	v8 =	vadd.s32 s2, v5;
	_ =	sdelay $0x2  }
0x285: {  	s12 =	rddreg [dreg:$0xb]  }
0x286: {  	p3 =	por p2, p2;
	s16 =	sand.u32 $0x7F, s12;
	[tilespmem:s19+$0x2C0] =	vst v7  }
0x287: {  	s17 =	sshra.s32 s12, $0x1F;
	p4 =	slt.s32 s12, $0x1;
	p2 =	sne.s32 s16, $0x0;
	v7 =	vld.idx.msk [tilespmem:v8+s4+$0x0], $0xffff  }
0x288: {  	s1 =	sshrl.u32 s17, $0x19;
	p1 =	por !p4, !p2;
	v8 =	vadd.s32 s2, v6  }
0x289: {  	s5 =	simm.s32 $0x1;
	s1 =	sadd.s32 s1, s12;
	p1 =	por !p1, !p1  }
0x28a: {  	s1 =	sshra.s32 s1, $0x7;
	s5 =	simm.s32 @!p1 $0x0  }
0x28b: {  	s1 =	ssub.s32 s1, s5  }
0x28c: {  	p5 =	sne.s32 s1, s0;
	[tilespmem:s19+$0x2D0] =	vst v7  }
0x28d: {  	p0 =	por p5, p0;
	v7 =	vld.idx.msk [tilespmem:v8+s4+$0x0], $0xffff  }
0x28e: {  	p0 =	por !p0, !p0  }
0x28f: {  	p2 =	por p6, p0  }
0x290: {  	s0 =	sshll.u32 @!p2 s1, $0x7  }
0x291: {  	s20 =	sld [smem:$0x7FD];
	s5 =	simm.s32 @!p2 $0xD100;
	s0 =	sand.u32 @!p2 $0x1FFFFF80, s0  }
0x292: {  	s0 =	sadd.s32 @!p2 s21, s0;
	s2 =	simm.s32 @!p2 $0x400;
	s4 =	simm.s32 @!p2 $0x7A1400;
	[tilespmem:s19+$0x2E0] =	vst v7  }
0x293: {  	[tilespmem:s5], [sflag:$0x5] =	stream.strided.gather @!p2 [hbm4b:s0+s2], $0x3000, s4, s2, $0x38;
	[tilespmem:$0x1E100] =	vst v63  }
0x294: {  	p1 =	seq.s32 s20, $0x1;
	s2 =	smov.u32 s14  }
0x295: {  	s2 =	smov.u32 @p1 s15  }
0x296: {  	s0 =	sadd.s32 @!p2 $0xB71E00, s0;
	s2 =	sshll.u32 s2, $0x7  }
0x297: {  	s4 =	simm.s32 @!p2 $0x0;
	s5 =	simm.s32 @!p2 $0x10100;
	s2 =	ssub.s32 s23, s2  }
0x298: {  	[tilespmem:s5], [sflag:$0x5] =	stream.linear.gather @!p2 [hbm4b:s0+s4], $0x200, $0x38;
	v7 =	vadd.s32 s2, v0;
	[tilespmem:$0x1E100] =	vst v63  }
0x299: {  	s0 =	simm.s32 @!p1 $0x7  }
0x29a: {  	_ =	swait.ge @!p1 [sflag:s0], $0x3200  }
0x29b: {  	[sflag:s0] =	ssyncset.done @!p1 $0x0  }
0x29c: {  	s3 =	simm.s32 @p1 $0x10500;
	[sflag:s0] =	ssyncadd.s32 @!p1 $0xFFFFCE00  }
0x29d: {  	v7 =	vld.idx.msk [tilespmem:v7+s3+$0x0], $0xffff  }
0x29e: {  	v8 =	vadd.s32 s2, v1;
	_ =	sdelay $0x3  }
0x29f: {  	[tilespmem:s19+$0x300] =	vst v7  }
0x2a0: {  	v7 =	vld.idx.msk [tilespmem:v8+s3+$0x0], $0xffff  }
0x2a1: {  	v8 =	vadd.s32 s2, v2;
	_ =	sdelay $0x3  }
0x2a2: {  	[tilespmem:s19+$0x310] =	vst v7  }
0x2a3: {  	v7 =	vld.idx.msk [tilespmem:v8+s3+$0x0], $0xffff  }
0x2a4: {  	v8 =	vadd.s32 s2, v3;
	_ =	sdelay $0x3  }
0x2a5: {  	[tilespmem:s19+$0x320] =	vst v7  }
0x2a6: {  	v7 =	vld.idx.msk [tilespmem:v8+s3+$0x0], $0xffff  }
0x2a7: {  	v8 =	vadd.s32 s2, v4;
	_ =	sdelay $0x3  }
0x2a8: {  	[tilespmem:s19+$0x330] =	vst v7  }
0x2a9: {  	v7 =	vld.idx.msk [tilespmem:v8+s3+$0x0], $0xffff  }
0x2aa: {  	v8 =	vadd.s32 s2, v5;
	_ =	sdelay $0x2  }
0x2ab: {  	s22 =	rddreg [dreg:$0xa]  }
0x2ac: {  	s23 =	sand.u32 $0x7F, s22;
	[tilespmem:s19+$0x340] =	vst v7  }
0x2ad: {  	s24 =	sshra.s32 s22, $0x1F;
	p4 =	slt.s32 s22, $0x1;
	p2 =	sne.s32 s23, $0x0;
	v7 =	vld.idx.msk [tilespmem:v8+s3+$0x0], $0xffff  }
0x2ae: {  	s0 =	sshrl.u32 s24, $0x19;
	p1 =	por !p4, !p2;
	v8 =	vadd.s32 s2, v6  }
0x2af: {  	s4 =	simm.s32 $0x1;
	s0 =	sadd.s32 s0, s22;
	p1 =	por !p1, !p1  }
0x2b0: {  	s0 =	sshra.s32 s0, $0x7;
	s4 =	simm.s32 @!p1 $0x0  }
0x2b1: {  	s0 =	ssub.s32 s0, s4  }
0x2b2: {  	p5 =	sne.s32 s0, s1;
	[tilespmem:s19+$0x350] =	vst v7  }
0x2b3: {  	p0 =	por p5, p0;
	v7 =	vld.idx.msk [tilespmem:v8+s3+$0x0], $0xffff  }
0x2b4: {  	p0 =	por !p0, !p0  }
0x2b5: {  	p1 =	por p6, p0  }
0x2b6: {  	s1 =	sshll.u32 @!p1 s0, $0x7  }
0x2b7: {  	s14 =	smov.u32 @p3 s13;
	s4 =	simm.s32 @!p1 $0x10500;
	s1 =	sand.u32 @!p1 $0x1FFFFF80, s1  }
0x2b8: {  	s1 =	sadd.s32 @!p1 s21, s1;
	s2 =	simm.s32 @!p1 $0x400;
	s3 =	simm.s32 @!p1 $0x7A1400;
	[tilespmem:s19+$0x360] =	vst v7  }
0x2b9: {  	[tilespmem:s4], [sflag:$0x6] =	stream.strided.gather @!p1 [hbm4b:s1+s2], $0x3000, s3, s2, $0x38;
	[tilespmem:$0x1E100] =	vst v63  }
0x2ba: {  	s25 =	sshll.u32 s14, $0x7;
	s1 =	sadd.s32 @!p1 $0xB71E00, s1  }
0x2bb: {  	s3 =	simm.s32 @!p1 $0x0;
	s2 =	ssub.s32 s18, s25;
	s4 =	simm.s32 @!p1 $0x13500  }
0x2bc: {  	v7 =	vadd.s32 s2, v0;
	[tilespmem:s4], [sflag:$0x6] =	stream.linear.gather @!p1 [hbm4b:s1+s3], $0x200, $0x38;
	[tilespmem:$0x1E100] =	vst v63  }
0x2bd: {  	s1 =	simm.s32 @p3 $0x8  }
0x2be: {  	_ =	swait.ge @p3 [sflag:s1], $0x3200  }
0x2bf: {  	s3 =	simm.s32 $0x13900;
	[sflag:s1] =	ssyncset.done @p3 $0x0  }
0x2c0: {  	s3 =	simm.s32 @p3 $0x16D00;
	[sflag:s1] =	ssyncadd.s32 @p3 $0xFFFFCE00  }
0x2c1: {  	v7 =	vld.idx.msk [tilespmem:v7+s3+$0x0], $0xffff  }
0x2c2: {  	v8 =	vadd.s32 s2, v1;
	_ =	sdelay $0x3  }
0x2c3: {  	[tilespmem:s19+$0x380] =	vst v7  }
0x2c4: {  	v7 =	vld.idx.msk [tilespmem:v8+s3+$0x0], $0xffff  }
0x2c5: {  	v8 =	vadd.s32 s2, v2;
	_ =	sdelay $0x3  }
0x2c6: {  	[tilespmem:s19+$0x390] =	vst v7  }
0x2c7: {  	v7 =	vld.idx.msk [tilespmem:v8+s3+$0x0], $0xffff  }
0x2c8: {  	v8 =	vadd.s32 s2, v3;
	_ =	sdelay $0x3  }
0x2c9: {  	[tilespmem:s19+$0x3A0] =	vst v7  }
0x2ca: {  	v7 =	vld.idx.msk [tilespmem:v8+s3+$0x0], $0xffff  }
0x2cb: {  	v8 =	vadd.s32 s2, v4;
	_ =	sdelay $0x3  }
0x2cc: {  	[tilespmem:s19+$0x3B0] =	vst v7  }
0x2cd: {  	v7 =	vld.idx.msk [tilespmem:v8+s3+$0x0], $0xffff  }
0x2ce: {  	v8 =	vadd.s32 s2, v5;
	_ =	sdelay $0x2  }
0x2cf: {  	s26 =	rddreg [dreg:$0x9]  }
0x2d0: {  	s28 =	sand.u32 $0x7F, s26;
	[tilespmem:s19+$0x3C0] =	vst v7  }
0x2d1: {  	s30 =	sshra.s32 s26, $0x1F;
	p4 =	slt.s32 s26, $0x1;
	p2 =	sne.s32 s28, $0x0;
	v7 =	vld.idx.msk [tilespmem:v8+s3+$0x0], $0xffff  }
0x2d2: {  	s1 =	sshrl.u32 s30, $0x19;
	p1 =	por !p4, !p2;
	v8 =	vadd.s32 s2, v6  }
0x2d3: {  	s1 =	sadd.s32 s1, s26;
	p1 =	por !p1, !p1;
	s2 =	simm.s32 $0x1  }
0x2d4: {  	s1 =	sshra.s32 s1, $0x7;
	s2 =	simm.s32 @!p1 $0x0  }
0x2d5: {  	s1 =	ssub.s32 s1, s2  }
0x2d6: {  	p5 =	sne.s32 s1, s0;
	[tilespmem:s19+$0x3D0] =	vst v7  }
0x2d7: {  	p0 =	por p5, p0;
	v7 =	vld.idx.msk [tilespmem:v8+s3+$0x0], $0xffff  }
0x2d8: {  	p0 =	por !p0, !p0  }
0x2d9: {  	p0 =	por p6, p0  }
0x2da: {  	s0 =	sshll.u32 @!p0 s1, $0x7  }
0x2db: {  	s29 =	sadd.s32 $0x1, s29;
	s1 =	simm.s32 @!p0 $0x400;
	s0 =	sand.u32 @!p0 $0x1FFFFF80, s0  }
0x2dc: {  	s2 =	simm.s32 @!p0 $0x7A1400;
	s3 =	simm.s32 @!p0 $0x13900;
	s0 =	sadd.s32 @!p0 s21, s0;
	[tilespmem:s19+$0x3E0] =	vst v7  }
0x2dd: {  	[tilespmem:s3], [sflag:$0x7] =	stream.strided.gather @!p0 [hbm4b:s0+s1], $0x3000, s2, s1, $0x38;
	[tilespmem:$0x1E100] =	vst v63  }
0x2de: {  	s0 =	sadd.s32 @!p0 $0xB71E00, s0;
	s1 =	simm.s32 @!p0 $0x0;
	s2 =	simm.s32 @!p0 $0x16900  }
0x2df: {  	[tilespmem:s2], [sflag:$0x7] =	stream.linear.gather @!p0 [hbm4b:s0+s1], $0x200, $0x38;
	[tilespmem:$0x1E100] =	vst v63  }
0x2e0: {  	p0 =	seq.s32 s29, $0x0  }
.Ltmp0:
0x2e1: {  	_ = 	snop;
	(pc) =	sbr.rel @!p0 .LBB2_2-.Ltmp0, $3  }
0x2e2: {  	_ =	sdelay $0x1  }
0x2e3: {  	s31 =	rddreg [dreg:$0x8]  }
0x2e4: {  	s19 =	sadd.s32 $0x800, s19;
	s0 =	sadd.s32 $0x10, s31;
	s2 =	smov.u32 s13  }
0x2e5: {  	s0 =	rddreg [dreg:$0x4]  }
0x2e6: {  	s3 =	simm.s32 $0x80;
	s1 =	simm.s32 $0x1A100;
	s30 =	simm.s32 $0x9  }
0x2e7: {  	[hbm4b:s0+s3] =	stream.indirect.scatter [tilespmem:s1], [sflag:$0x9], $0x80, s3, s3, $0xb8;
	[tilespmem:$0x1E100] =	vst v63  }
0x2e8: {  	_ =	swait.ge [sflag:s30], $0x4000  }
0x2e9: {  	s2 =	rddreg [dreg:$0x7]  }
0x2ea: {  	s31 =	rddreg [dreg:$0x6];
	s2 =	sadd.s32 $0x1, s2  }
0x2eb: {  	p0 =	sne.s32 s2, s31  }
.Ltmp1:
0x2ec: {  	_ = 	snop;
	(pc) =	sbr.rel @p0 .LBB2_1-.Ltmp1, $3  }
0x2ed: {  	_ =	sdelay $0x1  }
0x2ee: {  	[sflag:s30] =	ssyncset.done $0x0  }
0x2ef: {  	[sflag:s30] =	ssyncadd.s32 $0xFFFFC000  }
0x2f0: {  	_ =	sfence.sel $0x180000  }
0x2f1: {  	[bflag:$0x0] =	sbarrier.arrive $0xFFFF  }
0x2f2: {  	_ =	strace $0x90000047  }
0x2f3: {  	s0 =	stileid.u32;
	[bflag:$0x2] =	sbarrier.arrive $0xFFFF  }
0x2f4: {  	p0 =	sne.s32 s0, $0x0;
	s0 =	rddreg [dreg:$0x2]  }
0x2f5: {  	s0 =	sadd.s32 @!p0 $0x100000, s0  }
0x2f6: {  	[sflag:s0] =	ssyncadd.tile.s32 @!p0 $0x1;
	_ =	shalt  }
.Lfunc_end2:
_tile_overlayer_lowered:
.L_overlay_start_2:
0x2f7: {  	(tag) =	ssettag $0x2  }
0x2f8: {  	s0 =	rddreg [dreg:$0x0];
	s2 =	stileid.u32  }
0x2f9: {  	s1 =	rddreg [dreg:$0x1];
	p0 =	sne.s32 s2, $0x0  }
0x2fa: {  	s3 =	rddreg [dreg:$0x2];
	[bflag:$0x3] =	sbarrier.arrive $0xFFFF;
	s2 =	simm.s32 @!p0 $0x1C0A  }
0x2fb: {  	[timem:s3], [sflag:s2] =	dma.local @!p0 [hbm:s0], s1  }
0x2fc: {  	s0 =	simm.s32 @!p0 $0xA  }
0x2fd: {  	_ =	swait.ge @!p0 [sflag:s0], s1  }
0x2fe: {  	s1 =	ssub.s32 @!p0 $0x0, s1;
	[sflag:s0] =	ssyncset.done @!p0 $0x0  }
0x2ff: {  	[sflag:s0] =	ssyncadd.s32 @!p0 s1  }
0x300: {  	[bflag:$0x3] =	sbarrier.arrive $0xFFFF  }
0x301: {  	_ =	shalt  }

</sc_bundles>
